<compile_context>
chip_gen: v7x
topology: tpu7x:2x2x1
jax: 0.10.2.dev20260603
libtpu: 0.0.44.dev20260713+nightly
codegen_flags: <defaults>
</compile_context>

<pallas_src>
import functools

import jax
import jax.numpy as jnp
from jax import lax
from jax.experimental import pallas as pl
from jax.experimental.pallas import tpu as pltpu
from jax.experimental.pallas import tpu_sc as plsc

MAX_LEN = 8192
D_MODEL = 2048

_info = plsc.get_sparse_core_info()
_NC, _NS = _info.num_cores, _info.num_subcores
_NW = _NC * _NS
_ROWS_PER_W = MAX_LEN // _NW


_C = 8
_NBUF = 6
_N_IT = _ROWS_PER_W // _C


@functools.partial(
    pl.kernel,
    mesh=plsc.VectorSubcoreMesh(core_axis_name="c", subcore_axis_name="s"),
    out_type=jax.ShapeDtypeStruct((1, MAX_LEN, D_MODEL), jnp.float32),
    scratch_types=[
        pltpu.VMEM((_NBUF, _C, D_MODEL), jnp.float32),
        pltpu.SemaphoreType.DMA((_NBUF,)),
        pltpu.SemaphoreType.DMA((_NBUF,)),
    ],
)
def _pos_embed_sc(table_hbm, out_hbm, buf, in_sem, out_sem):
    wid = lax.axis_index("s") * _NC + lax.axis_index("c")
    base = wid * _ROWS_PER_W

    def fetch(i, b):
        return pltpu.async_copy(
            table_hbm.at[pl.ds(base + i * _C, _C), :], buf.at[b], in_sem.at[b]
        )

    def drain(i, b):
        return pltpu.async_copy(
            buf.at[b], out_hbm.at[0, pl.ds(base + i * _C, _C), :], out_sem.at[b]
        )

    in_h = [None] * _N_IT
    out_h = [None] * _N_IT
    for j in range(_NBUF):
        in_h[j] = fetch(j, j)
    for i in range(_N_IT):
        b = i % _NBUF
        in_h[i].wait()
        out_h[i] = drain(i, b)
        nxt = i + _NBUF
        if nxt < _N_IT:
            out_h[i].wait()
            in_h[nxt] = fetch(nxt, b)
    for i in range(max(0, _N_IT - _NBUF), _N_IT):
        out_h[i].wait()


def kernel(inputs, emb_table):
    del inputs
    return _pos_embed_sc(emb_table)

# --- scband reference (transcript-rebuilt; emitter-appended) ---
"""Pipeline reference for scband-positional-embedding-36979668418732 (READ-ONLY COPY).

The authoritative reference and input builder live on the scoring server;
editing this copy changes nothing except your own understanding.
"""

import jax, jax.numpy as jnp
import numpy as np

MAX_LEN = 8192
D_MODEL = 2048
BATCH = 4
SEQ_LEN = 8192

def setup_inputs(seed: int = 0) -> dict:
    key = jax.random.key(seed)
    k_inp, k_emb = jax.random.split(key)
    inputs = jax.random.randint(k_inp, (BATCH, SEQ_LEN), 0, MAX_LEN, dtype=jnp.int64 if jax.config.read('jax_enable_x64') else jnp.int32)
    emb_table = jax.random.normal(k_emb, (MAX_LEN, D_MODEL), dtype=jnp.float32) * 0.02
    return {"inputs": inputs, "emb_table": emb_table}

def reference(inputs, emb_table):
    # Faithful translation of PositionalEmbedding.call:
    # seq_len = tf.shape(inputs)[1]; positions = tf.range(seq_len)
    # pos_embed = emb(positions); expand_dims(pos_embed, 0)
    seq_len = inputs.shape[1]
    positions = jnp.arange(0, seq_len, 1)
    pos_embed = jnp.take(emb_table, positions, axis=0)
    pos_embed = jnp.expand_dims(pos_embed, 0)
    return pos_embed

if __name__ == "__main__":
    import jax
    _d = setup_inputs()
    print(jax.jit(kernel)(*tuple(_d.values())))

</pallas_src>

<mosaic_0001>
#map = affine_map<(d0, d1) -> (0, 0)>
#map1 = affine_map<(d0, d1) -> (0, 0, 0)>
module attributes {stable_mosaic.version = 14 : i64} {
  func.func @_pos_embed_sc(%arg0: i32, %arg1: i32, %arg2: memref<8192x2048xf32, #tpu.memory_space<hbm>>, %arg3: memref<1x8192x2048xf32, #tpu.memory_space<hbm>>, %arg4: memref<6x8x2048xf32, #tpu.memory_space<vmem>>, %arg5: memref<6x!tpu.dma_semaphore, #tpu.memory_space<semaphore_mem>>, %arg6: memref<6x!tpu.dma_semaphore, #tpu.memory_space<semaphore_mem>>) attributes {dimension_semantics = [#tpu.dimension_semantics<core_parallel>, #tpu.dimension_semantics<subcore_parallel>], iteration_bounds = array<i64: 2, 16>, scalar_prefetch = 0 : i64, scratch_operands = 3 : i64, tpu.core_type = #tpu.core_type<sc_vector_subcore>, window_params = [{transform_indices = #map}, {transform_indices = #map1}]} {
    %mul3A = arith.constant 2 : i32
    %mul3A_0 = arith.muli %arg1, %mul3A : i32
    %add3A = arith.addi %mul3A_0, %arg0 : i32
    %mul3A_1 = arith.constant 256 : i32
    %mul3A_2 = arith.muli %add3A, %mul3A_1 : i32
    %add3A_3 = arith.constant 0 : i32
    %add3A_4 = arith.addi %mul3A_2, %add3A_3 : i32
    %dma_start3A = arith.constant 0 : i32
    %dma_start3A_5 = arith.constant 0 : i32
    %dma_start3A_6 = arith.constant 0 : i32
    %dma_start3A_7 = arith.constant 0 : i32
    %dma_start3A_8 = tpu.memref_slice %arg4[%dma_start3A, %dma_start3A_6, %dma_start3A_7] : memref<6x8x2048xf32, #tpu.memory_space<vmem>> -> memref<1x8x2048xf32, #tpu.memory_space<vmem>>
    %dma_start3A_9 = tpu.memref_squeeze %dma_start3A_8 : memref<1x8x2048xf32, #tpu.memory_space<vmem>> -> memref<8x2048xf32, #tpu.memory_space<vmem>>
    %dma_start3A_10 = arith.constant 0 : i32
    %dma_start3A_11 = tpu.memref_slice %arg2[%add3A_4, %dma_start3A_10] : memref<8192x2048xf32, #tpu.memory_space<hbm>> -> memref<8x2048xf32, #tpu.memory_space<hbm>>
    %dma_start3A_12 = tpu.memref_slice %arg5[%dma_start3A_5] : memref<6x!tpu.dma_semaphore, #tpu.memory_space<semaphore_mem>> -> memref<1x!tpu.dma_semaphore, #tpu.memory_space<semaphore_mem>>
    %dma_start3A_13 = tpu.memref_squeeze %dma_start3A_12 : memref<1x!tpu.dma_semaphore, #tpu.memory_space<semaphore_mem>> -> memref<!tpu.dma_semaphore, #tpu.memory_space<semaphore_mem>>
    %dma_start3A_14 = arith.constant 0 : i32
    %dma_start3A_15 = arith.constant 0 : i32
    %dma_start3A_16 = tpu.memref_slice %arg4[%dma_start3A, %dma_start3A_14, %dma_start3A_15] : memref<6x8x2048xf32, #tpu.memory_space<vmem>> -> memref<1x8x2048xf32, #tpu.memory_space<vmem>>
    %dma_start3A_17 = tpu.memref_squeeze %dma_start3A_16 : memref<1x8x2048xf32, #tpu.memory_space<vmem>> -> memref<8x2048xf32, #tpu.memory_space<vmem>>
    %dma_start3A_18 = arith.constant 0 : i32
    %dma_start3A_19 = tpu.memref_slice %arg2[%add3A_4, %dma_start3A_18] : memref<8192x2048xf32, #tpu.memory_space<hbm>> -> memref<8x2048xf32, #tpu.memory_space<hbm>>
    tpu.enqueue_dma source(%dma_start3A_19 : memref<8x2048xf32, #tpu.memory_space<hbm>>) target(%dma_start3A_17 : memref<8x2048xf32, #tpu.memory_space<vmem>>) target_semaphore(%dma_start3A_13 : memref<!tpu.dma_semaphore, #tpu.memory_space<semaphore_mem>>)
    %add3A_20 = arith.constant 8 : i32
    %add3A_21 = arith.addi %mul3A_2, %add3A_20 : i32
    %dma_start3A_22 = arith.constant 1 : i32
    %dma_start3A_23 = arith.constant 1 : i32
    %dma_start3A_24 = arith.constant 0 : i32
    %dma_start3A_25 = arith.constant 0 : i32
    %dma_start3A_26 = tpu.memref_slice %arg4[%dma_start3A_22, %dma_start3A_24, %dma_start3A_25] : memref<6x8x2048xf32, #tpu.memory_space<vmem>> -> memref<1x8x2048xf32, #tpu.memory_space<vmem>>
    %dma_start3A_27 = tpu.memref_squeeze %dma_start3A_26 : memref<1x8x2048xf32, #tpu.memory_space<vmem>> -> memref<8x2048xf32, #tpu.memory_space<vmem>>
    %dma_start3A_28 = arith.constant 0 : i32
    %dma_start3A_29 = tpu.memref_slice %arg2[%add3A_21, %dma_start3A_28] : memref<8192x2048xf32, #tpu.memory_space<hbm>> -> memref<8x2048xf32, #tpu.memory_space<hbm>>
    %dma_start3A_30 = tpu.memref_slice %arg5[%dma_start3A_23] : memref<6x!tpu.dma_semaphore, #tpu.memory_space<semaphore_mem>> -> memref<1x!tpu.dma_semaphore, #tpu.memory_space<semaphore_mem>>
    %dma_start3A_31 = tpu.memref_squeeze %dma_start3A_30 : memref<1x!tpu.dma_semaphore, #tpu.memory_space<semaphore_mem>> -> memref<!tpu.dma_semaphore, #tpu.memory_space<semaphore_mem>>
    %dma_start3A_32 = arith.constant 0 : i32
    %dma_start3A_33 = arith.constant 0 : i32
    %dma_start3A_34 = tpu.memref_slice %arg4[%dma_start3A_22, %dma_start3A_32, %dma_start3A_33] : memref<6x8x2048xf32, #tpu.memory_space<vmem>> -> memref<1x8x2048xf32, #tpu.memory_space<vmem>>
    %dma_start3A_35 = tpu.memref_squeeze %dma_start3A_34 : memref<1x8x2048xf32, #tpu.memory_space<vmem>> -> memref<8x2048xf32, #tpu.memory_space<vmem>>
    %dma_start3A_36 = arith.constant 0 : i32
    %dma_start3A_37 = tpu.memref_slice %arg2[%add3A_21, %dma_start3A_36] : memref<8192x2048xf32, #tpu.memory_space<hbm>> -> memref<8x2048xf32, #tpu.memory_space<hbm>>
    tpu.enqueue_dma source(%dma_start3A_37 : memref<8x2048xf32, #tpu.memory_space<hbm>>) target(%dma_start3A_35 : memref<8x2048xf32, #tpu.memory_space<vmem>>) target_semaphore(%dma_start3A_31 : memref<!tpu.dma_semaphore, #tpu.memory_space<semaphore_mem>>)
    %add3A_38 = arith.constant 16 : i32
    %add3A_39 = arith.addi %mul3A_2, %add3A_38 : i32
    %dma_start3A_40 = arith.constant 2 : i32
    %dma_start3A_41 = arith.constant 2 : i32
    %dma_start3A_42 = arith.constant 0 : i32
    %dma_start3A_43 = arith.constant 0 : i32
    %dma_start3A_44 = tpu.memref_slice %arg4[%dma_start3A_40, %dma_start3A_42, %dma_start3A_43] : memref<6x8x2048xf32, #tpu.memory_space<vmem>> -> memref<1x8x2048xf32, #tpu.memory_space<vmem>>
    %dma_start3A_45 = tpu.memref_squeeze %dma_start3A_44 : memref<1x8x2048xf32, #tpu.memory_space<vmem>> -> memref<8x2048xf32, #tpu.memory_space<vmem>>
    %dma_start3A_46 = arith.constant 0 : i32
    %dma_start3A_47 = tpu.memref_slice %arg2[%add3A_39, %dma_start3A_46] : memref<8192x2048xf32, #tpu.memory_space<hbm>> -> memref<8x2048xf32, #tpu.memory_space<hbm>>
    %dma_start3A_48 = tpu.memref_slice %arg5[%dma_start3A_41] : memref<6x!tpu.dma_semaphore, #tpu.memory_space<semaphore_mem>> -> memref<1x!tpu.dma_semaphore, #tpu.memory_space<semaphore_mem>>
    %dma_start3A_49 = tpu.memref_squeeze %dma_start3A_48 : memref<1x!tpu.dma_semaphore, #tpu.memory_space<semaphore_mem>> -> memref<!tpu.dma_semaphore, #tpu.memory_space<semaphore_mem>>
    %dma_start3A_50 = arith.constant 0 : i32
    %dma_start3A_51 = arith.constant 0 : i32
    %dma_start3A_52 = tpu.memref_slice %arg4[%dma_start3A_40, %dma_start3A_50, %dma_start3A_51] : memref<6x8x2048xf32, #tpu.memory_space<vmem>> -> memref<1x8x2048xf32, #tpu.memory_space<vmem>>
    %dma_start3A_53 = tpu.memref_squeeze %dma_start3A_52 : memref<1x8x2048xf32, #tpu.memory_space<vmem>> -> memref<8x2048xf32, #tpu.memory_space<vmem>>
    %dma_start3A_54 = arith.constant 0 : i32
    %dma_start3A_55 = tpu.memref_slice %arg2[%add3A_39, %dma_start3A_54] : memref<8192x2048xf32, #tpu.memory_space<hbm>> -> memref<8x2048xf32, #tpu.memory_space<hbm>>
    tpu.enqueue_dma source(%dma_start3A_55 : memref<8x2048xf32, #tpu.memory_space<hbm>>) target(%dma_start3A_53 : memref<8x2048xf32, #tpu.memory_space<vmem>>) target_semaphore(%dma_start3A_49 : memref<!tpu.dma_semaphore, #tpu.memory_space<semaphore_mem>>)
    %add3A_56 = arith.constant 24 : i32
    %add3A_57 = arith.addi %mul3A_2, %add3A_56 : i32
    %dma_start3A_58 = arith.constant 3 : i32
    %dma_start3A_59 = arith.constant 3 : i32
    %dma_start3A_60 = arith.constant 0 : i32
    %dma_start3A_61 = arith.constant 0 : i32
    %dma_start3A_62 = tpu.memref_slice %arg4[%dma_start3A_58, %dma_start3A_60, %dma_start3A_61] : memref<6x8x2048xf32, #tpu.memory_space<vmem>> -> memref<1x8x2048xf32, #tpu.memory_space<vmem>>
    %dma_start3A_63 = tpu.memref_squeeze %dma_start3A_62 : memref<1x8x2048xf32, #tpu.memory_space<vmem>> -> memref<8x2048xf32, #tpu.memory_space<vmem>>
    %dma_start3A_64 = arith.constant 0 : i32
    %dma_start3A_65 = tpu.memref_slice %arg2[%add3A_57, %dma_start3A_64] : memref<8192x2048xf32, #tpu.memory_space<hbm>> -> memref<8x2048xf32, #tpu.memory_space<hbm>>
    %dma_start3A_66 = tpu.memref_slice %arg5[%dma_start3A_59] : memref<6x!tpu.dma_semaphore, #tpu.memory_space<semaphore_mem>> -> memref<1x!tpu.dma_semaphore, #tpu.memory_space<semaphore_mem>>
    %dma_start3A_67 = tpu.memref_squeeze %dma_start3A_66 : memref<1x!tpu.dma_semaphore, #tpu.memory_space<semaphore_mem>> -> memref<!tpu.dma_semaphore, #tpu.memory_space<semaphore_mem>>
    %dma_start3A_68 = arith.constant 0 : i32
    %dma_start3A_69 = arith.constant 0 : i32
    %dma_start3A_70 = tpu.memref_slice %arg4[%dma_start3A_58, %dma_start3A_68, %dma_start3A_69] : memref<6x8x2048xf32, #tpu.memory_space<vmem>> -> memref<1x8x2048xf32, #tpu.memory_space<vmem>>
    %dma_start3A_71 = tpu.memref_squeeze %dma_start3A_70 : memref<1x8x2048xf32, #tpu.memory_space<vmem>> -> memref<8x2048xf32, #tpu.memory_space<vmem>>
    %dma_start3A_72 = arith.constant 0 : i32
    %dma_start3A_73 = tpu.memref_slice %arg2[%add3A_57, %dma_start3A_72] : memref<8192x2048xf32, #tpu.memory_space<hbm>> -> memref<8x2048xf32, #tpu.memory_space<hbm>>
    tpu.enqueue_dma source(%dma_start3A_73 : memref<8x2048xf32, #tpu.memory_space<hbm>>) target(%dma_start3A_71 : memref<8x2048xf32, #tpu.memory_space<vmem>>) target_semaphore(%dma_start3A_67 : memref<!tpu.dma_semaphore, #tpu.memory_space<semaphore_mem>>)
    %add3A_74 = arith.constant 32 : i32
    %add3A_75 = arith.addi %mul3A_2, %add3A_74 : i32
    %dma_start3A_76 = arith.constant 4 : i32
    %dma_start3A_77 = arith.constant 4 : i32
    %dma_start3A_78 = arith.constant 0 : i32
    %dma_start3A_79 = arith.constant 0 : i32
    %dma_start3A_80 = tpu.memref_slice %arg4[%dma_start3A_76, %dma_start3A_78, %dma_start3A_79] : memref<6x8x2048xf32, #tpu.memory_space<vmem>> -> memref<1x8x2048xf32, #tpu.memory_space<vmem>>
    %dma_start3A_81 = tpu.memref_squeeze %dma_start3A_80 : memref<1x8x2048xf32, #tpu.memory_space<vmem>> -> memref<8x2048xf32, #tpu.memory_space<vmem>>
    %dma_start3A_82 = arith.constant 0 : i32
    %dma_start3A_83 = tpu.memref_slice %arg2[%add3A_75, %dma_start3A_82] : memref<8192x2048xf32, #tpu.memory_space<hbm>> -> memref<8x2048xf32, #tpu.memory_space<hbm>>
    %dma_start3A_84 = tpu.memref_slice %arg5[%dma_start3A_77] : memref<6x!tpu.dma_semaphore, #tpu.memory_space<semaphore_mem>> -> memref<1x!tpu.dma_semaphore, #tpu.memory_space<semaphore_mem>>
    %dma_start3A_85 = tpu.memref_squeeze %dma_start3A_84 : memref<1x!tpu.dma_semaphore, #tpu.memory_space<semaphore_mem>> -> memref<!tpu.dma_semaphore, #tpu.memory_space<semaphore_mem>>
    %dma_start3A_86 = arith.constant 0 : i32
    %dma_start3A_87 = arith.constant 0 : i32
    %dma_start3A_88 = tpu.memref_slice %arg4[%dma_start3A_76, %dma_start3A_86, %dma_start3A_87] : memref<6x8x2048xf32, #tpu.memory_space<vmem>> -> memref<1x8x2048xf32, #tpu.memory_space<vmem>>
    %dma_start3A_89 = tpu.memref_squeeze %dma_start3A_88 : memref<1x8x2048xf32, #tpu.memory_space<vmem>> -> memref<8x2048xf32, #tpu.memory_space<vmem>>
    %dma_start3A_90 = arith.constant 0 : i32
    %dma_start3A_91 = tpu.memref_slice %arg2[%add3A_75, %dma_start3A_90] : memref<8192x2048xf32, #tpu.memory_space<hbm>> -> memref<8x2048xf32, #tpu.memory_space<hbm>>
    tpu.enqueue_dma source(%dma_start3A_91 : memref<8x2048xf32, #tpu.memory_space<hbm>>) target(%dma_start3A_89 : memref<8x2048xf32, #tpu.memory_space<vmem>>) target_semaphore(%dma_start3A_85 : memref<!tpu.dma_semaphore, #tpu.memory_space<semaphore_mem>>)
    %add3A_92 = arith.constant 40 : i32
    %add3A_93 = arith.addi %mul3A_2, %add3A_92 : i32
    %dma_start3A_94 = arith.constant 5 : i32
    %dma_start3A_95 = arith.constant 5 : i32
    %dma_start3A_96 = arith.constant 0 : i32
    %dma_start3A_97 = arith.constant 0 : i32
    %dma_start3A_98 = tpu.memref_slice %arg4[%dma_start3A_94, %dma_start3A_96, %dma_start3A_97] : memref<6x8x2048xf32, #tpu.memory_space<vmem>> -> memref<1x8x2048xf32, #tpu.memory_space<vmem>>
    %dma_start3A_99 = tpu.memref_squeeze %dma_start3A_98 : memref<1x8x2048xf32, #tpu.memory_space<vmem>> -> memref<8x2048xf32, #tpu.memory_space<vmem>>
    %dma_start3A_100 = arith.constant 0 : i32
    %dma_start3A_101 = tpu.memref_slice %arg2[%add3A_93, %dma_start3A_100] : memref<8192x2048xf32, #tpu.memory_space<hbm>> -> memref<8x2048xf32, #tpu.memory_space<hbm>>
    %dma_start3A_102 = tpu.memref_slice %arg5[%dma_start3A_95] : memref<6x!tpu.dma_semaphore, #tpu.memory_space<semaphore_mem>> -> memref<1x!tpu.dma_semaphore, #tpu.memory_space<semaphore_mem>>
    %dma_start3A_103 = tpu.memref_squeeze %dma_start3A_102 : memref<1x!tpu.dma_semaphore, #tpu.memory_space<semaphore_mem>> -> memref<!tpu.dma_semaphore, #tpu.memory_space<semaphore_mem>>
    %dma_start3A_104 = arith.constant 0 : i32
    %dma_start3A_105 = arith.constant 0 : i32
    %dma_start3A_106 = tpu.memref_slice %arg4[%dma_start3A_94, %dma_start3A_104, %dma_start3A_105] : memref<6x8x2048xf32, #tpu.memory_space<vmem>> -> memref<1x8x2048xf32, #tpu.memory_space<vmem>>
    %dma_start3A_107 = tpu.memref_squeeze %dma_start3A_106 : memref<1x8x2048xf32, #tpu.memory_space<vmem>> -> memref<8x2048xf32, #tpu.memory_space<vmem>>
    %dma_start3A_108 = arith.constant 0 : i32
    %dma_start3A_109 = tpu.memref_slice %arg2[%add3A_93, %dma_start3A_108] : memref<8192x2048xf32, #tpu.memory_space<hbm>> -> memref<8x2048xf32, #tpu.memory_space<hbm>>
    tpu.enqueue_dma source(%dma_start3A_109 : memref<8x2048xf32, #tpu.memory_space<hbm>>) target(%dma_start3A_107 : memref<8x2048xf32, #tpu.memory_space<vmem>>) target_semaphore(%dma_start3A_103 : memref<!tpu.dma_semaphore, #tpu.memory_space<semaphore_mem>>)
    %dma_wait3A = arith.constant 0 : i32
    %dma_wait3A_110 = arith.constant 0 : i32
    %dma_wait3A_111 = arith.constant 0 : i32
    %dma_wait3A_112 = arith.constant 0 : i32
    %dma_wait3A_113 = tpu.memref_slice %arg4[%dma_wait3A, %dma_wait3A_111, %dma_wait3A_112] : memref<6x8x2048xf32, #tpu.memory_space<vmem>> -> memref<1x8x2048xf32, #tpu.memory_space<vmem>>
    %dma_wait3A_114 = tpu.memref_squeeze %dma_wait3A_113 : memref<1x8x2048xf32, #tpu.memory_space<vmem>> -> memref<8x2048xf32, #tpu.memory_space<vmem>>
    %dma_wait3A_115 = arith.constant 0 : i32
    %dma_wait3A_116 = tpu.memref_slice %arg2[%add3A_4, %dma_wait3A_115] : memref<8192x2048xf32, #tpu.memory_space<hbm>> -> memref<8x2048xf32, #tpu.memory_space<hbm>>
    %dma_wait3A_117 = tpu.memref_slice %arg5[%dma_wait3A_110] : memref<6x!tpu.dma_semaphore, #tpu.memory_space<semaphore_mem>> -> memref<1x!tpu.dma_semaphore, #tpu.memory_space<semaphore_mem>>
    %dma_wait3A_118 = tpu.memref_squeeze %dma_wait3A_117 : memref<1x!tpu.dma_semaphore, #tpu.memory_space<semaphore_mem>> -> memref<!tpu.dma_semaphore, #tpu.memory_space<semaphore_mem>>
    %dma_wait3A_119 = arith.constant 0 : i32
    %dma_wait3A_120 = arith.constant 0 : i32
    %dma_wait3A_121 = tpu.memref_slice %arg4[%dma_wait3A, %dma_wait3A_119, %dma_wait3A_120] : memref<6x8x2048xf32, #tpu.memory_space<vmem>> -> memref<1x8x2048xf32, #tpu.memory_space<vmem>>
    %dma_wait3A_122 = tpu.memref_squeeze %dma_wait3A_121 : memref<1x8x2048xf32, #tpu.memory_space<vmem>> -> memref<8x2048xf32, #tpu.memory_space<vmem>>
    %dma_wait3A_123 = arith.constant 0 : i32
    %dma_wait3A_124 = tpu.memref_slice %arg2[%add3A_4, %dma_wait3A_123] : memref<8192x2048xf32, #tpu.memory_space<hbm>> -> memref<8x2048xf32, #tpu.memory_space<hbm>>
    tpu.wait_dma2 semaphore(%dma_wait3A_118 : memref<!tpu.dma_semaphore, #tpu.memory_space<semaphore_mem>>) src(%dma_wait3A_124 : memref<8x2048xf32, #tpu.memory_space<hbm>>) dst(%dma_wait3A_122 : memref<8x2048xf32, #tpu.memory_space<vmem>>)
    %add3A_125 = arith.constant 0 : i32
    %add3A_126 = arith.addi %mul3A_2, %add3A_125 : i32
    %dma_start3A_127 = arith.constant 0 : i32
    %dma_start3A_128 = arith.constant 0 : i32
    %dma_start3A_129 = arith.constant 0 : i32
    %dma_start3A_130 = arith.constant 0 : i32
    %dma_start3A_131 = arith.constant 0 : i32
    %dma_start3A_132 = tpu.memref_slice %arg4[%dma_start3A_127, %dma_start3A_130, %dma_start3A_131] : memref<6x8x2048xf32, #tpu.memory_space<vmem>> -> memref<1x8x2048xf32, #tpu.memory_space<vmem>>
    %dma_start3A_133 = tpu.memref_squeeze %dma_start3A_132 : memref<1x8x2048xf32, #tpu.memory_space<vmem>> -> memref<8x2048xf32, #tpu.memory_space<vmem>>
    %dma_start3A_134 = arith.constant 0 : i32
    %dma_start3A_135 = tpu.memref_slice %arg3[%dma_start3A_128, %add3A_126, %dma_start3A_134] : memref<1x8192x2048xf32, #tpu.memory_space<hbm>> -> memref<1x8x2048xf32, #tpu.memory_space<hbm>>
    %dma_start3A_136 = tpu.memref_squeeze %dma_start3A_135 : memref<1x8x2048xf32, #tpu.memory_space<hbm>> -> memref<8x2048xf32, #tpu.memory_space<hbm>>
    %dma_start3A_137 = tpu.memref_slice %arg6[%dma_start3A_129] : memref<6x!tpu.dma_semaphore, #tpu.memory_space<semaphore_mem>> -> memref<1x!tpu.dma_semaphore, #tpu.memory_space<semaphore_mem>>
    %dma_start3A_138 = tpu.memref_squeeze %dma_start3A_137 : memref<1x!tpu.dma_semaphore, #tpu.memory_space<semaphore_mem>> -> memref<!tpu.dma_semaphore, #tpu.memory_space<semaphore_mem>>
    %dma_start3A_139 = arith.constant 0 : i32
    %dma_start3A_140 = tpu.memref_slice %arg3[%dma_start3A_128, %add3A_126, %dma_start3A_139] : memref<1x8192x2048xf32, #tpu.memory_space<hbm>> -> memref<1x8x2048xf32, #tpu.memory_space<hbm>>
    %dma_start3A_141 = tpu.memref_squeeze %dma_start3A_140 : memref<1x8x2048xf32, #tpu.memory_space<hbm>> -> memref<8x2048xf32, #tpu.memory_space<hbm>>
    %dma_start3A_142 = arith.constant 0 : i32
    %dma_start3A_143 = arith.constant 0 : i32
    %dma_start3A_144 = tpu.memref_slice %arg4[%dma_start3A_127, %dma_start3A_142, %dma_start3A_143] : memref<6x8x2048xf32, #tpu.memory_space<vmem>> -> memref<1x8x2048xf32, #tpu.memory_space<vmem>>
    %dma_start3A_145 = tpu.memref_squeeze %dma_start3A_144 : memref<1x8x2048xf32, #tpu.memory_space<vmem>> -> memref<8x2048xf32, #tpu.memory_space<vmem>>
    tpu.enqueue_dma source(%dma_start3A_145 : memref<8x2048xf32, #tpu.memory_space<vmem>>) target(%dma_start3A_141 : memref<8x2048xf32, #tpu.memory_space<hbm>>) target_semaphore(%dma_start3A_138 : memref<!tpu.dma_semaphore, #tpu.memory_space<semaphore_mem>>)
    %dma_wait3A_146 = arith.constant 0 : i32
    %dma_wait3A_147 = arith.constant 0 : i32
    %dma_wait3A_148 = arith.constant 0 : i32
    %dma_wait3A_149 = arith.constant 0 : i32
    %dma_wait3A_150 = arith.constant 0 : i32
    %dma_wait3A_151 = tpu.memref_slice %arg4[%dma_wait3A_146, %dma_wait3A_149, %dma_wait3A_150] : memref<6x8x2048xf32, #tpu.memory_space<vmem>> -> memref<1x8x2048xf32, #tpu.memory_space<vmem>>
    %dma_wait3A_152 = tpu.memref_squeeze %dma_wait3A_151 : memref<1x8x2048xf32, #tpu.memory_space<vmem>> -> memref<8x2048xf32, #tpu.memory_space<vmem>>
    %dma_wait3A_153 = arith.constant 0 : i32
    %dma_wait3A_154 = tpu.memref_slice %arg3[%dma_wait3A_147, %add3A_126, %dma_wait3A_153] : memref<1x8192x2048xf32, #tpu.memory_space<hbm>> -> memref<1x8x2048xf32, #tpu.memory_space<hbm>>
    %dma_wait3A_155 = tpu.memref_squeeze %dma_wait3A_154 : memref<1x8x2048xf32, #tpu.memory_space<hbm>> -> memref<8x2048xf32, #tpu.memory_space<hbm>>
    %dma_wait3A_156 = tpu.memref_slice %arg6[%dma_wait3A_148] : memref<6x!tpu.dma_semaphore, #tpu.memory_space<semaphore_mem>> -> memref<1x!tpu.dma_semaphore, #tpu.memory_space<semaphore_mem>>
    %dma_wait3A_157 = tpu.memref_squeeze %dma_wait3A_156 : memref<1x!tpu.dma_semaphore, #tpu.memory_space<semaphore_mem>> -> memref<!tpu.dma_semaphore, #tpu.memory_space<semaphore_mem>>
    %dma_wait3A_158 = arith.constant 0 : i32
    %dma_wait3A_159 = tpu.memref_slice %arg3[%dma_wait3A_147, %add3A_126, %dma_wait3A_158] : memref<1x8192x2048xf32, #tpu.memory_space<hbm>> -> memref<1x8x2048xf32, #tpu.memory_space<hbm>>
    %dma_wait3A_160 = tpu.memref_squeeze %dma_wait3A_159 : memref<1x8x2048xf32, #tpu.memory_space<hbm>> -> memref<8x2048xf32, #tpu.memory_space<hbm>>
    %dma_wait3A_161 = arith.constant 0 : i32
    %dma_wait3A_162 = arith.constant 0 : i32
    %dma_wait3A_163 = tpu.memref_slice %arg4[%dma_wait3A_146, %dma_wait3A_161, %dma_wait3A_162] : memref<6x8x2048xf32, #tpu.memory_space<vmem>> -> memref<1x8x2048xf32, #tpu.memory_space<vmem>>
    %dma_wait3A_164 = tpu.memref_squeeze %dma_wait3A_163 : memref<1x8x2048xf32, #tpu.memory_space<vmem>> -> memref<8x2048xf32, #tpu.memory_space<vmem>>
    tpu.wait_dma2 semaphore(%dma_wait3A_157 : memref<!tpu.dma_semaphore, #tpu.memory_space<semaphore_mem>>) src(%dma_wait3A_164 : memref<8x2048xf32, #tpu.memory_space<vmem>>) dst(%dma_wait3A_160 : memref<8x2048xf32, #tpu.memory_space<hbm>>)
    %add3A_165 = arith.constant 48 : i32
    %add3A_166 = arith.addi %mul3A_2, %add3A_165 : i32
    %dma_start3A_167 = arith.constant 0 : i32
    %dma_start3A_168 = arith.constant 0 : i32
    %dma_start3A_169 = arith.constant 0 : i32
    %dma_start3A_170 = arith.constant 0 : i32
    %dma_start3A_171 = tpu.memref_slice %arg4[%dma_start3A_167, %dma_start3A_169, %dma_start3A_170] : memref<6x8x2048xf32, #tpu.memory_space<vmem>> -> memref<1x8x2048xf32, #tpu.memory_space<vmem>>
    %dma_start3A_172 = tpu.memref_squeeze %dma_start3A_171 : memref<1x8x2048xf32, #tpu.memory_space<vmem>> -> memref<8x2048xf32, #tpu.memory_space<vmem>>
    %dma_start3A_173 = arith.constant 0 : i32
    %dma_start3A_174 = tpu.memref_slice %arg2[%add3A_166, %dma_start3A_173] : memref<8192x2048xf32, #tpu.memory_space<hbm>> -> memref<8x2048xf32, #tpu.memory_space<hbm>>
    %dma_start3A_175 = tpu.memref_slice %arg5[%dma_start3A_168] : memref<6x!tpu.dma_semaphore, #tpu.memory_space<semaphore_mem>> -> memref<1x!tpu.dma_semaphore, #tpu.memory_space<semaphore_mem>>
    %dma_start3A_176 = tpu.memref_squeeze %dma_start3A_175 : memref<1x!tpu.dma_semaphore, #tpu.memory_space<semaphore_mem>> -> memref<!tpu.dma_semaphore, #tpu.memory_space<semaphore_mem>>
    %dma_start3A_177 = arith.constant 0 : i32
    %dma_start3A_178 = arith.constant 0 : i32
    %dma_start3A_179 = tpu.memref_slice %arg4[%dma_start3A_167, %dma_start3A_177, %dma_start3A_178] : memref<6x8x2048xf32, #tpu.memory_space<vmem>> -> memref<1x8x2048xf32, #tpu.memory_space<vmem>>
    %dma_start3A_180 = tpu.memref_squeeze %dma_start3A_179 : memref<1x8x2048xf32, #tpu.memory_space<vmem>> -> memref<8x2048xf32, #tpu.memory_space<vmem>>
    %dma_start3A_181 = arith.constant 0 : i32
    %dma_start3A_182 = tpu.memref_slice %arg2[%add3A_166, %dma_start3A_181] : memref<8192x2048xf32, #tpu.memory_space<hbm>> -> memref<8x2048xf32, #tpu.memory_space<hbm>>
    tpu.enqueue_dma source(%dma_start3A_182 : memref<8x2048xf32, #tpu.memory_space<hbm>>) target(%dma_start3A_180 : memref<8x2048xf32, #tpu.memory_space<vmem>>) target_semaphore(%dma_start3A_176 : memref<!tpu.dma_semaphore, #tpu.memory_space<semaphore_mem>>)
    %dma_wait3A_183 = arith.constant 1 : i32
    %dma_wait3A_184 = arith.constant 1 : i32
    %dma_wait3A_185 = arith.constant 0 : i32
    %dma_wait3A_186 = arith.constant 0 : i32
    %dma_wait3A_187 = tpu.memref_slice %arg4[%dma_wait3A_183, %dma_wait3A_185, %dma_wait3A_186] : memref<6x8x2048xf32, #tpu.memory_space<vmem>> -> memref<1x8x2048xf32, #tpu.memory_space<vmem>>
    %dma_wait3A_188 = tpu.memref_squeeze %dma_wait3A_187 : memref<1x8x2048xf32, #tpu.memory_space<vmem>> -> memref<8x2048xf32, #tpu.memory_space<vmem>>
    %dma_wait3A_189 = arith.constant 0 : i32
    %dma_wait3A_190 = tpu.memref_slice %arg2[%add3A_21, %dma_wait3A_189] : memref<8192x2048xf32, #tpu.memory_space<hbm>> -> memref<8x2048xf32, #tpu.memory_space<hbm>>
    %dma_wait3A_191 = tpu.memref_slice %arg5[%dma_wait3A_184] : memref<6x!tpu.dma_semaphore, #tpu.memory_space<semaphore_mem>> -> memref<1x!tpu.dma_semaphore, #tpu.memory_space<semaphore_mem>>
    %dma_wait3A_192 = tpu.memref_squeeze %dma_wait3A_191 : memref<1x!tpu.dma_semaphore, #tpu.memory_space<semaphore_mem>> -> memref<!tpu.dma_semaphore, #tpu.memory_space<semaphore_mem>>
    %dma_wait3A_193 = arith.constant 0 : i32
    %dma_wait3A_194 = arith.constant 0 : i32
    %dma_wait3A_195 = tpu.memref_slice %arg4[%dma_wait3A_183, %dma_wait3A_193, %dma_wait3A_194] : memref<6x8x2048xf32, #tpu.memory_space<vmem>> -> memref<1x8x2048xf32, #tpu.memory_space<vmem>>
    %dma_wait3A_196 = tpu.memref_squeeze %dma_wait3A_195 : memref<1x8x2048xf32, #tpu.memory_space<vmem>> -> memref<8x2048xf32, #tpu.memory_space<vmem>>
    %dma_wait3A_197 = arith.constant 0 : i32
    %dma_wait3A_198 = tpu.memref_slice %arg2[%add3A_21, %dma_wait3A_197] : memref<8192x2048xf32, #tpu.memory_space<hbm>> -> memref<8x2048xf32, #tpu.memory_space<hbm>>
    tpu.wait_dma2 semaphore(%dma_wait3A_192 : memref<!tpu.dma_semaphore, #tpu.memory_space<semaphore_mem>>) src(%dma_wait3A_198 : memref<8x2048xf32, #tpu.memory_space<hbm>>) dst(%dma_wait3A_196 : memref<8x2048xf32, #tpu.memory_space<vmem>>)
    %add3A_199 = arith.constant 8 : i32
    %add3A_200 = arith.addi %mul3A_2, %add3A_199 : i32
    %dma_start3A_201 = arith.constant 1 : i32
    %dma_start3A_202 = arith.constant 0 : i32
    %dma_start3A_203 = arith.constant 1 : i32
    %dma_start3A_204 = arith.constant 0 : i32
    %dma_start3A_205 = arith.constant 0 : i32
    %dma_start3A_206 = tpu.memref_slice %arg4[%dma_start3A_201, %dma_start3A_204, %dma_start3A_205] : memref<6x8x2048xf32, #tpu.memory_space<vmem>> -> memref<1x8x2048xf32, #tpu.memory_space<vmem>>
    %dma_start3A_207 = tpu.memref_squeeze %dma_start3A_206 : memref<1x8x2048xf32, #tpu.memory_space<vmem>> -> memref<8x2048xf32, #tpu.memory_space<vmem>>
    %dma_start3A_208 = arith.constant 0 : i32
    %dma_start3A_209 = tpu.memref_slice %arg3[%dma_start3A_202, %add3A_200, %dma_start3A_208] : memref<1x8192x2048xf32, #tpu.memory_space<hbm>> -> memref<1x8x2048xf32, #tpu.memory_space<hbm>>
    %dma_start3A_210 = tpu.memref_squeeze %dma_start3A_209 : memref<1x8x2048xf32, #tpu.memory_space<hbm>> -> memref<8x2048xf32, #tpu.memory_space<hbm>>
    %dma_start3A_211 = tpu.memref_slice %arg6[%dma_start3A_203] : memref<6x!tpu.dma_semaphore, #tpu.memory_space<semaphore_mem>> -> memref<1x!tpu.dma_semaphore, #tpu.memory_space<semaphore_mem>>
    %dma_start3A_212 = tpu.memref_squeeze %dma_start3A_211 : memref<1x!tpu.dma_semaphore, #tpu.memory_space<semaphore_mem>> -> memref<!tpu.dma_semaphore, #tpu.memory_space<semaphore_mem>>
    %dma_start3A_213 = arith.constant 0 : i32
    %dma_start3A_214 = tpu.memref_slice %arg3[%dma_start3A_202, %add3A_200, %dma_start3A_213] : memref<1x8192x2048xf32, #tpu.memory_space<hbm>> -> memref<1x8x2048xf32, #tpu.memory_space<hbm>>
    %dma_start3A_215 = tpu.memref_squeeze %dma_start3A_214 : memref<1x8x2048xf32, #tpu.memory_space<hbm>> -> memref<8x2048xf32, #tpu.memory_space<hbm>>
    %dma_start3A_216 = arith.constant 0 : i32
    %dma_start3A_217 = arith.constant 0 : i32
    %dma_start3A_218 = tpu.memref_slice %arg4[%dma_start3A_201, %dma_start3A_216, %dma_start3A_217] : memref<6x8x2048xf32, #tpu.memory_space<vmem>> -> memref<1x8x2048xf32, #tpu.memory_space<vmem>>
    %dma_start3A_219 = tpu.memref_squeeze %dma_start3A_218 : memref<1x8x2048xf32, #tpu.memory_space<vmem>> -> memref<8x2048xf32, #tpu.memory_space<vmem>>
    tpu.enqueue_dma source(%dma_start3A_219 : memref<8x2048xf32, #tpu.memory_space<vmem>>) target(%dma_start3A_215 : memref<8x2048xf32, #tpu.memory_space<hbm>>) target_semaphore(%dma_start3A_212 : memref<!tpu.dma_semaphore, #tpu.memory_space<semaphore_mem>>)
    %dma_wait3A_220 = arith.constant 1 : i32
    %dma_wait3A_221 = arith.constant 0 : i32
    %dma_wait3A_222 = arith.constant 1 : i32
    %dma_wait3A_223 = arith.constant 0 : i32
    %dma_wait3A_224 = arith.constant 0 : i32
    %dma_wait3A_225 = tpu.memref_slice %arg4[%dma_wait3A_220, %dma_wait3A_223, %dma_wait3A_224] : memref<6x8x2048xf32, #tpu.memory_space<vmem>> -> memref<1x8x2048xf32, #tpu.memory_space<vmem>>
    %dma_wait3A_226 = tpu.memref_squeeze %dma_wait3A_225 : memref<1x8x2048xf32, #tpu.memory_space<vmem>> -> memref<8x2048xf32, #tpu.memory_space<vmem>>
    %dma_wait3A_227 = arith.constant 0 : i32
    %dma_wait3A_228 = tpu.memref_slice %arg3[%dma_wait3A_221, %add3A_200, %dma_wait3A_227] : memref<1x8192x2048xf32, #tpu.memory_space<hbm>> -> memref<1x8x2048xf32, #tpu.memory_space<hbm>>
    %dma_wait3A_229 = tpu.memref_squeeze %dma_wait3A_228 : memref<1x8x2048xf32, #tpu.memory_space<hbm>> -> memref<8x2048xf32, #tpu.memory_space<hbm>>
    %dma_wait3A_230 = tpu.memref_slice %arg6[%dma_wait3A_222] : memref<6x!tpu.dma_semaphore, #tpu.memory_space<semaphore_mem>> -> memref<1x!tpu.dma_semaphore, #tpu.memory_space<semaphore_mem>>
    %dma_wait3A_231 = tpu.memref_squeeze %dma_wait3A_230 : memref<1x!tpu.dma_semaphore, #tpu.memory_space<semaphore_mem>> -> memref<!tpu.dma_semaphore, #tpu.memory_space<semaphore_mem>>
    %dma_wait3A_232 = arith.constant 0 : i32
    %dma_wait3A_233 = tpu.memref_slice %arg3[%dma_wait3A_221, %add3A_200, %dma_wait3A_232] : memref<1x8192x2048xf32, #tpu.memory_space<hbm>> -> memref<1x8x2048xf32, #tpu.memory_space<hbm>>
    %dma_wait3A_234 = tpu.memref_squeeze %dma_wait3A_233 : memref<1x8x2048xf32, #tpu.memory_space<hbm>> -> memref<8x2048xf32, #tpu.memory_space<hbm>>
    %dma_wait3A_235 = arith.constant 0 : i32
    %dma_wait3A_236 = arith.constant 0 : i32
    %dma_wait3A_237 = tpu.memref_slice %arg4[%dma_wait3A_220, %dma_wait3A_235, %dma_wait3A_236] : memref<6x8x2048xf32, #tpu.memory_space<vmem>> -> memref<1x8x2048xf32, #tpu.memory_space<vmem>>
    %dma_wait3A_238 = tpu.memref_squeeze %dma_wait3A_237 : memref<1x8x2048xf32, #tpu.memory_space<vmem>> -> memref<8x2048xf32, #tpu.memory_space<vmem>>
    tpu.wait_dma2 semaphore(%dma_wait3A_231 : memref<!tpu.dma_semaphore, #tpu.memory_space<semaphore_mem>>) src(%dma_wait3A_238 : memref<8x2048xf32, #tpu.memory_space<vmem>>) dst(%dma_wait3A_234 : memref<8x2048xf32, #tpu.memory_space<hbm>>)
    %add3A_239 = arith.constant 56 : i32
    %add3A_240 = arith.addi %mul3A_2, %add3A_239 : i32
    %dma_start3A_241 = arith.constant 1 : i32
    %dma_start3A_242 = arith.constant 1 : i32
    %dma_start3A_243 = arith.constant 0 : i32
    %dma_start3A_244 = arith.constant 0 : i32
    %dma_start3A_245 = tpu.memref_slice %arg4[%dma_start3A_241, %dma_start3A_243, %dma_start3A_244] : memref<6x8x2048xf32, #tpu.memory_space<vmem>> -> memref<1x8x2048xf32, #tpu.memory_space<vmem>>
    %dma_start3A_246 = tpu.memref_squeeze %dma_start3A_245 : memref<1x8x2048xf32, #tpu.memory_space<vmem>> -> memref<8x2048xf32, #tpu.memory_space<vmem>>
    %dma_start3A_247 = arith.constant 0 : i32
    %dma_start3A_248 = tpu.memref_slice %arg2[%add3A_240, %dma_start3A_247] : memref<8192x2048xf32, #tpu.memory_space<hbm>> -> memref<8x2048xf32, #tpu.memory_space<hbm>>
    %dma_start3A_249 = tpu.memref_slice %arg5[%dma_start3A_242] : memref<6x!tpu.dma_semaphore, #tpu.memory_space<semaphore_mem>> -> memref<1x!tpu.dma_semaphore, #tpu.memory_space<semaphore_mem>>
    %dma_start3A_250 = tpu.memref_squeeze %dma_start3A_249 : memref<1x!tpu.dma_semaphore, #tpu.memory_space<semaphore_mem>> -> memref<!tpu.dma_semaphore, #tpu.memory_space<semaphore_mem>>
    %dma_start3A_251 = arith.constant 0 : i32
    %dma_start3A_252 = arith.constant 0 : i32
    %dma_start3A_253 = tpu.memref_slice %arg4[%dma_start3A_241, %dma_start3A_251, %dma_start3A_252] : memref<6x8x2048xf32, #tpu.memory_space<vmem>> -> memref<1x8x2048xf32, #tpu.memory_space<vmem>>
    %dma_start3A_254 = tpu.memref_squeeze %dma_start3A_253 : memref<1x8x2048xf32, #tpu.memory_space<vmem>> -> memref<8x2048xf32, #tpu.memory_space<vmem>>
    %dma_start3A_255 = arith.constant 0 : i32
    %dma_start3A_256 = tpu.memref_slice %arg2[%add3A_240, %dma_start3A_255] : memref<8192x2048xf32, #tpu.memory_space<hbm>> -> memref<8x2048xf32, #tpu.memory_space<hbm>>
    tpu.enqueue_dma source(%dma_start3A_256 : memref<8x2048xf32, #tpu.memory_space<hbm>>) target(%dma_start3A_254 : memref<8x2048xf32, #tpu.memory_space<vmem>>) target_semaphore(%dma_start3A_250 : memref<!tpu.dma_semaphore, #tpu.memory_space<semaphore_mem>>)
    %dma_wait3A_257 = arith.constant 2 : i32
    %dma_wait3A_258 = arith.constant 2 : i32
    %dma_wait3A_259 = arith.constant 0 : i32
    %dma_wait3A_260 = arith.constant 0 : i32
    %dma_wait3A_261 = tpu.memref_slice %arg4[%dma_wait3A_257, %dma_wait3A_259, %dma_wait3A_260] : memref<6x8x2048xf32, #tpu.memory_space<vmem>> -> memref<1x8x2048xf32, #tpu.memory_space<vmem>>
    %dma_wait3A_262 = tpu.memref_squeeze %dma_wait3A_261 : memref<1x8x2048xf32, #tpu.memory_space<vmem>> -> memref<8x2048xf32, #tpu.memory_space<vmem>>
    %dma_wait3A_263 = arith.constant 0 : i32
    %dma_wait3A_264 = tpu.memref_slice %arg2[%add3A_39, %dma_wait3A_263] : memref<8192x2048xf32, #tpu.memory_space<hbm>> -> memref<8x2048xf32, #tpu.memory_space<hbm>>
    %dma_wait3A_265 = tpu.memref_slice %arg5[%dma_wait3A_258] : memref<6x!tpu.dma_semaphore, #tpu.memory_space<semaphore_mem>> -> memref<1x!tpu.dma_semaphore, #tpu.memory_space<semaphore_mem>>
    %dma_wait3A_266 = tpu.memref_squeeze %dma_wait3A_265 : memref<1x!tpu.dma_semaphore, #tpu.memory_space<semaphore_mem>> -> memref<!tpu.dma_semaphore, #tpu.memory_space<semaphore_mem>>
    %dma_wait3A_267 = arith.constant 0 : i32
    %dma_wait3A_268 = arith.constant 0 : i32
    %dma_wait3A_269 = tpu.memref_slice %arg4[%dma_wait3A_257, %dma_wait3A_267, %dma_wait3A_268] : memref<6x8x2048xf32, #tpu.memory_space<vmem>> -> memref<1x8x2048xf32, #tpu.memory_space<vmem>>
    %dma_wait3A_270 = tpu.memref_squeeze %dma_wait3A_269 : memref<1x8x2048xf32, #tpu.memory_space<vmem>> -> memref<8x2048xf32, #tpu.memory_space<vmem>>
    %dma_wait3A_271 = arith.constant 0 : i32
    %dma_wait3A_272 = tpu.memref_slice %arg2[%add3A_39, %dma_wait3A_271] : memref<8192x2048xf32, #tpu.memory_space<hbm>> -> memref<8x2048xf32, #tpu.memory_space<hbm>>
    tpu.wait_dma2 semaphore(%dma_wait3A_266 : memref<!tpu.dma_semaphore, #tpu.memory_space<semaphore_mem>>) src(%dma_wait3A_272 : memref<8x2048xf32, #tpu.memory_space<hbm>>) dst(%dma_wait3A_270 : memref<8x2048xf32, #tpu.memory_space<vmem>>)
    %add3A_273 = arith.constant 16 : i32
    %add3A_274 = arith.addi %mul3A_2, %add3A_273 : i32
    %dma_start3A_275 = arith.constant 2 : i32
    %dma_start3A_276 = arith.constant 0 : i32
    %dma_start3A_277 = arith.constant 2 : i32
    %dma_start3A_278 = arith.constant 0 : i32
    %dma_start3A_279 = arith.constant 0 : i32
    %dma_start3A_280 = tpu.memref_slice %arg4[%dma_start3A_275, %dma_start3A_278, %dma_start3A_279] : memref<6x8x2048xf32, #tpu.memory_space<vmem>> -> memref<1x8x2048xf32, #tpu.memory_space<vmem>>
    %dma_start3A_281 = tpu.memref_squeeze %dma_start3A_280 : memref<1x8x2048xf32, #tpu.memory_space<vmem>> -> memref<8x2048xf32, #tpu.memory_space<vmem>>
    %dma_start3A_282 = arith.constant 0 : i32
    %dma_start3A_283 = tpu.memref_slice %arg3[%dma_start3A_276, %add3A_274, %dma_start3A_282] : memref<1x8192x2048xf32, #tpu.memory_space<hbm>> -> memref<1x8x2048xf32, #tpu.memory_space<hbm>>
    %dma_start3A_284 = tpu.memref_squeeze %dma_start3A_283 : memref<1x8x2048xf32, #tpu.memory_space<hbm>> -> memref<8x2048xf32, #tpu.memory_space<hbm>>
    %dma_start3A_285 = tpu.memref_slice %arg6[%dma_start3A_277] : memref<6x!tpu.dma_semaphore, #tpu.memory_space<semaphore_mem>> -> memref<1x!tpu.dma_semaphore, #tpu.memory_space<semaphore_mem>>
    %dma_start3A_286 = tpu.memref_squeeze %dma_start3A_285 : memref<1x!tpu.dma_semaphore, #tpu.memory_space<semaphore_mem>> -> memref<!tpu.dma_semaphore, #tpu.memory_space<semaphore_mem>>
    %dma_start3A_287 = arith.constant 0 : i32
    %dma_start3A_288 = tpu.memref_slice %arg3[%dma_start3A_276, %add3A_274, %dma_start3A_287] : memref<1x8192x2048xf32, #tpu.memory_space<hbm>> -> memref<1x8x2048xf32, #tpu.memory_space<hbm>>
    %dma_start3A_289 = tpu.memref_squeeze %dma_start3A_288 : memref<1x8x2048xf32, #tpu.memory_space<hbm>> -> memref<8x2048xf32, #tpu.memory_space<hbm>>
    %dma_start3A_290 = arith.constant 0 : i32
    %dma_start3A_291 = arith.constant 0 : i32
    %dma_start3A_292 = tpu.memref_slice %arg4[%dma_start3A_275, %dma_start3A_290, %dma_start3A_291] : memref<6x8x2048xf32, #tpu.memory_space<vmem>> -> memref<1x8x2048xf32, #tpu.memory_space<vmem>>
    %dma_start3A_293 = tpu.memref_squeeze %dma_start3A_292 : memref<1x8x2048xf32, #tpu.memory_space<vmem>> -> memref<8x2048xf32, #tpu.memory_space<vmem>>
    tpu.enqueue_dma source(%dma_start3A_293 : memref<8x2048xf32, #tpu.memory_space<vmem>>) target(%dma_start3A_289 : memref<8x2048xf32, #tpu.memory_space<hbm>>) target_semaphore(%dma_start3A_286 : memref<!tpu.dma_semaphore, #tpu.memory_space<semaphore_mem>>)
    %dma_wait3A_294 = arith.constant 2 : i32
    %dma_wait3A_295 = arith.constant 0 : i32
    %dma_wait3A_296 = arith.constant 2 : i32
    %dma_wait3A_297 = arith.constant 0 : i32
    %dma_wait3A_298 = arith.constant 0 : i32
    %dma_wait3A_299 = tpu.memref_slice %arg4[%dma_wait3A_294, %dma_wait3A_297, %dma_wait3A_298] : memref<6x8x2048xf32, #tpu.memory_space<vmem>> -> memref<1x8x2048xf32, #tpu.memory_space<vmem>>
    %dma_wait3A_300 = tpu.memref_squeeze %dma_wait3A_299 : memref<1x8x2048xf32, #tpu.memory_space<vmem>> -> memref<8x2048xf32, #tpu.memory_space<vmem>>
    %dma_wait3A_301 = arith.constant 0 : i32
    %dma_wait3A_302 = tpu.memref_slice %arg3[%dma_wait3A_295, %add3A_274, %dma_wait3A_301] : memref<1x8192x2048xf32, #tpu.memory_space<hbm>> -> memref<1x8x2048xf32, #tpu.memory_space<hbm>>
    %dma_wait3A_303 = tpu.memref_squeeze %dma_wait3A_302 : memref<1x8x2048xf32, #tpu.memory_space<hbm>> -> memref<8x2048xf32, #tpu.memory_space<hbm>>
    %dma_wait3A_304 = tpu.memref_slice %arg6[%dma_wait3A_296] : memref<6x!tpu.dma_semaphore, #tpu.memory_space<semaphore_mem>> -> memref<1x!tpu.dma_semaphore, #tpu.memory_space<semaphore_mem>>
    %dma_wait3A_305 = tpu.memref_squeeze %dma_wait3A_304 : memref<1x!tpu.dma_semaphore, #tpu.memory_space<semaphore_mem>> -> memref<!tpu.dma_semaphore, #tpu.memory_space<semaphore_mem>>
    %dma_wait3A_306 = arith.constant 0 : i32
    %dma_wait3A_307 = tpu.memref_slice %arg3[%dma_wait3A_295, %add3A_274, %dma_wait3A_306] : memref<1x8192x2048xf32, #tpu.memory_space<hbm>> -> memref<1x8x2048xf32, #tpu.memory_space<hbm>>
    %dma_wait3A_308 = tpu.memref_squeeze %dma_wait3A_307 : memref<1x8x2048xf32, #tpu.memory_space<hbm>> -> memref<8x2048xf32, #tpu.memory_space<hbm>>
    %dma_wait3A_309 = arith.constant 0 : i32
    %dma_wait3A_310 = arith.constant 0 : i32
    %dma_wait3A_311 = tpu.memref_slice %arg4[%dma_wait3A_294, %dma_wait3A_309, %dma_wait3A_310] : memref<6x8x2048xf32, #tpu.memory_space<vmem>> -> memref<1x8x2048xf32, #tpu.memory_space<vmem>>
    %dma_wait3A_312 = tpu.memref_squeeze %dma_wait3A_311 : memref<1x8x2048xf32, #tpu.memory_space<vmem>> -> memref<8x2048xf32, #tpu.memory_space<vmem>>
    tpu.wait_dma2 semaphore(%dma_wait3A_305 : memref<!tpu.dma_semaphore, #tpu.memory_space<semaphore_mem>>) src(%dma_wait3A_312 : memref<8x2048xf32, #tpu.memory_space<vmem>>) dst(%dma_wait3A_308 : memref<8x2048xf32, #tpu.memory_space<hbm>>)
    %add3A_313 = arith.constant 64 : i32
    %add3A_314 = arith.addi %mul3A_2, %add3A_313 : i32
    %dma_start3A_315 = arith.constant 2 : i32
    %dma_start3A_316 = arith.constant 2 : i32
    %dma_start3A_317 = arith.constant 0 : i32
    %dma_start3A_318 = arith.constant 0 : i32
    %dma_start3A_319 = tpu.memref_slice %arg4[%dma_start3A_315, %dma_start3A_317, %dma_start3A_318] : memref<6x8x2048xf32, #tpu.memory_space<vmem>> -> memref<1x8x2048xf32, #tpu.memory_space<vmem>>
    %dma_start3A_320 = tpu.memref_squeeze %dma_start3A_319 : memref<1x8x2048xf32, #tpu.memory_space<vmem>> -> memref<8x2048xf32, #tpu.memory_space<vmem>>
    %dma_start3A_321 = arith.constant 0 : i32
    %dma_start3A_322 = tpu.memref_slice %arg2[%add3A_314, %dma_start3A_321] : memref<8192x2048xf32, #tpu.memory_space<hbm>> -> memref<8x2048xf32, #tpu.memory_space<hbm>>
    %dma_start3A_323 = tpu.memref_slice %arg5[%dma_start3A_316] : memref<6x!tpu.dma_semaphore, #tpu.memory_space<semaphore_mem>> -> memref<1x!tpu.dma_semaphore, #tpu.memory_space<semaphore_mem>>
    %dma_start3A_324 = tpu.memref_squeeze %dma_start3A_323 : memref<1x!tpu.dma_semaphore, #tpu.memory_space<semaphore_mem>> -> memref<!tpu.dma_semaphore, #tpu.memory_space<semaphore_mem>>
    %dma_start3A_325 = arith.constant 0 : i32
    %dma_start3A_326 = arith.constant 0 : i32
    %dma_start3A_327 = tpu.memref_slice %arg4[%dma_start3A_315, %dma_start3A_325, %dma_start3A_326] : memref<6x8x2048xf32, #tpu.memory_space<vmem>> -> memref<1x8x2048xf32, #tpu.memory_space<vmem>>
    %dma_start3A_328 = tpu.memref_squeeze %dma_start3A_327 : memref<1x8x2048xf32, #tpu.memory_space<vmem>> -> memref<8x2048xf32, #tpu.memory_space<vmem>>
    %dma_start3A_329 = arith.constant 0 : i32
    %dma_start3A_330 = tpu.memref_slice %arg2[%add3A_314, %dma_start3A_329] : memref<8192x2048xf32, #tpu.memory_space<hbm>> -> memref<8x2048xf32, #tpu.memory_space<hbm>>
    tpu.enqueue_dma source(%dma_start3A_330 : memref<8x2048xf32, #tpu.memory_space<hbm>>) target(%dma_start3A_328 : memref<8x2048xf32, #tpu.memory_space<vmem>>) target_semaphore(%dma_start3A_324 : memref<!tpu.dma_semaphore, #tpu.memory_space<semaphore_mem>>)
    %dma_wait3A_331 = arith.constant 3 : i32
    %dma_wait3A_332 = arith.constant 3 : i32
    %dma_wait3A_333 = arith.constant 0 : i32
    %dma_wait3A_334 = arith.constant 0 : i32
    %dma_wait3A_335 = tpu.memref_slice %arg4[%dma_wait3A_331, %dma_wait3A_333, %dma_wait3A_334] : memref<6x8x2048xf32, #tpu.memory_space<vmem>> -> memref<1x8x2048xf32, #tpu.memory_space<vmem>>
    %dma_wait3A_336 = tpu.memref_squeeze %dma_wait3A_335 : memref<1x8x2048xf32, #tpu.memory_space<vmem>> -> memref<8x2048xf32, #tpu.memory_space<vmem>>
    %dma_wait3A_337 = arith.constant 0 : i32
    %dma_wait3A_338 = tpu.memref_slice %arg2[%add3A_57, %dma_wait3A_337] : memref<8192x2048xf32, #tpu.memory_space<hbm>> -> memref<8x2048xf32, #tpu.memory_space<hbm>>
    %dma_wait3A_339 = tpu.memref_slice %arg5[%dma_wait3A_332] : memref<6x!tpu.dma_semaphore, #tpu.memory_space<semaphore_mem>> -> memref<1x!tpu.dma_semaphore, #tpu.memory_space<semaphore_mem>>
    %dma_wait3A_340 = tpu.memref_squeeze %dma_wait3A_339 : memref<1x!tpu.dma_semaphore, #tpu.memory_space<semaphore_mem>> -> memref<!tpu.dma_semaphore, #tpu.memory_space<semaphore_mem>>
    %dma_wait3A_341 = arith.constant 0 : i32
    %dma_wait3A_342 = arith.constant 0 : i32
    %dma_wait3A_343 = tpu.memref_slice %arg4[%dma_wait3A_331, %dma_wait3A_341, %dma_wait3A_342] : memref<6x8x2048xf32, #tpu.memory_space<vmem>> -> memref<1x8x2048xf32, #tpu.memory_space<vmem>>
    %dma_wait3A_344 = tpu.memref_squeeze %dma_wait3A_343 : memref<1x8x2048xf32, #tpu.memory_space<vmem>> -> memref<8x2048xf32, #tpu.memory_space<vmem>>
    %dma_wait3A_345 = arith.constant 0 : i32
    %dma_wait3A_346 = tpu.memref_slice %arg2[%add3A_57, %dma_wait3A_345] : memref<8192x2048xf32, #tpu.memory_space<hbm>> -> memref<8x2048xf32, #tpu.memory_space<hbm>>
    tpu.wait_dma2 semaphore(%dma_wait3A_340 : memref<!tpu.dma_semaphore, #tpu.memory_space<semaphore_mem>>) src(%dma_wait3A_346 : memref<8x2048xf32, #tpu.memory_space<hbm>>) dst(%dma_wait3A_344 : memref<8x2048xf32, #tpu.memory_space<vmem>>)
    %add3A_347 = arith.constant 24 : i32
    %add3A_348 = arith.addi %mul3A_2, %add3A_347 : i32
    %dma_start3A_349 = arith.constant 3 : i32
    %dma_start3A_350 = arith.constant 0 : i32
    %dma_start3A_351 = arith.constant 3 : i32
    %dma_start3A_352 = arith.constant 0 : i32
    %dma_start3A_353 = arith.constant 0 : i32
    %dma_start3A_354 = tpu.memref_slice %arg4[%dma_start3A_349, %dma_start3A_352, %dma_start3A_353] : memref<6x8x2048xf32, #tpu.memory_space<vmem>> -> memref<1x8x2048xf32, #tpu.memory_space<vmem>>
    %dma_start3A_355 = tpu.memref_squeeze %dma_start3A_354 : memref<1x8x2048xf32, #tpu.memory_space<vmem>> -> memref<8x2048xf32, #tpu.memory_space<vmem>>
    %dma_start3A_356 = arith.constant 0 : i32
    %dma_start3A_357 = tpu.memref_slice %arg3[%dma_start3A_350, %add3A_348, %dma_start3A_356] : memref<1x8192x2048xf32, #tpu.memory_space<hbm>> -> memref<1x8x2048xf32, #tpu.memory_space<hbm>>
    %dma_start3A_358 = tpu.memref_squeeze %dma_start3A_357 : memref<1x8x2048xf32, #tpu.memory_space<hbm>> -> memref<8x2048xf32, #tpu.memory_space<hbm>>
    %dma_start3A_359 = tpu.memref_slice %arg6[%dma_start3A_351] : memref<6x!tpu.dma_semaphore, #tpu.memory_space<semaphore_mem>> -> memref<1x!tpu.dma_semaphore, #tpu.memory_space<semaphore_mem>>
    %dma_start3A_360 = tpu.memref_squeeze %dma_start3A_359 : memref<1x!tpu.dma_semaphore, #tpu.memory_space<semaphore_mem>> -> memref<!tpu.dma_semaphore, #tpu.memory_space<semaphore_mem>>
    %dma_start3A_361 = arith.constant 0 : i32
    %dma_start3A_362 = tpu.memref_slice %arg3[%dma_start3A_350, %add3A_348, %dma_start3A_361] : memref<1x8192x2048xf32, #tpu.memory_space<hbm>> -> memref<1x8x2048xf32, #tpu.memory_space<hbm>>
    %dma_start3A_363 = tpu.memref_squeeze %dma_start3A_362 : memref<1x8x2048xf32, #tpu.memory_space<hbm>> -> memref<8x2048xf32, #tpu.memory_space<hbm>>
    %dma_start3A_364 = arith.constant 0 : i32
    %dma_start3A_365 = arith.constant 0 : i32
    %dma_start3A_366 = tpu.memref_slice %arg4[%dma_start3A_349, %dma_start3A_364, %dma_start3A_365] : memref<6x8x2048xf32, #tpu.memory_space<vmem>> -> memref<1x8x2048xf32, #tpu.memory_space<vmem>>
    %dma_start3A_367 = tpu.memref_squeeze %dma_start3A_366 : memref<1x8x2048xf32, #tpu.memory_space<vmem>> -> memref<8x2048xf32, #tpu.memory_space<vmem>>
    tpu.enqueue_dma source(%dma_start3A_367 : memref<8x2048xf32, #tpu.memory_space<vmem>>) target(%dma_start3A_363 : memref<8x2048xf32, #tpu.memory_space<hbm>>) target_semaphore(%dma_start3A_360 : memref<!tpu.dma_semaphore, #tpu.memory_space<semaphore_mem>>)
    %dma_wait3A_368 = arith.constant 3 : i32
    %dma_wait3A_369 = arith.constant 0 : i32
    %dma_wait3A_370 = arith.constant 3 : i32
    %dma_wait3A_371 = arith.constant 0 : i32
    %dma_wait3A_372 = arith.constant 0 : i32
    %dma_wait3A_373 = tpu.memref_slice %arg4[%dma_wait3A_368, %dma_wait3A_371, %dma_wait3A_372] : memref<6x8x2048xf32, #tpu.memory_space<vmem>> -> memref<1x8x2048xf32, #tpu.memory_space<vmem>>
    %dma_wait3A_374 = tpu.memref_squeeze %dma_wait3A_373 : memref<1x8x2048xf32, #tpu.memory_space<vmem>> -> memref<8x2048xf32, #tpu.memory_space<vmem>>
    %dma_wait3A_375 = arith.constant 0 : i32
    %dma_wait3A_376 = tpu.memref_slice %arg3[%dma_wait3A_369, %add3A_348, %dma_wait3A_375] : memref<1x8192x2048xf32, #tpu.memory_space<hbm>> -> memref<1x8x2048xf32, #tpu.memory_space<hbm>>
    %dma_wait3A_377 = tpu.memref_squeeze %dma_wait3A_376 : memref<1x8x2048xf32, #tpu.memory_space<hbm>> -> memref<8x2048xf32, #tpu.memory_space<hbm>>
    %dma_wait3A_378 = tpu.memref_slice %arg6[%dma_wait3A_370] : memref<6x!tpu.dma_semaphore, #tpu.memory_space<semaphore_mem>> -> memref<1x!tpu.dma_semaphore, #tpu.memory_space<semaphore_mem>>
    %dma_wait3A_379 = tpu.memref_squeeze %dma_wait3A_378 : memref<1x!tpu.dma_semaphore, #tpu.memory_space<semaphore_mem>> -> memref<!tpu.dma_semaphore, #tpu.memory_space<semaphore_mem>>
    %dma_wait3A_380 = arith.constant 0 : i32
    %dma_wait3A_381 = tpu.memref_slice %arg3[%dma_wait3A_369, %add3A_348, %dma_wait3A_380] : memref<1x8192x2048xf32, #tpu.memory_space<hbm>> -> memref<1x8x2048xf32, #tpu.memory_space<hbm>>
    %dma_wait3A_382 = tpu.memref_squeeze %dma_wait3A_381 : memref<1x8x2048xf32, #tpu.memory_space<hbm>> -> memref<8x2048xf32, #tpu.memory_space<hbm>>
    %dma_wait3A_383 = arith.constant 0 : i32
    %dma_wait3A_384 = arith.constant 0 : i32
    %dma_wait3A_385 = tpu.memref_slice %arg4[%dma_wait3A_368, %dma_wait3A_383, %dma_wait3A_384] : memref<6x8x2048xf32, #tpu.memory_space<vmem>> -> memref<1x8x2048xf32, #tpu.memory_space<vmem>>
    %dma_wait3A_386 = tpu.memref_squeeze %dma_wait3A_385 : memref<1x8x2048xf32, #tpu.memory_space<vmem>> -> memref<8x2048xf32, #tpu.memory_space<vmem>>
    tpu.wait_dma2 semaphore(%dma_wait3A_379 : memref<!tpu.dma_semaphore, #tpu.memory_space<semaphore_mem>>) src(%dma_wait3A_386 : memref<8x2048xf32, #tpu.memory_space<vmem>>) dst(%dma_wait3A_382 : memref<8x2048xf32, #tpu.memory_space<hbm>>)
    %add3A_387 = arith.constant 72 : i32
    %add3A_388 = arith.addi %mul3A_2, %add3A_387 : i32
    %dma_start3A_389 = arith.constant 3 : i32
    %dma_start3A_390 = arith.constant 3 : i32
    %dma_start3A_391 = arith.constant 0 : i32
    %dma_start3A_392 = arith.constant 0 : i32
    %dma_start3A_393 = tpu.memref_slice %arg4[%dma_start3A_389, %dma_start3A_391, %dma_start3A_392] : memref<6x8x2048xf32, #tpu.memory_space<vmem>> -> memref<1x8x2048xf32, #tpu.memory_space<vmem>>
    %dma_start3A_394 = tpu.memref_squeeze %dma_start3A_393 : memref<1x8x2048xf32, #tpu.memory_space<vmem>> -> memref<8x2048xf32, #tpu.memory_space<vmem>>
    %dma_start3A_395 = arith.constant 0 : i32
    %dma_start3A_396 = tpu.memref_slice %arg2[%add3A_388, %dma_start3A_395] : memref<8192x2048xf32, #tpu.memory_space<hbm>> -> memref<8x2048xf32, #tpu.memory_space<hbm>>
    %dma_start3A_397 = tpu.memref_slice %arg5[%dma_start3A_390] : memref<6x!tpu.dma_semaphore, #tpu.memory_space<semaphore_mem>> -> memref<1x!tpu.dma_semaphore, #tpu.memory_space<semaphore_mem>>
    %dma_start3A_398 = tpu.memref_squeeze %dma_start3A_397 : memref<1x!tpu.dma_semaphore, #tpu.memory_space<semaphore_mem>> -> memref<!tpu.dma_semaphore, #tpu.memory_space<semaphore_mem>>
    %dma_start3A_399 = arith.constant 0 : i32
    %dma_start3A_400 = arith.constant 0 : i32
    %dma_start3A_401 = tpu.memref_slice %arg4[%dma_start3A_389, %dma_start3A_399, %dma_start3A_400] : memref<6x8x2048xf32, #tpu.memory_space<vmem>> -> memref<1x8x2048xf32, #tpu.memory_space<vmem>>
    %dma_start3A_402 = tpu.memref_squeeze %dma_start3A_401 : memref<1x8x2048xf32, #tpu.memory_space<vmem>> -> memref<8x2048xf32, #tpu.memory_space<vmem>>
    %dma_start3A_403 = arith.constant 0 : i32
    %dma_start3A_404 = tpu.memref_slice %arg2[%add3A_388, %dma_start3A_403] : memref<8192x2048xf32, #tpu.memory_space<hbm>> -> memref<8x2048xf32, #tpu.memory_space<hbm>>
    tpu.enqueue_dma source(%dma_start3A_404 : memref<8x2048xf32, #tpu.memory_space<hbm>>) target(%dma_start3A_402 : memref<8x2048xf32, #tpu.memory_space<vmem>>) target_semaphore(%dma_start3A_398 : memref<!tpu.dma_semaphore, #tpu.memory_space<semaphore_mem>>)
    %dma_wait3A_405 = arith.constant 4 : i32
    %dma_wait3A_406 = arith.constant 4 : i32
    %dma_wait3A_407 = arith.constant 0 : i32
    %dma_wait3A_408 = arith.constant 0 : i32
    %dma_wait3A_409 = tpu.memref_slice %arg4[%dma_wait3A_405, %dma_wait3A_407, %dma_wait3A_408] : memref<6x8x2048xf32, #tpu.memory_space<vmem>> -> memref<1x8x2048xf32, #tpu.memory_space<vmem>>
    %dma_wait3A_410 = tpu.memref_squeeze %dma_wait3A_409 : memref<1x8x2048xf32, #tpu.memory_space<vmem>> -> memref<8x2048xf32, #tpu.memory_space<vmem>>
    %dma_wait3A_411 = arith.constant 0 : i32
    %dma_wait3A_412 = tpu.memref_slice %arg2[%add3A_75, %dma_wait3A_411] : memref<8192x2048xf32, #tpu.memory_space<hbm>> -> memref<8x2048xf32, #tpu.memory_space<hbm>>
    %dma_wait3A_413 = tpu.memref_slice %arg5[%dma_wait3A_406] : memref<6x!tpu.dma_semaphore, #tpu.memory_space<semaphore_mem>> -> memref<1x!tpu.dma_semaphore, #tpu.memory_space<semaphore_mem>>
    %dma_wait3A_414 = tpu.memref_squeeze %dma_wait3A_413 : memref<1x!tpu.dma_semaphore, #tpu.memory_space<semaphore_mem>> -> memref<!tpu.dma_semaphore, #tpu.memory_space<semaphore_mem>>
    %dma_wait3A_415 = arith.constant 0 : i32
    %dma_wait3A_416 = arith.constant 0 : i32
    %dma_wait3A_417 = tpu.memref_slice %arg4[%dma_wait3A_405, %dma_wait3A_415, %dma_wait3A_416] : memref<6x8x2048xf32, #tpu.memory_space<vmem>> -> memref<1x8x2048xf32, #tpu.memory_space<vmem>>
    %dma_wait3A_418 = tpu.memref_squeeze %dma_wait3A_417 : memref<1x8x2048xf32, #tpu.memory_space<vmem>> -> memref<8x2048xf32, #tpu.memory_space<vmem>>
    %dma_wait3A_419 = arith.constant 0 : i32
    %dma_wait3A_420 = tpu.memref_slice %arg2[%add3A_75, %dma_wait3A_419] : memref<8192x2048xf32, #tpu.memory_space<hbm>> -> memref<8x2048xf32, #tpu.memory_space<hbm>>
    tpu.wait_dma2 semaphore(%dma_wait3A_414 : memref<!tpu.dma_semaphore, #tpu.memory_space<semaphore_mem>>) src(%dma_wait3A_420 : memref<8x2048xf32, #tpu.memory_space<hbm>>) dst(%dma_wait3A_418 : memref<8x2048xf32, #tpu.memory_space<vmem>>)
    %add3A_421 = arith.constant 32 : i32
    %add3A_422 = arith.addi %mul3A_2, %add3A_421 : i32
    %dma_start3A_423 = arith.constant 4 : i32
    %dma_start3A_424 = arith.constant 0 : i32
    %dma_start3A_425 = arith.constant 4 : i32
    %dma_start3A_426 = arith.constant 0 : i32
    %dma_start3A_427 = arith.constant 0 : i32
    %dma_start3A_428 = tpu.memref_slice %arg4[%dma_start3A_423, %dma_start3A_426, %dma_start3A_427] : memref<6x8x2048xf32, #tpu.memory_space<vmem>> -> memref<1x8x2048xf32, #tpu.memory_space<vmem>>
    %dma_start3A_429 = tpu.memref_squeeze %dma_start3A_428 : memref<1x8x2048xf32, #tpu.memory_space<vmem>> -> memref<8x2048xf32, #tpu.memory_space<vmem>>
    %dma_start3A_430 = arith.constant 0 : i32
    %dma_start3A_431 = tpu.memref_slice %arg3[%dma_start3A_424, %add3A_422, %dma_start3A_430] : memref<1x8192x2048xf32, #tpu.memory_space<hbm>> -> memref<1x8x2048xf32, #tpu.memory_space<hbm>>
    %dma_start3A_432 = tpu.memref_squeeze %dma_start3A_431 : memref<1x8x2048xf32, #tpu.memory_space<hbm>> -> memref<8x2048xf32, #tpu.memory_space<hbm>>
    %dma_start3A_433 = tpu.memref_slice %arg6[%dma_start3A_425] : memref<6x!tpu.dma_semaphore, #tpu.memory_space<semaphore_mem>> -> memref<1x!tpu.dma_semaphore, #tpu.memory_space<semaphore_mem>>
    %dma_start3A_434 = tpu.memref_squeeze %dma_start3A_433 : memref<1x!tpu.dma_semaphore, #tpu.memory_space<semaphore_mem>> -> memref<!tpu.dma_semaphore, #tpu.memory_space<semaphore_mem>>
    %dma_start3A_435 = arith.constant 0 : i32
    %dma_start3A_436 = tpu.memref_slice %arg3[%dma_start3A_424, %add3A_422, %dma_start3A_435] : memref<1x8192x2048xf32, #tpu.memory_space<hbm>> -> memref<1x8x2048xf32, #tpu.memory_space<hbm>>
    %dma_start3A_437 = tpu.memref_squeeze %dma_start3A_436 : memref<1x8x2048xf32, #tpu.memory_space<hbm>> -> memref<8x2048xf32, #tpu.memory_space<hbm>>
    %dma_start3A_438 = arith.constant 0 : i32
    %dma_start3A_439 = arith.constant 0 : i32
    %dma_start3A_440 = tpu.memref_slice %arg4[%dma_start3A_423, %dma_start3A_438, %dma_start3A_439] : memref<6x8x2048xf32, #tpu.memory_space<vmem>> -> memref<1x8x2048xf32, #tpu.memory_space<vmem>>
    %dma_start3A_441 = tpu.memref_squeeze %dma_start3A_440 : memref<1x8x2048xf32, #tpu.memory_space<vmem>> -> memref<8x2048xf32, #tpu.memory_space<vmem>>
    tpu.enqueue_dma source(%dma_start3A_441 : memref<8x2048xf32, #tpu.memory_space<vmem>>) target(%dma_start3A_437 : memref<8x2048xf32, #tpu.memory_space<hbm>>) target_semaphore(%dma_start3A_434 : memref<!tpu.dma_semaphore, #tpu.memory_space<semaphore_mem>>)
    %dma_wait3A_442 = arith.constant 4 : i32
    %dma_wait3A_443 = arith.constant 0 : i32
    %dma_wait3A_444 = arith.constant 4 : i32
    %dma_wait3A_445 = arith.constant 0 : i32
    %dma_wait3A_446 = arith.constant 0 : i32
    %dma_wait3A_447 = tpu.memref_slice %arg4[%dma_wait3A_442, %dma_wait3A_445, %dma_wait3A_446] : memref<6x8x2048xf32, #tpu.memory_space<vmem>> -> memref<1x8x2048xf32, #tpu.memory_space<vmem>>
    %dma_wait3A_448 = tpu.memref_squeeze %dma_wait3A_447 : memref<1x8x2048xf32, #tpu.memory_space<vmem>> -> memref<8x2048xf32, #tpu.memory_space<vmem>>
    %dma_wait3A_449 = arith.constant 0 : i32
    %dma_wait3A_450 = tpu.memref_slice %arg3[%dma_wait3A_443, %add3A_422, %dma_wait3A_449] : memref<1x8192x2048xf32, #tpu.memory_space<hbm>> -> memref<1x8x2048xf32, #tpu.memory_space<hbm>>
    %dma_wait3A_451 = tpu.memref_squeeze %dma_wait3A_450 : memref<1x8x2048xf32, #tpu.memory_space<hbm>> -> memref<8x2048xf32, #tpu.memory_space<hbm>>
    %dma_wait3A_452 = tpu.memref_slice %arg6[%dma_wait3A_444] : memref<6x!tpu.dma_semaphore, #tpu.memory_space<semaphore_mem>> -> memref<1x!tpu.dma_semaphore, #tpu.memory_space<semaphore_mem>>
    %dma_wait3A_453 = tpu.memref_squeeze %dma_wait3A_452 : memref<1x!tpu.dma_semaphore, #tpu.memory_space<semaphore_mem>> -> memref<!tpu.dma_semaphore, #tpu.memory_space<semaphore_mem>>
    %dma_wait3A_454 = arith.constant 0 : i32
    %dma_wait3A_455 = tpu.memref_slice %arg3[%dma_wait3A_443, %add3A_422, %dma_wait3A_454] : memref<1x8192x2048xf32, #tpu.memory_space<hbm>> -> memref<1x8x2048xf32, #tpu.memory_space<hbm>>
    %dma_wait3A_456 = tpu.memref_squeeze %dma_wait3A_455 : memref<1x8x2048xf32, #tpu.memory_space<hbm>> -> memref<8x2048xf32, #tpu.memory_space<hbm>>
    %dma_wait3A_457 = arith.constant 0 : i32
    %dma_wait3A_458 = arith.constant 0 : i32
    %dma_wait3A_459 = tpu.memref_slice %arg4[%dma_wait3A_442, %dma_wait3A_457, %dma_wait3A_458] : memref<6x8x2048xf32, #tpu.memory_space<vmem>> -> memref<1x8x2048xf32, #tpu.memory_space<vmem>>
    %dma_wait3A_460 = tpu.memref_squeeze %dma_wait3A_459 : memref<1x8x2048xf32, #tpu.memory_space<vmem>> -> memref<8x2048xf32, #tpu.memory_space<vmem>>
    tpu.wait_dma2 semaphore(%dma_wait3A_453 : memref<!tpu.dma_semaphore, #tpu.memory_space<semaphore_mem>>) src(%dma_wait3A_460 : memref<8x2048xf32, #tpu.memory_space<vmem>>) dst(%dma_wait3A_456 : memref<8x2048xf32, #tpu.memory_space<hbm>>)
    %add3A_461 = arith.constant 80 : i32
    %add3A_462 = arith.addi %mul3A_2, %add3A_461 : i32
    %dma_start3A_463 = arith.constant 4 : i32
    %dma_start3A_464 = arith.constant 4 : i32
    %dma_start3A_465 = arith.constant 0 : i32
    %dma_start3A_466 = arith.constant 0 : i32
    %dma_start3A_467 = tpu.memref_slice %arg4[%dma_start3A_463, %dma_start3A_465, %dma_start3A_466] : memref<6x8x2048xf32, #tpu.memory_space<vmem>> -> memref<1x8x2048xf32, #tpu.memory_space<vmem>>
    %dma_start3A_468 = tpu.memref_squeeze %dma_start3A_467 : memref<1x8x2048xf32, #tpu.memory_space<vmem>> -> memref<8x2048xf32, #tpu.memory_space<vmem>>
    %dma_start3A_469 = arith.constant 0 : i32
    %dma_start3A_470 = tpu.memref_slice %arg2[%add3A_462, %dma_start3A_469] : memref<8192x2048xf32, #tpu.memory_space<hbm>> -> memref<8x2048xf32, #tpu.memory_space<hbm>>
    %dma_start3A_471 = tpu.memref_slice %arg5[%dma_start3A_464] : memref<6x!tpu.dma_semaphore, #tpu.memory_space<semaphore_mem>> -> memref<1x!tpu.dma_semaphore, #tpu.memory_space<semaphore_mem>>
    %dma_start3A_472 = tpu.memref_squeeze %dma_start3A_471 : memref<1x!tpu.dma_semaphore, #tpu.memory_space<semaphore_mem>> -> memref<!tpu.dma_semaphore, #tpu.memory_space<semaphore_mem>>
    %dma_start3A_473 = arith.constant 0 : i32
    %dma_start3A_474 = arith.constant 0 : i32
    %dma_start3A_475 = tpu.memref_slice %arg4[%dma_start3A_463, %dma_start3A_473, %dma_start3A_474] : memref<6x8x2048xf32, #tpu.memory_space<vmem>> -> memref<1x8x2048xf32, #tpu.memory_space<vmem>>
    %dma_start3A_476 = tpu.memref_squeeze %dma_start3A_475 : memref<1x8x2048xf32, #tpu.memory_space<vmem>> -> memref<8x2048xf32, #tpu.memory_space<vmem>>
    %dma_start3A_477 = arith.constant 0 : i32
    %dma_start3A_478 = tpu.memref_slice %arg2[%add3A_462, %dma_start3A_477] : memref<8192x2048xf32, #tpu.memory_space<hbm>> -> memref<8x2048xf32, #tpu.memory_space<hbm>>
    tpu.enqueue_dma source(%dma_start3A_478 : memref<8x2048xf32, #tpu.memory_space<hbm>>) target(%dma_start3A_476 : memref<8x2048xf32, #tpu.memory_space<vmem>>) target_semaphore(%dma_start3A_472 : memref<!tpu.dma_semaphore, #tpu.memory_space<semaphore_mem>>)
    %dma_wait3A_479 = arith.constant 5 : i32
    %dma_wait3A_480 = arith.constant 5 : i32
    %dma_wait3A_481 = arith.constant 0 : i32
    %dma_wait3A_482 = arith.constant 0 : i32
    %dma_wait3A_483 = tpu.memref_slice %arg4[%dma_wait3A_479, %dma_wait3A_481, %dma_wait3A_482] : memref<6x8x2048xf32, #tpu.memory_space<vmem>> -> memref<1x8x2048xf32, #tpu.memory_space<vmem>>
    %dma_wait3A_484 = tpu.memref_squeeze %dma_wait3A_483 : memref<1x8x2048xf32, #tpu.memory_space<vmem>> -> memref<8x2048xf32, #tpu.memory_space<vmem>>
    %dma_wait3A_485 = arith.constant 0 : i32
    %dma_wait3A_486 = tpu.memref_slice %arg2[%add3A_93, %dma_wait3A_485] : memref<8192x2048xf32, #tpu.memory_space<hbm>> -> memref<8x2048xf32, #tpu.memory_space<hbm>>
    %dma_wait3A_487 = tpu.memref_slice %arg5[%dma_wait3A_480] : memref<6x!tpu.dma_semaphore, #tpu.memory_space<semaphore_mem>> -> memref<1x!tpu.dma_semaphore, #tpu.memory_space<semaphore_mem>>
    %dma_wait3A_488 = tpu.memref_squeeze %dma_wait3A_487 : memref<1x!tpu.dma_semaphore, #tpu.memory_space<semaphore_mem>> -> memref<!tpu.dma_semaphore, #tpu.memory_space<semaphore_mem>>
    %dma_wait3A_489 = arith.constant 0 : i32
    %dma_wait3A_490 = arith.constant 0 : i32
    %dma_wait3A_491 = tpu.memref_slice %arg4[%dma_wait3A_479, %dma_wait3A_489, %dma_wait3A_490] : memref<6x8x2048xf32, #tpu.memory_space<vmem>> -> memref<1x8x2048xf32, #tpu.memory_space<vmem>>
    %dma_wait3A_492 = tpu.memref_squeeze %dma_wait3A_491 : memref<1x8x2048xf32, #tpu.memory_space<vmem>> -> memref<8x2048xf32, #tpu.memory_space<vmem>>
    %dma_wait3A_493 = arith.constant 0 : i32
    %dma_wait3A_494 = tpu.memref_slice %arg2[%add3A_93, %dma_wait3A_493] : memref<8192x2048xf32, #tpu.memory_space<hbm>> -> memref<8x2048xf32, #tpu.memory_space<hbm>>
    tpu.wait_dma2 semaphore(%dma_wait3A_488 : memref<!tpu.dma_semaphore, #tpu.memory_space<semaphore_mem>>) src(%dma_wait3A_494 : memref<8x2048xf32, #tpu.memory_space<hbm>>) dst(%dma_wait3A_492 : memref<8x2048xf32, #tpu.memory_space<vmem>>)
    %add3A_495 = arith.constant 40 : i32
    %add3A_496 = arith.addi %mul3A_2, %add3A_495 : i32
    %dma_start3A_497 = arith.constant 5 : i32
    %dma_start3A_498 = arith.constant 0 : i32
    %dma_start3A_499 = arith.constant 5 : i32
    %dma_start3A_500 = arith.constant 0 : i32
    %dma_start3A_501 = arith.constant 0 : i32
    %dma_start3A_502 = tpu.memref_slice %arg4[%dma_start3A_497, %dma_start3A_500, %dma_start3A_501] : memref<6x8x2048xf32, #tpu.memory_space<vmem>> -> memref<1x8x2048xf32, #tpu.memory_space<vmem>>
    %dma_start3A_503 = tpu.memref_squeeze %dma_start3A_502 : memref<1x8x2048xf32, #tpu.memory_space<vmem>> -> memref<8x2048xf32, #tpu.memory_space<vmem>>
    %dma_start3A_504 = arith.constant 0 : i32
    %dma_start3A_505 = tpu.memref_slice %arg3[%dma_start3A_498, %add3A_496, %dma_start3A_504] : memref<1x8192x2048xf32, #tpu.memory_space<hbm>> -> memref<1x8x2048xf32, #tpu.memory_space<hbm>>
    %dma_start3A_506 = tpu.memref_squeeze %dma_start3A_505 : memref<1x8x2048xf32, #tpu.memory_space<hbm>> -> memref<8x2048xf32, #tpu.memory_space<hbm>>
    %dma_start3A_507 = tpu.memref_slice %arg6[%dma_start3A_499] : memref<6x!tpu.dma_semaphore, #tpu.memory_space<semaphore_mem>> -> memref<1x!tpu.dma_semaphore, #tpu.memory_space<semaphore_mem>>
    %dma_start3A_508 = tpu.memref_squeeze %dma_start3A_507 : memref<1x!tpu.dma_semaphore, #tpu.memory_space<semaphore_mem>> -> memref<!tpu.dma_semaphore, #tpu.memory_space<semaphore_mem>>
    %dma_start3A_509 = arith.constant 0 : i32
    %dma_start3A_510 = tpu.memref_slice %arg3[%dma_start3A_498, %add3A_496, %dma_start3A_509] : memref<1x8192x2048xf32, #tpu.memory_space<hbm>> -> memref<1x8x2048xf32, #tpu.memory_space<hbm>>
    %dma_start3A_511 = tpu.memref_squeeze %dma_start3A_510 : memref<1x8x2048xf32, #tpu.memory_space<hbm>> -> memref<8x2048xf32, #tpu.memory_space<hbm>>
    %dma_start3A_512 = arith.constant 0 : i32
    %dma_start3A_513 = arith.constant 0 : i32
    %dma_start3A_514 = tpu.memref_slice %arg4[%dma_start3A_497, %dma_start3A_512, %dma_start3A_513] : memref<6x8x2048xf32, #tpu.memory_space<vmem>> -> memref<1x8x2048xf32, #tpu.memory_space<vmem>>
    %dma_start3A_515 = tpu.memref_squeeze %dma_start3A_514 : memref<1x8x2048xf32, #tpu.memory_space<vmem>> -> memref<8x2048xf32, #tpu.memory_space<vmem>>
    tpu.enqueue_dma source(%dma_start3A_515 : memref<8x2048xf32, #tpu.memory_space<vmem>>) target(%dma_start3A_511 : memref<8x2048xf32, #tpu.memory_space<hbm>>) target_semaphore(%dma_start3A_508 : memref<!tpu.dma_semaphore, #tpu.memory_space<semaphore_mem>>)
    %dma_wait3A_516 = arith.constant 5 : i32
    %dma_wait3A_517 = arith.constant 0 : i32
    %dma_wait3A_518 = arith.constant 5 : i32
    %dma_wait3A_519 = arith.constant 0 : i32
    %dma_wait3A_520 = arith.constant 0 : i32
    %dma_wait3A_521 = tpu.memref_slice %arg4[%dma_wait3A_516, %dma_wait3A_519, %dma_wait3A_520] : memref<6x8x2048xf32, #tpu.memory_space<vmem>> -> memref<1x8x2048xf32, #tpu.memory_space<vmem>>
    %dma_wait3A_522 = tpu.memref_squeeze %dma_wait3A_521 : memref<1x8x2048xf32, #tpu.memory_space<vmem>> -> memref<8x2048xf32, #tpu.memory_space<vmem>>
    %dma_wait3A_523 = arith.constant 0 : i32
    %dma_wait3A_524 = tpu.memref_slice %arg3[%dma_wait3A_517, %add3A_496, %dma_wait3A_523] : memref<1x8192x2048xf32, #tpu.memory_space<hbm>> -> memref<1x8x2048xf32, #tpu.memory_space<hbm>>
    %dma_wait3A_525 = tpu.memref_squeeze %dma_wait3A_524 : memref<1x8x2048xf32, #tpu.memory_space<hbm>> -> memref<8x2048xf32, #tpu.memory_space<hbm>>
    %dma_wait3A_526 = tpu.memref_slice %arg6[%dma_wait3A_518] : memref<6x!tpu.dma_semaphore, #tpu.memory_space<semaphore_mem>> -> memref<1x!tpu.dma_semaphore, #tpu.memory_space<semaphore_mem>>
    %dma_wait3A_527 = tpu.memref_squeeze %dma_wait3A_526 : memref<1x!tpu.dma_semaphore, #tpu.memory_space<semaphore_mem>> -> memref<!tpu.dma_semaphore, #tpu.memory_space<semaphore_mem>>
    %dma_wait3A_528 = arith.constant 0 : i32
    %dma_wait3A_529 = tpu.memref_slice %arg3[%dma_wait3A_517, %add3A_496, %dma_wait3A_528] : memref<1x8192x2048xf32, #tpu.memory_space<hbm>> -> memref<1x8x2048xf32, #tpu.memory_space<hbm>>
    %dma_wait3A_530 = tpu.memref_squeeze %dma_wait3A_529 : memref<1x8x2048xf32, #tpu.memory_space<hbm>> -> memref<8x2048xf32, #tpu.memory_space<hbm>>
    %dma_wait3A_531 = arith.constant 0 : i32
    %dma_wait3A_532 = arith.constant 0 : i32
    %dma_wait3A_533 = tpu.memref_slice %arg4[%dma_wait3A_516, %dma_wait3A_531, %dma_wait3A_532] : memref<6x8x2048xf32, #tpu.memory_space<vmem>> -> memref<1x8x2048xf32, #tpu.memory_space<vmem>>
    %dma_wait3A_534 = tpu.memref_squeeze %dma_wait3A_533 : memref<1x8x2048xf32, #tpu.memory_space<vmem>> -> memref<8x2048xf32, #tpu.memory_space<vmem>>
    tpu.wait_dma2 semaphore(%dma_wait3A_527 : memref<!tpu.dma_semaphore, #tpu.memory_space<semaphore_mem>>) src(%dma_wait3A_534 : memref<8x2048xf32, #tpu.memory_space<vmem>>) dst(%dma_wait3A_530 : memref<8x2048xf32, #tpu.memory_space<hbm>>)
    %add3A_535 = arith.constant 88 : i32
    %add3A_536 = arith.addi %mul3A_2, %add3A_535 : i32
    %dma_start3A_537 = arith.constant 5 : i32
    %dma_start3A_538 = arith.constant 5 : i32
    %dma_start3A_539 = arith.constant 0 : i32
    %dma_start3A_540 = arith.constant 0 : i32
    %dma_start3A_541 = tpu.memref_slice %arg4[%dma_start3A_537, %dma_start3A_539, %dma_start3A_540] : memref<6x8x2048xf32, #tpu.memory_space<vmem>> -> memref<1x8x2048xf32, #tpu.memory_space<vmem>>
    %dma_start3A_542 = tpu.memref_squeeze %dma_start3A_541 : memref<1x8x2048xf32, #tpu.memory_space<vmem>> -> memref<8x2048xf32, #tpu.memory_space<vmem>>
    %dma_start3A_543 = arith.constant 0 : i32
    %dma_start3A_544 = tpu.memref_slice %arg2[%add3A_536, %dma_start3A_543] : memref<8192x2048xf32, #tpu.memory_space<hbm>> -> memref<8x2048xf32, #tpu.memory_space<hbm>>
    %dma_start3A_545 = tpu.memref_slice %arg5[%dma_start3A_538] : memref<6x!tpu.dma_semaphore, #tpu.memory_space<semaphore_mem>> -> memref<1x!tpu.dma_semaphore, #tpu.memory_space<semaphore_mem>>
    %dma_start3A_546 = tpu.memref_squeeze %dma_start3A_545 : memref<1x!tpu.dma_semaphore, #tpu.memory_space<semaphore_mem>> -> memref<!tpu.dma_semaphore, #tpu.memory_space<semaphore_mem>>
    %dma_start3A_547 = arith.constant 0 : i32
    %dma_start3A_548 = arith.constant 0 : i32
    %dma_start3A_549 = tpu.memref_slice %arg4[%dma_start3A_537, %dma_start3A_547, %dma_start3A_548] : memref<6x8x2048xf32, #tpu.memory_space<vmem>> -> memref<1x8x2048xf32, #tpu.memory_space<vmem>>
    %dma_start3A_550 = tpu.memref_squeeze %dma_start3A_549 : memref<1x8x2048xf32, #tpu.memory_space<vmem>> -> memref<8x2048xf32, #tpu.memory_space<vmem>>
    %dma_start3A_551 = arith.constant 0 : i32
    %dma_start3A_552 = tpu.memref_slice %arg2[%add3A_536, %dma_start3A_551] : memref<8192x2048xf32, #tpu.memory_space<hbm>> -> memref<8x2048xf32, #tpu.memory_space<hbm>>
    tpu.enqueue_dma source(%dma_start3A_552 : memref<8x2048xf32, #tpu.memory_space<hbm>>) target(%dma_start3A_550 : memref<8x2048xf32, #tpu.memory_space<vmem>>) target_semaphore(%dma_start3A_546 : memref<!tpu.dma_semaphore, #tpu.memory_space<semaphore_mem>>)
    %dma_wait3A_553 = arith.constant 0 : i32
    %dma_wait3A_554 = arith.constant 0 : i32
    %dma_wait3A_555 = arith.constant 0 : i32
    %dma_wait3A_556 = arith.constant 0 : i32
    %dma_wait3A_557 = tpu.memref_slice %arg4[%dma_wait3A_553, %dma_wait3A_555, %dma_wait3A_556] : memref<6x8x2048xf32, #tpu.memory_space<vmem>> -> memref<1x8x2048xf32, #tpu.memory_space<vmem>>
    %dma_wait3A_558 = tpu.memref_squeeze %dma_wait3A_557 : memref<1x8x2048xf32, #tpu.memory_space<vmem>> -> memref<8x2048xf32, #tpu.memory_space<vmem>>
    %dma_wait3A_559 = arith.constant 0 : i32
    %dma_wait3A_560 = tpu.memref_slice %arg2[%add3A_166, %dma_wait3A_559] : memref<8192x2048xf32, #tpu.memory_space<hbm>> -> memref<8x2048xf32, #tpu.memory_space<hbm>>
    %dma_wait3A_561 = tpu.memref_slice %arg5[%dma_wait3A_554] : memref<6x!tpu.dma_semaphore, #tpu.memory_space<semaphore_mem>> -> memref<1x!tpu.dma_semaphore, #tpu.memory_space<semaphore_mem>>
    %dma_wait3A_562 = tpu.memref_squeeze %dma_wait3A_561 : memref<1x!tpu.dma_semaphore, #tpu.memory_space<semaphore_mem>> -> memref<!tpu.dma_semaphore, #tpu.memory_space<semaphore_mem>>
    %dma_wait3A_563 = arith.constant 0 : i32
    %dma_wait3A_564 = arith.constant 0 : i32
    %dma_wait3A_565 = tpu.memref_slice %arg4[%dma_wait3A_553, %dma_wait3A_563, %dma_wait3A_564] : memref<6x8x2048xf32, #tpu.memory_space<vmem>> -> memref<1x8x2048xf32, #tpu.memory_space<vmem>>
    %dma_wait3A_566 = tpu.memref_squeeze %dma_wait3A_565 : memref<1x8x2048xf32, #tpu.memory_space<vmem>> -> memref<8x2048xf32, #tpu.memory_space<vmem>>
    %dma_wait3A_567 = arith.constant 0 : i32
    %dma_wait3A_568 = tpu.memref_slice %arg2[%add3A_166, %dma_wait3A_567] : memref<8192x2048xf32, #tpu.memory_space<hbm>> -> memref<8x2048xf32, #tpu.memory_space<hbm>>
    tpu.wait_dma2 semaphore(%dma_wait3A_562 : memref<!tpu.dma_semaphore, #tpu.memory_space<semaphore_mem>>) src(%dma_wait3A_568 : memref<8x2048xf32, #tpu.memory_space<hbm>>) dst(%dma_wait3A_566 : memref<8x2048xf32, #tpu.memory_space<vmem>>)
    %add3A_569 = arith.constant 48 : i32
    %add3A_570 = arith.addi %mul3A_2, %add3A_569 : i32
    %dma_start3A_571 = arith.constant 0 : i32
    %dma_start3A_572 = arith.constant 0 : i32
    %dma_start3A_573 = arith.constant 0 : i32
    %dma_start3A_574 = arith.constant 0 : i32
    %dma_start3A_575 = arith.constant 0 : i32
    %dma_start3A_576 = tpu.memref_slice %arg4[%dma_start3A_571, %dma_start3A_574, %dma_start3A_575] : memref<6x8x2048xf32, #tpu.memory_space<vmem>> -> memref<1x8x2048xf32, #tpu.memory_space<vmem>>
    %dma_start3A_577 = tpu.memref_squeeze %dma_start3A_576 : memref<1x8x2048xf32, #tpu.memory_space<vmem>> -> memref<8x2048xf32, #tpu.memory_space<vmem>>
    %dma_start3A_578 = arith.constant 0 : i32
    %dma_start3A_579 = tpu.memref_slice %arg3[%dma_start3A_572, %add3A_570, %dma_start3A_578] : memref<1x8192x2048xf32, #tpu.memory_space<hbm>> -> memref<1x8x2048xf32, #tpu.memory_space<hbm>>
    %dma_start3A_580 = tpu.memref_squeeze %dma_start3A_579 : memref<1x8x2048xf32, #tpu.memory_space<hbm>> -> memref<8x2048xf32, #tpu.memory_space<hbm>>
    %dma_start3A_581 = tpu.memref_slice %arg6[%dma_start3A_573] : memref<6x!tpu.dma_semaphore, #tpu.memory_space<semaphore_mem>> -> memref<1x!tpu.dma_semaphore, #tpu.memory_space<semaphore_mem>>
    %dma_start3A_582 = tpu.memref_squeeze %dma_start3A_581 : memref<1x!tpu.dma_semaphore, #tpu.memory_space<semaphore_mem>> -> memref<!tpu.dma_semaphore, #tpu.memory_space<semaphore_mem>>
    %dma_start3A_583 = arith.constant 0 : i32
    %dma_start3A_584 = tpu.memref_slice %arg3[%dma_start3A_572, %add3A_570, %dma_start3A_583] : memref<1x8192x2048xf32, #tpu.memory_space<hbm>> -> memref<1x8x2048xf32, #tpu.memory_space<hbm>>
    %dma_start3A_585 = tpu.memref_squeeze %dma_start3A_584 : memref<1x8x2048xf32, #tpu.memory_space<hbm>> -> memref<8x2048xf32, #tpu.memory_space<hbm>>
    %dma_start3A_586 = arith.constant 0 : i32
    %dma_start3A_587 = arith.constant 0 : i32
    %dma_start3A_588 = tpu.memref_slice %arg4[%dma_start3A_571, %dma_start3A_586, %dma_start3A_587] : memref<6x8x2048xf32, #tpu.memory_space<vmem>> -> memref<1x8x2048xf32, #tpu.memory_space<vmem>>
    %dma_start3A_589 = tpu.memref_squeeze %dma_start3A_588 : memref<1x8x2048xf32, #tpu.memory_space<vmem>> -> memref<8x2048xf32, #tpu.memory_space<vmem>>
    tpu.enqueue_dma source(%dma_start3A_589 : memref<8x2048xf32, #tpu.memory_space<vmem>>) target(%dma_start3A_585 : memref<8x2048xf32, #tpu.memory_space<hbm>>) target_semaphore(%dma_start3A_582 : memref<!tpu.dma_semaphore, #tpu.memory_space<semaphore_mem>>)
    %dma_wait3A_590 = arith.constant 0 : i32
    %dma_wait3A_591 = arith.constant 0 : i32
    %dma_wait3A_592 = arith.constant 0 : i32
    %dma_wait3A_593 = arith.constant 0 : i32
    %dma_wait3A_594 = arith.constant 0 : i32
    %dma_wait3A_595 = tpu.memref_slice %arg4[%dma_wait3A_590, %dma_wait3A_593, %dma_wait3A_594] : memref<6x8x2048xf32, #tpu.memory_space<vmem>> -> memref<1x8x2048xf32, #tpu.memory_space<vmem>>
    %dma_wait3A_596 = tpu.memref_squeeze %dma_wait3A_595 : memref<1x8x2048xf32, #tpu.memory_space<vmem>> -> memref<8x2048xf32, #tpu.memory_space<vmem>>
    %dma_wait3A_597 = arith.constant 0 : i32
    %dma_wait3A_598 = tpu.memref_slice %arg3[%dma_wait3A_591, %add3A_570, %dma_wait3A_597] : memref<1x8192x2048xf32, #tpu.memory_space<hbm>> -> memref<1x8x2048xf32, #tpu.memory_space<hbm>>
    %dma_wait3A_599 = tpu.memref_squeeze %dma_wait3A_598 : memref<1x8x2048xf32, #tpu.memory_space<hbm>> -> memref<8x2048xf32, #tpu.memory_space<hbm>>
    %dma_wait3A_600 = tpu.memref_slice %arg6[%dma_wait3A_592] : memref<6x!tpu.dma_semaphore, #tpu.memory_space<semaphore_mem>> -> memref<1x!tpu.dma_semaphore, #tpu.memory_space<semaphore_mem>>
    %dma_wait3A_601 = tpu.memref_squeeze %dma_wait3A_600 : memref<1x!tpu.dma_semaphore, #tpu.memory_space<semaphore_mem>> -> memref<!tpu.dma_semaphore, #tpu.memory_space<semaphore_mem>>
    %dma_wait3A_602 = arith.constant 0 : i32
    %dma_wait3A_603 = tpu.memref_slice %arg3[%dma_wait3A_591, %add3A_570, %dma_wait3A_602] : memref<1x8192x2048xf32, #tpu.memory_space<hbm>> -> memref<1x8x2048xf32, #tpu.memory_space<hbm>>
    %dma_wait3A_604 = tpu.memref_squeeze %dma_wait3A_603 : memref<1x8x2048xf32, #tpu.memory_space<hbm>> -> memref<8x2048xf32, #tpu.memory_space<hbm>>
    %dma_wait3A_605 = arith.constant 0 : i32
    %dma_wait3A_606 = arith.constant 0 : i32
    %dma_wait3A_607 = tpu.memref_slice %arg4[%dma_wait3A_590, %dma_wait3A_605, %dma_wait3A_606] : memref<6x8x2048xf32, #tpu.memory_space<vmem>> -> memref<1x8x2048xf32, #tpu.memory_space<vmem>>
    %dma_wait3A_608 = tpu.memref_squeeze %dma_wait3A_607 : memref<1x8x2048xf32, #tpu.memory_space<vmem>> -> memref<8x2048xf32, #tpu.memory_space<vmem>>
    tpu.wait_dma2 semaphore(%dma_wait3A_601 : memref<!tpu.dma_semaphore, #tpu.memory_space<semaphore_mem>>) src(%dma_wait3A_608 : memref<8x2048xf32, #tpu.memory_space<vmem>>) dst(%dma_wait3A_604 : memref<8x2048xf32, #tpu.memory_space<hbm>>)
    %add3A_609 = arith.constant 96 : i32
    %add3A_610 = arith.addi %mul3A_2, %add3A_609 : i32
    %dma_start3A_611 = arith.constant 0 : i32
    %dma_start3A_612 = arith.constant 0 : i32
    %dma_start3A_613 = arith.constant 0 : i32
    %dma_start3A_614 = arith.constant 0 : i32
    %dma_start3A_615 = tpu.memref_slice %arg4[%dma_start3A_611, %dma_start3A_613, %dma_start3A_614] : memref<6x8x2048xf32, #tpu.memory_space<vmem>> -> memref<1x8x2048xf32, #tpu.memory_space<vmem>>
    %dma_start3A_616 = tpu.memref_squeeze %dma_start3A_615 : memref<1x8x2048xf32, #tpu.memory_space<vmem>> -> memref<8x2048xf32, #tpu.memory_space<vmem>>
    %dma_start3A_617 = arith.constant 0 : i32
    %dma_start3A_618 = tpu.memref_slice %arg2[%add3A_610, %dma_start3A_617] : memref<8192x2048xf32, #tpu.memory_space<hbm>> -> memref<8x2048xf32, #tpu.memory_space<hbm>>
    %dma_start3A_619 = tpu.memref_slice %arg5[%dma_start3A_612] : memref<6x!tpu.dma_semaphore, #tpu.memory_space<semaphore_mem>> -> memref<1x!tpu.dma_semaphore, #tpu.memory_space<semaphore_mem>>
    %dma_start3A_620 = tpu.memref_squeeze %dma_start3A_619 : memref<1x!tpu.dma_semaphore, #tpu.memory_space<semaphore_mem>> -> memref<!tpu.dma_semaphore, #tpu.memory_space<semaphore_mem>>
    %dma_start3A_621 = arith.constant 0 : i32
    %dma_start3A_622 = arith.constant 0 : i32
    %dma_start3A_623 = tpu.memref_slice %arg4[%dma_start3A_611, %dma_start3A_621, %dma_start3A_622] : memref<6x8x2048xf32, #tpu.memory_space<vmem>> -> memref<1x8x2048xf32, #tpu.memory_space<vmem>>
    %dma_start3A_624 = tpu.memref_squeeze %dma_start3A_623 : memref<1x8x2048xf32, #tpu.memory_space<vmem>> -> memref<8x2048xf32, #tpu.memory_space<vmem>>
    %dma_start3A_625 = arith.constant 0 : i32
    %dma_start3A_626 = tpu.memref_slice %arg2[%add3A_610, %dma_start3A_625] : memref<8192x2048xf32, #tpu.memory_space<hbm>> -> memref<8x2048xf32, #tpu.memory_space<hbm>>
    tpu.enqueue_dma source(%dma_start3A_626 : memref<8x2048xf32, #tpu.memory_space<hbm>>) target(%dma_start3A_624 : memref<8x2048xf32, #tpu.memory_space<vmem>>) target_semaphore(%dma_start3A_620 : memref<!tpu.dma_semaphore, #tpu.memory_space<semaphore_mem>>)
    %dma_wait3A_627 = arith.constant 1 : i32
    %dma_wait3A_628 = arith.constant 1 : i32
    %dma_wait3A_629 = arith.constant 0 : i32
    %dma_wait3A_630 = arith.constant 0 : i32
    %dma_wait3A_631 = tpu.memref_slice %arg4[%dma_wait3A_627, %dma_wait3A_629, %dma_wait3A_630] : memref<6x8x2048xf32, #tpu.memory_space<vmem>> -> memref<1x8x2048xf32, #tpu.memory_space<vmem>>
    %dma_wait3A_632 = tpu.memref_squeeze %dma_wait3A_631 : memref<1x8x2048xf32, #tpu.memory_space<vmem>> -> memref<8x2048xf32, #tpu.memory_space<vmem>>
    %dma_wait3A_633 = arith.constant 0 : i32
    %dma_wait3A_634 = tpu.memref_slice %arg2[%add3A_240, %dma_wait3A_633] : memref<8192x2048xf32, #tpu.memory_space<hbm>> -> memref<8x2048xf32, #tpu.memory_space<hbm>>
    %dma_wait3A_635 = tpu.memref_slice %arg5[%dma_wait3A_628] : memref<6x!tpu.dma_semaphore, #tpu.memory_space<semaphore_mem>> -> memref<1x!tpu.dma_semaphore, #tpu.memory_space<semaphore_mem>>
    %dma_wait3A_636 = tpu.memref_squeeze %dma_wait3A_635 : memref<1x!tpu.dma_semaphore, #tpu.memory_space<semaphore_mem>> -> memref<!tpu.dma_semaphore, #tpu.memory_space<semaphore_mem>>
    %dma_wait3A_637 = arith.constant 0 : i32
    %dma_wait3A_638 = arith.constant 0 : i32
    %dma_wait3A_639 = tpu.memref_slice %arg4[%dma_wait3A_627, %dma_wait3A_637, %dma_wait3A_638] : memref<6x8x2048xf32, #tpu.memory_space<vmem>> -> memref<1x8x2048xf32, #tpu.memory_space<vmem>>
    %dma_wait3A_640 = tpu.memref_squeeze %dma_wait3A_639 : memref<1x8x2048xf32, #tpu.memory_space<vmem>> -> memref<8x2048xf32, #tpu.memory_space<vmem>>
    %dma_wait3A_641 = arith.constant 0 : i32
    %dma_wait3A_642 = tpu.memref_slice %arg2[%add3A_240, %dma_wait3A_641] : memref<8192x2048xf32, #tpu.memory_space<hbm>> -> memref<8x2048xf32, #tpu.memory_space<hbm>>
    tpu.wait_dma2 semaphore(%dma_wait3A_636 : memref<!tpu.dma_semaphore, #tpu.memory_space<semaphore_mem>>) src(%dma_wait3A_642 : memref<8x2048xf32, #tpu.memory_space<hbm>>) dst(%dma_wait3A_640 : memref<8x2048xf32, #tpu.memory_space<vmem>>)
    %add3A_643 = arith.constant 56 : i32
    %add3A_644 = arith.addi %mul3A_2, %add3A_643 : i32
    %dma_start3A_645 = arith.constant 1 : i32
    %dma_start3A_646 = arith.constant 0 : i32
    %dma_start3A_647 = arith.constant 1 : i32
    %dma_start3A_648 = arith.constant 0 : i32
    %dma_start3A_649 = arith.constant 0 : i32
    %dma_start3A_650 = tpu.memref_slice %arg4[%dma_start3A_645, %dma_start3A_648, %dma_start3A_649] : memref<6x8x2048xf32, #tpu.memory_space<vmem>> -> memref<1x8x2048xf32, #tpu.memory_space<vmem>>
    %dma_start3A_651 = tpu.memref_squeeze %dma_start3A_650 : memref<1x8x2048xf32, #tpu.memory_space<vmem>> -> memref<8x2048xf32, #tpu.memory_space<vmem>>
    %dma_start3A_652 = arith.constant 0 : i32
    %dma_start3A_653 = tpu.memref_slice %arg3[%dma_start3A_646, %add3A_644, %dma_start3A_652] : memref<1x8192x2048xf32, #tpu.memory_space<hbm>> -> memref<1x8x2048xf32, #tpu.memory_space<hbm>>
    %dma_start3A_654 = tpu.memref_squeeze %dma_start3A_653 : memref<1x8x2048xf32, #tpu.memory_space<hbm>> -> memref<8x2048xf32, #tpu.memory_space<hbm>>
    %dma_start3A_655 = tpu.memref_slice %arg6[%dma_start3A_647] : memref<6x!tpu.dma_semaphore, #tpu.memory_space<semaphore_mem>> -> memref<1x!tpu.dma_semaphore, #tpu.memory_space<semaphore_mem>>
    %dma_start3A_656 = tpu.memref_squeeze %dma_start3A_655 : memref<1x!tpu.dma_semaphore, #tpu.memory_space<semaphore_mem>> -> memref<!tpu.dma_semaphore, #tpu.memory_space<semaphore_mem>>
    %dma_start3A_657 = arith.constant 0 : i32
    %dma_start3A_658 = tpu.memref_slice %arg3[%dma_start3A_646, %add3A_644, %dma_start3A_657] : memref<1x8192x2048xf32, #tpu.memory_space<hbm>> -> memref<1x8x2048xf32, #tpu.memory_space<hbm>>
    %dma_start3A_659 = tpu.memref_squeeze %dma_start3A_658 : memref<1x8x2048xf32, #tpu.memory_space<hbm>> -> memref<8x2048xf32, #tpu.memory_space<hbm>>
    %dma_start3A_660 = arith.constant 0 : i32
    %dma_start3A_661 = arith.constant 0 : i32
    %dma_start3A_662 = tpu.memref_slice %arg4[%dma_start3A_645, %dma_start3A_660, %dma_start3A_661] : memref<6x8x2048xf32, #tpu.memory_space<vmem>> -> memref<1x8x2048xf32, #tpu.memory_space<vmem>>
    %dma_start3A_663 = tpu.memref_squeeze %dma_start3A_662 : memref<1x8x2048xf32, #tpu.memory_space<vmem>> -> memref<8x2048xf32, #tpu.memory_space<vmem>>
    tpu.enqueue_dma source(%dma_start3A_663 : memref<8x2048xf32, #tpu.memory_space<vmem>>) target(%dma_start3A_659 : memref<8x2048xf32, #tpu.memory_space<hbm>>) target_semaphore(%dma_start3A_656 : memref<!tpu.dma_semaphore, #tpu.memory_space<semaphore_mem>>)
    %dma_wait3A_664 = arith.constant 1 : i32
    %dma_wait3A_665 = arith.constant 0 : i32
    %dma_wait3A_666 = arith.constant 1 : i32
    %dma_wait3A_667 = arith.constant 0 : i32
    %dma_wait3A_668 = arith.constant 0 : i32
    %dma_wait3A_669 = tpu.memref_slice %arg4[%dma_wait3A_664, %dma_wait3A_667, %dma_wait3A_668] : memref<6x8x2048xf32, #tpu.memory_space<vmem>> -> memref<1x8x2048xf32, #tpu.memory_space<vmem>>
    %dma_wait3A_670 = tpu.memref_squeeze %dma_wait3A_669 : memref<1x8x2048xf32, #tpu.memory_space<vmem>> -> memref<8x2048xf32, #tpu.memory_space<vmem>>
    %dma_wait3A_671 = arith.constant 0 : i32
    %dma_wait3A_672 = tpu.memref_slice %arg3[%dma_wait3A_665, %add3A_644, %dma_wait3A_671] : memref<1x8192x2048xf32, #tpu.memory_space<hbm>> -> memref<1x8x2048xf32, #tpu.memory_space<hbm>>
    %dma_wait3A_673 = tpu.memref_squeeze %dma_wait3A_672 : memref<1x8x2048xf32, #tpu.memory_space<hbm>> -> memref<8x2048xf32, #tpu.memory_space<hbm>>
    %dma_wait3A_674 = tpu.memref_slice %arg6[%dma_wait3A_666] : memref<6x!tpu.dma_semaphore, #tpu.memory_space<semaphore_mem>> -> memref<1x!tpu.dma_semaphore, #tpu.memory_space<semaphore_mem>>
    %dma_wait3A_675 = tpu.memref_squeeze %dma_wait3A_674 : memref<1x!tpu.dma_semaphore, #tpu.memory_space<semaphore_mem>> -> memref<!tpu.dma_semaphore, #tpu.memory_space<semaphore_mem>>
    %dma_wait3A_676 = arith.constant 0 : i32
    %dma_wait3A_677 = tpu.memref_slice %arg3[%dma_wait3A_665, %add3A_644, %dma_wait3A_676] : memref<1x8192x2048xf32, #tpu.memory_space<hbm>> -> memref<1x8x2048xf32, #tpu.memory_space<hbm>>
    %dma_wait3A_678 = tpu.memref_squeeze %dma_wait3A_677 : memref<1x8x2048xf32, #tpu.memory_space<hbm>> -> memref<8x2048xf32, #tpu.memory_space<hbm>>
    %dma_wait3A_679 = arith.constant 0 : i32
    %dma_wait3A_680 = arith.constant 0 : i32
    %dma_wait3A_681 = tpu.memref_slice %arg4[%dma_wait3A_664, %dma_wait3A_679, %dma_wait3A_680] : memref<6x8x2048xf32, #tpu.memory_space<vmem>> -> memref<1x8x2048xf32, #tpu.memory_space<vmem>>
    %dma_wait3A_682 = tpu.memref_squeeze %dma_wait3A_681 : memref<1x8x2048xf32, #tpu.memory_space<vmem>> -> memref<8x2048xf32, #tpu.memory_space<vmem>>
    tpu.wait_dma2 semaphore(%dma_wait3A_675 : memref<!tpu.dma_semaphore, #tpu.memory_space<semaphore_mem>>) src(%dma_wait3A_682 : memref<8x2048xf32, #tpu.memory_space<vmem>>) dst(%dma_wait3A_678 : memref<8x2048xf32, #tpu.memory_space<hbm>>)
    %add3A_683 = arith.constant 104 : i32
    %add3A_684 = arith.addi %mul3A_2, %add3A_683 : i32
    %dma_start3A_685 = arith.constant 1 : i32
    %dma_start3A_686 = arith.constant 1 : i32
    %dma_start3A_687 = arith.constant 0 : i32
    %dma_start3A_688 = arith.constant 0 : i32
    %dma_start3A_689 = tpu.memref_slice %arg4[%dma_start3A_685, %dma_start3A_687, %dma_start3A_688] : memref<6x8x2048xf32, #tpu.memory_space<vmem>> -> memref<1x8x2048xf32, #tpu.memory_space<vmem>>
    %dma_start3A_690 = tpu.memref_squeeze %dma_start3A_689 : memref<1x8x2048xf32, #tpu.memory_space<vmem>> -> memref<8x2048xf32, #tpu.memory_space<vmem>>
    %dma_start3A_691 = arith.constant 0 : i32
    %dma_start3A_692 = tpu.memref_slice %arg2[%add3A_684, %dma_start3A_691] : memref<8192x2048xf32, #tpu.memory_space<hbm>> -> memref<8x2048xf32, #tpu.memory_space<hbm>>
    %dma_start3A_693 = tpu.memref_slice %arg5[%dma_start3A_686] : memref<6x!tpu.dma_semaphore, #tpu.memory_space<semaphore_mem>> -> memref<1x!tpu.dma_semaphore, #tpu.memory_space<semaphore_mem>>
    %dma_start3A_694 = tpu.memref_squeeze %dma_start3A_693 : memref<1x!tpu.dma_semaphore, #tpu.memory_space<semaphore_mem>> -> memref<!tpu.dma_semaphore, #tpu.memory_space<semaphore_mem>>
    %dma_start3A_695 = arith.constant 0 : i32
    %dma_start3A_696 = arith.constant 0 : i32
    %dma_start3A_697 = tpu.memref_slice %arg4[%dma_start3A_685, %dma_start3A_695, %dma_start3A_696] : memref<6x8x2048xf32, #tpu.memory_space<vmem>> -> memref<1x8x2048xf32, #tpu.memory_space<vmem>>
    %dma_start3A_698 = tpu.memref_squeeze %dma_start3A_697 : memref<1x8x2048xf32, #tpu.memory_space<vmem>> -> memref<8x2048xf32, #tpu.memory_space<vmem>>
    %dma_start3A_699 = arith.constant 0 : i32
    %dma_start3A_700 = tpu.memref_slice %arg2[%add3A_684, %dma_start3A_699] : memref<8192x2048xf32, #tpu.memory_space<hbm>> -> memref<8x2048xf32, #tpu.memory_space<hbm>>
    tpu.enqueue_dma source(%dma_start3A_700 : memref<8x2048xf32, #tpu.memory_space<hbm>>) target(%dma_start3A_698 : memref<8x2048xf32, #tpu.memory_space<vmem>>) target_semaphore(%dma_start3A_694 : memref<!tpu.dma_semaphore, #tpu.memory_space<semaphore_mem>>)
    %dma_wait3A_701 = arith.constant 2 : i32
    %dma_wait3A_702 = arith.constant 2 : i32
    %dma_wait3A_703 = arith.constant 0 : i32
    %dma_wait3A_704 = arith.constant 0 : i32
    %dma_wait3A_705 = tpu.memref_slice %arg4[%dma_wait3A_701, %dma_wait3A_703, %dma_wait3A_704] : memref<6x8x2048xf32, #tpu.memory_space<vmem>> -> memref<1x8x2048xf32, #tpu.memory_space<vmem>>
    %dma_wait3A_706 = tpu.memref_squeeze %dma_wait3A_705 : memref<1x8x2048xf32, #tpu.memory_space<vmem>> -> memref<8x2048xf32, #tpu.memory_space<vmem>>
    %dma_wait3A_707 = arith.constant 0 : i32
    %dma_wait3A_708 = tpu.memref_slice %arg2[%add3A_314, %dma_wait3A_707] : memref<8192x2048xf32, #tpu.memory_space<hbm>> -> memref<8x2048xf32, #tpu.memory_space<hbm>>
    %dma_wait3A_709 = tpu.memref_slice %arg5[%dma_wait3A_702] : memref<6x!tpu.dma_semaphore, #tpu.memory_space<semaphore_mem>> -> memref<1x!tpu.dma_semaphore, #tpu.memory_space<semaphore_mem>>
    %dma_wait3A_710 = tpu.memref_squeeze %dma_wait3A_709 : memref<1x!tpu.dma_semaphore, #tpu.memory_space<semaphore_mem>> -> memref<!tpu.dma_semaphore, #tpu.memory_space<semaphore_mem>>
    %dma_wait3A_711 = arith.constant 0 : i32
    %dma_wait3A_712 = arith.constant 0 : i32
    %dma_wait3A_713 = tpu.memref_slice %arg4[%dma_wait3A_701, %dma_wait3A_711, %dma_wait3A_712] : memref<6x8x2048xf32, #tpu.memory_space<vmem>> -> memref<1x8x2048xf32, #tpu.memory_space<vmem>>
    %dma_wait3A_714 = tpu.memref_squeeze %dma_wait3A_713 : memref<1x8x2048xf32, #tpu.memory_space<vmem>> -> memref<8x2048xf32, #tpu.memory_space<vmem>>
    %dma_wait3A_715 = arith.constant 0 : i32
    %dma_wait3A_716 = tpu.memref_slice %arg2[%add3A_314, %dma_wait3A_715] : memref<8192x2048xf32, #tpu.memory_space<hbm>> -> memref<8x2048xf32, #tpu.memory_space<hbm>>
    tpu.wait_dma2 semaphore(%dma_wait3A_710 : memref<!tpu.dma_semaphore, #tpu.memory_space<semaphore_mem>>) src(%dma_wait3A_716 : memref<8x2048xf32, #tpu.memory_space<hbm>>) dst(%dma_wait3A_714 : memref<8x2048xf32, #tpu.memory_space<vmem>>)
    %add3A_717 = arith.constant 64 : i32
    %add3A_718 = arith.addi %mul3A_2, %add3A_717 : i32
    %dma_start3A_719 = arith.constant 2 : i32
    %dma_start3A_720 = arith.constant 0 : i32
    %dma_start3A_721 = arith.constant 2 : i32
    %dma_start3A_722 = arith.constant 0 : i32
    %dma_start3A_723 = arith.constant 0 : i32
    %dma_start3A_724 = tpu.memref_slice %arg4[%dma_start3A_719, %dma_start3A_722, %dma_start3A_723] : memref<6x8x2048xf32, #tpu.memory_space<vmem>> -> memref<1x8x2048xf32, #tpu.memory_space<vmem>>
    %dma_start3A_725 = tpu.memref_squeeze %dma_start3A_724 : memref<1x8x2048xf32, #tpu.memory_space<vmem>> -> memref<8x2048xf32, #tpu.memory_space<vmem>>
    %dma_start3A_726 = arith.constant 0 : i32
    %dma_start3A_727 = tpu.memref_slice %arg3[%dma_start3A_720, %add3A_718, %dma_start3A_726] : memref<1x8192x2048xf32, #tpu.memory_space<hbm>> -> memref<1x8x2048xf32, #tpu.memory_space<hbm>>
    %dma_start3A_728 = tpu.memref_squeeze %dma_start3A_727 : memref<1x8x2048xf32, #tpu.memory_space<hbm>> -> memref<8x2048xf32, #tpu.memory_space<hbm>>
    %dma_start3A_729 = tpu.memref_slice %arg6[%dma_start3A_721] : memref<6x!tpu.dma_semaphore, #tpu.memory_space<semaphore_mem>> -> memref<1x!tpu.dma_semaphore, #tpu.memory_space<semaphore_mem>>
    %dma_start3A_730 = tpu.memref_squeeze %dma_start3A_729 : memref<1x!tpu.dma_semaphore, #tpu.memory_space<semaphore_mem>> -> memref<!tpu.dma_semaphore, #tpu.memory_space<semaphore_mem>>
    %dma_start3A_731 = arith.constant 0 : i32
    %dma_start3A_732 = tpu.memref_slice %arg3[%dma_start3A_720, %add3A_718, %dma_start3A_731] : memref<1x8192x2048xf32, #tpu.memory_space<hbm>> -> memref<1x8x2048xf32, #tpu.memory_space<hbm>>
    %dma_start3A_733 = tpu.memref_squeeze %dma_start3A_732 : memref<1x8x2048xf32, #tpu.memory_space<hbm>> -> memref<8x2048xf32, #tpu.memory_space<hbm>>
    %dma_start3A_734 = arith.constant 0 : i32
    %dma_start3A_735 = arith.constant 0 : i32
    %dma_start3A_736 = tpu.memref_slice %arg4[%dma_start3A_719, %dma_start3A_734, %dma_start3A_735] : memref<6x8x2048xf32, #tpu.memory_space<vmem>> -> memref<1x8x2048xf32, #tpu.memory_space<vmem>>
    %dma_start3A_737 = tpu.memref_squeeze %dma_start3A_736 : memref<1x8x2048xf32, #tpu.memory_space<vmem>> -> memref<8x2048xf32, #tpu.memory_space<vmem>>
    tpu.enqueue_dma source(%dma_start3A_737 : memref<8x2048xf32, #tpu.memory_space<vmem>>) target(%dma_start3A_733 : memref<8x2048xf32, #tpu.memory_space<hbm>>) target_semaphore(%dma_start3A_730 : memref<!tpu.dma_semaphore, #tpu.memory_space<semaphore_mem>>)
    %dma_wait3A_738 = arith.constant 2 : i32
    %dma_wait3A_739 = arith.constant 0 : i32
    %dma_wait3A_740 = arith.constant 2 : i32
    %dma_wait3A_741 = arith.constant 0 : i32
    %dma_wait3A_742 = arith.constant 0 : i32
    %dma_wait3A_743 = tpu.memref_slice %arg4[%dma_wait3A_738, %dma_wait3A_741, %dma_wait3A_742] : memref<6x8x2048xf32, #tpu.memory_space<vmem>> -> memref<1x8x2048xf32, #tpu.memory_space<vmem>>
    %dma_wait3A_744 = tpu.memref_squeeze %dma_wait3A_743 : memref<1x8x2048xf32, #tpu.memory_space<vmem>> -> memref<8x2048xf32, #tpu.memory_space<vmem>>
    %dma_wait3A_745 = arith.constant 0 : i32
    %dma_wait3A_746 = tpu.memref_slice %arg3[%dma_wait3A_739, %add3A_718, %dma_wait3A_745] : memref<1x8192x2048xf32, #tpu.memory_space<hbm>> -> memref<1x8x2048xf32, #tpu.memory_space<hbm>>
    %dma_wait3A_747 = tpu.memref_squeeze %dma_wait3A_746 : memref<1x8x2048xf32, #tpu.memory_space<hbm>> -> memref<8x2048xf32, #tpu.memory_space<hbm>>
    %dma_wait3A_748 = tpu.memref_slice %arg6[%dma_wait3A_740] : memref<6x!tpu.dma_semaphore, #tpu.memory_space<semaphore_mem>> -> memref<1x!tpu.dma_semaphore, #tpu.memory_space<semaphore_mem>>
    %dma_wait3A_749 = tpu.memref_squeeze %dma_wait3A_748 : memref<1x!tpu.dma_semaphore, #tpu.memory_space<semaphore_mem>> -> memref<!tpu.dma_semaphore, #tpu.memory_space<semaphore_mem>>
    %dma_wait3A_750 = arith.constant 0 : i32
    %dma_wait3A_751 = tpu.memref_slice %arg3[%dma_wait3A_739, %add3A_718, %dma_wait3A_750] : memref<1x8192x2048xf32, #tpu.memory_space<hbm>> -> memref<1x8x2048xf32, #tpu.memory_space<hbm>>
    %dma_wait3A_752 = tpu.memref_squeeze %dma_wait3A_751 : memref<1x8x2048xf32, #tpu.memory_space<hbm>> -> memref<8x2048xf32, #tpu.memory_space<hbm>>
    %dma_wait3A_753 = arith.constant 0 : i32
    %dma_wait3A_754 = arith.constant 0 : i32
    %dma_wait3A_755 = tpu.memref_slice %arg4[%dma_wait3A_738, %dma_wait3A_753, %dma_wait3A_754] : memref<6x8x2048xf32, #tpu.memory_space<vmem>> -> memref<1x8x2048xf32, #tpu.memory_space<vmem>>
    %dma_wait3A_756 = tpu.memref_squeeze %dma_wait3A_755 : memref<1x8x2048xf32, #tpu.memory_space<vmem>> -> memref<8x2048xf32, #tpu.memory_space<vmem>>
    tpu.wait_dma2 semaphore(%dma_wait3A_749 : memref<!tpu.dma_semaphore, #tpu.memory_space<semaphore_mem>>) src(%dma_wait3A_756 : memref<8x2048xf32, #tpu.memory_space<vmem>>) dst(%dma_wait3A_752 : memref<8x2048xf32, #tpu.memory_space<hbm>>)
    %add3A_757 = arith.constant 112 : i32
    %add3A_758 = arith.addi %mul3A_2, %add3A_757 : i32
    %dma_start3A_759 = arith.constant 2 : i32
    %dma_start3A_760 = arith.constant 2 : i32
    %dma_start3A_761 = arith.constant 0 : i32
    %dma_start3A_762 = arith.constant 0 : i32
    %dma_start3A_763 = tpu.memref_slice %arg4[%dma_start3A_759, %dma_start3A_761, %dma_start3A_762] : memref<6x8x2048xf32, #tpu.memory_space<vmem>> -> memref<1x8x2048xf32, #tpu.memory_space<vmem>>
    %dma_start3A_764 = tpu.memref_squeeze %dma_start3A_763 : memref<1x8x2048xf32, #tpu.memory_space<vmem>> -> memref<8x2048xf32, #tpu.memory_space<vmem>>
    %dma_start3A_765 = arith.constant 0 : i32
    %dma_start3A_766 = tpu.memref_slice %arg2[%add3A_758, %dma_start3A_765] : memref<8192x2048xf32, #tpu.memory_space<hbm>> -> memref<8x2048xf32, #tpu.memory_space<hbm>>
    %dma_start3A_767 = tpu.memref_slice %arg5[%dma_start3A_760] : memref<6x!tpu.dma_semaphore, #tpu.memory_space<semaphore_mem>> -> memref<1x!tpu.dma_semaphore, #tpu.memory_space<semaphore_mem>>
    %dma_start3A_768 = tpu.memref_squeeze %dma_start3A_767 : memref<1x!tpu.dma_semaphore, #tpu.memory_space<semaphore_mem>> -> memref<!tpu.dma_semaphore, #tpu.memory_space<semaphore_mem>>
    %dma_start3A_769 = arith.constant 0 : i32
    %dma_start3A_770 = arith.constant 0 : i32
    %dma_start3A_771 = tpu.memref_slice %arg4[%dma_start3A_759, %dma_start3A_769, %dma_start3A_770] : memref<6x8x2048xf32, #tpu.memory_space<vmem>> -> memref<1x8x2048xf32, #tpu.memory_space<vmem>>
    %dma_start3A_772 = tpu.memref_squeeze %dma_start3A_771 : memref<1x8x2048xf32, #tpu.memory_space<vmem>> -> memref<8x2048xf32, #tpu.memory_space<vmem>>
    %dma_start3A_773 = arith.constant 0 : i32
    %dma_start3A_774 = tpu.memref_slice %arg2[%add3A_758, %dma_start3A_773] : memref<8192x2048xf32, #tpu.memory_space<hbm>> -> memref<8x2048xf32, #tpu.memory_space<hbm>>
    tpu.enqueue_dma source(%dma_start3A_774 : memref<8x2048xf32, #tpu.memory_space<hbm>>) target(%dma_start3A_772 : memref<8x2048xf32, #tpu.memory_space<vmem>>) target_semaphore(%dma_start3A_768 : memref<!tpu.dma_semaphore, #tpu.memory_space<semaphore_mem>>)
    %dma_wait3A_775 = arith.constant 3 : i32
    %dma_wait3A_776 = arith.constant 3 : i32
    %dma_wait3A_777 = arith.constant 0 : i32
    %dma_wait3A_778 = arith.constant 0 : i32
    %dma_wait3A_779 = tpu.memref_slice %arg4[%dma_wait3A_775, %dma_wait3A_777, %dma_wait3A_778] : memref<6x8x2048xf32, #tpu.memory_space<vmem>> -> memref<1x8x2048xf32, #tpu.memory_space<vmem>>
    %dma_wait3A_780 = tpu.memref_squeeze %dma_wait3A_779 : memref<1x8x2048xf32, #tpu.memory_space<vmem>> -> memref<8x2048xf32, #tpu.memory_space<vmem>>
    %dma_wait3A_781 = arith.constant 0 : i32
    %dma_wait3A_782 = tpu.memref_slice %arg2[%add3A_388, %dma_wait3A_781] : memref<8192x2048xf32, #tpu.memory_space<hbm>> -> memref<8x2048xf32, #tpu.memory_space<hbm>>
    %dma_wait3A_783 = tpu.memref_slice %arg5[%dma_wait3A_776] : memref<6x!tpu.dma_semaphore, #tpu.memory_space<semaphore_mem>> -> memref<1x!tpu.dma_semaphore, #tpu.memory_space<semaphore_mem>>
    %dma_wait3A_784 = tpu.memref_squeeze %dma_wait3A_783 : memref<1x!tpu.dma_semaphore, #tpu.memory_space<semaphore_mem>> -> memref<!tpu.dma_semaphore, #tpu.memory_space<semaphore_mem>>
    %dma_wait3A_785 = arith.constant 0 : i32
    %dma_wait3A_786 = arith.constant 0 : i32
    %dma_wait3A_787 = tpu.memref_slice %arg4[%dma_wait3A_775, %dma_wait3A_785, %dma_wait3A_786] : memref<6x8x2048xf32, #tpu.memory_space<vmem>> -> memref<1x8x2048xf32, #tpu.memory_space<vmem>>
    %dma_wait3A_788 = tpu.memref_squeeze %dma_wait3A_787 : memref<1x8x2048xf32, #tpu.memory_space<vmem>> -> memref<8x2048xf32, #tpu.memory_space<vmem>>
    %dma_wait3A_789 = arith.constant 0 : i32
    %dma_wait3A_790 = tpu.memref_slice %arg2[%add3A_388, %dma_wait3A_789] : memref<8192x2048xf32, #tpu.memory_space<hbm>> -> memref<8x2048xf32, #tpu.memory_space<hbm>>
    tpu.wait_dma2 semaphore(%dma_wait3A_784 : memref<!tpu.dma_semaphore, #tpu.memory_space<semaphore_mem>>) src(%dma_wait3A_790 : memref<8x2048xf32, #tpu.memory_space<hbm>>) dst(%dma_wait3A_788 : memref<8x2048xf32, #tpu.memory_space<vmem>>)
    %add3A_791 = arith.constant 72 : i32
    %add3A_792 = arith.addi %mul3A_2, %add3A_791 : i32
    %dma_start3A_793 = arith.constant 3 : i32
    %dma_start3A_794 = arith.constant 0 : i32
    %dma_start3A_795 = arith.constant 3 : i32
    %dma_start3A_796 = arith.constant 0 : i32
    %dma_start3A_797 = arith.constant 0 : i32
    %dma_start3A_798 = tpu.memref_slice %arg4[%dma_start3A_793, %dma_start3A_796, %dma_start3A_797] : memref<6x8x2048xf32, #tpu.memory_space<vmem>> -> memref<1x8x2048xf32, #tpu.memory_space<vmem>>
    %dma_start3A_799 = tpu.memref_squeeze %dma_start3A_798 : memref<1x8x2048xf32, #tpu.memory_space<vmem>> -> memref<8x2048xf32, #tpu.memory_space<vmem>>
    %dma_start3A_800 = arith.constant 0 : i32
    %dma_start3A_801 = tpu.memref_slice %arg3[%dma_start3A_794, %add3A_792, %dma_start3A_800] : memref<1x8192x2048xf32, #tpu.memory_space<hbm>> -> memref<1x8x2048xf32, #tpu.memory_space<hbm>>
    %dma_start3A_802 = tpu.memref_squeeze %dma_start3A_801 : memref<1x8x2048xf32, #tpu.memory_space<hbm>> -> memref<8x2048xf32, #tpu.memory_space<hbm>>
    %dma_start3A_803 = tpu.memref_slice %arg6[%dma_start3A_795] : memref<6x!tpu.dma_semaphore, #tpu.memory_space<semaphore_mem>> -> memref<1x!tpu.dma_semaphore, #tpu.memory_space<semaphore_mem>>
    %dma_start3A_804 = tpu.memref_squeeze %dma_start3A_803 : memref<1x!tpu.dma_semaphore, #tpu.memory_space<semaphore_mem>> -> memref<!tpu.dma_semaphore, #tpu.memory_space<semaphore_mem>>
    %dma_start3A_805 = arith.constant 0 : i32
    %dma_start3A_806 = tpu.memref_slice %arg3[%dma_start3A_794, %add3A_792, %dma_start3A_805] : memref<1x8192x2048xf32, #tpu.memory_space<hbm>> -> memref<1x8x2048xf32, #tpu.memory_space<hbm>>
    %dma_start3A_807 = tpu.memref_squeeze %dma_start3A_806 : memref<1x8x2048xf32, #tpu.memory_space<hbm>> -> memref<8x2048xf32, #tpu.memory_space<hbm>>
    %dma_start3A_808 = arith.constant 0 : i32
    %dma_start3A_809 = arith.constant 0 : i32
    %dma_start3A_810 = tpu.memref_slice %arg4[%dma_start3A_793, %dma_start3A_808, %dma_start3A_809] : memref<6x8x2048xf32, #tpu.memory_space<vmem>> -> memref<1x8x2048xf32, #tpu.memory_space<vmem>>
    %dma_start3A_811 = tpu.memref_squeeze %dma_start3A_810 : memref<1x8x2048xf32, #tpu.memory_space<vmem>> -> memref<8x2048xf32, #tpu.memory_space<vmem>>
    tpu.enqueue_dma source(%dma_start3A_811 : memref<8x2048xf32, #tpu.memory_space<vmem>>) target(%dma_start3A_807 : memref<8x2048xf32, #tpu.memory_space<hbm>>) target_semaphore(%dma_start3A_804 : memref<!tpu.dma_semaphore, #tpu.memory_space<semaphore_mem>>)
    %dma_wait3A_812 = arith.constant 3 : i32
    %dma_wait3A_813 = arith.constant 0 : i32
    %dma_wait3A_814 = arith.constant 3 : i32
    %dma_wait3A_815 = arith.constant 0 : i32
    %dma_wait3A_816 = arith.constant 0 : i32
    %dma_wait3A_817 = tpu.memref_slice %arg4[%dma_wait3A_812, %dma_wait3A_815, %dma_wait3A_816] : memref<6x8x2048xf32, #tpu.memory_space<vmem>> -> memref<1x8x2048xf32, #tpu.memory_space<vmem>>
    %dma_wait3A_818 = tpu.memref_squeeze %dma_wait3A_817 : memref<1x8x2048xf32, #tpu.memory_space<vmem>> -> memref<8x2048xf32, #tpu.memory_space<vmem>>
    %dma_wait3A_819 = arith.constant 0 : i32
    %dma_wait3A_820 = tpu.memref_slice %arg3[%dma_wait3A_813, %add3A_792, %dma_wait3A_819] : memref<1x8192x2048xf32, #tpu.memory_space<hbm>> -> memref<1x8x2048xf32, #tpu.memory_space<hbm>>
    %dma_wait3A_821 = tpu.memref_squeeze %dma_wait3A_820 : memref<1x8x2048xf32, #tpu.memory_space<hbm>> -> memref<8x2048xf32, #tpu.memory_space<hbm>>
    %dma_wait3A_822 = tpu.memref_slice %arg6[%dma_wait3A_814] : memref<6x!tpu.dma_semaphore, #tpu.memory_space<semaphore_mem>> -> memref<1x!tpu.dma_semaphore, #tpu.memory_space<semaphore_mem>>
    %dma_wait3A_823 = tpu.memref_squeeze %dma_wait3A_822 : memref<1x!tpu.dma_semaphore, #tpu.memory_space<semaphore_mem>> -> memref<!tpu.dma_semaphore, #tpu.memory_space<semaphore_mem>>
    %dma_wait3A_824 = arith.constant 0 : i32
    %dma_wait3A_825 = tpu.memref_slice %arg3[%dma_wait3A_813, %add3A_792, %dma_wait3A_824] : memref<1x8192x2048xf32, #tpu.memory_space<hbm>> -> memref<1x8x2048xf32, #tpu.memory_space<hbm>>
    %dma_wait3A_826 = tpu.memref_squeeze %dma_wait3A_825 : memref<1x8x2048xf32, #tpu.memory_space<hbm>> -> memref<8x2048xf32, #tpu.memory_space<hbm>>
    %dma_wait3A_827 = arith.constant 0 : i32
    %dma_wait3A_828 = arith.constant 0 : i32
    %dma_wait3A_829 = tpu.memref_slice %arg4[%dma_wait3A_812, %dma_wait3A_827, %dma_wait3A_828] : memref<6x8x2048xf32, #tpu.memory_space<vmem>> -> memref<1x8x2048xf32, #tpu.memory_space<vmem>>
    %dma_wait3A_830 = tpu.memref_squeeze %dma_wait3A_829 : memref<1x8x2048xf32, #tpu.memory_space<vmem>> -> memref<8x2048xf32, #tpu.memory_space<vmem>>
    tpu.wait_dma2 semaphore(%dma_wait3A_823 : memref<!tpu.dma_semaphore, #tpu.memory_space<semaphore_mem>>) src(%dma_wait3A_830 : memref<8x2048xf32, #tpu.memory_space<vmem>>) dst(%dma_wait3A_826 : memref<8x2048xf32, #tpu.memory_space<hbm>>)
    %add3A_831 = arith.constant 120 : i32
    %add3A_832 = arith.addi %mul3A_2, %add3A_831 : i32
    %dma_start3A_833 = arith.constant 3 : i32
    %dma_start3A_834 = arith.constant 3 : i32
    %dma_start3A_835 = arith.constant 0 : i32
    %dma_start3A_836 = arith.constant 0 : i32
    %dma_start3A_837 = tpu.memref_slice %arg4[%dma_start3A_833, %dma_start3A_835, %dma_start3A_836] : memref<6x8x2048xf32, #tpu.memory_space<vmem>> -> memref<1x8x2048xf32, #tpu.memory_space<vmem>>
    %dma_start3A_838 = tpu.memref_squeeze %dma_start3A_837 : memref<1x8x2048xf32, #tpu.memory_space<vmem>> -> memref<8x2048xf32, #tpu.memory_space<vmem>>
    %dma_start3A_839 = arith.constant 0 : i32
    %dma_start3A_840 = tpu.memref_slice %arg2[%add3A_832, %dma_start3A_839] : memref<8192x2048xf32, #tpu.memory_space<hbm>> -> memref<8x2048xf32, #tpu.memory_space<hbm>>
    %dma_start3A_841 = tpu.memref_slice %arg5[%dma_start3A_834] : memref<6x!tpu.dma_semaphore, #tpu.memory_space<semaphore_mem>> -> memref<1x!tpu.dma_semaphore, #tpu.memory_space<semaphore_mem>>
    %dma_start3A_842 = tpu.memref_squeeze %dma_start3A_841 : memref<1x!tpu.dma_semaphore, #tpu.memory_space<semaphore_mem>> -> memref<!tpu.dma_semaphore, #tpu.memory_space<semaphore_mem>>
    %dma_start3A_843 = arith.constant 0 : i32
    %dma_start3A_844 = arith.constant 0 : i32
    %dma_start3A_845 = tpu.memref_slice %arg4[%dma_start3A_833, %dma_start3A_843, %dma_start3A_844] : memref<6x8x2048xf32, #tpu.memory_space<vmem>> -> memref<1x8x2048xf32, #tpu.memory_space<vmem>>
    %dma_start3A_846 = tpu.memref_squeeze %dma_start3A_845 : memref<1x8x2048xf32, #tpu.memory_space<vmem>> -> memref<8x2048xf32, #tpu.memory_space<vmem>>
    %dma_start3A_847 = arith.constant 0 : i32
    %dma_start3A_848 = tpu.memref_slice %arg2[%add3A_832, %dma_start3A_847] : memref<8192x2048xf32, #tpu.memory_space<hbm>> -> memref<8x2048xf32, #tpu.memory_space<hbm>>
    tpu.enqueue_dma source(%dma_start3A_848 : memref<8x2048xf32, #tpu.memory_space<hbm>>) target(%dma_start3A_846 : memref<8x2048xf32, #tpu.memory_space<vmem>>) target_semaphore(%dma_start3A_842 : memref<!tpu.dma_semaphore, #tpu.memory_space<semaphore_mem>>)
    %dma_wait3A_849 = arith.constant 4 : i32
    %dma_wait3A_850 = arith.constant 4 : i32
    %dma_wait3A_851 = arith.constant 0 : i32
    %dma_wait3A_852 = arith.constant 0 : i32
    %dma_wait3A_853 = tpu.memref_slice %arg4[%dma_wait3A_849, %dma_wait3A_851, %dma_wait3A_852] : memref<6x8x2048xf32, #tpu.memory_space<vmem>> -> memref<1x8x2048xf32, #tpu.memory_space<vmem>>
    %dma_wait3A_854 = tpu.memref_squeeze %dma_wait3A_853 : memref<1x8x2048xf32, #tpu.memory_space<vmem>> -> memref<8x2048xf32, #tpu.memory_space<vmem>>
    %dma_wait3A_855 = arith.constant 0 : i32
    %dma_wait3A_856 = tpu.memref_slice %arg2[%add3A_462, %dma_wait3A_855] : memref<8192x2048xf32, #tpu.memory_space<hbm>> -> memref<8x2048xf32, #tpu.memory_space<hbm>>
    %dma_wait3A_857 = tpu.memref_slice %arg5[%dma_wait3A_850] : memref<6x!tpu.dma_semaphore, #tpu.memory_space<semaphore_mem>> -> memref<1x!tpu.dma_semaphore, #tpu.memory_space<semaphore_mem>>
    %dma_wait3A_858 = tpu.memref_squeeze %dma_wait3A_857 : memref<1x!tpu.dma_semaphore, #tpu.memory_space<semaphore_mem>> -> memref<!tpu.dma_semaphore, #tpu.memory_space<semaphore_mem>>
    %dma_wait3A_859 = arith.constant 0 : i32
    %dma_wait3A_860 = arith.constant 0 : i32
    %dma_wait3A_861 = tpu.memref_slice %arg4[%dma_wait3A_849, %dma_wait3A_859, %dma_wait3A_860] : memref<6x8x2048xf32, #tpu.memory_space<vmem>> -> memref<1x8x2048xf32, #tpu.memory_space<vmem>>
    %dma_wait3A_862 = tpu.memref_squeeze %dma_wait3A_861 : memref<1x8x2048xf32, #tpu.memory_space<vmem>> -> memref<8x2048xf32, #tpu.memory_space<vmem>>
    %dma_wait3A_863 = arith.constant 0 : i32
    %dma_wait3A_864 = tpu.memref_slice %arg2[%add3A_462, %dma_wait3A_863] : memref<8192x2048xf32, #tpu.memory_space<hbm>> -> memref<8x2048xf32, #tpu.memory_space<hbm>>
    tpu.wait_dma2 semaphore(%dma_wait3A_858 : memref<!tpu.dma_semaphore, #tpu.memory_space<semaphore_mem>>) src(%dma_wait3A_864 : memref<8x2048xf32, #tpu.memory_space<hbm>>) dst(%dma_wait3A_862 : memref<8x2048xf32, #tpu.memory_space<vmem>>)
    %add3A_865 = arith.constant 80 : i32
    %add3A_866 = arith.addi %mul3A_2, %add3A_865 : i32
    %dma_start3A_867 = arith.constant 4 : i32
    %dma_start3A_868 = arith.constant 0 : i32
    %dma_start3A_869 = arith.constant 4 : i32
    %dma_start3A_870 = arith.constant 0 : i32
    %dma_start3A_871 = arith.constant 0 : i32
    %dma_start3A_872 = tpu.memref_slice %arg4[%dma_start3A_867, %dma_start3A_870, %dma_start3A_871] : memref<6x8x2048xf32, #tpu.memory_space<vmem>> -> memref<1x8x2048xf32, #tpu.memory_space<vmem>>
    %dma_start3A_873 = tpu.memref_squeeze %dma_start3A_872 : memref<1x8x2048xf32, #tpu.memory_space<vmem>> -> memref<8x2048xf32, #tpu.memory_space<vmem>>
    %dma_start3A_874 = arith.constant 0 : i32
    %dma_start3A_875 = tpu.memref_slice %arg3[%dma_start3A_868, %add3A_866, %dma_start3A_874] : memref<1x8192x2048xf32, #tpu.memory_space<hbm>> -> memref<1x8x2048xf32, #tpu.memory_space<hbm>>
    %dma_start3A_876 = tpu.memref_squeeze %dma_start3A_875 : memref<1x8x2048xf32, #tpu.memory_space<hbm>> -> memref<8x2048xf32, #tpu.memory_space<hbm>>
    %dma_start3A_877 = tpu.memref_slice %arg6[%dma_start3A_869] : memref<6x!tpu.dma_semaphore, #tpu.memory_space<semaphore_mem>> -> memref<1x!tpu.dma_semaphore, #tpu.memory_space<semaphore_mem>>
    %dma_start3A_878 = tpu.memref_squeeze %dma_start3A_877 : memref<1x!tpu.dma_semaphore, #tpu.memory_space<semaphore_mem>> -> memref<!tpu.dma_semaphore, #tpu.memory_space<semaphore_mem>>
    %dma_start3A_879 = arith.constant 0 : i32
    %dma_start3A_880 = tpu.memref_slice %arg3[%dma_start3A_868, %add3A_866, %dma_start3A_879] : memref<1x8192x2048xf32, #tpu.memory_space<hbm>> -> memref<1x8x2048xf32, #tpu.memory_space<hbm>>
    %dma_start3A_881 = tpu.memref_squeeze %dma_start3A_880 : memref<1x8x2048xf32, #tpu.memory_space<hbm>> -> memref<8x2048xf32, #tpu.memory_space<hbm>>
    %dma_start3A_882 = arith.constant 0 : i32
    %dma_start3A_883 = arith.constant 0 : i32
    %dma_start3A_884 = tpu.memref_slice %arg4[%dma_start3A_867, %dma_start3A_882, %dma_start3A_883] : memref<6x8x2048xf32, #tpu.memory_space<vmem>> -> memref<1x8x2048xf32, #tpu.memory_space<vmem>>
    %dma_start3A_885 = tpu.memref_squeeze %dma_start3A_884 : memref<1x8x2048xf32, #tpu.memory_space<vmem>> -> memref<8x2048xf32, #tpu.memory_space<vmem>>
    tpu.enqueue_dma source(%dma_start3A_885 : memref<8x2048xf32, #tpu.memory_space<vmem>>) target(%dma_start3A_881 : memref<8x2048xf32, #tpu.memory_space<hbm>>) target_semaphore(%dma_start3A_878 : memref<!tpu.dma_semaphore, #tpu.memory_space<semaphore_mem>>)
    %dma_wait3A_886 = arith.constant 4 : i32
    %dma_wait3A_887 = arith.constant 0 : i32
    %dma_wait3A_888 = arith.constant 4 : i32
    %dma_wait3A_889 = arith.constant 0 : i32
    %dma_wait3A_890 = arith.constant 0 : i32
    %dma_wait3A_891 = tpu.memref_slice %arg4[%dma_wait3A_886, %dma_wait3A_889, %dma_wait3A_890] : memref<6x8x2048xf32, #tpu.memory_space<vmem>> -> memref<1x8x2048xf32, #tpu.memory_space<vmem>>
    %dma_wait3A_892 = tpu.memref_squeeze %dma_wait3A_891 : memref<1x8x2048xf32, #tpu.memory_space<vmem>> -> memref<8x2048xf32, #tpu.memory_space<vmem>>
    %dma_wait3A_893 = arith.constant 0 : i32
    %dma_wait3A_894 = tpu.memref_slice %arg3[%dma_wait3A_887, %add3A_866, %dma_wait3A_893] : memref<1x8192x2048xf32, #tpu.memory_space<hbm>> -> memref<1x8x2048xf32, #tpu.memory_space<hbm>>
    %dma_wait3A_895 = tpu.memref_squeeze %dma_wait3A_894 : memref<1x8x2048xf32, #tpu.memory_space<hbm>> -> memref<8x2048xf32, #tpu.memory_space<hbm>>
    %dma_wait3A_896 = tpu.memref_slice %arg6[%dma_wait3A_888] : memref<6x!tpu.dma_semaphore, #tpu.memory_space<semaphore_mem>> -> memref<1x!tpu.dma_semaphore, #tpu.memory_space<semaphore_mem>>
    %dma_wait3A_897 = tpu.memref_squeeze %dma_wait3A_896 : memref<1x!tpu.dma_semaphore, #tpu.memory_space<semaphore_mem>> -> memref<!tpu.dma_semaphore, #tpu.memory_space<semaphore_mem>>
    %dma_wait3A_898 = arith.constant 0 : i32
    %dma_wait3A_899 = tpu.memref_slice %arg3[%dma_wait3A_887, %add3A_866, %dma_wait3A_898] : memref<1x8192x2048xf32, #tpu.memory_space<hbm>> -> memref<1x8x2048xf32, #tpu.memory_space<hbm>>
    %dma_wait3A_900 = tpu.memref_squeeze %dma_wait3A_899 : memref<1x8x2048xf32, #tpu.memory_space<hbm>> -> memref<8x2048xf32, #tpu.memory_space<hbm>>
    %dma_wait3A_901 = arith.constant 0 : i32
    %dma_wait3A_902 = arith.constant 0 : i32
    %dma_wait3A_903 = tpu.memref_slice %arg4[%dma_wait3A_886, %dma_wait3A_901, %dma_wait3A_902] : memref<6x8x2048xf32, #tpu.memory_space<vmem>> -> memref<1x8x2048xf32, #tpu.memory_space<vmem>>
    %dma_wait3A_904 = tpu.memref_squeeze %dma_wait3A_903 : memref<1x8x2048xf32, #tpu.memory_space<vmem>> -> memref<8x2048xf32, #tpu.memory_space<vmem>>
    tpu.wait_dma2 semaphore(%dma_wait3A_897 : memref<!tpu.dma_semaphore, #tpu.memory_space<semaphore_mem>>) src(%dma_wait3A_904 : memref<8x2048xf32, #tpu.memory_space<vmem>>) dst(%dma_wait3A_900 : memref<8x2048xf32, #tpu.memory_space<hbm>>)
    %add3A_905 = arith.constant 128 : i32
    %add3A_906 = arith.addi %mul3A_2, %add3A_905 : i32
    %dma_start3A_907 = arith.constant 4 : i32
    %dma_start3A_908 = arith.constant 4 : i32
    %dma_start3A_909 = arith.constant 0 : i32
    %dma_start3A_910 = arith.constant 0 : i32
    %dma_start3A_911 = tpu.memref_slice %arg4[%dma_start3A_907, %dma_start3A_909, %dma_start3A_910] : memref<6x8x2048xf32, #tpu.memory_space<vmem>> -> memref<1x8x2048xf32, #tpu.memory_space<vmem>>
    %dma_start3A_912 = tpu.memref_squeeze %dma_start3A_911 : memref<1x8x2048xf32, #tpu.memory_space<vmem>> -> memref<8x2048xf32, #tpu.memory_space<vmem>>
    %dma_start3A_913 = arith.constant 0 : i32
    %dma_start3A_914 = tpu.memref_slice %arg2[%add3A_906, %dma_start3A_913] : memref<8192x2048xf32, #tpu.memory_space<hbm>> -> memref<8x2048xf32, #tpu.memory_space<hbm>>
    %dma_start3A_915 = tpu.memref_slice %arg5[%dma_start3A_908] : memref<6x!tpu.dma_semaphore, #tpu.memory_space<semaphore_mem>> -> memref<1x!tpu.dma_semaphore, #tpu.memory_space<semaphore_mem>>
    %dma_start3A_916 = tpu.memref_squeeze %dma_start3A_915 : memref<1x!tpu.dma_semaphore, #tpu.memory_space<semaphore_mem>> -> memref<!tpu.dma_semaphore, #tpu.memory_space<semaphore_mem>>
    %dma_start3A_917 = arith.constant 0 : i32
    %dma_start3A_918 = arith.constant 0 : i32
    %dma_start3A_919 = tpu.memref_slice %arg4[%dma_start3A_907, %dma_start3A_917, %dma_start3A_918] : memref<6x8x2048xf32, #tpu.memory_space<vmem>> -> memref<1x8x2048xf32, #tpu.memory_space<vmem>>
    %dma_start3A_920 = tpu.memref_squeeze %dma_start3A_919 : memref<1x8x2048xf32, #tpu.memory_space<vmem>> -> memref<8x2048xf32, #tpu.memory_space<vmem>>
    %dma_start3A_921 = arith.constant 0 : i32
    %dma_start3A_922 = tpu.memref_slice %arg2[%add3A_906, %dma_start3A_921] : memref<8192x2048xf32, #tpu.memory_space<hbm>> -> memref<8x2048xf32, #tpu.memory_space<hbm>>
    tpu.enqueue_dma source(%dma_start3A_922 : memref<8x2048xf32, #tpu.memory_space<hbm>>) target(%dma_start3A_920 : memref<8x2048xf32, #tpu.memory_space<vmem>>) target_semaphore(%dma_start3A_916 : memref<!tpu.dma_semaphore, #tpu.memory_space<semaphore_mem>>)
    %dma_wait3A_923 = arith.constant 5 : i32
    %dma_wait3A_924 = arith.constant 5 : i32
    %dma_wait3A_925 = arith.constant 0 : i32
    %dma_wait3A_926 = arith.constant 0 : i32
    %dma_wait3A_927 = tpu.memref_slice %arg4[%dma_wait3A_923, %dma_wait3A_925, %dma_wait3A_926] : memref<6x8x2048xf32, #tpu.memory_space<vmem>> -> memref<1x8x2048xf32, #tpu.memory_space<vmem>>
    %dma_wait3A_928 = tpu.memref_squeeze %dma_wait3A_927 : memref<1x8x2048xf32, #tpu.memory_space<vmem>> -> memref<8x2048xf32, #tpu.memory_space<vmem>>
    %dma_wait3A_929 = arith.constant 0 : i32
    %dma_wait3A_930 = tpu.memref_slice %arg2[%add3A_536, %dma_wait3A_929] : memref<8192x2048xf32, #tpu.memory_space<hbm>> -> memref<8x2048xf32, #tpu.memory_space<hbm>>
    %dma_wait3A_931 = tpu.memref_slice %arg5[%dma_wait3A_924] : memref<6x!tpu.dma_semaphore, #tpu.memory_space<semaphore_mem>> -> memref<1x!tpu.dma_semaphore, #tpu.memory_space<semaphore_mem>>
    %dma_wait3A_932 = tpu.memref_squeeze %dma_wait3A_931 : memref<1x!tpu.dma_semaphore, #tpu.memory_space<semaphore_mem>> -> memref<!tpu.dma_semaphore, #tpu.memory_space<semaphore_mem>>
    %dma_wait3A_933 = arith.constant 0 : i32
    %dma_wait3A_934 = arith.constant 0 : i32
    %dma_wait3A_935 = tpu.memref_slice %arg4[%dma_wait3A_923, %dma_wait3A_933, %dma_wait3A_934] : memref<6x8x2048xf32, #tpu.memory_space<vmem>> -> memref<1x8x2048xf32, #tpu.memory_space<vmem>>
    %dma_wait3A_936 = tpu.memref_squeeze %dma_wait3A_935 : memref<1x8x2048xf32, #tpu.memory_space<vmem>> -> memref<8x2048xf32, #tpu.memory_space<vmem>>
    %dma_wait3A_937 = arith.constant 0 : i32
    %dma_wait3A_938 = tpu.memref_slice %arg2[%add3A_536, %dma_wait3A_937] : memref<8192x2048xf32, #tpu.memory_space<hbm>> -> memref<8x2048xf32, #tpu.memory_space<hbm>>
    tpu.wait_dma2 semaphore(%dma_wait3A_932 : memref<!tpu.dma_semaphore, #tpu.memory_space<semaphore_mem>>) src(%dma_wait3A_938 : memref<8x2048xf32, #tpu.memory_space<hbm>>) dst(%dma_wait3A_936 : memref<8x2048xf32, #tpu.memory_space<vmem>>)
    %add3A_939 = arith.constant 88 : i32
    %add3A_940 = arith.addi %mul3A_2, %add3A_939 : i32
    %dma_start3A_941 = arith.constant 5 : i32
    %dma_start3A_942 = arith.constant 0 : i32
    %dma_start3A_943 = arith.constant 5 : i32
    %dma_start3A_944 = arith.constant 0 : i32
    %dma_start3A_945 = arith.constant 0 : i32
    %dma_start3A_946 = tpu.memref_slice %arg4[%dma_start3A_941, %dma_start3A_944, %dma_start3A_945] : memref<6x8x2048xf32, #tpu.memory_space<vmem>> -> memref<1x8x2048xf32, #tpu.memory_space<vmem>>
    %dma_start3A_947 = tpu.memref_squeeze %dma_start3A_946 : memref<1x8x2048xf32, #tpu.memory_space<vmem>> -> memref<8x2048xf32, #tpu.memory_space<vmem>>
    %dma_start3A_948 = arith.constant 0 : i32
    %dma_start3A_949 = tpu.memref_slice %arg3[%dma_start3A_942, %add3A_940, %dma_start3A_948] : memref<1x8192x2048xf32, #tpu.memory_space<hbm>> -> memref<1x8x2048xf32, #tpu.memory_space<hbm>>
    %dma_start3A_950 = tpu.memref_squeeze %dma_start3A_949 : memref<1x8x2048xf32, #tpu.memory_space<hbm>> -> memref<8x2048xf32, #tpu.memory_space<hbm>>
    %dma_start3A_951 = tpu.memref_slice %arg6[%dma_start3A_943] : memref<6x!tpu.dma_semaphore, #tpu.memory_space<semaphore_mem>> -> memref<1x!tpu.dma_semaphore, #tpu.memory_space<semaphore_mem>>
    %dma_start3A_952 = tpu.memref_squeeze %dma_start3A_951 : memref<1x!tpu.dma_semaphore, #tpu.memory_space<semaphore_mem>> -> memref<!tpu.dma_semaphore, #tpu.memory_space<semaphore_mem>>
    %dma_start3A_953 = arith.constant 0 : i32
    %dma_start3A_954 = tpu.memref_slice %arg3[%dma_start3A_942, %add3A_940, %dma_start3A_953] : memref<1x8192x2048xf32, #tpu.memory_space<hbm>> -> memref<1x8x2048xf32, #tpu.memory_space<hbm>>
    %dma_start3A_955 = tpu.memref_squeeze %dma_start3A_954 : memref<1x8x2048xf32, #tpu.memory_space<hbm>> -> memref<8x2048xf32, #tpu.memory_space<hbm>>
    %dma_start3A_956 = arith.constant 0 : i32
    %dma_start3A_957 = arith.constant 0 : i32
    %dma_start3A_958 = tpu.memref_slice %arg4[%dma_start3A_941, %dma_start3A_956, %dma_start3A_957] : memref<6x8x2048xf32, #tpu.memory_space<vmem>> -> memref<1x8x2048xf32, #tpu.memory_space<vmem>>
    %dma_start3A_959 = tpu.memref_squeeze %dma_start3A_958 : memref<1x8x2048xf32, #tpu.memory_space<vmem>> -> memref<8x2048xf32, #tpu.memory_space<vmem>>
    tpu.enqueue_dma source(%dma_start3A_959 : memref<8x2048xf32, #tpu.memory_space<vmem>>) target(%dma_start3A_955 : memref<8x2048xf32, #tpu.memory_space<hbm>>) target_semaphore(%dma_start3A_952 : memref<!tpu.dma_semaphore, #tpu.memory_space<semaphore_mem>>)
    %dma_wait3A_960 = arith.constant 5 : i32
    %dma_wait3A_961 = arith.constant 0 : i32
    %dma_wait3A_962 = arith.constant 5 : i32
    %dma_wait3A_963 = arith.constant 0 : i32
    %dma_wait3A_964 = arith.constant 0 : i32
    %dma_wait3A_965 = tpu.memref_slice %arg4[%dma_wait3A_960, %dma_wait3A_963, %dma_wait3A_964] : memref<6x8x2048xf32, #tpu.memory_space<vmem>> -> memref<1x8x2048xf32, #tpu.memory_space<vmem>>
    %dma_wait3A_966 = tpu.memref_squeeze %dma_wait3A_965 : memref<1x8x2048xf32, #tpu.memory_space<vmem>> -> memref<8x2048xf32, #tpu.memory_space<vmem>>
    %dma_wait3A_967 = arith.constant 0 : i32
    %dma_wait3A_968 = tpu.memref_slice %arg3[%dma_wait3A_961, %add3A_940, %dma_wait3A_967] : memref<1x8192x2048xf32, #tpu.memory_space<hbm>> -> memref<1x8x2048xf32, #tpu.memory_space<hbm>>
    %dma_wait3A_969 = tpu.memref_squeeze %dma_wait3A_968 : memref<1x8x2048xf32, #tpu.memory_space<hbm>> -> memref<8x2048xf32, #tpu.memory_space<hbm>>
    %dma_wait3A_970 = tpu.memref_slice %arg6[%dma_wait3A_962] : memref<6x!tpu.dma_semaphore, #tpu.memory_space<semaphore_mem>> -> memref<1x!tpu.dma_semaphore, #tpu.memory_space<semaphore_mem>>
    %dma_wait3A_971 = tpu.memref_squeeze %dma_wait3A_970 : memref<1x!tpu.dma_semaphore, #tpu.memory_space<semaphore_mem>> -> memref<!tpu.dma_semaphore, #tpu.memory_space<semaphore_mem>>
    %dma_wait3A_972 = arith.constant 0 : i32
    %dma_wait3A_973 = tpu.memref_slice %arg3[%dma_wait3A_961, %add3A_940, %dma_wait3A_972] : memref<1x8192x2048xf32, #tpu.memory_space<hbm>> -> memref<1x8x2048xf32, #tpu.memory_space<hbm>>
    %dma_wait3A_974 = tpu.memref_squeeze %dma_wait3A_973 : memref<1x8x2048xf32, #tpu.memory_space<hbm>> -> memref<8x2048xf32, #tpu.memory_space<hbm>>
    %dma_wait3A_975 = arith.constant 0 : i32
    %dma_wait3A_976 = arith.constant 0 : i32
    %dma_wait3A_977 = tpu.memref_slice %arg4[%dma_wait3A_960, %dma_wait3A_975, %dma_wait3A_976] : memref<6x8x2048xf32, #tpu.memory_space<vmem>> -> memref<1x8x2048xf32, #tpu.memory_space<vmem>>
    %dma_wait3A_978 = tpu.memref_squeeze %dma_wait3A_977 : memref<1x8x2048xf32, #tpu.memory_space<vmem>> -> memref<8x2048xf32, #tpu.memory_space<vmem>>
    tpu.wait_dma2 semaphore(%dma_wait3A_971 : memref<!tpu.dma_semaphore, #tpu.memory_space<semaphore_mem>>) src(%dma_wait3A_978 : memref<8x2048xf32, #tpu.memory_space<vmem>>) dst(%dma_wait3A_974 : memref<8x2048xf32, #tpu.memory_space<hbm>>)
    %add3A_979 = arith.constant 136 : i32
    %add3A_980 = arith.addi %mul3A_2, %add3A_979 : i32
    %dma_start3A_981 = arith.constant 5 : i32
    %dma_start3A_982 = arith.constant 5 : i32
    %dma_start3A_983 = arith.constant 0 : i32
    %dma_start3A_984 = arith.constant 0 : i32
    %dma_start3A_985 = tpu.memref_slice %arg4[%dma_start3A_981, %dma_start3A_983, %dma_start3A_984] : memref<6x8x2048xf32, #tpu.memory_space<vmem>> -> memref<1x8x2048xf32, #tpu.memory_space<vmem>>
    %dma_start3A_986 = tpu.memref_squeeze %dma_start3A_985 : memref<1x8x2048xf32, #tpu.memory_space<vmem>> -> memref<8x2048xf32, #tpu.memory_space<vmem>>
    %dma_start3A_987 = arith.constant 0 : i32
    %dma_start3A_988 = tpu.memref_slice %arg2[%add3A_980, %dma_start3A_987] : memref<8192x2048xf32, #tpu.memory_space<hbm>> -> memref<8x2048xf32, #tpu.memory_space<hbm>>
    %dma_start3A_989 = tpu.memref_slice %arg5[%dma_start3A_982] : memref<6x!tpu.dma_semaphore, #tpu.memory_space<semaphore_mem>> -> memref<1x!tpu.dma_semaphore, #tpu.memory_space<semaphore_mem>>
    %dma_start3A_990 = tpu.memref_squeeze %dma_start3A_989 : memref<1x!tpu.dma_semaphore, #tpu.memory_space<semaphore_mem>> -> memref<!tpu.dma_semaphore, #tpu.memory_space<semaphore_mem>>
    %dma_start3A_991 = arith.constant 0 : i32
    %dma_start3A_992 = arith.constant 0 : i32
    %dma_start3A_993 = tpu.memref_slice %arg4[%dma_start3A_981, %dma_start3A_991, %dma_start3A_992] : memref<6x8x2048xf32, #tpu.memory_space<vmem>> -> memref<1x8x2048xf32, #tpu.memory_space<vmem>>
    %dma_start3A_994 = tpu.memref_squeeze %dma_start3A_993 : memref<1x8x2048xf32, #tpu.memory_space<vmem>> -> memref<8x2048xf32, #tpu.memory_space<vmem>>
    %dma_start3A_995 = arith.constant 0 : i32
    %dma_start3A_996 = tpu.memref_slice %arg2[%add3A_980, %dma_start3A_995] : memref<8192x2048xf32, #tpu.memory_space<hbm>> -> memref<8x2048xf32, #tpu.memory_space<hbm>>
    tpu.enqueue_dma source(%dma_start3A_996 : memref<8x2048xf32, #tpu.memory_space<hbm>>) target(%dma_start3A_994 : memref<8x2048xf32, #tpu.memory_space<vmem>>) target_semaphore(%dma_start3A_990 : memref<!tpu.dma_semaphore, #tpu.memory_space<semaphore_mem>>)
    %dma_wait3A_997 = arith.constant 0 : i32
    %dma_wait3A_998 = arith.constant 0 : i32
    %dma_wait3A_999 = arith.constant 0 : i32
    %dma_wait3A_1000 = arith.constant 0 : i32
    %dma_wait3A_1001 = tpu.memref_slice %arg4[%dma_wait3A_997, %dma_wait3A_999, %dma_wait3A_1000] : memref<6x8x2048xf32, #tpu.memory_space<vmem>> -> memref<1x8x2048xf32, #tpu.memory_space<vmem>>
    %dma_wait3A_1002 = tpu.memref_squeeze %dma_wait3A_1001 : memref<1x8x2048xf32, #tpu.memory_space<vmem>> -> memref<8x2048xf32, #tpu.memory_space<vmem>>
    %dma_wait3A_1003 = arith.constant 0 : i32
    %dma_wait3A_1004 = tpu.memref_slice %arg2[%add3A_610, %dma_wait3A_1003] : memref<8192x2048xf32, #tpu.memory_space<hbm>> -> memref<8x2048xf32, #tpu.memory_space<hbm>>
    %dma_wait3A_1005 = tpu.memref_slice %arg5[%dma_wait3A_998] : memref<6x!tpu.dma_semaphore, #tpu.memory_space<semaphore_mem>> -> memref<1x!tpu.dma_semaphore, #tpu.memory_space<semaphore_mem>>
    %dma_wait3A_1006 = tpu.memref_squeeze %dma_wait3A_1005 : memref<1x!tpu.dma_semaphore, #tpu.memory_space<semaphore_mem>> -> memref<!tpu.dma_semaphore, #tpu.memory_space<semaphore_mem>>
    %dma_wait3A_1007 = arith.constant 0 : i32
    %dma_wait3A_1008 = arith.constant 0 : i32
    %dma_wait3A_1009 = tpu.memref_slice %arg4[%dma_wait3A_997, %dma_wait3A_1007, %dma_wait3A_1008] : memref<6x8x2048xf32, #tpu.memory_space<vmem>> -> memref<1x8x2048xf32, #tpu.memory_space<vmem>>
    %dma_wait3A_1010 = tpu.memref_squeeze %dma_wait3A_1009 : memref<1x8x2048xf32, #tpu.memory_space<vmem>> -> memref<8x2048xf32, #tpu.memory_space<vmem>>
    %dma_wait3A_1011 = arith.constant 0 : i32
    %dma_wait3A_1012 = tpu.memref_slice %arg2[%add3A_610, %dma_wait3A_1011] : memref<8192x2048xf32, #tpu.memory_space<hbm>> -> memref<8x2048xf32, #tpu.memory_space<hbm>>
    tpu.wait_dma2 semaphore(%dma_wait3A_1006 : memref<!tpu.dma_semaphore, #tpu.memory_space<semaphore_mem>>) src(%dma_wait3A_1012 : memref<8x2048xf32, #tpu.memory_space<hbm>>) dst(%dma_wait3A_1010 : memref<8x2048xf32, #tpu.memory_space<vmem>>)
    %add3A_1013 = arith.constant 96 : i32
    %add3A_1014 = arith.addi %mul3A_2, %add3A_1013 : i32
    %dma_start3A_1015 = arith.constant 0 : i32
    %dma_start3A_1016 = arith.constant 0 : i32
    %dma_start3A_1017 = arith.constant 0 : i32
    %dma_start3A_1018 = arith.constant 0 : i32
    %dma_start3A_1019 = arith.constant 0 : i32
    %dma_start3A_1020 = tpu.memref_slice %arg4[%dma_start3A_1015, %dma_start3A_1018, %dma_start3A_1019] : memref<6x8x2048xf32, #tpu.memory_space<vmem>> -> memref<1x8x2048xf32, #tpu.memory_space<vmem>>
    %dma_start3A_1021 = tpu.memref_squeeze %dma_start3A_1020 : memref<1x8x2048xf32, #tpu.memory_space<vmem>> -> memref<8x2048xf32, #tpu.memory_space<vmem>>
    %dma_start3A_1022 = arith.constant 0 : i32
    %dma_start3A_1023 = tpu.memref_slice %arg3[%dma_start3A_1016, %add3A_1014, %dma_start3A_1022] : memref<1x8192x2048xf32, #tpu.memory_space<hbm>> -> memref<1x8x2048xf32, #tpu.memory_space<hbm>>
    %dma_start3A_1024 = tpu.memref_squeeze %dma_start3A_1023 : memref<1x8x2048xf32, #tpu.memory_space<hbm>> -> memref<8x2048xf32, #tpu.memory_space<hbm>>
    %dma_start3A_1025 = tpu.memref_slice %arg6[%dma_start3A_1017] : memref<6x!tpu.dma_semaphore, #tpu.memory_space<semaphore_mem>> -> memref<1x!tpu.dma_semaphore, #tpu.memory_space<semaphore_mem>>
    %dma_start3A_1026 = tpu.memref_squeeze %dma_start3A_1025 : memref<1x!tpu.dma_semaphore, #tpu.memory_space<semaphore_mem>> -> memref<!tpu.dma_semaphore, #tpu.memory_space<semaphore_mem>>
    %dma_start3A_1027 = arith.constant 0 : i32
    %dma_start3A_1028 = tpu.memref_slice %arg3[%dma_start3A_1016, %add3A_1014, %dma_start3A_1027] : memref<1x8192x2048xf32, #tpu.memory_space<hbm>> -> memref<1x8x2048xf32, #tpu.memory_space<hbm>>
    %dma_start3A_1029 = tpu.memref_squeeze %dma_start3A_1028 : memref<1x8x2048xf32, #tpu.memory_space<hbm>> -> memref<8x2048xf32, #tpu.memory_space<hbm>>
    %dma_start3A_1030 = arith.constant 0 : i32
    %dma_start3A_1031 = arith.constant 0 : i32
    %dma_start3A_1032 = tpu.memref_slice %arg4[%dma_start3A_1015, %dma_start3A_1030, %dma_start3A_1031] : memref<6x8x2048xf32, #tpu.memory_space<vmem>> -> memref<1x8x2048xf32, #tpu.memory_space<vmem>>
    %dma_start3A_1033 = tpu.memref_squeeze %dma_start3A_1032 : memref<1x8x2048xf32, #tpu.memory_space<vmem>> -> memref<8x2048xf32, #tpu.memory_space<vmem>>
    tpu.enqueue_dma source(%dma_start3A_1033 : memref<8x2048xf32, #tpu.memory_space<vmem>>) target(%dma_start3A_1029 : memref<8x2048xf32, #tpu.memory_space<hbm>>) target_semaphore(%dma_start3A_1026 : memref<!tpu.dma_semaphore, #tpu.memory_space<semaphore_mem>>)
    %dma_wait3A_1034 = arith.constant 0 : i32
    %dma_wait3A_1035 = arith.constant 0 : i32
    %dma_wait3A_1036 = arith.constant 0 : i32
    %dma_wait3A_1037 = arith.constant 0 : i32
    %dma_wait3A_1038 = arith.constant 0 : i32
    %dma_wait3A_1039 = tpu.memref_slice %arg4[%dma_wait3A_1034, %dma_wait3A_1037, %dma_wait3A_1038] : memref<6x8x2048xf32, #tpu.memory_space<vmem>> -> memref<1x8x2048xf32, #tpu.memory_space<vmem>>
    %dma_wait3A_1040 = tpu.memref_squeeze %dma_wait3A_1039 : memref<1x8x2048xf32, #tpu.memory_space<vmem>> -> memref<8x2048xf32, #tpu.memory_space<vmem>>
    %dma_wait3A_1041 = arith.constant 0 : i32
    %dma_wait3A_1042 = tpu.memref_slice %arg3[%dma_wait3A_1035, %add3A_1014, %dma_wait3A_1041] : memref<1x8192x2048xf32, #tpu.memory_space<hbm>> -> memref<1x8x2048xf32, #tpu.memory_space<hbm>>
    %dma_wait3A_1043 = tpu.memref_squeeze %dma_wait3A_1042 : memref<1x8x2048xf32, #tpu.memory_space<hbm>> -> memref<8x2048xf32, #tpu.memory_space<hbm>>
    %dma_wait3A_1044 = tpu.memref_slice %arg6[%dma_wait3A_1036] : memref<6x!tpu.dma_semaphore, #tpu.memory_space<semaphore_mem>> -> memref<1x!tpu.dma_semaphore, #tpu.memory_space<semaphore_mem>>
    %dma_wait3A_1045 = tpu.memref_squeeze %dma_wait3A_1044 : memref<1x!tpu.dma_semaphore, #tpu.memory_space<semaphore_mem>> -> memref<!tpu.dma_semaphore, #tpu.memory_space<semaphore_mem>>
    %dma_wait3A_1046 = arith.constant 0 : i32
    %dma_wait3A_1047 = tpu.memref_slice %arg3[%dma_wait3A_1035, %add3A_1014, %dma_wait3A_1046] : memref<1x8192x2048xf32, #tpu.memory_space<hbm>> -> memref<1x8x2048xf32, #tpu.memory_space<hbm>>
    %dma_wait3A_1048 = tpu.memref_squeeze %dma_wait3A_1047 : memref<1x8x2048xf32, #tpu.memory_space<hbm>> -> memref<8x2048xf32, #tpu.memory_space<hbm>>
    %dma_wait3A_1049 = arith.constant 0 : i32
    %dma_wait3A_1050 = arith.constant 0 : i32
    %dma_wait3A_1051 = tpu.memref_slice %arg4[%dma_wait3A_1034, %dma_wait3A_1049, %dma_wait3A_1050] : memref<6x8x2048xf32, #tpu.memory_space<vmem>> -> memref<1x8x2048xf32, #tpu.memory_space<vmem>>
    %dma_wait3A_1052 = tpu.memref_squeeze %dma_wait3A_1051 : memref<1x8x2048xf32, #tpu.memory_space<vmem>> -> memref<8x2048xf32, #tpu.memory_space<vmem>>
    tpu.wait_dma2 semaphore(%dma_wait3A_1045 : memref<!tpu.dma_semaphore, #tpu.memory_space<semaphore_mem>>) src(%dma_wait3A_1052 : memref<8x2048xf32, #tpu.memory_space<vmem>>) dst(%dma_wait3A_1048 : memref<8x2048xf32, #tpu.memory_space<hbm>>)
    %add3A_1053 = arith.constant 144 : i32
    %add3A_1054 = arith.addi %mul3A_2, %add3A_1053 : i32
    %dma_start3A_1055 = arith.constant 0 : i32
    %dma_start3A_1056 = arith.constant 0 : i32
    %dma_start3A_1057 = arith.constant 0 : i32
    %dma_start3A_1058 = arith.constant 0 : i32
    %dma_start3A_1059 = tpu.memref_slice %arg4[%dma_start3A_1055, %dma_start3A_1057, %dma_start3A_1058] : memref<6x8x2048xf32, #tpu.memory_space<vmem>> -> memref<1x8x2048xf32, #tpu.memory_space<vmem>>
    %dma_start3A_1060 = tpu.memref_squeeze %dma_start3A_1059 : memref<1x8x2048xf32, #tpu.memory_space<vmem>> -> memref<8x2048xf32, #tpu.memory_space<vmem>>
    %dma_start3A_1061 = arith.constant 0 : i32
    %dma_start3A_1062 = tpu.memref_slice %arg2[%add3A_1054, %dma_start3A_1061] : memref<8192x2048xf32, #tpu.memory_space<hbm>> -> memref<8x2048xf32, #tpu.memory_space<hbm>>
    %dma_start3A_1063 = tpu.memref_slice %arg5[%dma_start3A_1056] : memref<6x!tpu.dma_semaphore, #tpu.memory_space<semaphore_mem>> -> memref<1x!tpu.dma_semaphore, #tpu.memory_space<semaphore_mem>>
    %dma_start3A_1064 = tpu.memref_squeeze %dma_start3A_1063 : memref<1x!tpu.dma_semaphore, #tpu.memory_space<semaphore_mem>> -> memref<!tpu.dma_semaphore, #tpu.memory_space<semaphore_mem>>
    %dma_start3A_1065 = arith.constant 0 : i32
    %dma_start3A_1066 = arith.constant 0 : i32
    %dma_start3A_1067 = tpu.memref_slice %arg4[%dma_start3A_1055, %dma_start3A_1065, %dma_start3A_1066] : memref<6x8x2048xf32, #tpu.memory_space<vmem>> -> memref<1x8x2048xf32, #tpu.memory_space<vmem>>
    %dma_start3A_1068 = tpu.memref_squeeze %dma_start3A_1067 : memref<1x8x2048xf32, #tpu.memory_space<vmem>> -> memref<8x2048xf32, #tpu.memory_space<vmem>>
    %dma_start3A_1069 = arith.constant 0 : i32
    %dma_start3A_1070 = tpu.memref_slice %arg2[%add3A_1054, %dma_start3A_1069] : memref<8192x2048xf32, #tpu.memory_space<hbm>> -> memref<8x2048xf32, #tpu.memory_space<hbm>>
    tpu.enqueue_dma source(%dma_start3A_1070 : memref<8x2048xf32, #tpu.memory_space<hbm>>) target(%dma_start3A_1068 : memref<8x2048xf32, #tpu.memory_space<vmem>>) target_semaphore(%dma_start3A_1064 : memref<!tpu.dma_semaphore, #tpu.memory_space<semaphore_mem>>)
    %dma_wait3A_1071 = arith.constant 1 : i32
    %dma_wait3A_1072 = arith.constant 1 : i32
    %dma_wait3A_1073 = arith.constant 0 : i32
    %dma_wait3A_1074 = arith.constant 0 : i32
    %dma_wait3A_1075 = tpu.memref_slice %arg4[%dma_wait3A_1071, %dma_wait3A_1073, %dma_wait3A_1074] : memref<6x8x2048xf32, #tpu.memory_space<vmem>> -> memref<1x8x2048xf32, #tpu.memory_space<vmem>>
    %dma_wait3A_1076 = tpu.memref_squeeze %dma_wait3A_1075 : memref<1x8x2048xf32, #tpu.memory_space<vmem>> -> memref<8x2048xf32, #tpu.memory_space<vmem>>
    %dma_wait3A_1077 = arith.constant 0 : i32
    %dma_wait3A_1078 = tpu.memref_slice %arg2[%add3A_684, %dma_wait3A_1077] : memref<8192x2048xf32, #tpu.memory_space<hbm>> -> memref<8x2048xf32, #tpu.memory_space<hbm>>
    %dma_wait3A_1079 = tpu.memref_slice %arg5[%dma_wait3A_1072] : memref<6x!tpu.dma_semaphore, #tpu.memory_space<semaphore_mem>> -> memref<1x!tpu.dma_semaphore, #tpu.memory_space<semaphore_mem>>
    %dma_wait3A_1080 = tpu.memref_squeeze %dma_wait3A_1079 : memref<1x!tpu.dma_semaphore, #tpu.memory_space<semaphore_mem>> -> memref<!tpu.dma_semaphore, #tpu.memory_space<semaphore_mem>>
    %dma_wait3A_1081 = arith.constant 0 : i32
    %dma_wait3A_1082 = arith.constant 0 : i32
    %dma_wait3A_1083 = tpu.memref_slice %arg4[%dma_wait3A_1071, %dma_wait3A_1081, %dma_wait3A_1082] : memref<6x8x2048xf32, #tpu.memory_space<vmem>> -> memref<1x8x2048xf32, #tpu.memory_space<vmem>>
    %dma_wait3A_1084 = tpu.memref_squeeze %dma_wait3A_1083 : memref<1x8x2048xf32, #tpu.memory_space<vmem>> -> memref<8x2048xf32, #tpu.memory_space<vmem>>
    %dma_wait3A_1085 = arith.constant 0 : i32
    %dma_wait3A_1086 = tpu.memref_slice %arg2[%add3A_684, %dma_wait3A_1085] : memref<8192x2048xf32, #tpu.memory_space<hbm>> -> memref<8x2048xf32, #tpu.memory_space<hbm>>
    tpu.wait_dma2 semaphore(%dma_wait3A_1080 : memref<!tpu.dma_semaphore, #tpu.memory_space<semaphore_mem>>) src(%dma_wait3A_1086 : memref<8x2048xf32, #tpu.memory_space<hbm>>) dst(%dma_wait3A_1084 : memref<8x2048xf32, #tpu.memory_space<vmem>>)
    %add3A_1087 = arith.constant 104 : i32
    %add3A_1088 = arith.addi %mul3A_2, %add3A_1087 : i32
    %dma_start3A_1089 = arith.constant 1 : i32
    %dma_start3A_1090 = arith.constant 0 : i32
    %dma_start3A_1091 = arith.constant 1 : i32
    %dma_start3A_1092 = arith.constant 0 : i32
    %dma_start3A_1093 = arith.constant 0 : i32
    %dma_start3A_1094 = tpu.memref_slice %arg4[%dma_start3A_1089, %dma_start3A_1092, %dma_start3A_1093] : memref<6x8x2048xf32, #tpu.memory_space<vmem>> -> memref<1x8x2048xf32, #tpu.memory_space<vmem>>
    %dma_start3A_1095 = tpu.memref_squeeze %dma_start3A_1094 : memref<1x8x2048xf32, #tpu.memory_space<vmem>> -> memref<8x2048xf32, #tpu.memory_space<vmem>>
    %dma_start3A_1096 = arith.constant 0 : i32
    %dma_start3A_1097 = tpu.memref_slice %arg3[%dma_start3A_1090, %add3A_1088, %dma_start3A_1096] : memref<1x8192x2048xf32, #tpu.memory_space<hbm>> -> memref<1x8x2048xf32, #tpu.memory_space<hbm>>
    %dma_start3A_1098 = tpu.memref_squeeze %dma_start3A_1097 : memref<1x8x2048xf32, #tpu.memory_space<hbm>> -> memref<8x2048xf32, #tpu.memory_space<hbm>>
    %dma_start3A_1099 = tpu.memref_slice %arg6[%dma_start3A_1091] : memref<6x!tpu.dma_semaphore, #tpu.memory_space<semaphore_mem>> -> memref<1x!tpu.dma_semaphore, #tpu.memory_space<semaphore_mem>>
    %dma_start3A_1100 = tpu.memref_squeeze %dma_start3A_1099 : memref<1x!tpu.dma_semaphore, #tpu.memory_space<semaphore_mem>> -> memref<!tpu.dma_semaphore, #tpu.memory_space<semaphore_mem>>
    %dma_start3A_1101 = arith.constant 0 : i32
    %dma_start3A_1102 = tpu.memref_slice %arg3[%dma_start3A_1090, %add3A_1088, %dma_start3A_1101] : memref<1x8192x2048xf32, #tpu.memory_space<hbm>> -> memref<1x8x2048xf32, #tpu.memory_space<hbm>>
    %dma_start3A_1103 = tpu.memref_squeeze %dma_start3A_1102 : memref<1x8x2048xf32, #tpu.memory_space<hbm>> -> memref<8x2048xf32, #tpu.memory_space<hbm>>
    %dma_start3A_1104 = arith.constant 0 : i32
    %dma_start3A_1105 = arith.constant 0 : i32
    %dma_start3A_1106 = tpu.memref_slice %arg4[%dma_start3A_1089, %dma_start3A_1104, %dma_start3A_1105] : memref<6x8x2048xf32, #tpu.memory_space<vmem>> -> memref<1x8x2048xf32, #tpu.memory_space<vmem>>
    %dma_start3A_1107 = tpu.memref_squeeze %dma_start3A_1106 : memref<1x8x2048xf32, #tpu.memory_space<vmem>> -> memref<8x2048xf32, #tpu.memory_space<vmem>>
    tpu.enqueue_dma source(%dma_start3A_1107 : memref<8x2048xf32, #tpu.memory_space<vmem>>) target(%dma_start3A_1103 : memref<8x2048xf32, #tpu.memory_space<hbm>>) target_semaphore(%dma_start3A_1100 : memref<!tpu.dma_semaphore, #tpu.memory_space<semaphore_mem>>)
    %dma_wait3A_1108 = arith.constant 1 : i32
    %dma_wait3A_1109 = arith.constant 0 : i32
    %dma_wait3A_1110 = arith.constant 1 : i32
    %dma_wait3A_1111 = arith.constant 0 : i32
    %dma_wait3A_1112 = arith.constant 0 : i32
    %dma_wait3A_1113 = tpu.memref_slice %arg4[%dma_wait3A_1108, %dma_wait3A_1111, %dma_wait3A_1112] : memref<6x8x2048xf32, #tpu.memory_space<vmem>> -> memref<1x8x2048xf32, #tpu.memory_space<vmem>>
    %dma_wait3A_1114 = tpu.memref_squeeze %dma_wait3A_1113 : memref<1x8x2048xf32, #tpu.memory_space<vmem>> -> memref<8x2048xf32, #tpu.memory_space<vmem>>
    %dma_wait3A_1115 = arith.constant 0 : i32
    %dma_wait3A_1116 = tpu.memref_slice %arg3[%dma_wait3A_1109, %add3A_1088, %dma_wait3A_1115] : memref<1x8192x2048xf32, #tpu.memory_space<hbm>> -> memref<1x8x2048xf32, #tpu.memory_space<hbm>>
    %dma_wait3A_1117 = tpu.memref_squeeze %dma_wait3A_1116 : memref<1x8x2048xf32, #tpu.memory_space<hbm>> -> memref<8x2048xf32, #tpu.memory_space<hbm>>
    %dma_wait3A_1118 = tpu.memref_slice %arg6[%dma_wait3A_1110] : memref<6x!tpu.dma_semaphore, #tpu.memory_space<semaphore_mem>> -> memref<1x!tpu.dma_semaphore, #tpu.memory_space<semaphore_mem>>
    %dma_wait3A_1119 = tpu.memref_squeeze %dma_wait3A_1118 : memref<1x!tpu.dma_semaphore, #tpu.memory_space<semaphore_mem>> -> memref<!tpu.dma_semaphore, #tpu.memory_space<semaphore_mem>>
    %dma_wait3A_1120 = arith.constant 0 : i32
    %dma_wait3A_1121 = tpu.memref_slice %arg3[%dma_wait3A_1109, %add3A_1088, %dma_wait3A_1120] : memref<1x8192x2048xf32, #tpu.memory_space<hbm>> -> memref<1x8x2048xf32, #tpu.memory_space<hbm>>
    %dma_wait3A_1122 = tpu.memref_squeeze %dma_wait3A_1121 : memref<1x8x2048xf32, #tpu.memory_space<hbm>> -> memref<8x2048xf32, #tpu.memory_space<hbm>>
    %dma_wait3A_1123 = arith.constant 0 : i32
    %dma_wait3A_1124 = arith.constant 0 : i32
    %dma_wait3A_1125 = tpu.memref_slice %arg4[%dma_wait3A_1108, %dma_wait3A_1123, %dma_wait3A_1124] : memref<6x8x2048xf32, #tpu.memory_space<vmem>> -> memref<1x8x2048xf32, #tpu.memory_space<vmem>>
    %dma_wait3A_1126 = tpu.memref_squeeze %dma_wait3A_1125 : memref<1x8x2048xf32, #tpu.memory_space<vmem>> -> memref<8x2048xf32, #tpu.memory_space<vmem>>
    tpu.wait_dma2 semaphore(%dma_wait3A_1119 : memref<!tpu.dma_semaphore, #tpu.memory_space<semaphore_mem>>) src(%dma_wait3A_1126 : memref<8x2048xf32, #tpu.memory_space<vmem>>) dst(%dma_wait3A_1122 : memref<8x2048xf32, #tpu.memory_space<hbm>>)
    %add3A_1127 = arith.constant 152 : i32
    %add3A_1128 = arith.addi %mul3A_2, %add3A_1127 : i32
    %dma_start3A_1129 = arith.constant 1 : i32
    %dma_start3A_1130 = arith.constant 1 : i32
    %dma_start3A_1131 = arith.constant 0 : i32
    %dma_start3A_1132 = arith.constant 0 : i32
    %dma_start3A_1133 = tpu.memref_slice %arg4[%dma_start3A_1129, %dma_start3A_1131, %dma_start3A_1132] : memref<6x8x2048xf32, #tpu.memory_space<vmem>> -> memref<1x8x2048xf32, #tpu.memory_space<vmem>>
    %dma_start3A_1134 = tpu.memref_squeeze %dma_start3A_1133 : memref<1x8x2048xf32, #tpu.memory_space<vmem>> -> memref<8x2048xf32, #tpu.memory_space<vmem>>
    %dma_start3A_1135 = arith.constant 0 : i32
    %dma_start3A_1136 = tpu.memref_slice %arg2[%add3A_1128, %dma_start3A_1135] : memref<8192x2048xf32, #tpu.memory_space<hbm>> -> memref<8x2048xf32, #tpu.memory_space<hbm>>
    %dma_start3A_1137 = tpu.memref_slice %arg5[%dma_start3A_1130] : memref<6x!tpu.dma_semaphore, #tpu.memory_space<semaphore_mem>> -> memref<1x!tpu.dma_semaphore, #tpu.memory_space<semaphore_mem>>
    %dma_start3A_1138 = tpu.memref_squeeze %dma_start3A_1137 : memref<1x!tpu.dma_semaphore, #tpu.memory_space<semaphore_mem>> -> memref<!tpu.dma_semaphore, #tpu.memory_space<semaphore_mem>>
    %dma_start3A_1139 = arith.constant 0 : i32
    %dma_start3A_1140 = arith.constant 0 : i32
    %dma_start3A_1141 = tpu.memref_slice %arg4[%dma_start3A_1129, %dma_start3A_1139, %dma_start3A_1140] : memref<6x8x2048xf32, #tpu.memory_space<vmem>> -> memref<1x8x2048xf32, #tpu.memory_space<vmem>>
    %dma_start3A_1142 = tpu.memref_squeeze %dma_start3A_1141 : memref<1x8x2048xf32, #tpu.memory_space<vmem>> -> memref<8x2048xf32, #tpu.memory_space<vmem>>
    %dma_start3A_1143 = arith.constant 0 : i32
    %dma_start3A_1144 = tpu.memref_slice %arg2[%add3A_1128, %dma_start3A_1143] : memref<8192x2048xf32, #tpu.memory_space<hbm>> -> memref<8x2048xf32, #tpu.memory_space<hbm>>
    tpu.enqueue_dma source(%dma_start3A_1144 : memref<8x2048xf32, #tpu.memory_space<hbm>>) target(%dma_start3A_1142 : memref<8x2048xf32, #tpu.memory_space<vmem>>) target_semaphore(%dma_start3A_1138 : memref<!tpu.dma_semaphore, #tpu.memory_space<semaphore_mem>>)
    %dma_wait3A_1145 = arith.constant 2 : i32
    %dma_wait3A_1146 = arith.constant 2 : i32
    %dma_wait3A_1147 = arith.constant 0 : i32
    %dma_wait3A_1148 = arith.constant 0 : i32
    %dma_wait3A_1149 = tpu.memref_slice %arg4[%dma_wait3A_1145, %dma_wait3A_1147, %dma_wait3A_1148] : memref<6x8x2048xf32, #tpu.memory_space<vmem>> -> memref<1x8x2048xf32, #tpu.memory_space<vmem>>
    %dma_wait3A_1150 = tpu.memref_squeeze %dma_wait3A_1149 : memref<1x8x2048xf32, #tpu.memory_space<vmem>> -> memref<8x2048xf32, #tpu.memory_space<vmem>>
    %dma_wait3A_1151 = arith.constant 0 : i32
    %dma_wait3A_1152 = tpu.memref_slice %arg2[%add3A_758, %dma_wait3A_1151] : memref<8192x2048xf32, #tpu.memory_space<hbm>> -> memref<8x2048xf32, #tpu.memory_space<hbm>>
    %dma_wait3A_1153 = tpu.memref_slice %arg5[%dma_wait3A_1146] : memref<6x!tpu.dma_semaphore, #tpu.memory_space<semaphore_mem>> -> memref<1x!tpu.dma_semaphore, #tpu.memory_space<semaphore_mem>>
    %dma_wait3A_1154 = tpu.memref_squeeze %dma_wait3A_1153 : memref<1x!tpu.dma_semaphore, #tpu.memory_space<semaphore_mem>> -> memref<!tpu.dma_semaphore, #tpu.memory_space<semaphore_mem>>
    %dma_wait3A_1155 = arith.constant 0 : i32
    %dma_wait3A_1156 = arith.constant 0 : i32
    %dma_wait3A_1157 = tpu.memref_slice %arg4[%dma_wait3A_1145, %dma_wait3A_1155, %dma_wait3A_1156] : memref<6x8x2048xf32, #tpu.memory_space<vmem>> -> memref<1x8x2048xf32, #tpu.memory_space<vmem>>
    %dma_wait3A_1158 = tpu.memref_squeeze %dma_wait3A_1157 : memref<1x8x2048xf32, #tpu.memory_space<vmem>> -> memref<8x2048xf32, #tpu.memory_space<vmem>>
    %dma_wait3A_1159 = arith.constant 0 : i32
    %dma_wait3A_1160 = tpu.memref_slice %arg2[%add3A_758, %dma_wait3A_1159] : memref<8192x2048xf32, #tpu.memory_space<hbm>> -> memref<8x2048xf32, #tpu.memory_space<hbm>>
    tpu.wait_dma2 semaphore(%dma_wait3A_1154 : memref<!tpu.dma_semaphore, #tpu.memory_space<semaphore_mem>>) src(%dma_wait3A_1160 : memref<8x2048xf32, #tpu.memory_space<hbm>>) dst(%dma_wait3A_1158 : memref<8x2048xf32, #tpu.memory_space<vmem>>)
    %add3A_1161 = arith.constant 112 : i32
    %add3A_1162 = arith.addi %mul3A_2, %add3A_1161 : i32
    %dma_start3A_1163 = arith.constant 2 : i32
    %dma_start3A_1164 = arith.constant 0 : i32
    %dma_start3A_1165 = arith.constant 2 : i32
    %dma_start3A_1166 = arith.constant 0 : i32
    %dma_start3A_1167 = arith.constant 0 : i32
    %dma_start3A_1168 = tpu.memref_slice %arg4[%dma_start3A_1163, %dma_start3A_1166, %dma_start3A_1167] : memref<6x8x2048xf32, #tpu.memory_space<vmem>> -> memref<1x8x2048xf32, #tpu.memory_space<vmem>>
    %dma_start3A_1169 = tpu.memref_squeeze %dma_start3A_1168 : memref<1x8x2048xf32, #tpu.memory_space<vmem>> -> memref<8x2048xf32, #tpu.memory_space<vmem>>
    %dma_start3A_1170 = arith.constant 0 : i32
    %dma_start3A_1171 = tpu.memref_slice %arg3[%dma_start3A_1164, %add3A_1162, %dma_start3A_1170] : memref<1x8192x2048xf32, #tpu.memory_space<hbm>> -> memref<1x8x2048xf32, #tpu.memory_space<hbm>>
    %dma_start3A_1172 = tpu.memref_squeeze %dma_start3A_1171 : memref<1x8x2048xf32, #tpu.memory_space<hbm>> -> memref<8x2048xf32, #tpu.memory_space<hbm>>
    %dma_start3A_1173 = tpu.memref_slice %arg6[%dma_start3A_1165] : memref<6x!tpu.dma_semaphore, #tpu.memory_space<semaphore_mem>> -> memref<1x!tpu.dma_semaphore, #tpu.memory_space<semaphore_mem>>
    %dma_start3A_1174 = tpu.memref_squeeze %dma_start3A_1173 : memref<1x!tpu.dma_semaphore, #tpu.memory_space<semaphore_mem>> -> memref<!tpu.dma_semaphore, #tpu.memory_space<semaphore_mem>>
    %dma_start3A_1175 = arith.constant 0 : i32
    %dma_start3A_1176 = tpu.memref_slice %arg3[%dma_start3A_1164, %add3A_1162, %dma_start3A_1175] : memref<1x8192x2048xf32, #tpu.memory_space<hbm>> -> memref<1x8x2048xf32, #tpu.memory_space<hbm>>
    %dma_start3A_1177 = tpu.memref_squeeze %dma_start3A_1176 : memref<1x8x2048xf32, #tpu.memory_space<hbm>> -> memref<8x2048xf32, #tpu.memory_space<hbm>>
    %dma_start3A_1178 = arith.constant 0 : i32
    %dma_start3A_1179 = arith.constant 0 : i32
    %dma_start3A_1180 = tpu.memref_slice %arg4[%dma_start3A_1163, %dma_start3A_1178, %dma_start3A_1179] : memref<6x8x2048xf32, #tpu.memory_space<vmem>> -> memref<1x8x2048xf32, #tpu.memory_space<vmem>>
    %dma_start3A_1181 = tpu.memref_squeeze %dma_start3A_1180 : memref<1x8x2048xf32, #tpu.memory_space<vmem>> -> memref<8x2048xf32, #tpu.memory_space<vmem>>
    tpu.enqueue_dma source(%dma_start3A_1181 : memref<8x2048xf32, #tpu.memory_space<vmem>>) target(%dma_start3A_1177 : memref<8x2048xf32, #tpu.memory_space<hbm>>) target_semaphore(%dma_start3A_1174 : memref<!tpu.dma_semaphore, #tpu.memory_space<semaphore_mem>>)
    %dma_wait3A_1182 = arith.constant 2 : i32
    %dma_wait3A_1183 = arith.constant 0 : i32
    %dma_wait3A_1184 = arith.constant 2 : i32
    %dma_wait3A_1185 = arith.constant 0 : i32
    %dma_wait3A_1186 = arith.constant 0 : i32
    %dma_wait3A_1187 = tpu.memref_slice %arg4[%dma_wait3A_1182, %dma_wait3A_1185, %dma_wait3A_1186] : memref<6x8x2048xf32, #tpu.memory_space<vmem>> -> memref<1x8x2048xf32, #tpu.memory_space<vmem>>
    %dma_wait3A_1188 = tpu.memref_squeeze %dma_wait3A_1187 : memref<1x8x2048xf32, #tpu.memory_space<vmem>> -> memref<8x2048xf32, #tpu.memory_space<vmem>>
    %dma_wait3A_1189 = arith.constant 0 : i32
    %dma_wait3A_1190 = tpu.memref_slice %arg3[%dma_wait3A_1183, %add3A_1162, %dma_wait3A_1189] : memref<1x8192x2048xf32, #tpu.memory_space<hbm>> -> memref<1x8x2048xf32, #tpu.memory_space<hbm>>
    %dma_wait3A_1191 = tpu.memref_squeeze %dma_wait3A_1190 : memref<1x8x2048xf32, #tpu.memory_space<hbm>> -> memref<8x2048xf32, #tpu.memory_space<hbm>>
    %dma_wait3A_1192 = tpu.memref_slice %arg6[%dma_wait3A_1184] : memref<6x!tpu.dma_semaphore, #tpu.memory_space<semaphore_mem>> -> memref<1x!tpu.dma_semaphore, #tpu.memory_space<semaphore_mem>>
    %dma_wait3A_1193 = tpu.memref_squeeze %dma_wait3A_1192 : memref<1x!tpu.dma_semaphore, #tpu.memory_space<semaphore_mem>> -> memref<!tpu.dma_semaphore, #tpu.memory_space<semaphore_mem>>
    %dma_wait3A_1194 = arith.constant 0 : i32
    %dma_wait3A_1195 = tpu.memref_slice %arg3[%dma_wait3A_1183, %add3A_1162, %dma_wait3A_1194] : memref<1x8192x2048xf32, #tpu.memory_space<hbm>> -> memref<1x8x2048xf32, #tpu.memory_space<hbm>>
    %dma_wait3A_1196 = tpu.memref_squeeze %dma_wait3A_1195 : memref<1x8x2048xf32, #tpu.memory_space<hbm>> -> memref<8x2048xf32, #tpu.memory_space<hbm>>
    %dma_wait3A_1197 = arith.constant 0 : i32
    %dma_wait3A_1198 = arith.constant 0 : i32
    %dma_wait3A_1199 = tpu.memref_slice %arg4[%dma_wait3A_1182, %dma_wait3A_1197, %dma_wait3A_1198] : memref<6x8x2048xf32, #tpu.memory_space<vmem>> -> memref<1x8x2048xf32, #tpu.memory_space<vmem>>
    %dma_wait3A_1200 = tpu.memref_squeeze %dma_wait3A_1199 : memref<1x8x2048xf32, #tpu.memory_space<vmem>> -> memref<8x2048xf32, #tpu.memory_space<vmem>>
    tpu.wait_dma2 semaphore(%dma_wait3A_1193 : memref<!tpu.dma_semaphore, #tpu.memory_space<semaphore_mem>>) src(%dma_wait3A_1200 : memref<8x2048xf32, #tpu.memory_space<vmem>>) dst(%dma_wait3A_1196 : memref<8x2048xf32, #tpu.memory_space<hbm>>)
    %add3A_1201 = arith.constant 160 : i32
    %add3A_1202 = arith.addi %mul3A_2, %add3A_1201 : i32
    %dma_start3A_1203 = arith.constant 2 : i32
    %dma_start3A_1204 = arith.constant 2 : i32
    %dma_start3A_1205 = arith.constant 0 : i32
    %dma_start3A_1206 = arith.constant 0 : i32
    %dma_start3A_1207 = tpu.memref_slice %arg4[%dma_start3A_1203, %dma_start3A_1205, %dma_start3A_1206] : memref<6x8x2048xf32, #tpu.memory_space<vmem>> -> memref<1x8x2048xf32, #tpu.memory_space<vmem>>
    %dma_start3A_1208 = tpu.memref_squeeze %dma_start3A_1207 : memref<1x8x2048xf32, #tpu.memory_space<vmem>> -> memref<8x2048xf32, #tpu.memory_space<vmem>>
    %dma_start3A_1209 = arith.constant 0 : i32
    %dma_start3A_1210 = tpu.memref_slice %arg2[%add3A_1202, %dma_start3A_1209] : memref<8192x2048xf32, #tpu.memory_space<hbm>> -> memref<8x2048xf32, #tpu.memory_space<hbm>>
    %dma_start3A_1211 = tpu.memref_slice %arg5[%dma_start3A_1204] : memref<6x!tpu.dma_semaphore, #tpu.memory_space<semaphore_mem>> -> memref<1x!tpu.dma_semaphore, #tpu.memory_space<semaphore_mem>>
    %dma_start3A_1212 = tpu.memref_squeeze %dma_start3A_1211 : memref<1x!tpu.dma_semaphore, #tpu.memory_space<semaphore_mem>> -> memref<!tpu.dma_semaphore, #tpu.memory_space<semaphore_mem>>
    %dma_start3A_1213 = arith.constant 0 : i32
    %dma_start3A_1214 = arith.constant 0 : i32
    %dma_start3A_1215 = tpu.memref_slice %arg4[%dma_start3A_1203, %dma_start3A_1213, %dma_start3A_1214] : memref<6x8x2048xf32, #tpu.memory_space<vmem>> -> memref<1x8x2048xf32, #tpu.memory_space<vmem>>
    %dma_start3A_1216 = tpu.memref_squeeze %dma_start3A_1215 : memref<1x8x2048xf32, #tpu.memory_space<vmem>> -> memref<8x2048xf32, #tpu.memory_space<vmem>>
    %dma_start3A_1217 = arith.constant 0 : i32
    %dma_start3A_1218 = tpu.memref_slice %arg2[%add3A_1202, %dma_start3A_1217] : memref<8192x2048xf32, #tpu.memory_space<hbm>> -> memref<8x2048xf32, #tpu.memory_space<hbm>>
    tpu.enqueue_dma source(%dma_start3A_1218 : memref<8x2048xf32, #tpu.memory_space<hbm>>) target(%dma_start3A_1216 : memref<8x2048xf32, #tpu.memory_space<vmem>>) target_semaphore(%dma_start3A_1212 : memref<!tpu.dma_semaphore, #tpu.memory_space<semaphore_mem>>)
    %dma_wait3A_1219 = arith.constant 3 : i32
    %dma_wait3A_1220 = arith.constant 3 : i32
    %dma_wait3A_1221 = arith.constant 0 : i32
    %dma_wait3A_1222 = arith.constant 0 : i32
    %dma_wait3A_1223 = tpu.memref_slice %arg4[%dma_wait3A_1219, %dma_wait3A_1221, %dma_wait3A_1222] : memref<6x8x2048xf32, #tpu.memory_space<vmem>> -> memref<1x8x2048xf32, #tpu.memory_space<vmem>>
    %dma_wait3A_1224 = tpu.memref_squeeze %dma_wait3A_1223 : memref<1x8x2048xf32, #tpu.memory_space<vmem>> -> memref<8x2048xf32, #tpu.memory_space<vmem>>
    %dma_wait3A_1225 = arith.constant 0 : i32
    %dma_wait3A_1226 = tpu.memref_slice %arg2[%add3A_832, %dma_wait3A_1225] : memref<8192x2048xf32, #tpu.memory_space<hbm>> -> memref<8x2048xf32, #tpu.memory_space<hbm>>
    %dma_wait3A_1227 = tpu.memref_slice %arg5[%dma_wait3A_1220] : memref<6x!tpu.dma_semaphore, #tpu.memory_space<semaphore_mem>> -> memref<1x!tpu.dma_semaphore, #tpu.memory_space<semaphore_mem>>
    %dma_wait3A_1228 = tpu.memref_squeeze %dma_wait3A_1227 : memref<1x!tpu.dma_semaphore, #tpu.memory_space<semaphore_mem>> -> memref<!tpu.dma_semaphore, #tpu.memory_space<semaphore_mem>>
    %dma_wait3A_1229 = arith.constant 0 : i32
    %dma_wait3A_1230 = arith.constant 0 : i32
    %dma_wait3A_1231 = tpu.memref_slice %arg4[%dma_wait3A_1219, %dma_wait3A_1229, %dma_wait3A_1230] : memref<6x8x2048xf32, #tpu.memory_space<vmem>> -> memref<1x8x2048xf32, #tpu.memory_space<vmem>>
    %dma_wait3A_1232 = tpu.memref_squeeze %dma_wait3A_1231 : memref<1x8x2048xf32, #tpu.memory_space<vmem>> -> memref<8x2048xf32, #tpu.memory_space<vmem>>
    %dma_wait3A_1233 = arith.constant 0 : i32
    %dma_wait3A_1234 = tpu.memref_slice %arg2[%add3A_832, %dma_wait3A_1233] : memref<8192x2048xf32, #tpu.memory_space<hbm>> -> memref<8x2048xf32, #tpu.memory_space<hbm>>
    tpu.wait_dma2 semaphore(%dma_wait3A_1228 : memref<!tpu.dma_semaphore, #tpu.memory_space<semaphore_mem>>) src(%dma_wait3A_1234 : memref<8x2048xf32, #tpu.memory_space<hbm>>) dst(%dma_wait3A_1232 : memref<8x2048xf32, #tpu.memory_space<vmem>>)
    %add3A_1235 = arith.constant 120 : i32
    %add3A_1236 = arith.addi %mul3A_2, %add3A_1235 : i32
    %dma_start3A_1237 = arith.constant 3 : i32
    %dma_start3A_1238 = arith.constant 0 : i32
    %dma_start3A_1239 = arith.constant 3 : i32
    %dma_start3A_1240 = arith.constant 0 : i32
    %dma_start3A_1241 = arith.constant 0 : i32
    %dma_start3A_1242 = tpu.memref_slice %arg4[%dma_start3A_1237, %dma_start3A_1240, %dma_start3A_1241] : memref<6x8x2048xf32, #tpu.memory_space<vmem>> -> memref<1x8x2048xf32, #tpu.memory_space<vmem>>
    %dma_start3A_1243 = tpu.memref_squeeze %dma_start3A_1242 : memref<1x8x2048xf32, #tpu.memory_space<vmem>> -> memref<8x2048xf32, #tpu.memory_space<vmem>>
    %dma_start3A_1244 = arith.constant 0 : i32
    %dma_start3A_1245 = tpu.memref_slice %arg3[%dma_start3A_1238, %add3A_1236, %dma_start3A_1244] : memref<1x8192x2048xf32, #tpu.memory_space<hbm>> -> memref<1x8x2048xf32, #tpu.memory_space<hbm>>
    %dma_start3A_1246 = tpu.memref_squeeze %dma_start3A_1245 : memref<1x8x2048xf32, #tpu.memory_space<hbm>> -> memref<8x2048xf32, #tpu.memory_space<hbm>>
    %dma_start3A_1247 = tpu.memref_slice %arg6[%dma_start3A_1239] : memref<6x!tpu.dma_semaphore, #tpu.memory_space<semaphore_mem>> -> memref<1x!tpu.dma_semaphore, #tpu.memory_space<semaphore_mem>>
    %dma_start3A_1248 = tpu.memref_squeeze %dma_start3A_1247 : memref<1x!tpu.dma_semaphore, #tpu.memory_space<semaphore_mem>> -> memref<!tpu.dma_semaphore, #tpu.memory_space<semaphore_mem>>
    %dma_start3A_1249 = arith.constant 0 : i32
    %dma_start3A_1250 = tpu.memref_slice %arg3[%dma_start3A_1238, %add3A_1236, %dma_start3A_1249] : memref<1x8192x2048xf32, #tpu.memory_space<hbm>> -> memref<1x8x2048xf32, #tpu.memory_space<hbm>>
    %dma_start3A_1251 = tpu.memref_squeeze %dma_start3A_1250 : memref<1x8x2048xf32, #tpu.memory_space<hbm>> -> memref<8x2048xf32, #tpu.memory_space<hbm>>
    %dma_start3A_1252 = arith.constant 0 : i32
    %dma_start3A_1253 = arith.constant 0 : i32
    %dma_start3A_1254 = tpu.memref_slice %arg4[%dma_start3A_1237, %dma_start3A_1252, %dma_start3A_1253] : memref<6x8x2048xf32, #tpu.memory_space<vmem>> -> memref<1x8x2048xf32, #tpu.memory_space<vmem>>
    %dma_start3A_1255 = tpu.memref_squeeze %dma_start3A_1254 : memref<1x8x2048xf32, #tpu.memory_space<vmem>> -> memref<8x2048xf32, #tpu.memory_space<vmem>>
    tpu.enqueue_dma source(%dma_start3A_1255 : memref<8x2048xf32, #tpu.memory_space<vmem>>) target(%dma_start3A_1251 : memref<8x2048xf32, #tpu.memory_space<hbm>>) target_semaphore(%dma_start3A_1248 : memref<!tpu.dma_semaphore, #tpu.memory_space<semaphore_mem>>)
    %dma_wait3A_1256 = arith.constant 3 : i32
    %dma_wait3A_1257 = arith.constant 0 : i32
    %dma_wait3A_1258 = arith.constant 3 : i32
    %dma_wait3A_1259 = arith.constant 0 : i32
    %dma_wait3A_1260 = arith.constant 0 : i32
    %dma_wait3A_1261 = tpu.memref_slice %arg4[%dma_wait3A_1256, %dma_wait3A_1259, %dma_wait3A_1260] : memref<6x8x2048xf32, #tpu.memory_space<vmem>> -> memref<1x8x2048xf32, #tpu.memory_space<vmem>>
    %dma_wait3A_1262 = tpu.memref_squeeze %dma_wait3A_1261 : memref<1x8x2048xf32, #tpu.memory_space<vmem>> -> memref<8x2048xf32, #tpu.memory_space<vmem>>
    %dma_wait3A_1263 = arith.constant 0 : i32
    %dma_wait3A_1264 = tpu.memref_slice %arg3[%dma_wait3A_1257, %add3A_1236, %dma_wait3A_1263] : memref<1x8192x2048xf32, #tpu.memory_space<hbm>> -> memref<1x8x2048xf32, #tpu.memory_space<hbm>>
    %dma_wait3A_1265 = tpu.memref_squeeze %dma_wait3A_1264 : memref<1x8x2048xf32, #tpu.memory_space<hbm>> -> memref<8x2048xf32, #tpu.memory_space<hbm>>
    %dma_wait3A_1266 = tpu.memref_slice %arg6[%dma_wait3A_1258] : memref<6x!tpu.dma_semaphore, #tpu.memory_space<semaphore_mem>> -> memref<1x!tpu.dma_semaphore, #tpu.memory_space<semaphore_mem>>
    %dma_wait3A_1267 = tpu.memref_squeeze %dma_wait3A_1266 : memref<1x!tpu.dma_semaphore, #tpu.memory_space<semaphore_mem>> -> memref<!tpu.dma_semaphore, #tpu.memory_space<semaphore_mem>>
    %dma_wait3A_1268 = arith.constant 0 : i32
    %dma_wait3A_1269 = tpu.memref_slice %arg3[%dma_wait3A_1257, %add3A_1236, %dma_wait3A_1268] : memref<1x8192x2048xf32, #tpu.memory_space<hbm>> -> memref<1x8x2048xf32, #tpu.memory_space<hbm>>
    %dma_wait3A_1270 = tpu.memref_squeeze %dma_wait3A_1269 : memref<1x8x2048xf32, #tpu.memory_space<hbm>> -> memref<8x2048xf32, #tpu.memory_space<hbm>>
    %dma_wait3A_1271 = arith.constant 0 : i32
    %dma_wait3A_1272 = arith.constant 0 : i32
    %dma_wait3A_1273 = tpu.memref_slice %arg4[%dma_wait3A_1256, %dma_wait3A_1271, %dma_wait3A_1272] : memref<6x8x2048xf32, #tpu.memory_space<vmem>> -> memref<1x8x2048xf32, #tpu.memory_space<vmem>>
    %dma_wait3A_1274 = tpu.memref_squeeze %dma_wait3A_1273 : memref<1x8x2048xf32, #tpu.memory_space<vmem>> -> memref<8x2048xf32, #tpu.memory_space<vmem>>
    tpu.wait_dma2 semaphore(%dma_wait3A_1267 : memref<!tpu.dma_semaphore, #tpu.memory_space<semaphore_mem>>) src(%dma_wait3A_1274 : memref<8x2048xf32, #tpu.memory_space<vmem>>) dst(%dma_wait3A_1270 : memref<8x2048xf32, #tpu.memory_space<hbm>>)
    %add3A_1275 = arith.constant 168 : i32
    %add3A_1276 = arith.addi %mul3A_2, %add3A_1275 : i32
    %dma_start3A_1277 = arith.constant 3 : i32
    %dma_start3A_1278 = arith.constant 3 : i32
    %dma_start3A_1279 = arith.constant 0 : i32
    %dma_start3A_1280 = arith.constant 0 : i32
    %dma_start3A_1281 = tpu.memref_slice %arg4[%dma_start3A_1277, %dma_start3A_1279, %dma_start3A_1280] : memref<6x8x2048xf32, #tpu.memory_space<vmem>> -> memref<1x8x2048xf32, #tpu.memory_space<vmem>>
    %dma_start3A_1282 = tpu.memref_squeeze %dma_start3A_1281 : memref<1x8x2048xf32, #tpu.memory_space<vmem>> -> memref<8x2048xf32, #tpu.memory_space<vmem>>
    %dma_start3A_1283 = arith.constant 0 : i32
    %dma_start3A_1284 = tpu.memref_slice %arg2[%add3A_1276, %dma_start3A_1283] : memref<8192x2048xf32, #tpu.memory_space<hbm>> -> memref<8x2048xf32, #tpu.memory_space<hbm>>
    %dma_start3A_1285 = tpu.memref_slice %arg5[%dma_start3A_1278] : memref<6x!tpu.dma_semaphore, #tpu.memory_space<semaphore_mem>> -> memref<1x!tpu.dma_semaphore, #tpu.memory_space<semaphore_mem>>
    %dma_start3A_1286 = tpu.memref_squeeze %dma_start3A_1285 : memref<1x!tpu.dma_semaphore, #tpu.memory_space<semaphore_mem>> -> memref<!tpu.dma_semaphore, #tpu.memory_space<semaphore_mem>>
    %dma_start3A_1287 = arith.constant 0 : i32
    %dma_start3A_1288 = arith.constant 0 : i32
    %dma_start3A_1289 = tpu.memref_slice %arg4[%dma_start3A_1277, %dma_start3A_1287, %dma_start3A_1288] : memref<6x8x2048xf32, #tpu.memory_space<vmem>> -> memref<1x8x2048xf32, #tpu.memory_space<vmem>>
    %dma_start3A_1290 = tpu.memref_squeeze %dma_start3A_1289 : memref<1x8x2048xf32, #tpu.memory_space<vmem>> -> memref<8x2048xf32, #tpu.memory_space<vmem>>
    %dma_start3A_1291 = arith.constant 0 : i32
    %dma_start3A_1292 = tpu.memref_slice %arg2[%add3A_1276, %dma_start3A_1291] : memref<8192x2048xf32, #tpu.memory_space<hbm>> -> memref<8x2048xf32, #tpu.memory_space<hbm>>
    tpu.enqueue_dma source(%dma_start3A_1292 : memref<8x2048xf32, #tpu.memory_space<hbm>>) target(%dma_start3A_1290 : memref<8x2048xf32, #tpu.memory_space<vmem>>) target_semaphore(%dma_start3A_1286 : memref<!tpu.dma_semaphore, #tpu.memory_space<semaphore_mem>>)
    %dma_wait3A_1293 = arith.constant 4 : i32
    %dma_wait3A_1294 = arith.constant 4 : i32
    %dma_wait3A_1295 = arith.constant 0 : i32
    %dma_wait3A_1296 = arith.constant 0 : i32
    %dma_wait3A_1297 = tpu.memref_slice %arg4[%dma_wait3A_1293, %dma_wait3A_1295, %dma_wait3A_1296] : memref<6x8x2048xf32, #tpu.memory_space<vmem>> -> memref<1x8x2048xf32, #tpu.memory_space<vmem>>
    %dma_wait3A_1298 = tpu.memref_squeeze %dma_wait3A_1297 : memref<1x8x2048xf32, #tpu.memory_space<vmem>> -> memref<8x2048xf32, #tpu.memory_space<vmem>>
    %dma_wait3A_1299 = arith.constant 0 : i32
    %dma_wait3A_1300 = tpu.memref_slice %arg2[%add3A_906, %dma_wait3A_1299] : memref<8192x2048xf32, #tpu.memory_space<hbm>> -> memref<8x2048xf32, #tpu.memory_space<hbm>>
    %dma_wait3A_1301 = tpu.memref_slice %arg5[%dma_wait3A_1294] : memref<6x!tpu.dma_semaphore, #tpu.memory_space<semaphore_mem>> -> memref<1x!tpu.dma_semaphore, #tpu.memory_space<semaphore_mem>>
    %dma_wait3A_1302 = tpu.memref_squeeze %dma_wait3A_1301 : memref<1x!tpu.dma_semaphore, #tpu.memory_space<semaphore_mem>> -> memref<!tpu.dma_semaphore, #tpu.memory_space<semaphore_mem>>
    %dma_wait3A_1303 = arith.constant 0 : i32
    %dma_wait3A_1304 = arith.constant 0 : i32
    %dma_wait3A_1305 = tpu.memref_slice %arg4[%dma_wait3A_1293, %dma_wait3A_1303, %dma_wait3A_1304] : memref<6x8x2048xf32, #tpu.memory_space<vmem>> -> memref<1x8x2048xf32, #tpu.memory_space<vmem>>
    %dma_wait3A_1306 = tpu.memref_squeeze %dma_wait3A_1305 : memref<1x8x2048xf32, #tpu.memory_space<vmem>> -> memref<8x2048xf32, #tpu.memory_space<vmem>>
    %dma_wait3A_1307 = arith.constant 0 : i32
    %dma_wait3A_1308 = tpu.memref_slice %arg2[%add3A_906, %dma_wait3A_1307] : memref<8192x2048xf32, #tpu.memory_space<hbm>> -> memref<8x2048xf32, #tpu.memory_space<hbm>>
    tpu.wait_dma2 semaphore(%dma_wait3A_1302 : memref<!tpu.dma_semaphore, #tpu.memory_space<semaphore_mem>>) src(%dma_wait3A_1308 : memref<8x2048xf32, #tpu.memory_space<hbm>>) dst(%dma_wait3A_1306 : memref<8x2048xf32, #tpu.memory_space<vmem>>)
    %add3A_1309 = arith.constant 128 : i32
    %add3A_1310 = arith.addi %mul3A_2, %add3A_1309 : i32
    %dma_start3A_1311 = arith.constant 4 : i32
    %dma_start3A_1312 = arith.constant 0 : i32
    %dma_start3A_1313 = arith.constant 4 : i32
    %dma_start3A_1314 = arith.constant 0 : i32
    %dma_start3A_1315 = arith.constant 0 : i32
    %dma_start3A_1316 = tpu.memref_slice %arg4[%dma_start3A_1311, %dma_start3A_1314, %dma_start3A_1315] : memref<6x8x2048xf32, #tpu.memory_space<vmem>> -> memref<1x8x2048xf32, #tpu.memory_space<vmem>>
    %dma_start3A_1317 = tpu.memref_squeeze %dma_start3A_1316 : memref<1x8x2048xf32, #tpu.memory_space<vmem>> -> memref<8x2048xf32, #tpu.memory_space<vmem>>
    %dma_start3A_1318 = arith.constant 0 : i32
    %dma_start3A_1319 = tpu.memref_slice %arg3[%dma_start3A_1312, %add3A_1310, %dma_start3A_1318] : memref<1x8192x2048xf32, #tpu.memory_space<hbm>> -> memref<1x8x2048xf32, #tpu.memory_space<hbm>>
    %dma_start3A_1320 = tpu.memref_squeeze %dma_start3A_1319 : memref<1x8x2048xf32, #tpu.memory_space<hbm>> -> memref<8x2048xf32, #tpu.memory_space<hbm>>
    %dma_start3A_1321 = tpu.memref_slice %arg6[%dma_start3A_1313] : memref<6x!tpu.dma_semaphore, #tpu.memory_space<semaphore_mem>> -> memref<1x!tpu.dma_semaphore, #tpu.memory_space<semaphore_mem>>
    %dma_start3A_1322 = tpu.memref_squeeze %dma_start3A_1321 : memref<1x!tpu.dma_semaphore, #tpu.memory_space<semaphore_mem>> -> memref<!tpu.dma_semaphore, #tpu.memory_space<semaphore_mem>>
    %dma_start3A_1323 = arith.constant 0 : i32
    %dma_start3A_1324 = tpu.memref_slice %arg3[%dma_start3A_1312, %add3A_1310, %dma_start3A_1323] : memref<1x8192x2048xf32, #tpu.memory_space<hbm>> -> memref<1x8x2048xf32, #tpu.memory_space<hbm>>
    %dma_start3A_1325 = tpu.memref_squeeze %dma_start3A_1324 : memref<1x8x2048xf32, #tpu.memory_space<hbm>> -> memref<8x2048xf32, #tpu.memory_space<hbm>>
    %dma_start3A_1326 = arith.constant 0 : i32
    %dma_start3A_1327 = arith.constant 0 : i32
    %dma_start3A_1328 = tpu.memref_slice %arg4[%dma_start3A_1311, %dma_start3A_1326, %dma_start3A_1327] : memref<6x8x2048xf32, #tpu.memory_space<vmem>> -> memref<1x8x2048xf32, #tpu.memory_space<vmem>>
    %dma_start3A_1329 = tpu.memref_squeeze %dma_start3A_1328 : memref<1x8x2048xf32, #tpu.memory_space<vmem>> -> memref<8x2048xf32, #tpu.memory_space<vmem>>
    tpu.enqueue_dma source(%dma_start3A_1329 : memref<8x2048xf32, #tpu.memory_space<vmem>>) target(%dma_start3A_1325 : memref<8x2048xf32, #tpu.memory_space<hbm>>) target_semaphore(%dma_start3A_1322 : memref<!tpu.dma_semaphore, #tpu.memory_space<semaphore_mem>>)
    %dma_wait3A_1330 = arith.constant 4 : i32
    %dma_wait3A_1331 = arith.constant 0 : i32
    %dma_wait3A_1332 = arith.constant 4 : i32
    %dma_wait3A_1333 = arith.constant 0 : i32
    %dma_wait3A_1334 = arith.constant 0 : i32
    %dma_wait3A_1335 = tpu.memref_slice %arg4[%dma_wait3A_1330, %dma_wait3A_1333, %dma_wait3A_1334] : memref<6x8x2048xf32, #tpu.memory_space<vmem>> -> memref<1x8x2048xf32, #tpu.memory_space<vmem>>
    %dma_wait3A_1336 = tpu.memref_squeeze %dma_wait3A_1335 : memref<1x8x2048xf32, #tpu.memory_space<vmem>> -> memref<8x2048xf32, #tpu.memory_space<vmem>>
    %dma_wait3A_1337 = arith.constant 0 : i32
    %dma_wait3A_1338 = tpu.memref_slice %arg3[%dma_wait3A_1331, %add3A_1310, %dma_wait3A_1337] : memref<1x8192x2048xf32, #tpu.memory_space<hbm>> -> memref<1x8x2048xf32, #tpu.memory_space<hbm>>
    %dma_wait3A_1339 = tpu.memref_squeeze %dma_wait3A_1338 : memref<1x8x2048xf32, #tpu.memory_space<hbm>> -> memref<8x2048xf32, #tpu.memory_space<hbm>>
    %dma_wait3A_1340 = tpu.memref_slice %arg6[%dma_wait3A_1332] : memref<6x!tpu.dma_semaphore, #tpu.memory_space<semaphore_mem>> -> memref<1x!tpu.dma_semaphore, #tpu.memory_space<semaphore_mem>>
    %dma_wait3A_1341 = tpu.memref_squeeze %dma_wait3A_1340 : memref<1x!tpu.dma_semaphore, #tpu.memory_space<semaphore_mem>> -> memref<!tpu.dma_semaphore, #tpu.memory_space<semaphore_mem>>
    %dma_wait3A_1342 = arith.constant 0 : i32
    %dma_wait3A_1343 = tpu.memref_slice %arg3[%dma_wait3A_1331, %add3A_1310, %dma_wait3A_1342] : memref<1x8192x2048xf32, #tpu.memory_space<hbm>> -> memref<1x8x2048xf32, #tpu.memory_space<hbm>>
    %dma_wait3A_1344 = tpu.memref_squeeze %dma_wait3A_1343 : memref<1x8x2048xf32, #tpu.memory_space<hbm>> -> memref<8x2048xf32, #tpu.memory_space<hbm>>
    %dma_wait3A_1345 = arith.constant 0 : i32
    %dma_wait3A_1346 = arith.constant 0 : i32
    %dma_wait3A_1347 = tpu.memref_slice %arg4[%dma_wait3A_1330, %dma_wait3A_1345, %dma_wait3A_1346] : memref<6x8x2048xf32, #tpu.memory_space<vmem>> -> memref<1x8x2048xf32, #tpu.memory_space<vmem>>
    %dma_wait3A_1348 = tpu.memref_squeeze %dma_wait3A_1347 : memref<1x8x2048xf32, #tpu.memory_space<vmem>> -> memref<8x2048xf32, #tpu.memory_space<vmem>>
    tpu.wait_dma2 semaphore(%dma_wait3A_1341 : memref<!tpu.dma_semaphore, #tpu.memory_space<semaphore_mem>>) src(%dma_wait3A_1348 : memref<8x2048xf32, #tpu.memory_space<vmem>>) dst(%dma_wait3A_1344 : memref<8x2048xf32, #tpu.memory_space<hbm>>)
    %add3A_1349 = arith.constant 176 : i32
    %add3A_1350 = arith.addi %mul3A_2, %add3A_1349 : i32
    %dma_start3A_1351 = arith.constant 4 : i32
    %dma_start3A_1352 = arith.constant 4 : i32
    %dma_start3A_1353 = arith.constant 0 : i32
    %dma_start3A_1354 = arith.constant 0 : i32
    %dma_start3A_1355 = tpu.memref_slice %arg4[%dma_start3A_1351, %dma_start3A_1353, %dma_start3A_1354] : memref<6x8x2048xf32, #tpu.memory_space<vmem>> -> memref<1x8x2048xf32, #tpu.memory_space<vmem>>
    %dma_start3A_1356 = tpu.memref_squeeze %dma_start3A_1355 : memref<1x8x2048xf32, #tpu.memory_space<vmem>> -> memref<8x2048xf32, #tpu.memory_space<vmem>>
    %dma_start3A_1357 = arith.constant 0 : i32
    %dma_start3A_1358 = tpu.memref_slice %arg2[%add3A_1350, %dma_start3A_1357] : memref<8192x2048xf32, #tpu.memory_space<hbm>> -> memref<8x2048xf32, #tpu.memory_space<hbm>>
    %dma_start3A_1359 = tpu.memref_slice %arg5[%dma_start3A_1352] : memref<6x!tpu.dma_semaphore, #tpu.memory_space<semaphore_mem>> -> memref<1x!tpu.dma_semaphore, #tpu.memory_space<semaphore_mem>>
    %dma_start3A_1360 = tpu.memref_squeeze %dma_start3A_1359 : memref<1x!tpu.dma_semaphore, #tpu.memory_space<semaphore_mem>> -> memref<!tpu.dma_semaphore, #tpu.memory_space<semaphore_mem>>
    %dma_start3A_1361 = arith.constant 0 : i32
    %dma_start3A_1362 = arith.constant 0 : i32
    %dma_start3A_1363 = tpu.memref_slice %arg4[%dma_start3A_1351, %dma_start3A_1361, %dma_start3A_1362] : memref<6x8x2048xf32, #tpu.memory_space<vmem>> -> memref<1x8x2048xf32, #tpu.memory_space<vmem>>
    %dma_start3A_1364 = tpu.memref_squeeze %dma_start3A_1363 : memref<1x8x2048xf32, #tpu.memory_space<vmem>> -> memref<8x2048xf32, #tpu.memory_space<vmem>>
    %dma_start3A_1365 = arith.constant 0 : i32
    %dma_start3A_1366 = tpu.memref_slice %arg2[%add3A_1350, %dma_start3A_1365] : memref<8192x2048xf32, #tpu.memory_space<hbm>> -> memref<8x2048xf32, #tpu.memory_space<hbm>>
    tpu.enqueue_dma source(%dma_start3A_1366 : memref<8x2048xf32, #tpu.memory_space<hbm>>) target(%dma_start3A_1364 : memref<8x2048xf32, #tpu.memory_space<vmem>>) target_semaphore(%dma_start3A_1360 : memref<!tpu.dma_semaphore, #tpu.memory_space<semaphore_mem>>)
    %dma_wait3A_1367 = arith.constant 5 : i32
    %dma_wait3A_1368 = arith.constant 5 : i32
    %dma_wait3A_1369 = arith.constant 0 : i32
    %dma_wait3A_1370 = arith.constant 0 : i32
    %dma_wait3A_1371 = tpu.memref_slice %arg4[%dma_wait3A_1367, %dma_wait3A_1369, %dma_wait3A_1370] : memref<6x8x2048xf32, #tpu.memory_space<vmem>> -> memref<1x8x2048xf32, #tpu.memory_space<vmem>>
    %dma_wait3A_1372 = tpu.memref_squeeze %dma_wait3A_1371 : memref<1x8x2048xf32, #tpu.memory_space<vmem>> -> memref<8x2048xf32, #tpu.memory_space<vmem>>
    %dma_wait3A_1373 = arith.constant 0 : i32
    %dma_wait3A_1374 = tpu.memref_slice %arg2[%add3A_980, %dma_wait3A_1373] : memref<8192x2048xf32, #tpu.memory_space<hbm>> -> memref<8x2048xf32, #tpu.memory_space<hbm>>
    %dma_wait3A_1375 = tpu.memref_slice %arg5[%dma_wait3A_1368] : memref<6x!tpu.dma_semaphore, #tpu.memory_space<semaphore_mem>> -> memref<1x!tpu.dma_semaphore, #tpu.memory_space<semaphore_mem>>
    %dma_wait3A_1376 = tpu.memref_squeeze %dma_wait3A_1375 : memref<1x!tpu.dma_semaphore, #tpu.memory_space<semaphore_mem>> -> memref<!tpu.dma_semaphore, #tpu.memory_space<semaphore_mem>>
    %dma_wait3A_1377 = arith.constant 0 : i32
    %dma_wait3A_1378 = arith.constant 0 : i32
    %dma_wait3A_1379 = tpu.memref_slice %arg4[%dma_wait3A_1367, %dma_wait3A_1377, %dma_wait3A_1378] : memref<6x8x2048xf32, #tpu.memory_space<vmem>> -> memref<1x8x2048xf32, #tpu.memory_space<vmem>>
    %dma_wait3A_1380 = tpu.memref_squeeze %dma_wait3A_1379 : memref<1x8x2048xf32, #tpu.memory_space<vmem>> -> memref<8x2048xf32, #tpu.memory_space<vmem>>
    %dma_wait3A_1381 = arith.constant 0 : i32
    %dma_wait3A_1382 = tpu.memref_slice %arg2[%add3A_980, %dma_wait3A_1381] : memref<8192x2048xf32, #tpu.memory_space<hbm>> -> memref<8x2048xf32, #tpu.memory_space<hbm>>
    tpu.wait_dma2 semaphore(%dma_wait3A_1376 : memref<!tpu.dma_semaphore, #tpu.memory_space<semaphore_mem>>) src(%dma_wait3A_1382 : memref<8x2048xf32, #tpu.memory_space<hbm>>) dst(%dma_wait3A_1380 : memref<8x2048xf32, #tpu.memory_space<vmem>>)
    %add3A_1383 = arith.constant 136 : i32
    %add3A_1384 = arith.addi %mul3A_2, %add3A_1383 : i32
    %dma_start3A_1385 = arith.constant 5 : i32
    %dma_start3A_1386 = arith.constant 0 : i32
    %dma_start3A_1387 = arith.constant 5 : i32
    %dma_start3A_1388 = arith.constant 0 : i32
    %dma_start3A_1389 = arith.constant 0 : i32
    %dma_start3A_1390 = tpu.memref_slice %arg4[%dma_start3A_1385, %dma_start3A_1388, %dma_start3A_1389] : memref<6x8x2048xf32, #tpu.memory_space<vmem>> -> memref<1x8x2048xf32, #tpu.memory_space<vmem>>
    %dma_start3A_1391 = tpu.memref_squeeze %dma_start3A_1390 : memref<1x8x2048xf32, #tpu.memory_space<vmem>> -> memref<8x2048xf32, #tpu.memory_space<vmem>>
    %dma_start3A_1392 = arith.constant 0 : i32
    %dma_start3A_1393 = tpu.memref_slice %arg3[%dma_start3A_1386, %add3A_1384, %dma_start3A_1392] : memref<1x8192x2048xf32, #tpu.memory_space<hbm>> -> memref<1x8x2048xf32, #tpu.memory_space<hbm>>
    %dma_start3A_1394 = tpu.memref_squeeze %dma_start3A_1393 : memref<1x8x2048xf32, #tpu.memory_space<hbm>> -> memref<8x2048xf32, #tpu.memory_space<hbm>>
    %dma_start3A_1395 = tpu.memref_slice %arg6[%dma_start3A_1387] : memref<6x!tpu.dma_semaphore, #tpu.memory_space<semaphore_mem>> -> memref<1x!tpu.dma_semaphore, #tpu.memory_space<semaphore_mem>>
    %dma_start3A_1396 = tpu.memref_squeeze %dma_start3A_1395 : memref<1x!tpu.dma_semaphore, #tpu.memory_space<semaphore_mem>> -> memref<!tpu.dma_semaphore, #tpu.memory_space<semaphore_mem>>
    %dma_start3A_1397 = arith.constant 0 : i32
    %dma_start3A_1398 = tpu.memref_slice %arg3[%dma_start3A_1386, %add3A_1384, %dma_start3A_1397] : memref<1x8192x2048xf32, #tpu.memory_space<hbm>> -> memref<1x8x2048xf32, #tpu.memory_space<hbm>>
    %dma_start3A_1399 = tpu.memref_squeeze %dma_start3A_1398 : memref<1x8x2048xf32, #tpu.memory_space<hbm>> -> memref<8x2048xf32, #tpu.memory_space<hbm>>
    %dma_start3A_1400 = arith.constant 0 : i32
    %dma_start3A_1401 = arith.constant 0 : i32
    %dma_start3A_1402 = tpu.memref_slice %arg4[%dma_start3A_1385, %dma_start3A_1400, %dma_start3A_1401] : memref<6x8x2048xf32, #tpu.memory_space<vmem>> -> memref<1x8x2048xf32, #tpu.memory_space<vmem>>
    %dma_start3A_1403 = tpu.memref_squeeze %dma_start3A_1402 : memref<1x8x2048xf32, #tpu.memory_space<vmem>> -> memref<8x2048xf32, #tpu.memory_space<vmem>>
    tpu.enqueue_dma source(%dma_start3A_1403 : memref<8x2048xf32, #tpu.memory_space<vmem>>) target(%dma_start3A_1399 : memref<8x2048xf32, #tpu.memory_space<hbm>>) target_semaphore(%dma_start3A_1396 : memref<!tpu.dma_semaphore, #tpu.memory_space<semaphore_mem>>)
    %dma_wait3A_1404 = arith.constant 5 : i32
    %dma_wait3A_1405 = arith.constant 0 : i32
    %dma_wait3A_1406 = arith.constant 5 : i32
    %dma_wait3A_1407 = arith.constant 0 : i32
    %dma_wait3A_1408 = arith.constant 0 : i32
    %dma_wait3A_1409 = tpu.memref_slice %arg4[%dma_wait3A_1404, %dma_wait3A_1407, %dma_wait3A_1408] : memref<6x8x2048xf32, #tpu.memory_space<vmem>> -> memref<1x8x2048xf32, #tpu.memory_space<vmem>>
    %dma_wait3A_1410 = tpu.memref_squeeze %dma_wait3A_1409 : memref<1x8x2048xf32, #tpu.memory_space<vmem>> -> memref<8x2048xf32, #tpu.memory_space<vmem>>
    %dma_wait3A_1411 = arith.constant 0 : i32
    %dma_wait3A_1412 = tpu.memref_slice %arg3[%dma_wait3A_1405, %add3A_1384, %dma_wait3A_1411] : memref<1x8192x2048xf32, #tpu.memory_space<hbm>> -> memref<1x8x2048xf32, #tpu.memory_space<hbm>>
    %dma_wait3A_1413 = tpu.memref_squeeze %dma_wait3A_1412 : memref<1x8x2048xf32, #tpu.memory_space<hbm>> -> memref<8x2048xf32, #tpu.memory_space<hbm>>
    %dma_wait3A_1414 = tpu.memref_slice %arg6[%dma_wait3A_1406] : memref<6x!tpu.dma_semaphore, #tpu.memory_space<semaphore_mem>> -> memref<1x!tpu.dma_semaphore, #tpu.memory_space<semaphore_mem>>
    %dma_wait3A_1415 = tpu.memref_squeeze %dma_wait3A_1414 : memref<1x!tpu.dma_semaphore, #tpu.memory_space<semaphore_mem>> -> memref<!tpu.dma_semaphore, #tpu.memory_space<semaphore_mem>>
    %dma_wait3A_1416 = arith.constant 0 : i32
    %dma_wait3A_1417 = tpu.memref_slice %arg3[%dma_wait3A_1405, %add3A_1384, %dma_wait3A_1416] : memref<1x8192x2048xf32, #tpu.memory_space<hbm>> -> memref<1x8x2048xf32, #tpu.memory_space<hbm>>
    %dma_wait3A_1418 = tpu.memref_squeeze %dma_wait3A_1417 : memref<1x8x2048xf32, #tpu.memory_space<hbm>> -> memref<8x2048xf32, #tpu.memory_space<hbm>>
    %dma_wait3A_1419 = arith.constant 0 : i32
    %dma_wait3A_1420 = arith.constant 0 : i32
    %dma_wait3A_1421 = tpu.memref_slice %arg4[%dma_wait3A_1404, %dma_wait3A_1419, %dma_wait3A_1420] : memref<6x8x2048xf32, #tpu.memory_space<vmem>> -> memref<1x8x2048xf32, #tpu.memory_space<vmem>>
    %dma_wait3A_1422 = tpu.memref_squeeze %dma_wait3A_1421 : memref<1x8x2048xf32, #tpu.memory_space<vmem>> -> memref<8x2048xf32, #tpu.memory_space<vmem>>
    tpu.wait_dma2 semaphore(%dma_wait3A_1415 : memref<!tpu.dma_semaphore, #tpu.memory_space<semaphore_mem>>) src(%dma_wait3A_1422 : memref<8x2048xf32, #tpu.memory_space<vmem>>) dst(%dma_wait3A_1418 : memref<8x2048xf32, #tpu.memory_space<hbm>>)
    %add3A_1423 = arith.constant 184 : i32
    %add3A_1424 = arith.addi %mul3A_2, %add3A_1423 : i32
    %dma_start3A_1425 = arith.constant 5 : i32
    %dma_start3A_1426 = arith.constant 5 : i32
    %dma_start3A_1427 = arith.constant 0 : i32
    %dma_start3A_1428 = arith.constant 0 : i32
    %dma_start3A_1429 = tpu.memref_slice %arg4[%dma_start3A_1425, %dma_start3A_1427, %dma_start3A_1428] : memref<6x8x2048xf32, #tpu.memory_space<vmem>> -> memref<1x8x2048xf32, #tpu.memory_space<vmem>>
    %dma_start3A_1430 = tpu.memref_squeeze %dma_start3A_1429 : memref<1x8x2048xf32, #tpu.memory_space<vmem>> -> memref<8x2048xf32, #tpu.memory_space<vmem>>
    %dma_start3A_1431 = arith.constant 0 : i32
    %dma_start3A_1432 = tpu.memref_slice %arg2[%add3A_1424, %dma_start3A_1431] : memref<8192x2048xf32, #tpu.memory_space<hbm>> -> memref<8x2048xf32, #tpu.memory_space<hbm>>
    %dma_start3A_1433 = tpu.memref_slice %arg5[%dma_start3A_1426] : memref<6x!tpu.dma_semaphore, #tpu.memory_space<semaphore_mem>> -> memref<1x!tpu.dma_semaphore, #tpu.memory_space<semaphore_mem>>
    %dma_start3A_1434 = tpu.memref_squeeze %dma_start3A_1433 : memref<1x!tpu.dma_semaphore, #tpu.memory_space<semaphore_mem>> -> memref<!tpu.dma_semaphore, #tpu.memory_space<semaphore_mem>>
    %dma_start3A_1435 = arith.constant 0 : i32
    %dma_start3A_1436 = arith.constant 0 : i32
    %dma_start3A_1437 = tpu.memref_slice %arg4[%dma_start3A_1425, %dma_start3A_1435, %dma_start3A_1436] : memref<6x8x2048xf32, #tpu.memory_space<vmem>> -> memref<1x8x2048xf32, #tpu.memory_space<vmem>>
    %dma_start3A_1438 = tpu.memref_squeeze %dma_start3A_1437 : memref<1x8x2048xf32, #tpu.memory_space<vmem>> -> memref<8x2048xf32, #tpu.memory_space<vmem>>
    %dma_start3A_1439 = arith.constant 0 : i32
    %dma_start3A_1440 = tpu.memref_slice %arg2[%add3A_1424, %dma_start3A_1439] : memref<8192x2048xf32, #tpu.memory_space<hbm>> -> memref<8x2048xf32, #tpu.memory_space<hbm>>
    tpu.enqueue_dma source(%dma_start3A_1440 : memref<8x2048xf32, #tpu.memory_space<hbm>>) target(%dma_start3A_1438 : memref<8x2048xf32, #tpu.memory_space<vmem>>) target_semaphore(%dma_start3A_1434 : memref<!tpu.dma_semaphore, #tpu.memory_space<semaphore_mem>>)
    %dma_wait3A_1441 = arith.constant 0 : i32
    %dma_wait3A_1442 = arith.constant 0 : i32
    %dma_wait3A_1443 = arith.constant 0 : i32
    %dma_wait3A_1444 = arith.constant 0 : i32
    %dma_wait3A_1445 = tpu.memref_slice %arg4[%dma_wait3A_1441, %dma_wait3A_1443, %dma_wait3A_1444] : memref<6x8x2048xf32, #tpu.memory_space<vmem>> -> memref<1x8x2048xf32, #tpu.memory_space<vmem>>
    %dma_wait3A_1446 = tpu.memref_squeeze %dma_wait3A_1445 : memref<1x8x2048xf32, #tpu.memory_space<vmem>> -> memref<8x2048xf32, #tpu.memory_space<vmem>>
    %dma_wait3A_1447 = arith.constant 0 : i32
    %dma_wait3A_1448 = tpu.memref_slice %arg2[%add3A_1054, %dma_wait3A_1447] : memref<8192x2048xf32, #tpu.memory_space<hbm>> -> memref<8x2048xf32, #tpu.memory_space<hbm>>
    %dma_wait3A_1449 = tpu.memref_slice %arg5[%dma_wait3A_1442] : memref<6x!tpu.dma_semaphore, #tpu.memory_space<semaphore_mem>> -> memref<1x!tpu.dma_semaphore, #tpu.memory_space<semaphore_mem>>
    %dma_wait3A_1450 = tpu.memref_squeeze %dma_wait3A_1449 : memref<1x!tpu.dma_semaphore, #tpu.memory_space<semaphore_mem>> -> memref<!tpu.dma_semaphore, #tpu.memory_space<semaphore_mem>>
    %dma_wait3A_1451 = arith.constant 0 : i32
    %dma_wait3A_1452 = arith.constant 0 : i32
    %dma_wait3A_1453 = tpu.memref_slice %arg4[%dma_wait3A_1441, %dma_wait3A_1451, %dma_wait3A_1452] : memref<6x8x2048xf32, #tpu.memory_space<vmem>> -> memref<1x8x2048xf32, #tpu.memory_space<vmem>>
    %dma_wait3A_1454 = tpu.memref_squeeze %dma_wait3A_1453 : memref<1x8x2048xf32, #tpu.memory_space<vmem>> -> memref<8x2048xf32, #tpu.memory_space<vmem>>
    %dma_wait3A_1455 = arith.constant 0 : i32
    %dma_wait3A_1456 = tpu.memref_slice %arg2[%add3A_1054, %dma_wait3A_1455] : memref<8192x2048xf32, #tpu.memory_space<hbm>> -> memref<8x2048xf32, #tpu.memory_space<hbm>>
    tpu.wait_dma2 semaphore(%dma_wait3A_1450 : memref<!tpu.dma_semaphore, #tpu.memory_space<semaphore_mem>>) src(%dma_wait3A_1456 : memref<8x2048xf32, #tpu.memory_space<hbm>>) dst(%dma_wait3A_1454 : memref<8x2048xf32, #tpu.memory_space<vmem>>)
    %add3A_1457 = arith.constant 144 : i32
    %add3A_1458 = arith.addi %mul3A_2, %add3A_1457 : i32
    %dma_start3A_1459 = arith.constant 0 : i32
    %dma_start3A_1460 = arith.constant 0 : i32
    %dma_start3A_1461 = arith.constant 0 : i32
    %dma_start3A_1462 = arith.constant 0 : i32
    %dma_start3A_1463 = arith.constant 0 : i32
    %dma_start3A_1464 = tpu.memref_slice %arg4[%dma_start3A_1459, %dma_start3A_1462, %dma_start3A_1463] : memref<6x8x2048xf32, #tpu.memory_space<vmem>> -> memref<1x8x2048xf32, #tpu.memory_space<vmem>>
    %dma_start3A_1465 = tpu.memref_squeeze %dma_start3A_1464 : memref<1x8x2048xf32, #tpu.memory_space<vmem>> -> memref<8x2048xf32, #tpu.memory_space<vmem>>
    %dma_start3A_1466 = arith.constant 0 : i32
    %dma_start3A_1467 = tpu.memref_slice %arg3[%dma_start3A_1460, %add3A_1458, %dma_start3A_1466] : memref<1x8192x2048xf32, #tpu.memory_space<hbm>> -> memref<1x8x2048xf32, #tpu.memory_space<hbm>>
    %dma_start3A_1468 = tpu.memref_squeeze %dma_start3A_1467 : memref<1x8x2048xf32, #tpu.memory_space<hbm>> -> memref<8x2048xf32, #tpu.memory_space<hbm>>
    %dma_start3A_1469 = tpu.memref_slice %arg6[%dma_start3A_1461] : memref<6x!tpu.dma_semaphore, #tpu.memory_space<semaphore_mem>> -> memref<1x!tpu.dma_semaphore, #tpu.memory_space<semaphore_mem>>
    %dma_start3A_1470 = tpu.memref_squeeze %dma_start3A_1469 : memref<1x!tpu.dma_semaphore, #tpu.memory_space<semaphore_mem>> -> memref<!tpu.dma_semaphore, #tpu.memory_space<semaphore_mem>>
    %dma_start3A_1471 = arith.constant 0 : i32
    %dma_start3A_1472 = tpu.memref_slice %arg3[%dma_start3A_1460, %add3A_1458, %dma_start3A_1471] : memref<1x8192x2048xf32, #tpu.memory_space<hbm>> -> memref<1x8x2048xf32, #tpu.memory_space<hbm>>
    %dma_start3A_1473 = tpu.memref_squeeze %dma_start3A_1472 : memref<1x8x2048xf32, #tpu.memory_space<hbm>> -> memref<8x2048xf32, #tpu.memory_space<hbm>>
    %dma_start3A_1474 = arith.constant 0 : i32
    %dma_start3A_1475 = arith.constant 0 : i32
    %dma_start3A_1476 = tpu.memref_slice %arg4[%dma_start3A_1459, %dma_start3A_1474, %dma_start3A_1475] : memref<6x8x2048xf32, #tpu.memory_space<vmem>> -> memref<1x8x2048xf32, #tpu.memory_space<vmem>>
    %dma_start3A_1477 = tpu.memref_squeeze %dma_start3A_1476 : memref<1x8x2048xf32, #tpu.memory_space<vmem>> -> memref<8x2048xf32, #tpu.memory_space<vmem>>
    tpu.enqueue_dma source(%dma_start3A_1477 : memref<8x2048xf32, #tpu.memory_space<vmem>>) target(%dma_start3A_1473 : memref<8x2048xf32, #tpu.memory_space<hbm>>) target_semaphore(%dma_start3A_1470 : memref<!tpu.dma_semaphore, #tpu.memory_space<semaphore_mem>>)
    %dma_wait3A_1478 = arith.constant 0 : i32
    %dma_wait3A_1479 = arith.constant 0 : i32
    %dma_wait3A_1480 = arith.constant 0 : i32
    %dma_wait3A_1481 = arith.constant 0 : i32
    %dma_wait3A_1482 = arith.constant 0 : i32
    %dma_wait3A_1483 = tpu.memref_slice %arg4[%dma_wait3A_1478, %dma_wait3A_1481, %dma_wait3A_1482] : memref<6x8x2048xf32, #tpu.memory_space<vmem>> -> memref<1x8x2048xf32, #tpu.memory_space<vmem>>
    %dma_wait3A_1484 = tpu.memref_squeeze %dma_wait3A_1483 : memref<1x8x2048xf32, #tpu.memory_space<vmem>> -> memref<8x2048xf32, #tpu.memory_space<vmem>>
    %dma_wait3A_1485 = arith.constant 0 : i32
    %dma_wait3A_1486 = tpu.memref_slice %arg3[%dma_wait3A_1479, %add3A_1458, %dma_wait3A_1485] : memref<1x8192x2048xf32, #tpu.memory_space<hbm>> -> memref<1x8x2048xf32, #tpu.memory_space<hbm>>
    %dma_wait3A_1487 = tpu.memref_squeeze %dma_wait3A_1486 : memref<1x8x2048xf32, #tpu.memory_space<hbm>> -> memref<8x2048xf32, #tpu.memory_space<hbm>>
    %dma_wait3A_1488 = tpu.memref_slice %arg6[%dma_wait3A_1480] : memref<6x!tpu.dma_semaphore, #tpu.memory_space<semaphore_mem>> -> memref<1x!tpu.dma_semaphore, #tpu.memory_space<semaphore_mem>>
    %dma_wait3A_1489 = tpu.memref_squeeze %dma_wait3A_1488 : memref<1x!tpu.dma_semaphore, #tpu.memory_space<semaphore_mem>> -> memref<!tpu.dma_semaphore, #tpu.memory_space<semaphore_mem>>
    %dma_wait3A_1490 = arith.constant 0 : i32
    %dma_wait3A_1491 = tpu.memref_slice %arg3[%dma_wait3A_1479, %add3A_1458, %dma_wait3A_1490] : memref<1x8192x2048xf32, #tpu.memory_space<hbm>> -> memref<1x8x2048xf32, #tpu.memory_space<hbm>>
    %dma_wait3A_1492 = tpu.memref_squeeze %dma_wait3A_1491 : memref<1x8x2048xf32, #tpu.memory_space<hbm>> -> memref<8x2048xf32, #tpu.memory_space<hbm>>
    %dma_wait3A_1493 = arith.constant 0 : i32
    %dma_wait3A_1494 = arith.constant 0 : i32
    %dma_wait3A_1495 = tpu.memref_slice %arg4[%dma_wait3A_1478, %dma_wait3A_1493, %dma_wait3A_1494] : memref<6x8x2048xf32, #tpu.memory_space<vmem>> -> memref<1x8x2048xf32, #tpu.memory_space<vmem>>
    %dma_wait3A_1496 = tpu.memref_squeeze %dma_wait3A_1495 : memref<1x8x2048xf32, #tpu.memory_space<vmem>> -> memref<8x2048xf32, #tpu.memory_space<vmem>>
    tpu.wait_dma2 semaphore(%dma_wait3A_1489 : memref<!tpu.dma_semaphore, #tpu.memory_space<semaphore_mem>>) src(%dma_wait3A_1496 : memref<8x2048xf32, #tpu.memory_space<vmem>>) dst(%dma_wait3A_1492 : memref<8x2048xf32, #tpu.memory_space<hbm>>)
    %add3A_1497 = arith.constant 192 : i32
    %add3A_1498 = arith.addi %mul3A_2, %add3A_1497 : i32
    %dma_start3A_1499 = arith.constant 0 : i32
    %dma_start3A_1500 = arith.constant 0 : i32
    %dma_start3A_1501 = arith.constant 0 : i32
    %dma_start3A_1502 = arith.constant 0 : i32
    %dma_start3A_1503 = tpu.memref_slice %arg4[%dma_start3A_1499, %dma_start3A_1501, %dma_start3A_1502] : memref<6x8x2048xf32, #tpu.memory_space<vmem>> -> memref<1x8x2048xf32, #tpu.memory_space<vmem>>
    %dma_start3A_1504 = tpu.memref_squeeze %dma_start3A_1503 : memref<1x8x2048xf32, #tpu.memory_space<vmem>> -> memref<8x2048xf32, #tpu.memory_space<vmem>>
    %dma_start3A_1505 = arith.constant 0 : i32
    %dma_start3A_1506 = tpu.memref_slice %arg2[%add3A_1498, %dma_start3A_1505] : memref<8192x2048xf32, #tpu.memory_space<hbm>> -> memref<8x2048xf32, #tpu.memory_space<hbm>>
    %dma_start3A_1507 = tpu.memref_slice %arg5[%dma_start3A_1500] : memref<6x!tpu.dma_semaphore, #tpu.memory_space<semaphore_mem>> -> memref<1x!tpu.dma_semaphore, #tpu.memory_space<semaphore_mem>>
    %dma_start3A_1508 = tpu.memref_squeeze %dma_start3A_1507 : memref<1x!tpu.dma_semaphore, #tpu.memory_space<semaphore_mem>> -> memref<!tpu.dma_semaphore, #tpu.memory_space<semaphore_mem>>
    %dma_start3A_1509 = arith.constant 0 : i32
    %dma_start3A_1510 = arith.constant 0 : i32
    %dma_start3A_1511 = tpu.memref_slice %arg4[%dma_start3A_1499, %dma_start3A_1509, %dma_start3A_1510] : memref<6x8x2048xf32, #tpu.memory_space<vmem>> -> memref<1x8x2048xf32, #tpu.memory_space<vmem>>
    %dma_start3A_1512 = tpu.memref_squeeze %dma_start3A_1511 : memref<1x8x2048xf32, #tpu.memory_space<vmem>> -> memref<8x2048xf32, #tpu.memory_space<vmem>>
    %dma_start3A_1513 = arith.constant 0 : i32
    %dma_start3A_1514 = tpu.memref_slice %arg2[%add3A_1498, %dma_start3A_1513] : memref<8192x2048xf32, #tpu.memory_space<hbm>> -> memref<8x2048xf32, #tpu.memory_space<hbm>>
    tpu.enqueue_dma source(%dma_start3A_1514 : memref<8x2048xf32, #tpu.memory_space<hbm>>) target(%dma_start3A_1512 : memref<8x2048xf32, #tpu.memory_space<vmem>>) target_semaphore(%dma_start3A_1508 : memref<!tpu.dma_semaphore, #tpu.memory_space<semaphore_mem>>)
    %dma_wait3A_1515 = arith.constant 1 : i32
    %dma_wait3A_1516 = arith.constant 1 : i32
    %dma_wait3A_1517 = arith.constant 0 : i32
    %dma_wait3A_1518 = arith.constant 0 : i32
    %dma_wait3A_1519 = tpu.memref_slice %arg4[%dma_wait3A_1515, %dma_wait3A_1517, %dma_wait3A_1518] : memref<6x8x2048xf32, #tpu.memory_space<vmem>> -> memref<1x8x2048xf32, #tpu.memory_space<vmem>>
    %dma_wait3A_1520 = tpu.memref_squeeze %dma_wait3A_1519 : memref<1x8x2048xf32, #tpu.memory_space<vmem>> -> memref<8x2048xf32, #tpu.memory_space<vmem>>
    %dma_wait3A_1521 = arith.constant 0 : i32
    %dma_wait3A_1522 = tpu.memref_slice %arg2[%add3A_1128, %dma_wait3A_1521] : memref<8192x2048xf32, #tpu.memory_space<hbm>> -> memref<8x2048xf32, #tpu.memory_space<hbm>>
    %dma_wait3A_1523 = tpu.memref_slice %arg5[%dma_wait3A_1516] : memref<6x!tpu.dma_semaphore, #tpu.memory_space<semaphore_mem>> -> memref<1x!tpu.dma_semaphore, #tpu.memory_space<semaphore_mem>>
    %dma_wait3A_1524 = tpu.memref_squeeze %dma_wait3A_1523 : memref<1x!tpu.dma_semaphore, #tpu.memory_space<semaphore_mem>> -> memref<!tpu.dma_semaphore, #tpu.memory_space<semaphore_mem>>
    %dma_wait3A_1525 = arith.constant 0 : i32
    %dma_wait3A_1526 = arith.constant 0 : i32
    %dma_wait3A_1527 = tpu.memref_slice %arg4[%dma_wait3A_1515, %dma_wait3A_1525, %dma_wait3A_1526] : memref<6x8x2048xf32, #tpu.memory_space<vmem>> -> memref<1x8x2048xf32, #tpu.memory_space<vmem>>
    %dma_wait3A_1528 = tpu.memref_squeeze %dma_wait3A_1527 : memref<1x8x2048xf32, #tpu.memory_space<vmem>> -> memref<8x2048xf32, #tpu.memory_space<vmem>>
    %dma_wait3A_1529 = arith.constant 0 : i32
    %dma_wait3A_1530 = tpu.memref_slice %arg2[%add3A_1128, %dma_wait3A_1529] : memref<8192x2048xf32, #tpu.memory_space<hbm>> -> memref<8x2048xf32, #tpu.memory_space<hbm>>
    tpu.wait_dma2 semaphore(%dma_wait3A_1524 : memref<!tpu.dma_semaphore, #tpu.memory_space<semaphore_mem>>) src(%dma_wait3A_1530 : memref<8x2048xf32, #tpu.memory_space<hbm>>) dst(%dma_wait3A_1528 : memref<8x2048xf32, #tpu.memory_space<vmem>>)
    %add3A_1531 = arith.constant 152 : i32
    %add3A_1532 = arith.addi %mul3A_2, %add3A_1531 : i32
    %dma_start3A_1533 = arith.constant 1 : i32
    %dma_start3A_1534 = arith.constant 0 : i32
    %dma_start3A_1535 = arith.constant 1 : i32
    %dma_start3A_1536 = arith.constant 0 : i32
    %dma_start3A_1537 = arith.constant 0 : i32
    %dma_start3A_1538 = tpu.memref_slice %arg4[%dma_start3A_1533, %dma_start3A_1536, %dma_start3A_1537] : memref<6x8x2048xf32, #tpu.memory_space<vmem>> -> memref<1x8x2048xf32, #tpu.memory_space<vmem>>
    %dma_start3A_1539 = tpu.memref_squeeze %dma_start3A_1538 : memref<1x8x2048xf32, #tpu.memory_space<vmem>> -> memref<8x2048xf32, #tpu.memory_space<vmem>>
    %dma_start3A_1540 = arith.constant 0 : i32
    %dma_start3A_1541 = tpu.memref_slice %arg3[%dma_start3A_1534, %add3A_1532, %dma_start3A_1540] : memref<1x8192x2048xf32, #tpu.memory_space<hbm>> -> memref<1x8x2048xf32, #tpu.memory_space<hbm>>
    %dma_start3A_1542 = tpu.memref_squeeze %dma_start3A_1541 : memref<1x8x2048xf32, #tpu.memory_space<hbm>> -> memref<8x2048xf32, #tpu.memory_space<hbm>>
    %dma_start3A_1543 = tpu.memref_slice %arg6[%dma_start3A_1535] : memref<6x!tpu.dma_semaphore, #tpu.memory_space<semaphore_mem>> -> memref<1x!tpu.dma_semaphore, #tpu.memory_space<semaphore_mem>>
    %dma_start3A_1544 = tpu.memref_squeeze %dma_start3A_1543 : memref<1x!tpu.dma_semaphore, #tpu.memory_space<semaphore_mem>> -> memref<!tpu.dma_semaphore, #tpu.memory_space<semaphore_mem>>
    %dma_start3A_1545 = arith.constant 0 : i32
    %dma_start3A_1546 = tpu.memref_slice %arg3[%dma_start3A_1534, %add3A_1532, %dma_start3A_1545] : memref<1x8192x2048xf32, #tpu.memory_space<hbm>> -> memref<1x8x2048xf32, #tpu.memory_space<hbm>>
    %dma_start3A_1547 = tpu.memref_squeeze %dma_start3A_1546 : memref<1x8x2048xf32, #tpu.memory_space<hbm>> -> memref<8x2048xf32, #tpu.memory_space<hbm>>
    %dma_start3A_1548 = arith.constant 0 : i32
    %dma_start3A_1549 = arith.constant 0 : i32
    %dma_start3A_1550 = tpu.memref_slice %arg4[%dma_start3A_1533, %dma_start3A_1548, %dma_start3A_1549] : memref<6x8x2048xf32, #tpu.memory_space<vmem>> -> memref<1x8x2048xf32, #tpu.memory_space<vmem>>
    %dma_start3A_1551 = tpu.memref_squeeze %dma_start3A_1550 : memref<1x8x2048xf32, #tpu.memory_space<vmem>> -> memref<8x2048xf32, #tpu.memory_space<vmem>>
    tpu.enqueue_dma source(%dma_start3A_1551 : memref<8x2048xf32, #tpu.memory_space<vmem>>) target(%dma_start3A_1547 : memref<8x2048xf32, #tpu.memory_space<hbm>>) target_semaphore(%dma_start3A_1544 : memref<!tpu.dma_semaphore, #tpu.memory_space<semaphore_mem>>)
    %dma_wait3A_1552 = arith.constant 1 : i32
    %dma_wait3A_1553 = arith.constant 0 : i32
    %dma_wait3A_1554 = arith.constant 1 : i32
    %dma_wait3A_1555 = arith.constant 0 : i32
    %dma_wait3A_1556 = arith.constant 0 : i32
    %dma_wait3A_1557 = tpu.memref_slice %arg4[%dma_wait3A_1552, %dma_wait3A_1555, %dma_wait3A_1556] : memref<6x8x2048xf32, #tpu.memory_space<vmem>> -> memref<1x8x2048xf32, #tpu.memory_space<vmem>>
    %dma_wait3A_1558 = tpu.memref_squeeze %dma_wait3A_1557 : memref<1x8x2048xf32, #tpu.memory_space<vmem>> -> memref<8x2048xf32, #tpu.memory_space<vmem>>
    %dma_wait3A_1559 = arith.constant 0 : i32
    %dma_wait3A_1560 = tpu.memref_slice %arg3[%dma_wait3A_1553, %add3A_1532, %dma_wait3A_1559] : memref<1x8192x2048xf32, #tpu.memory_space<hbm>> -> memref<1x8x2048xf32, #tpu.memory_space<hbm>>
    %dma_wait3A_1561 = tpu.memref_squeeze %dma_wait3A_1560 : memref<1x8x2048xf32, #tpu.memory_space<hbm>> -> memref<8x2048xf32, #tpu.memory_space<hbm>>
    %dma_wait3A_1562 = tpu.memref_slice %arg6[%dma_wait3A_1554] : memref<6x!tpu.dma_semaphore, #tpu.memory_space<semaphore_mem>> -> memref<1x!tpu.dma_semaphore, #tpu.memory_space<semaphore_mem>>
    %dma_wait3A_1563 = tpu.memref_squeeze %dma_wait3A_1562 : memref<1x!tpu.dma_semaphore, #tpu.memory_space<semaphore_mem>> -> memref<!tpu.dma_semaphore, #tpu.memory_space<semaphore_mem>>
    %dma_wait3A_1564 = arith.constant 0 : i32
    %dma_wait3A_1565 = tpu.memref_slice %arg3[%dma_wait3A_1553, %add3A_1532, %dma_wait3A_1564] : memref<1x8192x2048xf32, #tpu.memory_space<hbm>> -> memref<1x8x2048xf32, #tpu.memory_space<hbm>>
    %dma_wait3A_1566 = tpu.memref_squeeze %dma_wait3A_1565 : memref<1x8x2048xf32, #tpu.memory_space<hbm>> -> memref<8x2048xf32, #tpu.memory_space<hbm>>
    %dma_wait3A_1567 = arith.constant 0 : i32
    %dma_wait3A_1568 = arith.constant 0 : i32
    %dma_wait3A_1569 = tpu.memref_slice %arg4[%dma_wait3A_1552, %dma_wait3A_1567, %dma_wait3A_1568] : memref<6x8x2048xf32, #tpu.memory_space<vmem>> -> memref<1x8x2048xf32, #tpu.memory_space<vmem>>
    %dma_wait3A_1570 = tpu.memref_squeeze %dma_wait3A_1569 : memref<1x8x2048xf32, #tpu.memory_space<vmem>> -> memref<8x2048xf32, #tpu.memory_space<vmem>>
    tpu.wait_dma2 semaphore(%dma_wait3A_1563 : memref<!tpu.dma_semaphore, #tpu.memory_space<semaphore_mem>>) src(%dma_wait3A_1570 : memref<8x2048xf32, #tpu.memory_space<vmem>>) dst(%dma_wait3A_1566 : memref<8x2048xf32, #tpu.memory_space<hbm>>)
    %add3A_1571 = arith.constant 200 : i32
    %add3A_1572 = arith.addi %mul3A_2, %add3A_1571 : i32
    %dma_start3A_1573 = arith.constant 1 : i32
    %dma_start3A_1574 = arith.constant 1 : i32
    %dma_start3A_1575 = arith.constant 0 : i32
    %dma_start3A_1576 = arith.constant 0 : i32
    %dma_start3A_1577 = tpu.memref_slice %arg4[%dma_start3A_1573, %dma_start3A_1575, %dma_start3A_1576] : memref<6x8x2048xf32, #tpu.memory_space<vmem>> -> memref<1x8x2048xf32, #tpu.memory_space<vmem>>
    %dma_start3A_1578 = tpu.memref_squeeze %dma_start3A_1577 : memref<1x8x2048xf32, #tpu.memory_space<vmem>> -> memref<8x2048xf32, #tpu.memory_space<vmem>>
    %dma_start3A_1579 = arith.constant 0 : i32
    %dma_start3A_1580 = tpu.memref_slice %arg2[%add3A_1572, %dma_start3A_1579] : memref<8192x2048xf32, #tpu.memory_space<hbm>> -> memref<8x2048xf32, #tpu.memory_space<hbm>>
    %dma_start3A_1581 = tpu.memref_slice %arg5[%dma_start3A_1574] : memref<6x!tpu.dma_semaphore, #tpu.memory_space<semaphore_mem>> -> memref<1x!tpu.dma_semaphore, #tpu.memory_space<semaphore_mem>>
    %dma_start3A_1582 = tpu.memref_squeeze %dma_start3A_1581 : memref<1x!tpu.dma_semaphore, #tpu.memory_space<semaphore_mem>> -> memref<!tpu.dma_semaphore, #tpu.memory_space<semaphore_mem>>
    %dma_start3A_1583 = arith.constant 0 : i32
    %dma_start3A_1584 = arith.constant 0 : i32
    %dma_start3A_1585 = tpu.memref_slice %arg4[%dma_start3A_1573, %dma_start3A_1583, %dma_start3A_1584] : memref<6x8x2048xf32, #tpu.memory_space<vmem>> -> memref<1x8x2048xf32, #tpu.memory_space<vmem>>
    %dma_start3A_1586 = tpu.memref_squeeze %dma_start3A_1585 : memref<1x8x2048xf32, #tpu.memory_space<vmem>> -> memref<8x2048xf32, #tpu.memory_space<vmem>>
    %dma_start3A_1587 = arith.constant 0 : i32
    %dma_start3A_1588 = tpu.memref_slice %arg2[%add3A_1572, %dma_start3A_1587] : memref<8192x2048xf32, #tpu.memory_space<hbm>> -> memref<8x2048xf32, #tpu.memory_space<hbm>>
    tpu.enqueue_dma source(%dma_start3A_1588 : memref<8x2048xf32, #tpu.memory_space<hbm>>) target(%dma_start3A_1586 : memref<8x2048xf32, #tpu.memory_space<vmem>>) target_semaphore(%dma_start3A_1582 : memref<!tpu.dma_semaphore, #tpu.memory_space<semaphore_mem>>)
    %dma_wait3A_1589 = arith.constant 2 : i32
    %dma_wait3A_1590 = arith.constant 2 : i32
    %dma_wait3A_1591 = arith.constant 0 : i32
    %dma_wait3A_1592 = arith.constant 0 : i32
    %dma_wait3A_1593 = tpu.memref_slice %arg4[%dma_wait3A_1589, %dma_wait3A_1591, %dma_wait3A_1592] : memref<6x8x2048xf32, #tpu.memory_space<vmem>> -> memref<1x8x2048xf32, #tpu.memory_space<vmem>>
    %dma_wait3A_1594 = tpu.memref_squeeze %dma_wait3A_1593 : memref<1x8x2048xf32, #tpu.memory_space<vmem>> -> memref<8x2048xf32, #tpu.memory_space<vmem>>
    %dma_wait3A_1595 = arith.constant 0 : i32
    %dma_wait3A_1596 = tpu.memref_slice %arg2[%add3A_1202, %dma_wait3A_1595] : memref<8192x2048xf32, #tpu.memory_space<hbm>> -> memref<8x2048xf32, #tpu.memory_space<hbm>>
    %dma_wait3A_1597 = tpu.memref_slice %arg5[%dma_wait3A_1590] : memref<6x!tpu.dma_semaphore, #tpu.memory_space<semaphore_mem>> -> memref<1x!tpu.dma_semaphore, #tpu.memory_space<semaphore_mem>>
    %dma_wait3A_1598 = tpu.memref_squeeze %dma_wait3A_1597 : memref<1x!tpu.dma_semaphore, #tpu.memory_space<semaphore_mem>> -> memref<!tpu.dma_semaphore, #tpu.memory_space<semaphore_mem>>
    %dma_wait3A_1599 = arith.constant 0 : i32
    %dma_wait3A_1600 = arith.constant 0 : i32
    %dma_wait3A_1601 = tpu.memref_slice %arg4[%dma_wait3A_1589, %dma_wait3A_1599, %dma_wait3A_1600] : memref<6x8x2048xf32, #tpu.memory_space<vmem>> -> memref<1x8x2048xf32, #tpu.memory_space<vmem>>
    %dma_wait3A_1602 = tpu.memref_squeeze %dma_wait3A_1601 : memref<1x8x2048xf32, #tpu.memory_space<vmem>> -> memref<8x2048xf32, #tpu.memory_space<vmem>>
    %dma_wait3A_1603 = arith.constant 0 : i32
    %dma_wait3A_1604 = tpu.memref_slice %arg2[%add3A_1202, %dma_wait3A_1603] : memref<8192x2048xf32, #tpu.memory_space<hbm>> -> memref<8x2048xf32, #tpu.memory_space<hbm>>
    tpu.wait_dma2 semaphore(%dma_wait3A_1598 : memref<!tpu.dma_semaphore, #tpu.memory_space<semaphore_mem>>) src(%dma_wait3A_1604 : memref<8x2048xf32, #tpu.memory_space<hbm>>) dst(%dma_wait3A_1602 : memref<8x2048xf32, #tpu.memory_space<vmem>>)
    %add3A_1605 = arith.constant 160 : i32
    %add3A_1606 = arith.addi %mul3A_2, %add3A_1605 : i32
    %dma_start3A_1607 = arith.constant 2 : i32
    %dma_start3A_1608 = arith.constant 0 : i32
    %dma_start3A_1609 = arith.constant 2 : i32
    %dma_start3A_1610 = arith.constant 0 : i32
    %dma_start3A_1611 = arith.constant 0 : i32
    %dma_start3A_1612 = tpu.memref_slice %arg4[%dma_start3A_1607, %dma_start3A_1610, %dma_start3A_1611] : memref<6x8x2048xf32, #tpu.memory_space<vmem>> -> memref<1x8x2048xf32, #tpu.memory_space<vmem>>
    %dma_start3A_1613 = tpu.memref_squeeze %dma_start3A_1612 : memref<1x8x2048xf32, #tpu.memory_space<vmem>> -> memref<8x2048xf32, #tpu.memory_space<vmem>>
    %dma_start3A_1614 = arith.constant 0 : i32
    %dma_start3A_1615 = tpu.memref_slice %arg3[%dma_start3A_1608, %add3A_1606, %dma_start3A_1614] : memref<1x8192x2048xf32, #tpu.memory_space<hbm>> -> memref<1x8x2048xf32, #tpu.memory_space<hbm>>
    %dma_start3A_1616 = tpu.memref_squeeze %dma_start3A_1615 : memref<1x8x2048xf32, #tpu.memory_space<hbm>> -> memref<8x2048xf32, #tpu.memory_space<hbm>>
    %dma_start3A_1617 = tpu.memref_slice %arg6[%dma_start3A_1609] : memref<6x!tpu.dma_semaphore, #tpu.memory_space<semaphore_mem>> -> memref<1x!tpu.dma_semaphore, #tpu.memory_space<semaphore_mem>>
    %dma_start3A_1618 = tpu.memref_squeeze %dma_start3A_1617 : memref<1x!tpu.dma_semaphore, #tpu.memory_space<semaphore_mem>> -> memref<!tpu.dma_semaphore, #tpu.memory_space<semaphore_mem>>
    %dma_start3A_1619 = arith.constant 0 : i32
    %dma_start3A_1620 = tpu.memref_slice %arg3[%dma_start3A_1608, %add3A_1606, %dma_start3A_1619] : memref<1x8192x2048xf32, #tpu.memory_space<hbm>> -> memref<1x8x2048xf32, #tpu.memory_space<hbm>>
    %dma_start3A_1621 = tpu.memref_squeeze %dma_start3A_1620 : memref<1x8x2048xf32, #tpu.memory_space<hbm>> -> memref<8x2048xf32, #tpu.memory_space<hbm>>
    %dma_start3A_1622 = arith.constant 0 : i32
    %dma_start3A_1623 = arith.constant 0 : i32
    %dma_start3A_1624 = tpu.memref_slice %arg4[%dma_start3A_1607, %dma_start3A_1622, %dma_start3A_1623] : memref<6x8x2048xf32, #tpu.memory_space<vmem>> -> memref<1x8x2048xf32, #tpu.memory_space<vmem>>
    %dma_start3A_1625 = tpu.memref_squeeze %dma_start3A_1624 : memref<1x8x2048xf32, #tpu.memory_space<vmem>> -> memref<8x2048xf32, #tpu.memory_space<vmem>>
    tpu.enqueue_dma source(%dma_start3A_1625 : memref<8x2048xf32, #tpu.memory_space<vmem>>) target(%dma_start3A_1621 : memref<8x2048xf32, #tpu.memory_space<hbm>>) target_semaphore(%dma_start3A_1618 : memref<!tpu.dma_semaphore, #tpu.memory_space<semaphore_mem>>)
    %dma_wait3A_1626 = arith.constant 2 : i32
    %dma_wait3A_1627 = arith.constant 0 : i32
    %dma_wait3A_1628 = arith.constant 2 : i32
    %dma_wait3A_1629 = arith.constant 0 : i32
    %dma_wait3A_1630 = arith.constant 0 : i32
    %dma_wait3A_1631 = tpu.memref_slice %arg4[%dma_wait3A_1626, %dma_wait3A_1629, %dma_wait3A_1630] : memref<6x8x2048xf32, #tpu.memory_space<vmem>> -> memref<1x8x2048xf32, #tpu.memory_space<vmem>>
    %dma_wait3A_1632 = tpu.memref_squeeze %dma_wait3A_1631 : memref<1x8x2048xf32, #tpu.memory_space<vmem>> -> memref<8x2048xf32, #tpu.memory_space<vmem>>
    %dma_wait3A_1633 = arith.constant 0 : i32
    %dma_wait3A_1634 = tpu.memref_slice %arg3[%dma_wait3A_1627, %add3A_1606, %dma_wait3A_1633] : memref<1x8192x2048xf32, #tpu.memory_space<hbm>> -> memref<1x8x2048xf32, #tpu.memory_space<hbm>>
    %dma_wait3A_1635 = tpu.memref_squeeze %dma_wait3A_1634 : memref<1x8x2048xf32, #tpu.memory_space<hbm>> -> memref<8x2048xf32, #tpu.memory_space<hbm>>
    %dma_wait3A_1636 = tpu.memref_slice %arg6[%dma_wait3A_1628] : memref<6x!tpu.dma_semaphore, #tpu.memory_space<semaphore_mem>> -> memref<1x!tpu.dma_semaphore, #tpu.memory_space<semaphore_mem>>
    %dma_wait3A_1637 = tpu.memref_squeeze %dma_wait3A_1636 : memref<1x!tpu.dma_semaphore, #tpu.memory_space<semaphore_mem>> -> memref<!tpu.dma_semaphore, #tpu.memory_space<semaphore_mem>>
    %dma_wait3A_1638 = arith.constant 0 : i32
    %dma_wait3A_1639 = tpu.memref_slice %arg3[%dma_wait3A_1627, %add3A_1606, %dma_wait3A_1638] : memref<1x8192x2048xf32, #tpu.memory_space<hbm>> -> memref<1x8x2048xf32, #tpu.memory_space<hbm>>
    %dma_wait3A_1640 = tpu.memref_squeeze %dma_wait3A_1639 : memref<1x8x2048xf32, #tpu.memory_space<hbm>> -> memref<8x2048xf32, #tpu.memory_space<hbm>>
    %dma_wait3A_1641 = arith.constant 0 : i32
    %dma_wait3A_1642 = arith.constant 0 : i32
    %dma_wait3A_1643 = tpu.memref_slice %arg4[%dma_wait3A_1626, %dma_wait3A_1641, %dma_wait3A_1642] : memref<6x8x2048xf32, #tpu.memory_space<vmem>> -> memref<1x8x2048xf32, #tpu.memory_space<vmem>>
    %dma_wait3A_1644 = tpu.memref_squeeze %dma_wait3A_1643 : memref<1x8x2048xf32, #tpu.memory_space<vmem>> -> memref<8x2048xf32, #tpu.memory_space<vmem>>
    tpu.wait_dma2 semaphore(%dma_wait3A_1637 : memref<!tpu.dma_semaphore, #tpu.memory_space<semaphore_mem>>) src(%dma_wait3A_1644 : memref<8x2048xf32, #tpu.memory_space<vmem>>) dst(%dma_wait3A_1640 : memref<8x2048xf32, #tpu.memory_space<hbm>>)
    %add3A_1645 = arith.constant 208 : i32
    %add3A_1646 = arith.addi %mul3A_2, %add3A_1645 : i32
    %dma_start3A_1647 = arith.constant 2 : i32
    %dma_start3A_1648 = arith.constant 2 : i32
    %dma_start3A_1649 = arith.constant 0 : i32
    %dma_start3A_1650 = arith.constant 0 : i32
    %dma_start3A_1651 = tpu.memref_slice %arg4[%dma_start3A_1647, %dma_start3A_1649, %dma_start3A_1650] : memref<6x8x2048xf32, #tpu.memory_space<vmem>> -> memref<1x8x2048xf32, #tpu.memory_space<vmem>>
    %dma_start3A_1652 = tpu.memref_squeeze %dma_start3A_1651 : memref<1x8x2048xf32, #tpu.memory_space<vmem>> -> memref<8x2048xf32, #tpu.memory_space<vmem>>
    %dma_start3A_1653 = arith.constant 0 : i32
    %dma_start3A_1654 = tpu.memref_slice %arg2[%add3A_1646, %dma_start3A_1653] : memref<8192x2048xf32, #tpu.memory_space<hbm>> -> memref<8x2048xf32, #tpu.memory_space<hbm>>
    %dma_start3A_1655 = tpu.memref_slice %arg5[%dma_start3A_1648] : memref<6x!tpu.dma_semaphore, #tpu.memory_space<semaphore_mem>> -> memref<1x!tpu.dma_semaphore, #tpu.memory_space<semaphore_mem>>
    %dma_start3A_1656 = tpu.memref_squeeze %dma_start3A_1655 : memref<1x!tpu.dma_semaphore, #tpu.memory_space<semaphore_mem>> -> memref<!tpu.dma_semaphore, #tpu.memory_space<semaphore_mem>>
    %dma_start3A_1657 = arith.constant 0 : i32
    %dma_start3A_1658 = arith.constant 0 : i32
    %dma_start3A_1659 = tpu.memref_slice %arg4[%dma_start3A_1647, %dma_start3A_1657, %dma_start3A_1658] : memref<6x8x2048xf32, #tpu.memory_space<vmem>> -> memref<1x8x2048xf32, #tpu.memory_space<vmem>>
    %dma_start3A_1660 = tpu.memref_squeeze %dma_start3A_1659 : memref<1x8x2048xf32, #tpu.memory_space<vmem>> -> memref<8x2048xf32, #tpu.memory_space<vmem>>
    %dma_start3A_1661 = arith.constant 0 : i32
    %dma_start3A_1662 = tpu.memref_slice %arg2[%add3A_1646, %dma_start3A_1661] : memref<8192x2048xf32, #tpu.memory_space<hbm>> -> memref<8x2048xf32, #tpu.memory_space<hbm>>
    tpu.enqueue_dma source(%dma_start3A_1662 : memref<8x2048xf32, #tpu.memory_space<hbm>>) target(%dma_start3A_1660 : memref<8x2048xf32, #tpu.memory_space<vmem>>) target_semaphore(%dma_start3A_1656 : memref<!tpu.dma_semaphore, #tpu.memory_space<semaphore_mem>>)
    %dma_wait3A_1663 = arith.constant 3 : i32
    %dma_wait3A_1664 = arith.constant 3 : i32
    %dma_wait3A_1665 = arith.constant 0 : i32
    %dma_wait3A_1666 = arith.constant 0 : i32
    %dma_wait3A_1667 = tpu.memref_slice %arg4[%dma_wait3A_1663, %dma_wait3A_1665, %dma_wait3A_1666] : memref<6x8x2048xf32, #tpu.memory_space<vmem>> -> memref<1x8x2048xf32, #tpu.memory_space<vmem>>
    %dma_wait3A_1668 = tpu.memref_squeeze %dma_wait3A_1667 : memref<1x8x2048xf32, #tpu.memory_space<vmem>> -> memref<8x2048xf32, #tpu.memory_space<vmem>>
    %dma_wait3A_1669 = arith.constant 0 : i32
    %dma_wait3A_1670 = tpu.memref_slice %arg2[%add3A_1276, %dma_wait3A_1669] : memref<8192x2048xf32, #tpu.memory_space<hbm>> -> memref<8x2048xf32, #tpu.memory_space<hbm>>
    %dma_wait3A_1671 = tpu.memref_slice %arg5[%dma_wait3A_1664] : memref<6x!tpu.dma_semaphore, #tpu.memory_space<semaphore_mem>> -> memref<1x!tpu.dma_semaphore, #tpu.memory_space<semaphore_mem>>
    %dma_wait3A_1672 = tpu.memref_squeeze %dma_wait3A_1671 : memref<1x!tpu.dma_semaphore, #tpu.memory_space<semaphore_mem>> -> memref<!tpu.dma_semaphore, #tpu.memory_space<semaphore_mem>>
    %dma_wait3A_1673 = arith.constant 0 : i32
    %dma_wait3A_1674 = arith.constant 0 : i32
    %dma_wait3A_1675 = tpu.memref_slice %arg4[%dma_wait3A_1663, %dma_wait3A_1673, %dma_wait3A_1674] : memref<6x8x2048xf32, #tpu.memory_space<vmem>> -> memref<1x8x2048xf32, #tpu.memory_space<vmem>>
    %dma_wait3A_1676 = tpu.memref_squeeze %dma_wait3A_1675 : memref<1x8x2048xf32, #tpu.memory_space<vmem>> -> memref<8x2048xf32, #tpu.memory_space<vmem>>
    %dma_wait3A_1677 = arith.constant 0 : i32
    %dma_wait3A_1678 = tpu.memref_slice %arg2[%add3A_1276, %dma_wait3A_1677] : memref<8192x2048xf32, #tpu.memory_space<hbm>> -> memref<8x2048xf32, #tpu.memory_space<hbm>>
    tpu.wait_dma2 semaphore(%dma_wait3A_1672 : memref<!tpu.dma_semaphore, #tpu.memory_space<semaphore_mem>>) src(%dma_wait3A_1678 : memref<8x2048xf32, #tpu.memory_space<hbm>>) dst(%dma_wait3A_1676 : memref<8x2048xf32, #tpu.memory_space<vmem>>)
    %add3A_1679 = arith.constant 168 : i32
    %add3A_1680 = arith.addi %mul3A_2, %add3A_1679 : i32
    %dma_start3A_1681 = arith.constant 3 : i32
    %dma_start3A_1682 = arith.constant 0 : i32
    %dma_start3A_1683 = arith.constant 3 : i32
    %dma_start3A_1684 = arith.constant 0 : i32
    %dma_start3A_1685 = arith.constant 0 : i32
    %dma_start3A_1686 = tpu.memref_slice %arg4[%dma_start3A_1681, %dma_start3A_1684, %dma_start3A_1685] : memref<6x8x2048xf32, #tpu.memory_space<vmem>> -> memref<1x8x2048xf32, #tpu.memory_space<vmem>>
    %dma_start3A_1687 = tpu.memref_squeeze %dma_start3A_1686 : memref<1x8x2048xf32, #tpu.memory_space<vmem>> -> memref<8x2048xf32, #tpu.memory_space<vmem>>
    %dma_start3A_1688 = arith.constant 0 : i32
    %dma_start3A_1689 = tpu.memref_slice %arg3[%dma_start3A_1682, %add3A_1680, %dma_start3A_1688] : memref<1x8192x2048xf32, #tpu.memory_space<hbm>> -> memref<1x8x2048xf32, #tpu.memory_space<hbm>>
    %dma_start3A_1690 = tpu.memref_squeeze %dma_start3A_1689 : memref<1x8x2048xf32, #tpu.memory_space<hbm>> -> memref<8x2048xf32, #tpu.memory_space<hbm>>
    %dma_start3A_1691 = tpu.memref_slice %arg6[%dma_start3A_1683] : memref<6x!tpu.dma_semaphore, #tpu.memory_space<semaphore_mem>> -> memref<1x!tpu.dma_semaphore, #tpu.memory_space<semaphore_mem>>
    %dma_start3A_1692 = tpu.memref_squeeze %dma_start3A_1691 : memref<1x!tpu.dma_semaphore, #tpu.memory_space<semaphore_mem>> -> memref<!tpu.dma_semaphore, #tpu.memory_space<semaphore_mem>>
    %dma_start3A_1693 = arith.constant 0 : i32
    %dma_start3A_1694 = tpu.memref_slice %arg3[%dma_start3A_1682, %add3A_1680, %dma_start3A_1693] : memref<1x8192x2048xf32, #tpu.memory_space<hbm>> -> memref<1x8x2048xf32, #tpu.memory_space<hbm>>
    %dma_start3A_1695 = tpu.memref_squeeze %dma_start3A_1694 : memref<1x8x2048xf32, #tpu.memory_space<hbm>> -> memref<8x2048xf32, #tpu.memory_space<hbm>>
    %dma_start3A_1696 = arith.constant 0 : i32
    %dma_start3A_1697 = arith.constant 0 : i32
    %dma_start3A_1698 = tpu.memref_slice %arg4[%dma_start3A_1681, %dma_start3A_1696, %dma_start3A_1697] : memref<6x8x2048xf32, #tpu.memory_space<vmem>> -> memref<1x8x2048xf32, #tpu.memory_space<vmem>>
    %dma_start3A_1699 = tpu.memref_squeeze %dma_start3A_1698 : memref<1x8x2048xf32, #tpu.memory_space<vmem>> -> memref<8x2048xf32, #tpu.memory_space<vmem>>
    tpu.enqueue_dma source(%dma_start3A_1699 : memref<8x2048xf32, #tpu.memory_space<vmem>>) target(%dma_start3A_1695 : memref<8x2048xf32, #tpu.memory_space<hbm>>) target_semaphore(%dma_start3A_1692 : memref<!tpu.dma_semaphore, #tpu.memory_space<semaphore_mem>>)
    %dma_wait3A_1700 = arith.constant 3 : i32
    %dma_wait3A_1701 = arith.constant 0 : i32
    %dma_wait3A_1702 = arith.constant 3 : i32
    %dma_wait3A_1703 = arith.constant 0 : i32
    %dma_wait3A_1704 = arith.constant 0 : i32
    %dma_wait3A_1705 = tpu.memref_slice %arg4[%dma_wait3A_1700, %dma_wait3A_1703, %dma_wait3A_1704] : memref<6x8x2048xf32, #tpu.memory_space<vmem>> -> memref<1x8x2048xf32, #tpu.memory_space<vmem>>
    %dma_wait3A_1706 = tpu.memref_squeeze %dma_wait3A_1705 : memref<1x8x2048xf32, #tpu.memory_space<vmem>> -> memref<8x2048xf32, #tpu.memory_space<vmem>>
    %dma_wait3A_1707 = arith.constant 0 : i32
    %dma_wait3A_1708 = tpu.memref_slice %arg3[%dma_wait3A_1701, %add3A_1680, %dma_wait3A_1707] : memref<1x8192x2048xf32, #tpu.memory_space<hbm>> -> memref<1x8x2048xf32, #tpu.memory_space<hbm>>
    %dma_wait3A_1709 = tpu.memref_squeeze %dma_wait3A_1708 : memref<1x8x2048xf32, #tpu.memory_space<hbm>> -> memref<8x2048xf32, #tpu.memory_space<hbm>>
    %dma_wait3A_1710 = tpu.memref_slice %arg6[%dma_wait3A_1702] : memref<6x!tpu.dma_semaphore, #tpu.memory_space<semaphore_mem>> -> memref<1x!tpu.dma_semaphore, #tpu.memory_space<semaphore_mem>>
    %dma_wait3A_1711 = tpu.memref_squeeze %dma_wait3A_1710 : memref<1x!tpu.dma_semaphore, #tpu.memory_space<semaphore_mem>> -> memref<!tpu.dma_semaphore, #tpu.memory_space<semaphore_mem>>
    %dma_wait3A_1712 = arith.constant 0 : i32
    %dma_wait3A_1713 = tpu.memref_slice %arg3[%dma_wait3A_1701, %add3A_1680, %dma_wait3A_1712] : memref<1x8192x2048xf32, #tpu.memory_space<hbm>> -> memref<1x8x2048xf32, #tpu.memory_space<hbm>>
    %dma_wait3A_1714 = tpu.memref_squeeze %dma_wait3A_1713 : memref<1x8x2048xf32, #tpu.memory_space<hbm>> -> memref<8x2048xf32, #tpu.memory_space<hbm>>
    %dma_wait3A_1715 = arith.constant 0 : i32
    %dma_wait3A_1716 = arith.constant 0 : i32
    %dma_wait3A_1717 = tpu.memref_slice %arg4[%dma_wait3A_1700, %dma_wait3A_1715, %dma_wait3A_1716] : memref<6x8x2048xf32, #tpu.memory_space<vmem>> -> memref<1x8x2048xf32, #tpu.memory_space<vmem>>
    %dma_wait3A_1718 = tpu.memref_squeeze %dma_wait3A_1717 : memref<1x8x2048xf32, #tpu.memory_space<vmem>> -> memref<8x2048xf32, #tpu.memory_space<vmem>>
    tpu.wait_dma2 semaphore(%dma_wait3A_1711 : memref<!tpu.dma_semaphore, #tpu.memory_space<semaphore_mem>>) src(%dma_wait3A_1718 : memref<8x2048xf32, #tpu.memory_space<vmem>>) dst(%dma_wait3A_1714 : memref<8x2048xf32, #tpu.memory_space<hbm>>)
    %add3A_1719 = arith.constant 216 : i32
    %add3A_1720 = arith.addi %mul3A_2, %add3A_1719 : i32
    %dma_start3A_1721 = arith.constant 3 : i32
    %dma_start3A_1722 = arith.constant 3 : i32
    %dma_start3A_1723 = arith.constant 0 : i32
    %dma_start3A_1724 = arith.constant 0 : i32
    %dma_start3A_1725 = tpu.memref_slice %arg4[%dma_start3A_1721, %dma_start3A_1723, %dma_start3A_1724] : memref<6x8x2048xf32, #tpu.memory_space<vmem>> -> memref<1x8x2048xf32, #tpu.memory_space<vmem>>
    %dma_start3A_1726 = tpu.memref_squeeze %dma_start3A_1725 : memref<1x8x2048xf32, #tpu.memory_space<vmem>> -> memref<8x2048xf32, #tpu.memory_space<vmem>>
    %dma_start3A_1727 = arith.constant 0 : i32
    %dma_start3A_1728 = tpu.memref_slice %arg2[%add3A_1720, %dma_start3A_1727] : memref<8192x2048xf32, #tpu.memory_space<hbm>> -> memref<8x2048xf32, #tpu.memory_space<hbm>>
    %dma_start3A_1729 = tpu.memref_slice %arg5[%dma_start3A_1722] : memref<6x!tpu.dma_semaphore, #tpu.memory_space<semaphore_mem>> -> memref<1x!tpu.dma_semaphore, #tpu.memory_space<semaphore_mem>>
    %dma_start3A_1730 = tpu.memref_squeeze %dma_start3A_1729 : memref<1x!tpu.dma_semaphore, #tpu.memory_space<semaphore_mem>> -> memref<!tpu.dma_semaphore, #tpu.memory_space<semaphore_mem>>
    %dma_start3A_1731 = arith.constant 0 : i32
    %dma_start3A_1732 = arith.constant 0 : i32
    %dma_start3A_1733 = tpu.memref_slice %arg4[%dma_start3A_1721, %dma_start3A_1731, %dma_start3A_1732] : memref<6x8x2048xf32, #tpu.memory_space<vmem>> -> memref<1x8x2048xf32, #tpu.memory_space<vmem>>
    %dma_start3A_1734 = tpu.memref_squeeze %dma_start3A_1733 : memref<1x8x2048xf32, #tpu.memory_space<vmem>> -> memref<8x2048xf32, #tpu.memory_space<vmem>>
    %dma_start3A_1735 = arith.constant 0 : i32
    %dma_start3A_1736 = tpu.memref_slice %arg2[%add3A_1720, %dma_start3A_1735] : memref<8192x2048xf32, #tpu.memory_space<hbm>> -> memref<8x2048xf32, #tpu.memory_space<hbm>>
    tpu.enqueue_dma source(%dma_start3A_1736 : memref<8x2048xf32, #tpu.memory_space<hbm>>) target(%dma_start3A_1734 : memref<8x2048xf32, #tpu.memory_space<vmem>>) target_semaphore(%dma_start3A_1730 : memref<!tpu.dma_semaphore, #tpu.memory_space<semaphore_mem>>)
    %dma_wait3A_1737 = arith.constant 4 : i32
    %dma_wait3A_1738 = arith.constant 4 : i32
    %dma_wait3A_1739 = arith.constant 0 : i32
    %dma_wait3A_1740 = arith.constant 0 : i32
    %dma_wait3A_1741 = tpu.memref_slice %arg4[%dma_wait3A_1737, %dma_wait3A_1739, %dma_wait3A_1740] : memref<6x8x2048xf32, #tpu.memory_space<vmem>> -> memref<1x8x2048xf32, #tpu.memory_space<vmem>>
    %dma_wait3A_1742 = tpu.memref_squeeze %dma_wait3A_1741 : memref<1x8x2048xf32, #tpu.memory_space<vmem>> -> memref<8x2048xf32, #tpu.memory_space<vmem>>
    %dma_wait3A_1743 = arith.constant 0 : i32
    %dma_wait3A_1744 = tpu.memref_slice %arg2[%add3A_1350, %dma_wait3A_1743] : memref<8192x2048xf32, #tpu.memory_space<hbm>> -> memref<8x2048xf32, #tpu.memory_space<hbm>>
    %dma_wait3A_1745 = tpu.memref_slice %arg5[%dma_wait3A_1738] : memref<6x!tpu.dma_semaphore, #tpu.memory_space<semaphore_mem>> -> memref<1x!tpu.dma_semaphore, #tpu.memory_space<semaphore_mem>>
    %dma_wait3A_1746 = tpu.memref_squeeze %dma_wait3A_1745 : memref<1x!tpu.dma_semaphore, #tpu.memory_space<semaphore_mem>> -> memref<!tpu.dma_semaphore, #tpu.memory_space<semaphore_mem>>
    %dma_wait3A_1747 = arith.constant 0 : i32
    %dma_wait3A_1748 = arith.constant 0 : i32
    %dma_wait3A_1749 = tpu.memref_slice %arg4[%dma_wait3A_1737, %dma_wait3A_1747, %dma_wait3A_1748] : memref<6x8x2048xf32, #tpu.memory_space<vmem>> -> memref<1x8x2048xf32, #tpu.memory_space<vmem>>
    %dma_wait3A_1750 = tpu.memref_squeeze %dma_wait3A_1749 : memref<1x8x2048xf32, #tpu.memory_space<vmem>> -> memref<8x2048xf32, #tpu.memory_space<vmem>>
    %dma_wait3A_1751 = arith.constant 0 : i32
    %dma_wait3A_1752 = tpu.memref_slice %arg2[%add3A_1350, %dma_wait3A_1751] : memref<8192x2048xf32, #tpu.memory_space<hbm>> -> memref<8x2048xf32, #tpu.memory_space<hbm>>
    tpu.wait_dma2 semaphore(%dma_wait3A_1746 : memref<!tpu.dma_semaphore, #tpu.memory_space<semaphore_mem>>) src(%dma_wait3A_1752 : memref<8x2048xf32, #tpu.memory_space<hbm>>) dst(%dma_wait3A_1750 : memref<8x2048xf32, #tpu.memory_space<vmem>>)
    %add3A_1753 = arith.constant 176 : i32
    %add3A_1754 = arith.addi %mul3A_2, %add3A_1753 : i32
    %dma_start3A_1755 = arith.constant 4 : i32
    %dma_start3A_1756 = arith.constant 0 : i32
    %dma_start3A_1757 = arith.constant 4 : i32
    %dma_start3A_1758 = arith.constant 0 : i32
    %dma_start3A_1759 = arith.constant 0 : i32
    %dma_start3A_1760 = tpu.memref_slice %arg4[%dma_start3A_1755, %dma_start3A_1758, %dma_start3A_1759] : memref<6x8x2048xf32, #tpu.memory_space<vmem>> -> memref<1x8x2048xf32, #tpu.memory_space<vmem>>
    %dma_start3A_1761 = tpu.memref_squeeze %dma_start3A_1760 : memref<1x8x2048xf32, #tpu.memory_space<vmem>> -> memref<8x2048xf32, #tpu.memory_space<vmem>>
    %dma_start3A_1762 = arith.constant 0 : i32
    %dma_start3A_1763 = tpu.memref_slice %arg3[%dma_start3A_1756, %add3A_1754, %dma_start3A_1762] : memref<1x8192x2048xf32, #tpu.memory_space<hbm>> -> memref<1x8x2048xf32, #tpu.memory_space<hbm>>
    %dma_start3A_1764 = tpu.memref_squeeze %dma_start3A_1763 : memref<1x8x2048xf32, #tpu.memory_space<hbm>> -> memref<8x2048xf32, #tpu.memory_space<hbm>>
    %dma_start3A_1765 = tpu.memref_slice %arg6[%dma_start3A_1757] : memref<6x!tpu.dma_semaphore, #tpu.memory_space<semaphore_mem>> -> memref<1x!tpu.dma_semaphore, #tpu.memory_space<semaphore_mem>>
    %dma_start3A_1766 = tpu.memref_squeeze %dma_start3A_1765 : memref<1x!tpu.dma_semaphore, #tpu.memory_space<semaphore_mem>> -> memref<!tpu.dma_semaphore, #tpu.memory_space<semaphore_mem>>
    %dma_start3A_1767 = arith.constant 0 : i32
    %dma_start3A_1768 = tpu.memref_slice %arg3[%dma_start3A_1756, %add3A_1754, %dma_start3A_1767] : memref<1x8192x2048xf32, #tpu.memory_space<hbm>> -> memref<1x8x2048xf32, #tpu.memory_space<hbm>>
    %dma_start3A_1769 = tpu.memref_squeeze %dma_start3A_1768 : memref<1x8x2048xf32, #tpu.memory_space<hbm>> -> memref<8x2048xf32, #tpu.memory_space<hbm>>
    %dma_start3A_1770 = arith.constant 0 : i32
    %dma_start3A_1771 = arith.constant 0 : i32
    %dma_start3A_1772 = tpu.memref_slice %arg4[%dma_start3A_1755, %dma_start3A_1770, %dma_start3A_1771] : memref<6x8x2048xf32, #tpu.memory_space<vmem>> -> memref<1x8x2048xf32, #tpu.memory_space<vmem>>
    %dma_start3A_1773 = tpu.memref_squeeze %dma_start3A_1772 : memref<1x8x2048xf32, #tpu.memory_space<vmem>> -> memref<8x2048xf32, #tpu.memory_space<vmem>>
    tpu.enqueue_dma source(%dma_start3A_1773 : memref<8x2048xf32, #tpu.memory_space<vmem>>) target(%dma_start3A_1769 : memref<8x2048xf32, #tpu.memory_space<hbm>>) target_semaphore(%dma_start3A_1766 : memref<!tpu.dma_semaphore, #tpu.memory_space<semaphore_mem>>)
    %dma_wait3A_1774 = arith.constant 4 : i32
    %dma_wait3A_1775 = arith.constant 0 : i32
    %dma_wait3A_1776 = arith.constant 4 : i32
    %dma_wait3A_1777 = arith.constant 0 : i32
    %dma_wait3A_1778 = arith.constant 0 : i32
    %dma_wait3A_1779 = tpu.memref_slice %arg4[%dma_wait3A_1774, %dma_wait3A_1777, %dma_wait3A_1778] : memref<6x8x2048xf32, #tpu.memory_space<vmem>> -> memref<1x8x2048xf32, #tpu.memory_space<vmem>>
    %dma_wait3A_1780 = tpu.memref_squeeze %dma_wait3A_1779 : memref<1x8x2048xf32, #tpu.memory_space<vmem>> -> memref<8x2048xf32, #tpu.memory_space<vmem>>
    %dma_wait3A_1781 = arith.constant 0 : i32
    %dma_wait3A_1782 = tpu.memref_slice %arg3[%dma_wait3A_1775, %add3A_1754, %dma_wait3A_1781] : memref<1x8192x2048xf32, #tpu.memory_space<hbm>> -> memref<1x8x2048xf32, #tpu.memory_space<hbm>>
    %dma_wait3A_1783 = tpu.memref_squeeze %dma_wait3A_1782 : memref<1x8x2048xf32, #tpu.memory_space<hbm>> -> memref<8x2048xf32, #tpu.memory_space<hbm>>
    %dma_wait3A_1784 = tpu.memref_slice %arg6[%dma_wait3A_1776] : memref<6x!tpu.dma_semaphore, #tpu.memory_space<semaphore_mem>> -> memref<1x!tpu.dma_semaphore, #tpu.memory_space<semaphore_mem>>
    %dma_wait3A_1785 = tpu.memref_squeeze %dma_wait3A_1784 : memref<1x!tpu.dma_semaphore, #tpu.memory_space<semaphore_mem>> -> memref<!tpu.dma_semaphore, #tpu.memory_space<semaphore_mem>>
    %dma_wait3A_1786 = arith.constant 0 : i32
    %dma_wait3A_1787 = tpu.memref_slice %arg3[%dma_wait3A_1775, %add3A_1754, %dma_wait3A_1786] : memref<1x8192x2048xf32, #tpu.memory_space<hbm>> -> memref<1x8x2048xf32, #tpu.memory_space<hbm>>
    %dma_wait3A_1788 = tpu.memref_squeeze %dma_wait3A_1787 : memref<1x8x2048xf32, #tpu.memory_space<hbm>> -> memref<8x2048xf32, #tpu.memory_space<hbm>>
    %dma_wait3A_1789 = arith.constant 0 : i32
    %dma_wait3A_1790 = arith.constant 0 : i32
    %dma_wait3A_1791 = tpu.memref_slice %arg4[%dma_wait3A_1774, %dma_wait3A_1789, %dma_wait3A_1790] : memref<6x8x2048xf32, #tpu.memory_space<vmem>> -> memref<1x8x2048xf32, #tpu.memory_space<vmem>>
    %dma_wait3A_1792 = tpu.memref_squeeze %dma_wait3A_1791 : memref<1x8x2048xf32, #tpu.memory_space<vmem>> -> memref<8x2048xf32, #tpu.memory_space<vmem>>
    tpu.wait_dma2 semaphore(%dma_wait3A_1785 : memref<!tpu.dma_semaphore, #tpu.memory_space<semaphore_mem>>) src(%dma_wait3A_1792 : memref<8x2048xf32, #tpu.memory_space<vmem>>) dst(%dma_wait3A_1788 : memref<8x2048xf32, #tpu.memory_space<hbm>>)
    %add3A_1793 = arith.constant 224 : i32
    %add3A_1794 = arith.addi %mul3A_2, %add3A_1793 : i32
    %dma_start3A_1795 = arith.constant 4 : i32
    %dma_start3A_1796 = arith.constant 4 : i32
    %dma_start3A_1797 = arith.constant 0 : i32
    %dma_start3A_1798 = arith.constant 0 : i32
    %dma_start3A_1799 = tpu.memref_slice %arg4[%dma_start3A_1795, %dma_start3A_1797, %dma_start3A_1798] : memref<6x8x2048xf32, #tpu.memory_space<vmem>> -> memref<1x8x2048xf32, #tpu.memory_space<vmem>>
    %dma_start3A_1800 = tpu.memref_squeeze %dma_start3A_1799 : memref<1x8x2048xf32, #tpu.memory_space<vmem>> -> memref<8x2048xf32, #tpu.memory_space<vmem>>
    %dma_start3A_1801 = arith.constant 0 : i32
    %dma_start3A_1802 = tpu.memref_slice %arg2[%add3A_1794, %dma_start3A_1801] : memref<8192x2048xf32, #tpu.memory_space<hbm>> -> memref<8x2048xf32, #tpu.memory_space<hbm>>
    %dma_start3A_1803 = tpu.memref_slice %arg5[%dma_start3A_1796] : memref<6x!tpu.dma_semaphore, #tpu.memory_space<semaphore_mem>> -> memref<1x!tpu.dma_semaphore, #tpu.memory_space<semaphore_mem>>
    %dma_start3A_1804 = tpu.memref_squeeze %dma_start3A_1803 : memref<1x!tpu.dma_semaphore, #tpu.memory_space<semaphore_mem>> -> memref<!tpu.dma_semaphore, #tpu.memory_space<semaphore_mem>>
    %dma_start3A_1805 = arith.constant 0 : i32
    %dma_start3A_1806 = arith.constant 0 : i32
    %dma_start3A_1807 = tpu.memref_slice %arg4[%dma_start3A_1795, %dma_start3A_1805, %dma_start3A_1806] : memref<6x8x2048xf32, #tpu.memory_space<vmem>> -> memref<1x8x2048xf32, #tpu.memory_space<vmem>>
    %dma_start3A_1808 = tpu.memref_squeeze %dma_start3A_1807 : memref<1x8x2048xf32, #tpu.memory_space<vmem>> -> memref<8x2048xf32, #tpu.memory_space<vmem>>
    %dma_start3A_1809 = arith.constant 0 : i32
    %dma_start3A_1810 = tpu.memref_slice %arg2[%add3A_1794, %dma_start3A_1809] : memref<8192x2048xf32, #tpu.memory_space<hbm>> -> memref<8x2048xf32, #tpu.memory_space<hbm>>
    tpu.enqueue_dma source(%dma_start3A_1810 : memref<8x2048xf32, #tpu.memory_space<hbm>>) target(%dma_start3A_1808 : memref<8x2048xf32, #tpu.memory_space<vmem>>) target_semaphore(%dma_start3A_1804 : memref<!tpu.dma_semaphore, #tpu.memory_space<semaphore_mem>>)
    %dma_wait3A_1811 = arith.constant 5 : i32
    %dma_wait3A_1812 = arith.constant 5 : i32
    %dma_wait3A_1813 = arith.constant 0 : i32
    %dma_wait3A_1814 = arith.constant 0 : i32
    %dma_wait3A_1815 = tpu.memref_slice %arg4[%dma_wait3A_1811, %dma_wait3A_1813, %dma_wait3A_1814] : memref<6x8x2048xf32, #tpu.memory_space<vmem>> -> memref<1x8x2048xf32, #tpu.memory_space<vmem>>
    %dma_wait3A_1816 = tpu.memref_squeeze %dma_wait3A_1815 : memref<1x8x2048xf32, #tpu.memory_space<vmem>> -> memref<8x2048xf32, #tpu.memory_space<vmem>>
    %dma_wait3A_1817 = arith.constant 0 : i32
    %dma_wait3A_1818 = tpu.memref_slice %arg2[%add3A_1424, %dma_wait3A_1817] : memref<8192x2048xf32, #tpu.memory_space<hbm>> -> memref<8x2048xf32, #tpu.memory_space<hbm>>
    %dma_wait3A_1819 = tpu.memref_slice %arg5[%dma_wait3A_1812] : memref<6x!tpu.dma_semaphore, #tpu.memory_space<semaphore_mem>> -> memref<1x!tpu.dma_semaphore, #tpu.memory_space<semaphore_mem>>
    %dma_wait3A_1820 = tpu.memref_squeeze %dma_wait3A_1819 : memref<1x!tpu.dma_semaphore, #tpu.memory_space<semaphore_mem>> -> memref<!tpu.dma_semaphore, #tpu.memory_space<semaphore_mem>>
    %dma_wait3A_1821 = arith.constant 0 : i32
    %dma_wait3A_1822 = arith.constant 0 : i32
    %dma_wait3A_1823 = tpu.memref_slice %arg4[%dma_wait3A_1811, %dma_wait3A_1821, %dma_wait3A_1822] : memref<6x8x2048xf32, #tpu.memory_space<vmem>> -> memref<1x8x2048xf32, #tpu.memory_space<vmem>>
    %dma_wait3A_1824 = tpu.memref_squeeze %dma_wait3A_1823 : memref<1x8x2048xf32, #tpu.memory_space<vmem>> -> memref<8x2048xf32, #tpu.memory_space<vmem>>
    %dma_wait3A_1825 = arith.constant 0 : i32
    %dma_wait3A_1826 = tpu.memref_slice %arg2[%add3A_1424, %dma_wait3A_1825] : memref<8192x2048xf32, #tpu.memory_space<hbm>> -> memref<8x2048xf32, #tpu.memory_space<hbm>>
    tpu.wait_dma2 semaphore(%dma_wait3A_1820 : memref<!tpu.dma_semaphore, #tpu.memory_space<semaphore_mem>>) src(%dma_wait3A_1826 : memref<8x2048xf32, #tpu.memory_space<hbm>>) dst(%dma_wait3A_1824 : memref<8x2048xf32, #tpu.memory_space<vmem>>)
    %add3A_1827 = arith.constant 184 : i32
    %add3A_1828 = arith.addi %mul3A_2, %add3A_1827 : i32
    %dma_start3A_1829 = arith.constant 5 : i32
    %dma_start3A_1830 = arith.constant 0 : i32
    %dma_start3A_1831 = arith.constant 5 : i32
    %dma_start3A_1832 = arith.constant 0 : i32
    %dma_start3A_1833 = arith.constant 0 : i32
    %dma_start3A_1834 = tpu.memref_slice %arg4[%dma_start3A_1829, %dma_start3A_1832, %dma_start3A_1833] : memref<6x8x2048xf32, #tpu.memory_space<vmem>> -> memref<1x8x2048xf32, #tpu.memory_space<vmem>>
    %dma_start3A_1835 = tpu.memref_squeeze %dma_start3A_1834 : memref<1x8x2048xf32, #tpu.memory_space<vmem>> -> memref<8x2048xf32, #tpu.memory_space<vmem>>
    %dma_start3A_1836 = arith.constant 0 : i32
    %dma_start3A_1837 = tpu.memref_slice %arg3[%dma_start3A_1830, %add3A_1828, %dma_start3A_1836] : memref<1x8192x2048xf32, #tpu.memory_space<hbm>> -> memref<1x8x2048xf32, #tpu.memory_space<hbm>>
    %dma_start3A_1838 = tpu.memref_squeeze %dma_start3A_1837 : memref<1x8x2048xf32, #tpu.memory_space<hbm>> -> memref<8x2048xf32, #tpu.memory_space<hbm>>
    %dma_start3A_1839 = tpu.memref_slice %arg6[%dma_start3A_1831] : memref<6x!tpu.dma_semaphore, #tpu.memory_space<semaphore_mem>> -> memref<1x!tpu.dma_semaphore, #tpu.memory_space<semaphore_mem>>
    %dma_start3A_1840 = tpu.memref_squeeze %dma_start3A_1839 : memref<1x!tpu.dma_semaphore, #tpu.memory_space<semaphore_mem>> -> memref<!tpu.dma_semaphore, #tpu.memory_space<semaphore_mem>>
    %dma_start3A_1841 = arith.constant 0 : i32
    %dma_start3A_1842 = tpu.memref_slice %arg3[%dma_start3A_1830, %add3A_1828, %dma_start3A_1841] : memref<1x8192x2048xf32, #tpu.memory_space<hbm>> -> memref<1x8x2048xf32, #tpu.memory_space<hbm>>
    %dma_start3A_1843 = tpu.memref_squeeze %dma_start3A_1842 : memref<1x8x2048xf32, #tpu.memory_space<hbm>> -> memref<8x2048xf32, #tpu.memory_space<hbm>>
    %dma_start3A_1844 = arith.constant 0 : i32
    %dma_start3A_1845 = arith.constant 0 : i32
    %dma_start3A_1846 = tpu.memref_slice %arg4[%dma_start3A_1829, %dma_start3A_1844, %dma_start3A_1845] : memref<6x8x2048xf32, #tpu.memory_space<vmem>> -> memref<1x8x2048xf32, #tpu.memory_space<vmem>>
    %dma_start3A_1847 = tpu.memref_squeeze %dma_start3A_1846 : memref<1x8x2048xf32, #tpu.memory_space<vmem>> -> memref<8x2048xf32, #tpu.memory_space<vmem>>
    tpu.enqueue_dma source(%dma_start3A_1847 : memref<8x2048xf32, #tpu.memory_space<vmem>>) target(%dma_start3A_1843 : memref<8x2048xf32, #tpu.memory_space<hbm>>) target_semaphore(%dma_start3A_1840 : memref<!tpu.dma_semaphore, #tpu.memory_space<semaphore_mem>>)
    %dma_wait3A_1848 = arith.constant 5 : i32
    %dma_wait3A_1849 = arith.constant 0 : i32
    %dma_wait3A_1850 = arith.constant 5 : i32
    %dma_wait3A_1851 = arith.constant 0 : i32
    %dma_wait3A_1852 = arith.constant 0 : i32
    %dma_wait3A_1853 = tpu.memref_slice %arg4[%dma_wait3A_1848, %dma_wait3A_1851, %dma_wait3A_1852] : memref<6x8x2048xf32, #tpu.memory_space<vmem>> -> memref<1x8x2048xf32, #tpu.memory_space<vmem>>
    %dma_wait3A_1854 = tpu.memref_squeeze %dma_wait3A_1853 : memref<1x8x2048xf32, #tpu.memory_space<vmem>> -> memref<8x2048xf32, #tpu.memory_space<vmem>>
    %dma_wait3A_1855 = arith.constant 0 : i32
    %dma_wait3A_1856 = tpu.memref_slice %arg3[%dma_wait3A_1849, %add3A_1828, %dma_wait3A_1855] : memref<1x8192x2048xf32, #tpu.memory_space<hbm>> -> memref<1x8x2048xf32, #tpu.memory_space<hbm>>
    %dma_wait3A_1857 = tpu.memref_squeeze %dma_wait3A_1856 : memref<1x8x2048xf32, #tpu.memory_space<hbm>> -> memref<8x2048xf32, #tpu.memory_space<hbm>>
    %dma_wait3A_1858 = tpu.memref_slice %arg6[%dma_wait3A_1850] : memref<6x!tpu.dma_semaphore, #tpu.memory_space<semaphore_mem>> -> memref<1x!tpu.dma_semaphore, #tpu.memory_space<semaphore_mem>>
    %dma_wait3A_1859 = tpu.memref_squeeze %dma_wait3A_1858 : memref<1x!tpu.dma_semaphore, #tpu.memory_space<semaphore_mem>> -> memref<!tpu.dma_semaphore, #tpu.memory_space<semaphore_mem>>
    %dma_wait3A_1860 = arith.constant 0 : i32
    %dma_wait3A_1861 = tpu.memref_slice %arg3[%dma_wait3A_1849, %add3A_1828, %dma_wait3A_1860] : memref<1x8192x2048xf32, #tpu.memory_space<hbm>> -> memref<1x8x2048xf32, #tpu.memory_space<hbm>>
    %dma_wait3A_1862 = tpu.memref_squeeze %dma_wait3A_1861 : memref<1x8x2048xf32, #tpu.memory_space<hbm>> -> memref<8x2048xf32, #tpu.memory_space<hbm>>
    %dma_wait3A_1863 = arith.constant 0 : i32
    %dma_wait3A_1864 = arith.constant 0 : i32
    %dma_wait3A_1865 = tpu.memref_slice %arg4[%dma_wait3A_1848, %dma_wait3A_1863, %dma_wait3A_1864] : memref<6x8x2048xf32, #tpu.memory_space<vmem>> -> memref<1x8x2048xf32, #tpu.memory_space<vmem>>
    %dma_wait3A_1866 = tpu.memref_squeeze %dma_wait3A_1865 : memref<1x8x2048xf32, #tpu.memory_space<vmem>> -> memref<8x2048xf32, #tpu.memory_space<vmem>>
    tpu.wait_dma2 semaphore(%dma_wait3A_1859 : memref<!tpu.dma_semaphore, #tpu.memory_space<semaphore_mem>>) src(%dma_wait3A_1866 : memref<8x2048xf32, #tpu.memory_space<vmem>>) dst(%dma_wait3A_1862 : memref<8x2048xf32, #tpu.memory_space<hbm>>)
    %add3A_1867 = arith.constant 232 : i32
    %add3A_1868 = arith.addi %mul3A_2, %add3A_1867 : i32
    %dma_start3A_1869 = arith.constant 5 : i32
    %dma_start3A_1870 = arith.constant 5 : i32
    %dma_start3A_1871 = arith.constant 0 : i32
    %dma_start3A_1872 = arith.constant 0 : i32
    %dma_start3A_1873 = tpu.memref_slice %arg4[%dma_start3A_1869, %dma_start3A_1871, %dma_start3A_1872] : memref<6x8x2048xf32, #tpu.memory_space<vmem>> -> memref<1x8x2048xf32, #tpu.memory_space<vmem>>
    %dma_start3A_1874 = tpu.memref_squeeze %dma_start3A_1873 : memref<1x8x2048xf32, #tpu.memory_space<vmem>> -> memref<8x2048xf32, #tpu.memory_space<vmem>>
    %dma_start3A_1875 = arith.constant 0 : i32
    %dma_start3A_1876 = tpu.memref_slice %arg2[%add3A_1868, %dma_start3A_1875] : memref<8192x2048xf32, #tpu.memory_space<hbm>> -> memref<8x2048xf32, #tpu.memory_space<hbm>>
    %dma_start3A_1877 = tpu.memref_slice %arg5[%dma_start3A_1870] : memref<6x!tpu.dma_semaphore, #tpu.memory_space<semaphore_mem>> -> memref<1x!tpu.dma_semaphore, #tpu.memory_space<semaphore_mem>>
    %dma_start3A_1878 = tpu.memref_squeeze %dma_start3A_1877 : memref<1x!tpu.dma_semaphore, #tpu.memory_space<semaphore_mem>> -> memref<!tpu.dma_semaphore, #tpu.memory_space<semaphore_mem>>
    %dma_start3A_1879 = arith.constant 0 : i32
    %dma_start3A_1880 = arith.constant 0 : i32
    %dma_start3A_1881 = tpu.memref_slice %arg4[%dma_start3A_1869, %dma_start3A_1879, %dma_start3A_1880] : memref<6x8x2048xf32, #tpu.memory_space<vmem>> -> memref<1x8x2048xf32, #tpu.memory_space<vmem>>
    %dma_start3A_1882 = tpu.memref_squeeze %dma_start3A_1881 : memref<1x8x2048xf32, #tpu.memory_space<vmem>> -> memref<8x2048xf32, #tpu.memory_space<vmem>>
    %dma_start3A_1883 = arith.constant 0 : i32
    %dma_start3A_1884 = tpu.memref_slice %arg2[%add3A_1868, %dma_start3A_1883] : memref<8192x2048xf32, #tpu.memory_space<hbm>> -> memref<8x2048xf32, #tpu.memory_space<hbm>>
    tpu.enqueue_dma source(%dma_start3A_1884 : memref<8x2048xf32, #tpu.memory_space<hbm>>) target(%dma_start3A_1882 : memref<8x2048xf32, #tpu.memory_space<vmem>>) target_semaphore(%dma_start3A_1878 : memref<!tpu.dma_semaphore, #tpu.memory_space<semaphore_mem>>)
    %dma_wait3A_1885 = arith.constant 0 : i32
    %dma_wait3A_1886 = arith.constant 0 : i32
    %dma_wait3A_1887 = arith.constant 0 : i32
    %dma_wait3A_1888 = arith.constant 0 : i32
    %dma_wait3A_1889 = tpu.memref_slice %arg4[%dma_wait3A_1885, %dma_wait3A_1887, %dma_wait3A_1888] : memref<6x8x2048xf32, #tpu.memory_space<vmem>> -> memref<1x8x2048xf32, #tpu.memory_space<vmem>>
    %dma_wait3A_1890 = tpu.memref_squeeze %dma_wait3A_1889 : memref<1x8x2048xf32, #tpu.memory_space<vmem>> -> memref<8x2048xf32, #tpu.memory_space<vmem>>
    %dma_wait3A_1891 = arith.constant 0 : i32
    %dma_wait3A_1892 = tpu.memref_slice %arg2[%add3A_1498, %dma_wait3A_1891] : memref<8192x2048xf32, #tpu.memory_space<hbm>> -> memref<8x2048xf32, #tpu.memory_space<hbm>>
    %dma_wait3A_1893 = tpu.memref_slice %arg5[%dma_wait3A_1886] : memref<6x!tpu.dma_semaphore, #tpu.memory_space<semaphore_mem>> -> memref<1x!tpu.dma_semaphore, #tpu.memory_space<semaphore_mem>>
    %dma_wait3A_1894 = tpu.memref_squeeze %dma_wait3A_1893 : memref<1x!tpu.dma_semaphore, #tpu.memory_space<semaphore_mem>> -> memref<!tpu.dma_semaphore, #tpu.memory_space<semaphore_mem>>
    %dma_wait3A_1895 = arith.constant 0 : i32
    %dma_wait3A_1896 = arith.constant 0 : i32
    %dma_wait3A_1897 = tpu.memref_slice %arg4[%dma_wait3A_1885, %dma_wait3A_1895, %dma_wait3A_1896] : memref<6x8x2048xf32, #tpu.memory_space<vmem>> -> memref<1x8x2048xf32, #tpu.memory_space<vmem>>
    %dma_wait3A_1898 = tpu.memref_squeeze %dma_wait3A_1897 : memref<1x8x2048xf32, #tpu.memory_space<vmem>> -> memref<8x2048xf32, #tpu.memory_space<vmem>>
    %dma_wait3A_1899 = arith.constant 0 : i32
    %dma_wait3A_1900 = tpu.memref_slice %arg2[%add3A_1498, %dma_wait3A_1899] : memref<8192x2048xf32, #tpu.memory_space<hbm>> -> memref<8x2048xf32, #tpu.memory_space<hbm>>
    tpu.wait_dma2 semaphore(%dma_wait3A_1894 : memref<!tpu.dma_semaphore, #tpu.memory_space<semaphore_mem>>) src(%dma_wait3A_1900 : memref<8x2048xf32, #tpu.memory_space<hbm>>) dst(%dma_wait3A_1898 : memref<8x2048xf32, #tpu.memory_space<vmem>>)
    %add3A_1901 = arith.constant 192 : i32
    %add3A_1902 = arith.addi %mul3A_2, %add3A_1901 : i32
    %dma_start3A_1903 = arith.constant 0 : i32
    %dma_start3A_1904 = arith.constant 0 : i32
    %dma_start3A_1905 = arith.constant 0 : i32
    %dma_start3A_1906 = arith.constant 0 : i32
    %dma_start3A_1907 = arith.constant 0 : i32
    %dma_start3A_1908 = tpu.memref_slice %arg4[%dma_start3A_1903, %dma_start3A_1906, %dma_start3A_1907] : memref<6x8x2048xf32, #tpu.memory_space<vmem>> -> memref<1x8x2048xf32, #tpu.memory_space<vmem>>
    %dma_start3A_1909 = tpu.memref_squeeze %dma_start3A_1908 : memref<1x8x2048xf32, #tpu.memory_space<vmem>> -> memref<8x2048xf32, #tpu.memory_space<vmem>>
    %dma_start3A_1910 = arith.constant 0 : i32
    %dma_start3A_1911 = tpu.memref_slice %arg3[%dma_start3A_1904, %add3A_1902, %dma_start3A_1910] : memref<1x8192x2048xf32, #tpu.memory_space<hbm>> -> memref<1x8x2048xf32, #tpu.memory_space<hbm>>
    %dma_start3A_1912 = tpu.memref_squeeze %dma_start3A_1911 : memref<1x8x2048xf32, #tpu.memory_space<hbm>> -> memref<8x2048xf32, #tpu.memory_space<hbm>>
    %dma_start3A_1913 = tpu.memref_slice %arg6[%dma_start3A_1905] : memref<6x!tpu.dma_semaphore, #tpu.memory_space<semaphore_mem>> -> memref<1x!tpu.dma_semaphore, #tpu.memory_space<semaphore_mem>>
    %dma_start3A_1914 = tpu.memref_squeeze %dma_start3A_1913 : memref<1x!tpu.dma_semaphore, #tpu.memory_space<semaphore_mem>> -> memref<!tpu.dma_semaphore, #tpu.memory_space<semaphore_mem>>
    %dma_start3A_1915 = arith.constant 0 : i32
    %dma_start3A_1916 = tpu.memref_slice %arg3[%dma_start3A_1904, %add3A_1902, %dma_start3A_1915] : memref<1x8192x2048xf32, #tpu.memory_space<hbm>> -> memref<1x8x2048xf32, #tpu.memory_space<hbm>>
    %dma_start3A_1917 = tpu.memref_squeeze %dma_start3A_1916 : memref<1x8x2048xf32, #tpu.memory_space<hbm>> -> memref<8x2048xf32, #tpu.memory_space<hbm>>
    %dma_start3A_1918 = arith.constant 0 : i32
    %dma_start3A_1919 = arith.constant 0 : i32
    %dma_start3A_1920 = tpu.memref_slice %arg4[%dma_start3A_1903, %dma_start3A_1918, %dma_start3A_1919] : memref<6x8x2048xf32, #tpu.memory_space<vmem>> -> memref<1x8x2048xf32, #tpu.memory_space<vmem>>
    %dma_start3A_1921 = tpu.memref_squeeze %dma_start3A_1920 : memref<1x8x2048xf32, #tpu.memory_space<vmem>> -> memref<8x2048xf32, #tpu.memory_space<vmem>>
    tpu.enqueue_dma source(%dma_start3A_1921 : memref<8x2048xf32, #tpu.memory_space<vmem>>) target(%dma_start3A_1917 : memref<8x2048xf32, #tpu.memory_space<hbm>>) target_semaphore(%dma_start3A_1914 : memref<!tpu.dma_semaphore, #tpu.memory_space<semaphore_mem>>)
    %dma_wait3A_1922 = arith.constant 0 : i32
    %dma_wait3A_1923 = arith.constant 0 : i32
    %dma_wait3A_1924 = arith.constant 0 : i32
    %dma_wait3A_1925 = arith.constant 0 : i32
    %dma_wait3A_1926 = arith.constant 0 : i32
    %dma_wait3A_1927 = tpu.memref_slice %arg4[%dma_wait3A_1922, %dma_wait3A_1925, %dma_wait3A_1926] : memref<6x8x2048xf32, #tpu.memory_space<vmem>> -> memref<1x8x2048xf32, #tpu.memory_space<vmem>>
    %dma_wait3A_1928 = tpu.memref_squeeze %dma_wait3A_1927 : memref<1x8x2048xf32, #tpu.memory_space<vmem>> -> memref<8x2048xf32, #tpu.memory_space<vmem>>
    %dma_wait3A_1929 = arith.constant 0 : i32
    %dma_wait3A_1930 = tpu.memref_slice %arg3[%dma_wait3A_1923, %add3A_1902, %dma_wait3A_1929] : memref<1x8192x2048xf32, #tpu.memory_space<hbm>> -> memref<1x8x2048xf32, #tpu.memory_space<hbm>>
    %dma_wait3A_1931 = tpu.memref_squeeze %dma_wait3A_1930 : memref<1x8x2048xf32, #tpu.memory_space<hbm>> -> memref<8x2048xf32, #tpu.memory_space<hbm>>
    %dma_wait3A_1932 = tpu.memref_slice %arg6[%dma_wait3A_1924] : memref<6x!tpu.dma_semaphore, #tpu.memory_space<semaphore_mem>> -> memref<1x!tpu.dma_semaphore, #tpu.memory_space<semaphore_mem>>
    %dma_wait3A_1933 = tpu.memref_squeeze %dma_wait3A_1932 : memref<1x!tpu.dma_semaphore, #tpu.memory_space<semaphore_mem>> -> memref<!tpu.dma_semaphore, #tpu.memory_space<semaphore_mem>>
    %dma_wait3A_1934 = arith.constant 0 : i32
    %dma_wait3A_1935 = tpu.memref_slice %arg3[%dma_wait3A_1923, %add3A_1902, %dma_wait3A_1934] : memref<1x8192x2048xf32, #tpu.memory_space<hbm>> -> memref<1x8x2048xf32, #tpu.memory_space<hbm>>
    %dma_wait3A_1936 = tpu.memref_squeeze %dma_wait3A_1935 : memref<1x8x2048xf32, #tpu.memory_space<hbm>> -> memref<8x2048xf32, #tpu.memory_space<hbm>>
    %dma_wait3A_1937 = arith.constant 0 : i32
    %dma_wait3A_1938 = arith.constant 0 : i32
    %dma_wait3A_1939 = tpu.memref_slice %arg4[%dma_wait3A_1922, %dma_wait3A_1937, %dma_wait3A_1938] : memref<6x8x2048xf32, #tpu.memory_space<vmem>> -> memref<1x8x2048xf32, #tpu.memory_space<vmem>>
    %dma_wait3A_1940 = tpu.memref_squeeze %dma_wait3A_1939 : memref<1x8x2048xf32, #tpu.memory_space<vmem>> -> memref<8x2048xf32, #tpu.memory_space<vmem>>
    tpu.wait_dma2 semaphore(%dma_wait3A_1933 : memref<!tpu.dma_semaphore, #tpu.memory_space<semaphore_mem>>) src(%dma_wait3A_1940 : memref<8x2048xf32, #tpu.memory_space<vmem>>) dst(%dma_wait3A_1936 : memref<8x2048xf32, #tpu.memory_space<hbm>>)
    %add3A_1941 = arith.constant 240 : i32
    %add3A_1942 = arith.addi %mul3A_2, %add3A_1941 : i32
    %dma_start3A_1943 = arith.constant 0 : i32
    %dma_start3A_1944 = arith.constant 0 : i32
    %dma_start3A_1945 = arith.constant 0 : i32
    %dma_start3A_1946 = arith.constant 0 : i32
    %dma_start3A_1947 = tpu.memref_slice %arg4[%dma_start3A_1943, %dma_start3A_1945, %dma_start3A_1946] : memref<6x8x2048xf32, #tpu.memory_space<vmem>> -> memref<1x8x2048xf32, #tpu.memory_space<vmem>>
    %dma_start3A_1948 = tpu.memref_squeeze %dma_start3A_1947 : memref<1x8x2048xf32, #tpu.memory_space<vmem>> -> memref<8x2048xf32, #tpu.memory_space<vmem>>
    %dma_start3A_1949 = arith.constant 0 : i32
    %dma_start3A_1950 = tpu.memref_slice %arg2[%add3A_1942, %dma_start3A_1949] : memref<8192x2048xf32, #tpu.memory_space<hbm>> -> memref<8x2048xf32, #tpu.memory_space<hbm>>
    %dma_start3A_1951 = tpu.memref_slice %arg5[%dma_start3A_1944] : memref<6x!tpu.dma_semaphore, #tpu.memory_space<semaphore_mem>> -> memref<1x!tpu.dma_semaphore, #tpu.memory_space<semaphore_mem>>
    %dma_start3A_1952 = tpu.memref_squeeze %dma_start3A_1951 : memref<1x!tpu.dma_semaphore, #tpu.memory_space<semaphore_mem>> -> memref<!tpu.dma_semaphore, #tpu.memory_space<semaphore_mem>>
    %dma_start3A_1953 = arith.constant 0 : i32
    %dma_start3A_1954 = arith.constant 0 : i32
    %dma_start3A_1955 = tpu.memref_slice %arg4[%dma_start3A_1943, %dma_start3A_1953, %dma_start3A_1954] : memref<6x8x2048xf32, #tpu.memory_space<vmem>> -> memref<1x8x2048xf32, #tpu.memory_space<vmem>>
    %dma_start3A_1956 = tpu.memref_squeeze %dma_start3A_1955 : memref<1x8x2048xf32, #tpu.memory_space<vmem>> -> memref<8x2048xf32, #tpu.memory_space<vmem>>
    %dma_start3A_1957 = arith.constant 0 : i32
    %dma_start3A_1958 = tpu.memref_slice %arg2[%add3A_1942, %dma_start3A_1957] : memref<8192x2048xf32, #tpu.memory_space<hbm>> -> memref<8x2048xf32, #tpu.memory_space<hbm>>
    tpu.enqueue_dma source(%dma_start3A_1958 : memref<8x2048xf32, #tpu.memory_space<hbm>>) target(%dma_start3A_1956 : memref<8x2048xf32, #tpu.memory_space<vmem>>) target_semaphore(%dma_start3A_1952 : memref<!tpu.dma_semaphore, #tpu.memory_space<semaphore_mem>>)
    %dma_wait3A_1959 = arith.constant 1 : i32
    %dma_wait3A_1960 = arith.constant 1 : i32
    %dma_wait3A_1961 = arith.constant 0 : i32
    %dma_wait3A_1962 = arith.constant 0 : i32
    %dma_wait3A_1963 = tpu.memref_slice %arg4[%dma_wait3A_1959, %dma_wait3A_1961, %dma_wait3A_1962] : memref<6x8x2048xf32, #tpu.memory_space<vmem>> -> memref<1x8x2048xf32, #tpu.memory_space<vmem>>
    %dma_wait3A_1964 = tpu.memref_squeeze %dma_wait3A_1963 : memref<1x8x2048xf32, #tpu.memory_space<vmem>> -> memref<8x2048xf32, #tpu.memory_space<vmem>>
    %dma_wait3A_1965 = arith.constant 0 : i32
    %dma_wait3A_1966 = tpu.memref_slice %arg2[%add3A_1572, %dma_wait3A_1965] : memref<8192x2048xf32, #tpu.memory_space<hbm>> -> memref<8x2048xf32, #tpu.memory_space<hbm>>
    %dma_wait3A_1967 = tpu.memref_slice %arg5[%dma_wait3A_1960] : memref<6x!tpu.dma_semaphore, #tpu.memory_space<semaphore_mem>> -> memref<1x!tpu.dma_semaphore, #tpu.memory_space<semaphore_mem>>
    %dma_wait3A_1968 = tpu.memref_squeeze %dma_wait3A_1967 : memref<1x!tpu.dma_semaphore, #tpu.memory_space<semaphore_mem>> -> memref<!tpu.dma_semaphore, #tpu.memory_space<semaphore_mem>>
    %dma_wait3A_1969 = arith.constant 0 : i32
    %dma_wait3A_1970 = arith.constant 0 : i32
    %dma_wait3A_1971 = tpu.memref_slice %arg4[%dma_wait3A_1959, %dma_wait3A_1969, %dma_wait3A_1970] : memref<6x8x2048xf32, #tpu.memory_space<vmem>> -> memref<1x8x2048xf32, #tpu.memory_space<vmem>>
    %dma_wait3A_1972 = tpu.memref_squeeze %dma_wait3A_1971 : memref<1x8x2048xf32, #tpu.memory_space<vmem>> -> memref<8x2048xf32, #tpu.memory_space<vmem>>
    %dma_wait3A_1973 = arith.constant 0 : i32
    %dma_wait3A_1974 = tpu.memref_slice %arg2[%add3A_1572, %dma_wait3A_1973] : memref<8192x2048xf32, #tpu.memory_space<hbm>> -> memref<8x2048xf32, #tpu.memory_space<hbm>>
    tpu.wait_dma2 semaphore(%dma_wait3A_1968 : memref<!tpu.dma_semaphore, #tpu.memory_space<semaphore_mem>>) src(%dma_wait3A_1974 : memref<8x2048xf32, #tpu.memory_space<hbm>>) dst(%dma_wait3A_1972 : memref<8x2048xf32, #tpu.memory_space<vmem>>)
    %add3A_1975 = arith.constant 200 : i32
    %add3A_1976 = arith.addi %mul3A_2, %add3A_1975 : i32
    %dma_start3A_1977 = arith.constant 1 : i32
    %dma_start3A_1978 = arith.constant 0 : i32
    %dma_start3A_1979 = arith.constant 1 : i32
    %dma_start3A_1980 = arith.constant 0 : i32
    %dma_start3A_1981 = arith.constant 0 : i32
    %dma_start3A_1982 = tpu.memref_slice %arg4[%dma_start3A_1977, %dma_start3A_1980, %dma_start3A_1981] : memref<6x8x2048xf32, #tpu.memory_space<vmem>> -> memref<1x8x2048xf32, #tpu.memory_space<vmem>>
    %dma_start3A_1983 = tpu.memref_squeeze %dma_start3A_1982 : memref<1x8x2048xf32, #tpu.memory_space<vmem>> -> memref<8x2048xf32, #tpu.memory_space<vmem>>
    %dma_start3A_1984 = arith.constant 0 : i32
    %dma_start3A_1985 = tpu.memref_slice %arg3[%dma_start3A_1978, %add3A_1976, %dma_start3A_1984] : memref<1x8192x2048xf32, #tpu.memory_space<hbm>> -> memref<1x8x2048xf32, #tpu.memory_space<hbm>>
    %dma_start3A_1986 = tpu.memref_squeeze %dma_start3A_1985 : memref<1x8x2048xf32, #tpu.memory_space<hbm>> -> memref<8x2048xf32, #tpu.memory_space<hbm>>
    %dma_start3A_1987 = tpu.memref_slice %arg6[%dma_start3A_1979] : memref<6x!tpu.dma_semaphore, #tpu.memory_space<semaphore_mem>> -> memref<1x!tpu.dma_semaphore, #tpu.memory_space<semaphore_mem>>
    %dma_start3A_1988 = tpu.memref_squeeze %dma_start3A_1987 : memref<1x!tpu.dma_semaphore, #tpu.memory_space<semaphore_mem>> -> memref<!tpu.dma_semaphore, #tpu.memory_space<semaphore_mem>>
    %dma_start3A_1989 = arith.constant 0 : i32
    %dma_start3A_1990 = tpu.memref_slice %arg3[%dma_start3A_1978, %add3A_1976, %dma_start3A_1989] : memref<1x8192x2048xf32, #tpu.memory_space<hbm>> -> memref<1x8x2048xf32, #tpu.memory_space<hbm>>
    %dma_start3A_1991 = tpu.memref_squeeze %dma_start3A_1990 : memref<1x8x2048xf32, #tpu.memory_space<hbm>> -> memref<8x2048xf32, #tpu.memory_space<hbm>>
    %dma_start3A_1992 = arith.constant 0 : i32
    %dma_start3A_1993 = arith.constant 0 : i32
    %dma_start3A_1994 = tpu.memref_slice %arg4[%dma_start3A_1977, %dma_start3A_1992, %dma_start3A_1993] : memref<6x8x2048xf32, #tpu.memory_space<vmem>> -> memref<1x8x2048xf32, #tpu.memory_space<vmem>>
    %dma_start3A_1995 = tpu.memref_squeeze %dma_start3A_1994 : memref<1x8x2048xf32, #tpu.memory_space<vmem>> -> memref<8x2048xf32, #tpu.memory_space<vmem>>
    tpu.enqueue_dma source(%dma_start3A_1995 : memref<8x2048xf32, #tpu.memory_space<vmem>>) target(%dma_start3A_1991 : memref<8x2048xf32, #tpu.memory_space<hbm>>) target_semaphore(%dma_start3A_1988 : memref<!tpu.dma_semaphore, #tpu.memory_space<semaphore_mem>>)
    %dma_wait3A_1996 = arith.constant 1 : i32
    %dma_wait3A_1997 = arith.constant 0 : i32
    %dma_wait3A_1998 = arith.constant 1 : i32
    %dma_wait3A_1999 = arith.constant 0 : i32
    %dma_wait3A_2000 = arith.constant 0 : i32
    %dma_wait3A_2001 = tpu.memref_slice %arg4[%dma_wait3A_1996, %dma_wait3A_1999, %dma_wait3A_2000] : memref<6x8x2048xf32, #tpu.memory_space<vmem>> -> memref<1x8x2048xf32, #tpu.memory_space<vmem>>
    %dma_wait3A_2002 = tpu.memref_squeeze %dma_wait3A_2001 : memref<1x8x2048xf32, #tpu.memory_space<vmem>> -> memref<8x2048xf32, #tpu.memory_space<vmem>>
    %dma_wait3A_2003 = arith.constant 0 : i32
    %dma_wait3A_2004 = tpu.memref_slice %arg3[%dma_wait3A_1997, %add3A_1976, %dma_wait3A_2003] : memref<1x8192x2048xf32, #tpu.memory_space<hbm>> -> memref<1x8x2048xf32, #tpu.memory_space<hbm>>
    %dma_wait3A_2005 = tpu.memref_squeeze %dma_wait3A_2004 : memref<1x8x2048xf32, #tpu.memory_space<hbm>> -> memref<8x2048xf32, #tpu.memory_space<hbm>>
    %dma_wait3A_2006 = tpu.memref_slice %arg6[%dma_wait3A_1998] : memref<6x!tpu.dma_semaphore, #tpu.memory_space<semaphore_mem>> -> memref<1x!tpu.dma_semaphore, #tpu.memory_space<semaphore_mem>>
    %dma_wait3A_2007 = tpu.memref_squeeze %dma_wait3A_2006 : memref<1x!tpu.dma_semaphore, #tpu.memory_space<semaphore_mem>> -> memref<!tpu.dma_semaphore, #tpu.memory_space<semaphore_mem>>
    %dma_wait3A_2008 = arith.constant 0 : i32
    %dma_wait3A_2009 = tpu.memref_slice %arg3[%dma_wait3A_1997, %add3A_1976, %dma_wait3A_2008] : memref<1x8192x2048xf32, #tpu.memory_space<hbm>> -> memref<1x8x2048xf32, #tpu.memory_space<hbm>>
    %dma_wait3A_2010 = tpu.memref_squeeze %dma_wait3A_2009 : memref<1x8x2048xf32, #tpu.memory_space<hbm>> -> memref<8x2048xf32, #tpu.memory_space<hbm>>
    %dma_wait3A_2011 = arith.constant 0 : i32
    %dma_wait3A_2012 = arith.constant 0 : i32
    %dma_wait3A_2013 = tpu.memref_slice %arg4[%dma_wait3A_1996, %dma_wait3A_2011, %dma_wait3A_2012] : memref<6x8x2048xf32, #tpu.memory_space<vmem>> -> memref<1x8x2048xf32, #tpu.memory_space<vmem>>
    %dma_wait3A_2014 = tpu.memref_squeeze %dma_wait3A_2013 : memref<1x8x2048xf32, #tpu.memory_space<vmem>> -> memref<8x2048xf32, #tpu.memory_space<vmem>>
    tpu.wait_dma2 semaphore(%dma_wait3A_2007 : memref<!tpu.dma_semaphore, #tpu.memory_space<semaphore_mem>>) src(%dma_wait3A_2014 : memref<8x2048xf32, #tpu.memory_space<vmem>>) dst(%dma_wait3A_2010 : memref<8x2048xf32, #tpu.memory_space<hbm>>)
    %add3A_2015 = arith.constant 248 : i32
    %add3A_2016 = arith.addi %mul3A_2, %add3A_2015 : i32
    %dma_start3A_2017 = arith.constant 1 : i32
    %dma_start3A_2018 = arith.constant 1 : i32
    %dma_start3A_2019 = arith.constant 0 : i32
    %dma_start3A_2020 = arith.constant 0 : i32
    %dma_start3A_2021 = tpu.memref_slice %arg4[%dma_start3A_2017, %dma_start3A_2019, %dma_start3A_2020] : memref<6x8x2048xf32, #tpu.memory_space<vmem>> -> memref<1x8x2048xf32, #tpu.memory_space<vmem>>
    %dma_start3A_2022 = tpu.memref_squeeze %dma_start3A_2021 : memref<1x8x2048xf32, #tpu.memory_space<vmem>> -> memref<8x2048xf32, #tpu.memory_space<vmem>>
    %dma_start3A_2023 = arith.constant 0 : i32
    %dma_start3A_2024 = tpu.memref_slice %arg2[%add3A_2016, %dma_start3A_2023] : memref<8192x2048xf32, #tpu.memory_space<hbm>> -> memref<8x2048xf32, #tpu.memory_space<hbm>>
    %dma_start3A_2025 = tpu.memref_slice %arg5[%dma_start3A_2018] : memref<6x!tpu.dma_semaphore, #tpu.memory_space<semaphore_mem>> -> memref<1x!tpu.dma_semaphore, #tpu.memory_space<semaphore_mem>>
    %dma_start3A_2026 = tpu.memref_squeeze %dma_start3A_2025 : memref<1x!tpu.dma_semaphore, #tpu.memory_space<semaphore_mem>> -> memref<!tpu.dma_semaphore, #tpu.memory_space<semaphore_mem>>
    %dma_start3A_2027 = arith.constant 0 : i32
    %dma_start3A_2028 = arith.constant 0 : i32
    %dma_start3A_2029 = tpu.memref_slice %arg4[%dma_start3A_2017, %dma_start3A_2027, %dma_start3A_2028] : memref<6x8x2048xf32, #tpu.memory_space<vmem>> -> memref<1x8x2048xf32, #tpu.memory_space<vmem>>
    %dma_start3A_2030 = tpu.memref_squeeze %dma_start3A_2029 : memref<1x8x2048xf32, #tpu.memory_space<vmem>> -> memref<8x2048xf32, #tpu.memory_space<vmem>>
    %dma_start3A_2031 = arith.constant 0 : i32
    %dma_start3A_2032 = tpu.memref_slice %arg2[%add3A_2016, %dma_start3A_2031] : memref<8192x2048xf32, #tpu.memory_space<hbm>> -> memref<8x2048xf32, #tpu.memory_space<hbm>>
    tpu.enqueue_dma source(%dma_start3A_2032 : memref<8x2048xf32, #tpu.memory_space<hbm>>) target(%dma_start3A_2030 : memref<8x2048xf32, #tpu.memory_space<vmem>>) target_semaphore(%dma_start3A_2026 : memref<!tpu.dma_semaphore, #tpu.memory_space<semaphore_mem>>)
    %dma_wait3A_2033 = arith.constant 2 : i32
    %dma_wait3A_2034 = arith.constant 2 : i32
    %dma_wait3A_2035 = arith.constant 0 : i32
    %dma_wait3A_2036 = arith.constant 0 : i32
    %dma_wait3A_2037 = tpu.memref_slice %arg4[%dma_wait3A_2033, %dma_wait3A_2035, %dma_wait3A_2036] : memref<6x8x2048xf32, #tpu.memory_space<vmem>> -> memref<1x8x2048xf32, #tpu.memory_space<vmem>>
    %dma_wait3A_2038 = tpu.memref_squeeze %dma_wait3A_2037 : memref<1x8x2048xf32, #tpu.memory_space<vmem>> -> memref<8x2048xf32, #tpu.memory_space<vmem>>
    %dma_wait3A_2039 = arith.constant 0 : i32
    %dma_wait3A_2040 = tpu.memref_slice %arg2[%add3A_1646, %dma_wait3A_2039] : memref<8192x2048xf32, #tpu.memory_space<hbm>> -> memref<8x2048xf32, #tpu.memory_space<hbm>>
    %dma_wait3A_2041 = tpu.memref_slice %arg5[%dma_wait3A_2034] : memref<6x!tpu.dma_semaphore, #tpu.memory_space<semaphore_mem>> -> memref<1x!tpu.dma_semaphore, #tpu.memory_space<semaphore_mem>>
    %dma_wait3A_2042 = tpu.memref_squeeze %dma_wait3A_2041 : memref<1x!tpu.dma_semaphore, #tpu.memory_space<semaphore_mem>> -> memref<!tpu.dma_semaphore, #tpu.memory_space<semaphore_mem>>
    %dma_wait3A_2043 = arith.constant 0 : i32
    %dma_wait3A_2044 = arith.constant 0 : i32
    %dma_wait3A_2045 = tpu.memref_slice %arg4[%dma_wait3A_2033, %dma_wait3A_2043, %dma_wait3A_2044] : memref<6x8x2048xf32, #tpu.memory_space<vmem>> -> memref<1x8x2048xf32, #tpu.memory_space<vmem>>
    %dma_wait3A_2046 = tpu.memref_squeeze %dma_wait3A_2045 : memref<1x8x2048xf32, #tpu.memory_space<vmem>> -> memref<8x2048xf32, #tpu.memory_space<vmem>>
    %dma_wait3A_2047 = arith.constant 0 : i32
    %dma_wait3A_2048 = tpu.memref_slice %arg2[%add3A_1646, %dma_wait3A_2047] : memref<8192x2048xf32, #tpu.memory_space<hbm>> -> memref<8x2048xf32, #tpu.memory_space<hbm>>
    tpu.wait_dma2 semaphore(%dma_wait3A_2042 : memref<!tpu.dma_semaphore, #tpu.memory_space<semaphore_mem>>) src(%dma_wait3A_2048 : memref<8x2048xf32, #tpu.memory_space<hbm>>) dst(%dma_wait3A_2046 : memref<8x2048xf32, #tpu.memory_space<vmem>>)
    %add3A_2049 = arith.constant 208 : i32
    %add3A_2050 = arith.addi %mul3A_2, %add3A_2049 : i32
    %dma_start3A_2051 = arith.constant 2 : i32
    %dma_start3A_2052 = arith.constant 0 : i32
    %dma_start3A_2053 = arith.constant 2 : i32
    %dma_start3A_2054 = arith.constant 0 : i32
    %dma_start3A_2055 = arith.constant 0 : i32
    %dma_start3A_2056 = tpu.memref_slice %arg4[%dma_start3A_2051, %dma_start3A_2054, %dma_start3A_2055] : memref<6x8x2048xf32, #tpu.memory_space<vmem>> -> memref<1x8x2048xf32, #tpu.memory_space<vmem>>
    %dma_start3A_2057 = tpu.memref_squeeze %dma_start3A_2056 : memref<1x8x2048xf32, #tpu.memory_space<vmem>> -> memref<8x2048xf32, #tpu.memory_space<vmem>>
    %dma_start3A_2058 = arith.constant 0 : i32
    %dma_start3A_2059 = tpu.memref_slice %arg3[%dma_start3A_2052, %add3A_2050, %dma_start3A_2058] : memref<1x8192x2048xf32, #tpu.memory_space<hbm>> -> memref<1x8x2048xf32, #tpu.memory_space<hbm>>
    %dma_start3A_2060 = tpu.memref_squeeze %dma_start3A_2059 : memref<1x8x2048xf32, #tpu.memory_space<hbm>> -> memref<8x2048xf32, #tpu.memory_space<hbm>>
    %dma_start3A_2061 = tpu.memref_slice %arg6[%dma_start3A_2053] : memref<6x!tpu.dma_semaphore, #tpu.memory_space<semaphore_mem>> -> memref<1x!tpu.dma_semaphore, #tpu.memory_space<semaphore_mem>>
    %dma_start3A_2062 = tpu.memref_squeeze %dma_start3A_2061 : memref<1x!tpu.dma_semaphore, #tpu.memory_space<semaphore_mem>> -> memref<!tpu.dma_semaphore, #tpu.memory_space<semaphore_mem>>
    %dma_start3A_2063 = arith.constant 0 : i32
    %dma_start3A_2064 = tpu.memref_slice %arg3[%dma_start3A_2052, %add3A_2050, %dma_start3A_2063] : memref<1x8192x2048xf32, #tpu.memory_space<hbm>> -> memref<1x8x2048xf32, #tpu.memory_space<hbm>>
    %dma_start3A_2065 = tpu.memref_squeeze %dma_start3A_2064 : memref<1x8x2048xf32, #tpu.memory_space<hbm>> -> memref<8x2048xf32, #tpu.memory_space<hbm>>
    %dma_start3A_2066 = arith.constant 0 : i32
    %dma_start3A_2067 = arith.constant 0 : i32
    %dma_start3A_2068 = tpu.memref_slice %arg4[%dma_start3A_2051, %dma_start3A_2066, %dma_start3A_2067] : memref<6x8x2048xf32, #tpu.memory_space<vmem>> -> memref<1x8x2048xf32, #tpu.memory_space<vmem>>
    %dma_start3A_2069 = tpu.memref_squeeze %dma_start3A_2068 : memref<1x8x2048xf32, #tpu.memory_space<vmem>> -> memref<8x2048xf32, #tpu.memory_space<vmem>>
    tpu.enqueue_dma source(%dma_start3A_2069 : memref<8x2048xf32, #tpu.memory_space<vmem>>) target(%dma_start3A_2065 : memref<8x2048xf32, #tpu.memory_space<hbm>>) target_semaphore(%dma_start3A_2062 : memref<!tpu.dma_semaphore, #tpu.memory_space<semaphore_mem>>)
    %dma_wait3A_2070 = arith.constant 3 : i32
    %dma_wait3A_2071 = arith.constant 3 : i32
    %dma_wait3A_2072 = arith.constant 0 : i32
    %dma_wait3A_2073 = arith.constant 0 : i32
    %dma_wait3A_2074 = tpu.memref_slice %arg4[%dma_wait3A_2070, %dma_wait3A_2072, %dma_wait3A_2073] : memref<6x8x2048xf32, #tpu.memory_space<vmem>> -> memref<1x8x2048xf32, #tpu.memory_space<vmem>>
    %dma_wait3A_2075 = tpu.memref_squeeze %dma_wait3A_2074 : memref<1x8x2048xf32, #tpu.memory_space<vmem>> -> memref<8x2048xf32, #tpu.memory_space<vmem>>
    %dma_wait3A_2076 = arith.constant 0 : i32
    %dma_wait3A_2077 = tpu.memref_slice %arg2[%add3A_1720, %dma_wait3A_2076] : memref<8192x2048xf32, #tpu.memory_space<hbm>> -> memref<8x2048xf32, #tpu.memory_space<hbm>>
    %dma_wait3A_2078 = tpu.memref_slice %arg5[%dma_wait3A_2071] : memref<6x!tpu.dma_semaphore, #tpu.memory_space<semaphore_mem>> -> memref<1x!tpu.dma_semaphore, #tpu.memory_space<semaphore_mem>>
    %dma_wait3A_2079 = tpu.memref_squeeze %dma_wait3A_2078 : memref<1x!tpu.dma_semaphore, #tpu.memory_space<semaphore_mem>> -> memref<!tpu.dma_semaphore, #tpu.memory_space<semaphore_mem>>
    %dma_wait3A_2080 = arith.constant 0 : i32
    %dma_wait3A_2081 = arith.constant 0 : i32
    %dma_wait3A_2082 = tpu.memref_slice %arg4[%dma_wait3A_2070, %dma_wait3A_2080, %dma_wait3A_2081] : memref<6x8x2048xf32, #tpu.memory_space<vmem>> -> memref<1x8x2048xf32, #tpu.memory_space<vmem>>
    %dma_wait3A_2083 = tpu.memref_squeeze %dma_wait3A_2082 : memref<1x8x2048xf32, #tpu.memory_space<vmem>> -> memref<8x2048xf32, #tpu.memory_space<vmem>>
    %dma_wait3A_2084 = arith.constant 0 : i32
    %dma_wait3A_2085 = tpu.memref_slice %arg2[%add3A_1720, %dma_wait3A_2084] : memref<8192x2048xf32, #tpu.memory_space<hbm>> -> memref<8x2048xf32, #tpu.memory_space<hbm>>
    tpu.wait_dma2 semaphore(%dma_wait3A_2079 : memref<!tpu.dma_semaphore, #tpu.memory_space<semaphore_mem>>) src(%dma_wait3A_2085 : memref<8x2048xf32, #tpu.memory_space<hbm>>) dst(%dma_wait3A_2083 : memref<8x2048xf32, #tpu.memory_space<vmem>>)
    %add3A_2086 = arith.constant 216 : i32
    %add3A_2087 = arith.addi %mul3A_2, %add3A_2086 : i32
    %dma_start3A_2088 = arith.constant 3 : i32
    %dma_start3A_2089 = arith.constant 0 : i32
    %dma_start3A_2090 = arith.constant 3 : i32
    %dma_start3A_2091 = arith.constant 0 : i32
    %dma_start3A_2092 = arith.constant 0 : i32
    %dma_start3A_2093 = tpu.memref_slice %arg4[%dma_start3A_2088, %dma_start3A_2091, %dma_start3A_2092] : memref<6x8x2048xf32, #tpu.memory_space<vmem>> -> memref<1x8x2048xf32, #tpu.memory_space<vmem>>
    %dma_start3A_2094 = tpu.memref_squeeze %dma_start3A_2093 : memref<1x8x2048xf32, #tpu.memory_space<vmem>> -> memref<8x2048xf32, #tpu.memory_space<vmem>>
    %dma_start3A_2095 = arith.constant 0 : i32
    %dma_start3A_2096 = tpu.memref_slice %arg3[%dma_start3A_2089, %add3A_2087, %dma_start3A_2095] : memref<1x8192x2048xf32, #tpu.memory_space<hbm>> -> memref<1x8x2048xf32, #tpu.memory_space<hbm>>
    %dma_start3A_2097 = tpu.memref_squeeze %dma_start3A_2096 : memref<1x8x2048xf32, #tpu.memory_space<hbm>> -> memref<8x2048xf32, #tpu.memory_space<hbm>>
    %dma_start3A_2098 = tpu.memref_slice %arg6[%dma_start3A_2090] : memref<6x!tpu.dma_semaphore, #tpu.memory_space<semaphore_mem>> -> memref<1x!tpu.dma_semaphore, #tpu.memory_space<semaphore_mem>>
    %dma_start3A_2099 = tpu.memref_squeeze %dma_start3A_2098 : memref<1x!tpu.dma_semaphore, #tpu.memory_space<semaphore_mem>> -> memref<!tpu.dma_semaphore, #tpu.memory_space<semaphore_mem>>
    %dma_start3A_2100 = arith.constant 0 : i32
    %dma_start3A_2101 = tpu.memref_slice %arg3[%dma_start3A_2089, %add3A_2087, %dma_start3A_2100] : memref<1x8192x2048xf32, #tpu.memory_space<hbm>> -> memref<1x8x2048xf32, #tpu.memory_space<hbm>>
    %dma_start3A_2102 = tpu.memref_squeeze %dma_start3A_2101 : memref<1x8x2048xf32, #tpu.memory_space<hbm>> -> memref<8x2048xf32, #tpu.memory_space<hbm>>
    %dma_start3A_2103 = arith.constant 0 : i32
    %dma_start3A_2104 = arith.constant 0 : i32
    %dma_start3A_2105 = tpu.memref_slice %arg4[%dma_start3A_2088, %dma_start3A_2103, %dma_start3A_2104] : memref<6x8x2048xf32, #tpu.memory_space<vmem>> -> memref<1x8x2048xf32, #tpu.memory_space<vmem>>
    %dma_start3A_2106 = tpu.memref_squeeze %dma_start3A_2105 : memref<1x8x2048xf32, #tpu.memory_space<vmem>> -> memref<8x2048xf32, #tpu.memory_space<vmem>>
    tpu.enqueue_dma source(%dma_start3A_2106 : memref<8x2048xf32, #tpu.memory_space<vmem>>) target(%dma_start3A_2102 : memref<8x2048xf32, #tpu.memory_space<hbm>>) target_semaphore(%dma_start3A_2099 : memref<!tpu.dma_semaphore, #tpu.memory_space<semaphore_mem>>)
    %dma_wait3A_2107 = arith.constant 4 : i32
    %dma_wait3A_2108 = arith.constant 4 : i32
    %dma_wait3A_2109 = arith.constant 0 : i32
    %dma_wait3A_2110 = arith.constant 0 : i32
    %dma_wait3A_2111 = tpu.memref_slice %arg4[%dma_wait3A_2107, %dma_wait3A_2109, %dma_wait3A_2110] : memref<6x8x2048xf32, #tpu.memory_space<vmem>> -> memref<1x8x2048xf32, #tpu.memory_space<vmem>>
    %dma_wait3A_2112 = tpu.memref_squeeze %dma_wait3A_2111 : memref<1x8x2048xf32, #tpu.memory_space<vmem>> -> memref<8x2048xf32, #tpu.memory_space<vmem>>
    %dma_wait3A_2113 = arith.constant 0 : i32
    %dma_wait3A_2114 = tpu.memref_slice %arg2[%add3A_1794, %dma_wait3A_2113] : memref<8192x2048xf32, #tpu.memory_space<hbm>> -> memref<8x2048xf32, #tpu.memory_space<hbm>>
    %dma_wait3A_2115 = tpu.memref_slice %arg5[%dma_wait3A_2108] : memref<6x!tpu.dma_semaphore, #tpu.memory_space<semaphore_mem>> -> memref<1x!tpu.dma_semaphore, #tpu.memory_space<semaphore_mem>>
    %dma_wait3A_2116 = tpu.memref_squeeze %dma_wait3A_2115 : memref<1x!tpu.dma_semaphore, #tpu.memory_space<semaphore_mem>> -> memref<!tpu.dma_semaphore, #tpu.memory_space<semaphore_mem>>
    %dma_wait3A_2117 = arith.constant 0 : i32
    %dma_wait3A_2118 = arith.constant 0 : i32
    %dma_wait3A_2119 = tpu.memref_slice %arg4[%dma_wait3A_2107, %dma_wait3A_2117, %dma_wait3A_2118] : memref<6x8x2048xf32, #tpu.memory_space<vmem>> -> memref<1x8x2048xf32, #tpu.memory_space<vmem>>
    %dma_wait3A_2120 = tpu.memref_squeeze %dma_wait3A_2119 : memref<1x8x2048xf32, #tpu.memory_space<vmem>> -> memref<8x2048xf32, #tpu.memory_space<vmem>>
    %dma_wait3A_2121 = arith.constant 0 : i32
    %dma_wait3A_2122 = tpu.memref_slice %arg2[%add3A_1794, %dma_wait3A_2121] : memref<8192x2048xf32, #tpu.memory_space<hbm>> -> memref<8x2048xf32, #tpu.memory_space<hbm>>
    tpu.wait_dma2 semaphore(%dma_wait3A_2116 : memref<!tpu.dma_semaphore, #tpu.memory_space<semaphore_mem>>) src(%dma_wait3A_2122 : memref<8x2048xf32, #tpu.memory_space<hbm>>) dst(%dma_wait3A_2120 : memref<8x2048xf32, #tpu.memory_space<vmem>>)
    %add3A_2123 = arith.constant 224 : i32
    %add3A_2124 = arith.addi %mul3A_2, %add3A_2123 : i32
    %dma_start3A_2125 = arith.constant 4 : i32
    %dma_start3A_2126 = arith.constant 0 : i32
    %dma_start3A_2127 = arith.constant 4 : i32
    %dma_start3A_2128 = arith.constant 0 : i32
    %dma_start3A_2129 = arith.constant 0 : i32
    %dma_start3A_2130 = tpu.memref_slice %arg4[%dma_start3A_2125, %dma_start3A_2128, %dma_start3A_2129] : memref<6x8x2048xf32, #tpu.memory_space<vmem>> -> memref<1x8x2048xf32, #tpu.memory_space<vmem>>
    %dma_start3A_2131 = tpu.memref_squeeze %dma_start3A_2130 : memref<1x8x2048xf32, #tpu.memory_space<vmem>> -> memref<8x2048xf32, #tpu.memory_space<vmem>>
    %dma_start3A_2132 = arith.constant 0 : i32
    %dma_start3A_2133 = tpu.memref_slice %arg3[%dma_start3A_2126, %add3A_2124, %dma_start3A_2132] : memref<1x8192x2048xf32, #tpu.memory_space<hbm>> -> memref<1x8x2048xf32, #tpu.memory_space<hbm>>
    %dma_start3A_2134 = tpu.memref_squeeze %dma_start3A_2133 : memref<1x8x2048xf32, #tpu.memory_space<hbm>> -> memref<8x2048xf32, #tpu.memory_space<hbm>>
    %dma_start3A_2135 = tpu.memref_slice %arg6[%dma_start3A_2127] : memref<6x!tpu.dma_semaphore, #tpu.memory_space<semaphore_mem>> -> memref<1x!tpu.dma_semaphore, #tpu.memory_space<semaphore_mem>>
    %dma_start3A_2136 = tpu.memref_squeeze %dma_start3A_2135 : memref<1x!tpu.dma_semaphore, #tpu.memory_space<semaphore_mem>> -> memref<!tpu.dma_semaphore, #tpu.memory_space<semaphore_mem>>
    %dma_start3A_2137 = arith.constant 0 : i32
    %dma_start3A_2138 = tpu.memref_slice %arg3[%dma_start3A_2126, %add3A_2124, %dma_start3A_2137] : memref<1x8192x2048xf32, #tpu.memory_space<hbm>> -> memref<1x8x2048xf32, #tpu.memory_space<hbm>>
    %dma_start3A_2139 = tpu.memref_squeeze %dma_start3A_2138 : memref<1x8x2048xf32, #tpu.memory_space<hbm>> -> memref<8x2048xf32, #tpu.memory_space<hbm>>
    %dma_start3A_2140 = arith.constant 0 : i32
    %dma_start3A_2141 = arith.constant 0 : i32
    %dma_start3A_2142 = tpu.memref_slice %arg4[%dma_start3A_2125, %dma_start3A_2140, %dma_start3A_2141] : memref<6x8x2048xf32, #tpu.memory_space<vmem>> -> memref<1x8x2048xf32, #tpu.memory_space<vmem>>
    %dma_start3A_2143 = tpu.memref_squeeze %dma_start3A_2142 : memref<1x8x2048xf32, #tpu.memory_space<vmem>> -> memref<8x2048xf32, #tpu.memory_space<vmem>>
    tpu.enqueue_dma source(%dma_start3A_2143 : memref<8x2048xf32, #tpu.memory_space<vmem>>) target(%dma_start3A_2139 : memref<8x2048xf32, #tpu.memory_space<hbm>>) target_semaphore(%dma_start3A_2136 : memref<!tpu.dma_semaphore, #tpu.memory_space<semaphore_mem>>)
    %dma_wait3A_2144 = arith.constant 5 : i32
    %dma_wait3A_2145 = arith.constant 5 : i32
    %dma_wait3A_2146 = arith.constant 0 : i32
    %dma_wait3A_2147 = arith.constant 0 : i32
    %dma_wait3A_2148 = tpu.memref_slice %arg4[%dma_wait3A_2144, %dma_wait3A_2146, %dma_wait3A_2147] : memref<6x8x2048xf32, #tpu.memory_space<vmem>> -> memref<1x8x2048xf32, #tpu.memory_space<vmem>>
    %dma_wait3A_2149 = tpu.memref_squeeze %dma_wait3A_2148 : memref<1x8x2048xf32, #tpu.memory_space<vmem>> -> memref<8x2048xf32, #tpu.memory_space<vmem>>
    %dma_wait3A_2150 = arith.constant 0 : i32
    %dma_wait3A_2151 = tpu.memref_slice %arg2[%add3A_1868, %dma_wait3A_2150] : memref<8192x2048xf32, #tpu.memory_space<hbm>> -> memref<8x2048xf32, #tpu.memory_space<hbm>>
    %dma_wait3A_2152 = tpu.memref_slice %arg5[%dma_wait3A_2145] : memref<6x!tpu.dma_semaphore, #tpu.memory_space<semaphore_mem>> -> memref<1x!tpu.dma_semaphore, #tpu.memory_space<semaphore_mem>>
    %dma_wait3A_2153 = tpu.memref_squeeze %dma_wait3A_2152 : memref<1x!tpu.dma_semaphore, #tpu.memory_space<semaphore_mem>> -> memref<!tpu.dma_semaphore, #tpu.memory_space<semaphore_mem>>
    %dma_wait3A_2154 = arith.constant 0 : i32
    %dma_wait3A_2155 = arith.constant 0 : i32
    %dma_wait3A_2156 = tpu.memref_slice %arg4[%dma_wait3A_2144, %dma_wait3A_2154, %dma_wait3A_2155] : memref<6x8x2048xf32, #tpu.memory_space<vmem>> -> memref<1x8x2048xf32, #tpu.memory_space<vmem>>
    %dma_wait3A_2157 = tpu.memref_squeeze %dma_wait3A_2156 : memref<1x8x2048xf32, #tpu.memory_space<vmem>> -> memref<8x2048xf32, #tpu.memory_space<vmem>>
    %dma_wait3A_2158 = arith.constant 0 : i32
    %dma_wait3A_2159 = tpu.memref_slice %arg2[%add3A_1868, %dma_wait3A_2158] : memref<8192x2048xf32, #tpu.memory_space<hbm>> -> memref<8x2048xf32, #tpu.memory_space<hbm>>
    tpu.wait_dma2 semaphore(%dma_wait3A_2153 : memref<!tpu.dma_semaphore, #tpu.memory_space<semaphore_mem>>) src(%dma_wait3A_2159 : memref<8x2048xf32, #tpu.memory_space<hbm>>) dst(%dma_wait3A_2157 : memref<8x2048xf32, #tpu.memory_space<vmem>>)
    %add3A_2160 = arith.constant 232 : i32
    %add3A_2161 = arith.addi %mul3A_2, %add3A_2160 : i32
    %dma_start3A_2162 = arith.constant 5 : i32
    %dma_start3A_2163 = arith.constant 0 : i32
    %dma_start3A_2164 = arith.constant 5 : i32
    %dma_start3A_2165 = arith.constant 0 : i32
    %dma_start3A_2166 = arith.constant 0 : i32
    %dma_start3A_2167 = tpu.memref_slice %arg4[%dma_start3A_2162, %dma_start3A_2165, %dma_start3A_2166] : memref<6x8x2048xf32, #tpu.memory_space<vmem>> -> memref<1x8x2048xf32, #tpu.memory_space<vmem>>
    %dma_start3A_2168 = tpu.memref_squeeze %dma_start3A_2167 : memref<1x8x2048xf32, #tpu.memory_space<vmem>> -> memref<8x2048xf32, #tpu.memory_space<vmem>>
    %dma_start3A_2169 = arith.constant 0 : i32
    %dma_start3A_2170 = tpu.memref_slice %arg3[%dma_start3A_2163, %add3A_2161, %dma_start3A_2169] : memref<1x8192x2048xf32, #tpu.memory_space<hbm>> -> memref<1x8x2048xf32, #tpu.memory_space<hbm>>
    %dma_start3A_2171 = tpu.memref_squeeze %dma_start3A_2170 : memref<1x8x2048xf32, #tpu.memory_space<hbm>> -> memref<8x2048xf32, #tpu.memory_space<hbm>>
    %dma_start3A_2172 = tpu.memref_slice %arg6[%dma_start3A_2164] : memref<6x!tpu.dma_semaphore, #tpu.memory_space<semaphore_mem>> -> memref<1x!tpu.dma_semaphore, #tpu.memory_space<semaphore_mem>>
    %dma_start3A_2173 = tpu.memref_squeeze %dma_start3A_2172 : memref<1x!tpu.dma_semaphore, #tpu.memory_space<semaphore_mem>> -> memref<!tpu.dma_semaphore, #tpu.memory_space<semaphore_mem>>
    %dma_start3A_2174 = arith.constant 0 : i32
    %dma_start3A_2175 = tpu.memref_slice %arg3[%dma_start3A_2163, %add3A_2161, %dma_start3A_2174] : memref<1x8192x2048xf32, #tpu.memory_space<hbm>> -> memref<1x8x2048xf32, #tpu.memory_space<hbm>>
    %dma_start3A_2176 = tpu.memref_squeeze %dma_start3A_2175 : memref<1x8x2048xf32, #tpu.memory_space<hbm>> -> memref<8x2048xf32, #tpu.memory_space<hbm>>
    %dma_start3A_2177 = arith.constant 0 : i32
    %dma_start3A_2178 = arith.constant 0 : i32
    %dma_start3A_2179 = tpu.memref_slice %arg4[%dma_start3A_2162, %dma_start3A_2177, %dma_start3A_2178] : memref<6x8x2048xf32, #tpu.memory_space<vmem>> -> memref<1x8x2048xf32, #tpu.memory_space<vmem>>
    %dma_start3A_2180 = tpu.memref_squeeze %dma_start3A_2179 : memref<1x8x2048xf32, #tpu.memory_space<vmem>> -> memref<8x2048xf32, #tpu.memory_space<vmem>>
    tpu.enqueue_dma source(%dma_start3A_2180 : memref<8x2048xf32, #tpu.memory_space<vmem>>) target(%dma_start3A_2176 : memref<8x2048xf32, #tpu.memory_space<hbm>>) target_semaphore(%dma_start3A_2173 : memref<!tpu.dma_semaphore, #tpu.memory_space<semaphore_mem>>)
    %dma_wait3A_2181 = arith.constant 0 : i32
    %dma_wait3A_2182 = arith.constant 0 : i32
    %dma_wait3A_2183 = arith.constant 0 : i32
    %dma_wait3A_2184 = arith.constant 0 : i32
    %dma_wait3A_2185 = tpu.memref_slice %arg4[%dma_wait3A_2181, %dma_wait3A_2183, %dma_wait3A_2184] : memref<6x8x2048xf32, #tpu.memory_space<vmem>> -> memref<1x8x2048xf32, #tpu.memory_space<vmem>>
    %dma_wait3A_2186 = tpu.memref_squeeze %dma_wait3A_2185 : memref<1x8x2048xf32, #tpu.memory_space<vmem>> -> memref<8x2048xf32, #tpu.memory_space<vmem>>
    %dma_wait3A_2187 = arith.constant 0 : i32
    %dma_wait3A_2188 = tpu.memref_slice %arg2[%add3A_1942, %dma_wait3A_2187] : memref<8192x2048xf32, #tpu.memory_space<hbm>> -> memref<8x2048xf32, #tpu.memory_space<hbm>>
    %dma_wait3A_2189 = tpu.memref_slice %arg5[%dma_wait3A_2182] : memref<6x!tpu.dma_semaphore, #tpu.memory_space<semaphore_mem>> -> memref<1x!tpu.dma_semaphore, #tpu.memory_space<semaphore_mem>>
    %dma_wait3A_2190 = tpu.memref_squeeze %dma_wait3A_2189 : memref<1x!tpu.dma_semaphore, #tpu.memory_space<semaphore_mem>> -> memref<!tpu.dma_semaphore, #tpu.memory_space<semaphore_mem>>
    %dma_wait3A_2191 = arith.constant 0 : i32
    %dma_wait3A_2192 = arith.constant 0 : i32
    %dma_wait3A_2193 = tpu.memref_slice %arg4[%dma_wait3A_2181, %dma_wait3A_2191, %dma_wait3A_2192] : memref<6x8x2048xf32, #tpu.memory_space<vmem>> -> memref<1x8x2048xf32, #tpu.memory_space<vmem>>
    %dma_wait3A_2194 = tpu.memref_squeeze %dma_wait3A_2193 : memref<1x8x2048xf32, #tpu.memory_space<vmem>> -> memref<8x2048xf32, #tpu.memory_space<vmem>>
    %dma_wait3A_2195 = arith.constant 0 : i32
    %dma_wait3A_2196 = tpu.memref_slice %arg2[%add3A_1942, %dma_wait3A_2195] : memref<8192x2048xf32, #tpu.memory_space<hbm>> -> memref<8x2048xf32, #tpu.memory_space<hbm>>
    tpu.wait_dma2 semaphore(%dma_wait3A_2190 : memref<!tpu.dma_semaphore, #tpu.memory_space<semaphore_mem>>) src(%dma_wait3A_2196 : memref<8x2048xf32, #tpu.memory_space<hbm>>) dst(%dma_wait3A_2194 : memref<8x2048xf32, #tpu.memory_space<vmem>>)
    %add3A_2197 = arith.constant 240 : i32
    %add3A_2198 = arith.addi %mul3A_2, %add3A_2197 : i32
    %dma_start3A_2199 = arith.constant 0 : i32
    %dma_start3A_2200 = arith.constant 0 : i32
    %dma_start3A_2201 = arith.constant 0 : i32
    %dma_start3A_2202 = arith.constant 0 : i32
    %dma_start3A_2203 = arith.constant 0 : i32
    %dma_start3A_2204 = tpu.memref_slice %arg4[%dma_start3A_2199, %dma_start3A_2202, %dma_start3A_2203] : memref<6x8x2048xf32, #tpu.memory_space<vmem>> -> memref<1x8x2048xf32, #tpu.memory_space<vmem>>
    %dma_start3A_2205 = tpu.memref_squeeze %dma_start3A_2204 : memref<1x8x2048xf32, #tpu.memory_space<vmem>> -> memref<8x2048xf32, #tpu.memory_space<vmem>>
    %dma_start3A_2206 = arith.constant 0 : i32
    %dma_start3A_2207 = tpu.memref_slice %arg3[%dma_start3A_2200, %add3A_2198, %dma_start3A_2206] : memref<1x8192x2048xf32, #tpu.memory_space<hbm>> -> memref<1x8x2048xf32, #tpu.memory_space<hbm>>
    %dma_start3A_2208 = tpu.memref_squeeze %dma_start3A_2207 : memref<1x8x2048xf32, #tpu.memory_space<hbm>> -> memref<8x2048xf32, #tpu.memory_space<hbm>>
    %dma_start3A_2209 = tpu.memref_slice %arg6[%dma_start3A_2201] : memref<6x!tpu.dma_semaphore, #tpu.memory_space<semaphore_mem>> -> memref<1x!tpu.dma_semaphore, #tpu.memory_space<semaphore_mem>>
    %dma_start3A_2210 = tpu.memref_squeeze %dma_start3A_2209 : memref<1x!tpu.dma_semaphore, #tpu.memory_space<semaphore_mem>> -> memref<!tpu.dma_semaphore, #tpu.memory_space<semaphore_mem>>
    %dma_start3A_2211 = arith.constant 0 : i32
    %dma_start3A_2212 = tpu.memref_slice %arg3[%dma_start3A_2200, %add3A_2198, %dma_start3A_2211] : memref<1x8192x2048xf32, #tpu.memory_space<hbm>> -> memref<1x8x2048xf32, #tpu.memory_space<hbm>>
    %dma_start3A_2213 = tpu.memref_squeeze %dma_start3A_2212 : memref<1x8x2048xf32, #tpu.memory_space<hbm>> -> memref<8x2048xf32, #tpu.memory_space<hbm>>
    %dma_start3A_2214 = arith.constant 0 : i32
    %dma_start3A_2215 = arith.constant 0 : i32
    %dma_start3A_2216 = tpu.memref_slice %arg4[%dma_start3A_2199, %dma_start3A_2214, %dma_start3A_2215] : memref<6x8x2048xf32, #tpu.memory_space<vmem>> -> memref<1x8x2048xf32, #tpu.memory_space<vmem>>
    %dma_start3A_2217 = tpu.memref_squeeze %dma_start3A_2216 : memref<1x8x2048xf32, #tpu.memory_space<vmem>> -> memref<8x2048xf32, #tpu.memory_space<vmem>>
    tpu.enqueue_dma source(%dma_start3A_2217 : memref<8x2048xf32, #tpu.memory_space<vmem>>) target(%dma_start3A_2213 : memref<8x2048xf32, #tpu.memory_space<hbm>>) target_semaphore(%dma_start3A_2210 : memref<!tpu.dma_semaphore, #tpu.memory_space<semaphore_mem>>)
    %dma_wait3A_2218 = arith.constant 1 : i32
    %dma_wait3A_2219 = arith.constant 1 : i32
    %dma_wait3A_2220 = arith.constant 0 : i32
    %dma_wait3A_2221 = arith.constant 0 : i32
    %dma_wait3A_2222 = tpu.memref_slice %arg4[%dma_wait3A_2218, %dma_wait3A_2220, %dma_wait3A_2221] : memref<6x8x2048xf32, #tpu.memory_space<vmem>> -> memref<1x8x2048xf32, #tpu.memory_space<vmem>>
    %dma_wait3A_2223 = tpu.memref_squeeze %dma_wait3A_2222 : memref<1x8x2048xf32, #tpu.memory_space<vmem>> -> memref<8x2048xf32, #tpu.memory_space<vmem>>
    %dma_wait3A_2224 = arith.constant 0 : i32
    %dma_wait3A_2225 = tpu.memref_slice %arg2[%add3A_2016, %dma_wait3A_2224] : memref<8192x2048xf32, #tpu.memory_space<hbm>> -> memref<8x2048xf32, #tpu.memory_space<hbm>>
    %dma_wait3A_2226 = tpu.memref_slice %arg5[%dma_wait3A_2219] : memref<6x!tpu.dma_semaphore, #tpu.memory_space<semaphore_mem>> -> memref<1x!tpu.dma_semaphore, #tpu.memory_space<semaphore_mem>>
    %dma_wait3A_2227 = tpu.memref_squeeze %dma_wait3A_2226 : memref<1x!tpu.dma_semaphore, #tpu.memory_space<semaphore_mem>> -> memref<!tpu.dma_semaphore, #tpu.memory_space<semaphore_mem>>
    %dma_wait3A_2228 = arith.constant 0 : i32
    %dma_wait3A_2229 = arith.constant 0 : i32
    %dma_wait3A_2230 = tpu.memref_slice %arg4[%dma_wait3A_2218, %dma_wait3A_2228, %dma_wait3A_2229] : memref<6x8x2048xf32, #tpu.memory_space<vmem>> -> memref<1x8x2048xf32, #tpu.memory_space<vmem>>
    %dma_wait3A_2231 = tpu.memref_squeeze %dma_wait3A_2230 : memref<1x8x2048xf32, #tpu.memory_space<vmem>> -> memref<8x2048xf32, #tpu.memory_space<vmem>>
    %dma_wait3A_2232 = arith.constant 0 : i32
    %dma_wait3A_2233 = tpu.memref_slice %arg2[%add3A_2016, %dma_wait3A_2232] : memref<8192x2048xf32, #tpu.memory_space<hbm>> -> memref<8x2048xf32, #tpu.memory_space<hbm>>
    tpu.wait_dma2 semaphore(%dma_wait3A_2227 : memref<!tpu.dma_semaphore, #tpu.memory_space<semaphore_mem>>) src(%dma_wait3A_2233 : memref<8x2048xf32, #tpu.memory_space<hbm>>) dst(%dma_wait3A_2231 : memref<8x2048xf32, #tpu.memory_space<vmem>>)
    %add3A_2234 = arith.constant 248 : i32
    %add3A_2235 = arith.addi %mul3A_2, %add3A_2234 : i32
    %dma_start3A_2236 = arith.constant 1 : i32
    %dma_start3A_2237 = arith.constant 0 : i32
    %dma_start3A_2238 = arith.constant 1 : i32
    %dma_start3A_2239 = arith.constant 0 : i32
    %dma_start3A_2240 = arith.constant 0 : i32
    %dma_start3A_2241 = tpu.memref_slice %arg4[%dma_start3A_2236, %dma_start3A_2239, %dma_start3A_2240] : memref<6x8x2048xf32, #tpu.memory_space<vmem>> -> memref<1x8x2048xf32, #tpu.memory_space<vmem>>
    %dma_start3A_2242 = tpu.memref_squeeze %dma_start3A_2241 : memref<1x8x2048xf32, #tpu.memory_space<vmem>> -> memref<8x2048xf32, #tpu.memory_space<vmem>>
    %dma_start3A_2243 = arith.constant 0 : i32
    %dma_start3A_2244 = tpu.memref_slice %arg3[%dma_start3A_2237, %add3A_2235, %dma_start3A_2243] : memref<1x8192x2048xf32, #tpu.memory_space<hbm>> -> memref<1x8x2048xf32, #tpu.memory_space<hbm>>
    %dma_start3A_2245 = tpu.memref_squeeze %dma_start3A_2244 : memref<1x8x2048xf32, #tpu.memory_space<hbm>> -> memref<8x2048xf32, #tpu.memory_space<hbm>>
    %dma_start3A_2246 = tpu.memref_slice %arg6[%dma_start3A_2238] : memref<6x!tpu.dma_semaphore, #tpu.memory_space<semaphore_mem>> -> memref<1x!tpu.dma_semaphore, #tpu.memory_space<semaphore_mem>>
    %dma_start3A_2247 = tpu.memref_squeeze %dma_start3A_2246 : memref<1x!tpu.dma_semaphore, #tpu.memory_space<semaphore_mem>> -> memref<!tpu.dma_semaphore, #tpu.memory_space<semaphore_mem>>
    %dma_start3A_2248 = arith.constant 0 : i32
    %dma_start3A_2249 = tpu.memref_slice %arg3[%dma_start3A_2237, %add3A_2235, %dma_start3A_2248] : memref<1x8192x2048xf32, #tpu.memory_space<hbm>> -> memref<1x8x2048xf32, #tpu.memory_space<hbm>>
    %dma_start3A_2250 = tpu.memref_squeeze %dma_start3A_2249 : memref<1x8x2048xf32, #tpu.memory_space<hbm>> -> memref<8x2048xf32, #tpu.memory_space<hbm>>
    %dma_start3A_2251 = arith.constant 0 : i32
    %dma_start3A_2252 = arith.constant 0 : i32
    %dma_start3A_2253 = tpu.memref_slice %arg4[%dma_start3A_2236, %dma_start3A_2251, %dma_start3A_2252] : memref<6x8x2048xf32, #tpu.memory_space<vmem>> -> memref<1x8x2048xf32, #tpu.memory_space<vmem>>
    %dma_start3A_2254 = tpu.memref_squeeze %dma_start3A_2253 : memref<1x8x2048xf32, #tpu.memory_space<vmem>> -> memref<8x2048xf32, #tpu.memory_space<vmem>>
    tpu.enqueue_dma source(%dma_start3A_2254 : memref<8x2048xf32, #tpu.memory_space<vmem>>) target(%dma_start3A_2250 : memref<8x2048xf32, #tpu.memory_space<hbm>>) target_semaphore(%dma_start3A_2247 : memref<!tpu.dma_semaphore, #tpu.memory_space<semaphore_mem>>)
    %dma_wait3A_2255 = arith.constant 2 : i32
    %dma_wait3A_2256 = arith.constant 0 : i32
    %dma_wait3A_2257 = arith.constant 2 : i32
    %dma_wait3A_2258 = arith.constant 0 : i32
    %dma_wait3A_2259 = arith.constant 0 : i32
    %dma_wait3A_2260 = tpu.memref_slice %arg4[%dma_wait3A_2255, %dma_wait3A_2258, %dma_wait3A_2259] : memref<6x8x2048xf32, #tpu.memory_space<vmem>> -> memref<1x8x2048xf32, #tpu.memory_space<vmem>>
    %dma_wait3A_2261 = tpu.memref_squeeze %dma_wait3A_2260 : memref<1x8x2048xf32, #tpu.memory_space<vmem>> -> memref<8x2048xf32, #tpu.memory_space<vmem>>
    %dma_wait3A_2262 = arith.constant 0 : i32
    %dma_wait3A_2263 = tpu.memref_slice %arg3[%dma_wait3A_2256, %add3A_2050, %dma_wait3A_2262] : memref<1x8192x2048xf32, #tpu.memory_space<hbm>> -> memref<1x8x2048xf32, #tpu.memory_space<hbm>>
    %dma_wait3A_2264 = tpu.memref_squeeze %dma_wait3A_2263 : memref<1x8x2048xf32, #tpu.memory_space<hbm>> -> memref<8x2048xf32, #tpu.memory_space<hbm>>
    %dma_wait3A_2265 = tpu.memref_slice %arg6[%dma_wait3A_2257] : memref<6x!tpu.dma_semaphore, #tpu.memory_space<semaphore_mem>> -> memref<1x!tpu.dma_semaphore, #tpu.memory_space<semaphore_mem>>
    %dma_wait3A_2266 = tpu.memref_squeeze %dma_wait3A_2265 : memref<1x!tpu.dma_semaphore, #tpu.memory_space<semaphore_mem>> -> memref<!tpu.dma_semaphore, #tpu.memory_space<semaphore_mem>>
    %dma_wait3A_2267 = arith.constant 0 : i32
    %dma_wait3A_2268 = tpu.memref_slice %arg3[%dma_wait3A_2256, %add3A_2050, %dma_wait3A_2267] : memref<1x8192x2048xf32, #tpu.memory_space<hbm>> -> memref<1x8x2048xf32, #tpu.memory_space<hbm>>
    %dma_wait3A_2269 = tpu.memref_squeeze %dma_wait3A_2268 : memref<1x8x2048xf32, #tpu.memory_space<hbm>> -> memref<8x2048xf32, #tpu.memory_space<hbm>>
    %dma_wait3A_2270 = arith.constant 0 : i32
    %dma_wait3A_2271 = arith.constant 0 : i32
    %dma_wait3A_2272 = tpu.memref_slice %arg4[%dma_wait3A_2255, %dma_wait3A_2270, %dma_wait3A_2271] : memref<6x8x2048xf32, #tpu.memory_space<vmem>> -> memref<1x8x2048xf32, #tpu.memory_space<vmem>>
    %dma_wait3A_2273 = tpu.memref_squeeze %dma_wait3A_2272 : memref<1x8x2048xf32, #tpu.memory_space<vmem>> -> memref<8x2048xf32, #tpu.memory_space<vmem>>
    tpu.wait_dma2 semaphore(%dma_wait3A_2266 : memref<!tpu.dma_semaphore, #tpu.memory_space<semaphore_mem>>) src(%dma_wait3A_2273 : memref<8x2048xf32, #tpu.memory_space<vmem>>) dst(%dma_wait3A_2269 : memref<8x2048xf32, #tpu.memory_space<hbm>>)
    %dma_wait3A_2274 = arith.constant 3 : i32
    %dma_wait3A_2275 = arith.constant 0 : i32
    %dma_wait3A_2276 = arith.constant 3 : i32
    %dma_wait3A_2277 = arith.constant 0 : i32
    %dma_wait3A_2278 = arith.constant 0 : i32
    %dma_wait3A_2279 = tpu.memref_slice %arg4[%dma_wait3A_2274, %dma_wait3A_2277, %dma_wait3A_2278] : memref<6x8x2048xf32, #tpu.memory_space<vmem>> -> memref<1x8x2048xf32, #tpu.memory_space<vmem>>
    %dma_wait3A_2280 = tpu.memref_squeeze %dma_wait3A_2279 : memref<1x8x2048xf32, #tpu.memory_space<vmem>> -> memref<8x2048xf32, #tpu.memory_space<vmem>>
    %dma_wait3A_2281 = arith.constant 0 : i32
    %dma_wait3A_2282 = tpu.memref_slice %arg3[%dma_wait3A_2275, %add3A_2087, %dma_wait3A_2281] : memref<1x8192x2048xf32, #tpu.memory_space<hbm>> -> memref<1x8x2048xf32, #tpu.memory_space<hbm>>
    %dma_wait3A_2283 = tpu.memref_squeeze %dma_wait3A_2282 : memref<1x8x2048xf32, #tpu.memory_space<hbm>> -> memref<8x2048xf32, #tpu.memory_space<hbm>>
    %dma_wait3A_2284 = tpu.memref_slice %arg6[%dma_wait3A_2276] : memref<6x!tpu.dma_semaphore, #tpu.memory_space<semaphore_mem>> -> memref<1x!tpu.dma_semaphore, #tpu.memory_space<semaphore_mem>>
    %dma_wait3A_2285 = tpu.memref_squeeze %dma_wait3A_2284 : memref<1x!tpu.dma_semaphore, #tpu.memory_space<semaphore_mem>> -> memref<!tpu.dma_semaphore, #tpu.memory_space<semaphore_mem>>
    %dma_wait3A_2286 = arith.constant 0 : i32
    %dma_wait3A_2287 = tpu.memref_slice %arg3[%dma_wait3A_2275, %add3A_2087, %dma_wait3A_2286] : memref<1x8192x2048xf32, #tpu.memory_space<hbm>> -> memref<1x8x2048xf32, #tpu.memory_space<hbm>>
    %dma_wait3A_2288 = tpu.memref_squeeze %dma_wait3A_2287 : memref<1x8x2048xf32, #tpu.memory_space<hbm>> -> memref<8x2048xf32, #tpu.memory_space<hbm>>
    %dma_wait3A_2289 = arith.constant 0 : i32
    %dma_wait3A_2290 = arith.constant 0 : i32
    %dma_wait3A_2291 = tpu.memref_slice %arg4[%dma_wait3A_2274, %dma_wait3A_2289, %dma_wait3A_2290] : memref<6x8x2048xf32, #tpu.memory_space<vmem>> -> memref<1x8x2048xf32, #tpu.memory_space<vmem>>
    %dma_wait3A_2292 = tpu.memref_squeeze %dma_wait3A_2291 : memref<1x8x2048xf32, #tpu.memory_space<vmem>> -> memref<8x2048xf32, #tpu.memory_space<vmem>>
    tpu.wait_dma2 semaphore(%dma_wait3A_2285 : memref<!tpu.dma_semaphore, #tpu.memory_space<semaphore_mem>>) src(%dma_wait3A_2292 : memref<8x2048xf32, #tpu.memory_space<vmem>>) dst(%dma_wait3A_2288 : memref<8x2048xf32, #tpu.memory_space<hbm>>)
    %dma_wait3A_2293 = arith.constant 4 : i32
    %dma_wait3A_2294 = arith.constant 0 : i32
    %dma_wait3A_2295 = arith.constant 4 : i32
    %dma_wait3A_2296 = arith.constant 0 : i32
    %dma_wait3A_2297 = arith.constant 0 : i32
    %dma_wait3A_2298 = tpu.memref_slice %arg4[%dma_wait3A_2293, %dma_wait3A_2296, %dma_wait3A_2297] : memref<6x8x2048xf32, #tpu.memory_space<vmem>> -> memref<1x8x2048xf32, #tpu.memory_space<vmem>>
    %dma_wait3A_2299 = tpu.memref_squeeze %dma_wait3A_2298 : memref<1x8x2048xf32, #tpu.memory_space<vmem>> -> memref<8x2048xf32, #tpu.memory_space<vmem>>
    %dma_wait3A_2300 = arith.constant 0 : i32
    %dma_wait3A_2301 = tpu.memref_slice %arg3[%dma_wait3A_2294, %add3A_2124, %dma_wait3A_2300] : memref<1x8192x2048xf32, #tpu.memory_space<hbm>> -> memref<1x8x2048xf32, #tpu.memory_space<hbm>>
    %dma_wait3A_2302 = tpu.memref_squeeze %dma_wait3A_2301 : memref<1x8x2048xf32, #tpu.memory_space<hbm>> -> memref<8x2048xf32, #tpu.memory_space<hbm>>
    %dma_wait3A_2303 = tpu.memref_slice %arg6[%dma_wait3A_2295] : memref<6x!tpu.dma_semaphore, #tpu.memory_space<semaphore_mem>> -> memref<1x!tpu.dma_semaphore, #tpu.memory_space<semaphore_mem>>
    %dma_wait3A_2304 = tpu.memref_squeeze %dma_wait3A_2303 : memref<1x!tpu.dma_semaphore, #tpu.memory_space<semaphore_mem>> -> memref<!tpu.dma_semaphore, #tpu.memory_space<semaphore_mem>>
    %dma_wait3A_2305 = arith.constant 0 : i32
    %dma_wait3A_2306 = tpu.memref_slice %arg3[%dma_wait3A_2294, %add3A_2124, %dma_wait3A_2305] : memref<1x8192x2048xf32, #tpu.memory_space<hbm>> -> memref<1x8x2048xf32, #tpu.memory_space<hbm>>
    %dma_wait3A_2307 = tpu.memref_squeeze %dma_wait3A_2306 : memref<1x8x2048xf32, #tpu.memory_space<hbm>> -> memref<8x2048xf32, #tpu.memory_space<hbm>>
    %dma_wait3A_2308 = arith.constant 0 : i32
    %dma_wait3A_2309 = arith.constant 0 : i32
    %dma_wait3A_2310 = tpu.memref_slice %arg4[%dma_wait3A_2293, %dma_wait3A_2308, %dma_wait3A_2309] : memref<6x8x2048xf32, #tpu.memory_space<vmem>> -> memref<1x8x2048xf32, #tpu.memory_space<vmem>>
    %dma_wait3A_2311 = tpu.memref_squeeze %dma_wait3A_2310 : memref<1x8x2048xf32, #tpu.memory_space<vmem>> -> memref<8x2048xf32, #tpu.memory_space<vmem>>
    tpu.wait_dma2 semaphore(%dma_wait3A_2304 : memref<!tpu.dma_semaphore, #tpu.memory_space<semaphore_mem>>) src(%dma_wait3A_2311 : memref<8x2048xf32, #tpu.memory_space<vmem>>) dst(%dma_wait3A_2307 : memref<8x2048xf32, #tpu.memory_space<hbm>>)
    %dma_wait3A_2312 = arith.constant 5 : i32
    %dma_wait3A_2313 = arith.constant 0 : i32
    %dma_wait3A_2314 = arith.constant 5 : i32
    %dma_wait3A_2315 = arith.constant 0 : i32
    %dma_wait3A_2316 = arith.constant 0 : i32
    %dma_wait3A_2317 = tpu.memref_slice %arg4[%dma_wait3A_2312, %dma_wait3A_2315, %dma_wait3A_2316] : memref<6x8x2048xf32, #tpu.memory_space<vmem>> -> memref<1x8x2048xf32, #tpu.memory_space<vmem>>
    %dma_wait3A_2318 = tpu.memref_squeeze %dma_wait3A_2317 : memref<1x8x2048xf32, #tpu.memory_space<vmem>> -> memref<8x2048xf32, #tpu.memory_space<vmem>>
    %dma_wait3A_2319 = arith.constant 0 : i32
    %dma_wait3A_2320 = tpu.memref_slice %arg3[%dma_wait3A_2313, %add3A_2161, %dma_wait3A_2319] : memref<1x8192x2048xf32, #tpu.memory_space<hbm>> -> memref<1x8x2048xf32, #tpu.memory_space<hbm>>
    %dma_wait3A_2321 = tpu.memref_squeeze %dma_wait3A_2320 : memref<1x8x2048xf32, #tpu.memory_space<hbm>> -> memref<8x2048xf32, #tpu.memory_space<hbm>>
    %dma_wait3A_2322 = tpu.memref_slice %arg6[%dma_wait3A_2314] : memref<6x!tpu.dma_semaphore, #tpu.memory_space<semaphore_mem>> -> memref<1x!tpu.dma_semaphore, #tpu.memory_space<semaphore_mem>>
    %dma_wait3A_2323 = tpu.memref_squeeze %dma_wait3A_2322 : memref<1x!tpu.dma_semaphore, #tpu.memory_space<semaphore_mem>> -> memref<!tpu.dma_semaphore, #tpu.memory_space<semaphore_mem>>
    %dma_wait3A_2324 = arith.constant 0 : i32
    %dma_wait3A_2325 = tpu.memref_slice %arg3[%dma_wait3A_2313, %add3A_2161, %dma_wait3A_2324] : memref<1x8192x2048xf32, #tpu.memory_space<hbm>> -> memref<1x8x2048xf32, #tpu.memory_space<hbm>>
    %dma_wait3A_2326 = tpu.memref_squeeze %dma_wait3A_2325 : memref<1x8x2048xf32, #tpu.memory_space<hbm>> -> memref<8x2048xf32, #tpu.memory_space<hbm>>
    %dma_wait3A_2327 = arith.constant 0 : i32
    %dma_wait3A_2328 = arith.constant 0 : i32
    %dma_wait3A_2329 = tpu.memref_slice %arg4[%dma_wait3A_2312, %dma_wait3A_2327, %dma_wait3A_2328] : memref<6x8x2048xf32, #tpu.memory_space<vmem>> -> memref<1x8x2048xf32, #tpu.memory_space<vmem>>
    %dma_wait3A_2330 = tpu.memref_squeeze %dma_wait3A_2329 : memref<1x8x2048xf32, #tpu.memory_space<vmem>> -> memref<8x2048xf32, #tpu.memory_space<vmem>>
    tpu.wait_dma2 semaphore(%dma_wait3A_2323 : memref<!tpu.dma_semaphore, #tpu.memory_space<semaphore_mem>>) src(%dma_wait3A_2330 : memref<8x2048xf32, #tpu.memory_space<vmem>>) dst(%dma_wait3A_2326 : memref<8x2048xf32, #tpu.memory_space<hbm>>)
    %dma_wait3A_2331 = arith.constant 0 : i32
    %dma_wait3A_2332 = arith.constant 0 : i32
    %dma_wait3A_2333 = arith.constant 0 : i32
    %dma_wait3A_2334 = arith.constant 0 : i32
    %dma_wait3A_2335 = arith.constant 0 : i32
    %dma_wait3A_2336 = tpu.memref_slice %arg4[%dma_wait3A_2331, %dma_wait3A_2334, %dma_wait3A_2335] : memref<6x8x2048xf32, #tpu.memory_space<vmem>> -> memref<1x8x2048xf32, #tpu.memory_space<vmem>>
    %dma_wait3A_2337 = tpu.memref_squeeze %dma_wait3A_2336 : memref<1x8x2048xf32, #tpu.memory_space<vmem>> -> memref<8x2048xf32, #tpu.memory_space<vmem>>
    %dma_wait3A_2338 = arith.constant 0 : i32
    %dma_wait3A_2339 = tpu.memref_slice %arg3[%dma_wait3A_2332, %add3A_2198, %dma_wait3A_2338] : memref<1x8192x2048xf32, #tpu.memory_space<hbm>> -> memref<1x8x2048xf32, #tpu.memory_space<hbm>>
    %dma_wait3A_2340 = tpu.memref_squeeze %dma_wait3A_2339 : memref<1x8x2048xf32, #tpu.memory_space<hbm>> -> memref<8x2048xf32, #tpu.memory_space<hbm>>
    %dma_wait3A_2341 = tpu.memref_slice %arg6[%dma_wait3A_2333] : memref<6x!tpu.dma_semaphore, #tpu.memory_space<semaphore_mem>> -> memref<1x!tpu.dma_semaphore, #tpu.memory_space<semaphore_mem>>
    %dma_wait3A_2342 = tpu.memref_squeeze %dma_wait3A_2341 : memref<1x!tpu.dma_semaphore, #tpu.memory_space<semaphore_mem>> -> memref<!tpu.dma_semaphore, #tpu.memory_space<semaphore_mem>>
    %dma_wait3A_2343 = arith.constant 0 : i32
    %dma_wait3A_2344 = tpu.memref_slice %arg3[%dma_wait3A_2332, %add3A_2198, %dma_wait3A_2343] : memref<1x8192x2048xf32, #tpu.memory_space<hbm>> -> memref<1x8x2048xf32, #tpu.memory_space<hbm>>
    %dma_wait3A_2345 = tpu.memref_squeeze %dma_wait3A_2344 : memref<1x8x2048xf32, #tpu.memory_space<hbm>> -> memref<8x2048xf32, #tpu.memory_space<hbm>>
    %dma_wait3A_2346 = arith.constant 0 : i32
    %dma_wait3A_2347 = arith.constant 0 : i32
    %dma_wait3A_2348 = tpu.memref_slice %arg4[%dma_wait3A_2331, %dma_wait3A_2346, %dma_wait3A_2347] : memref<6x8x2048xf32, #tpu.memory_space<vmem>> -> memref<1x8x2048xf32, #tpu.memory_space<vmem>>
    %dma_wait3A_2349 = tpu.memref_squeeze %dma_wait3A_2348 : memref<1x8x2048xf32, #tpu.memory_space<vmem>> -> memref<8x2048xf32, #tpu.memory_space<vmem>>
    tpu.wait_dma2 semaphore(%dma_wait3A_2342 : memref<!tpu.dma_semaphore, #tpu.memory_space<semaphore_mem>>) src(%dma_wait3A_2349 : memref<8x2048xf32, #tpu.memory_space<vmem>>) dst(%dma_wait3A_2345 : memref<8x2048xf32, #tpu.memory_space<hbm>>)
    %dma_wait3A_2350 = arith.constant 1 : i32
    %dma_wait3A_2351 = arith.constant 0 : i32
    %dma_wait3A_2352 = arith.constant 1 : i32
    %dma_wait3A_2353 = arith.constant 0 : i32
    %dma_wait3A_2354 = arith.constant 0 : i32
    %dma_wait3A_2355 = tpu.memref_slice %arg4[%dma_wait3A_2350, %dma_wait3A_2353, %dma_wait3A_2354] : memref<6x8x2048xf32, #tpu.memory_space<vmem>> -> memref<1x8x2048xf32, #tpu.memory_space<vmem>>
    %dma_wait3A_2356 = tpu.memref_squeeze %dma_wait3A_2355 : memref<1x8x2048xf32, #tpu.memory_space<vmem>> -> memref<8x2048xf32, #tpu.memory_space<vmem>>
    %dma_wait3A_2357 = arith.constant 0 : i32
    %dma_wait3A_2358 = tpu.memref_slice %arg3[%dma_wait3A_2351, %add3A_2235, %dma_wait3A_2357] : memref<1x8192x2048xf32, #tpu.memory_space<hbm>> -> memref<1x8x2048xf32, #tpu.memory_space<hbm>>
    %dma_wait3A_2359 = tpu.memref_squeeze %dma_wait3A_2358 : memref<1x8x2048xf32, #tpu.memory_space<hbm>> -> memref<8x2048xf32, #tpu.memory_space<hbm>>
    %dma_wait3A_2360 = tpu.memref_slice %arg6[%dma_wait3A_2352] : memref<6x!tpu.dma_semaphore, #tpu.memory_space<semaphore_mem>> -> memref<1x!tpu.dma_semaphore, #tpu.memory_space<semaphore_mem>>
    %dma_wait3A_2361 = tpu.memref_squeeze %dma_wait3A_2360 : memref<1x!tpu.dma_semaphore, #tpu.memory_space<semaphore_mem>> -> memref<!tpu.dma_semaphore, #tpu.memory_space<semaphore_mem>>
    %dma_wait3A_2362 = arith.constant 0 : i32
    %dma_wait3A_2363 = tpu.memref_slice %arg3[%dma_wait3A_2351, %add3A_2235, %dma_wait3A_2362] : memref<1x8192x2048xf32, #tpu.memory_space<hbm>> -> memref<1x8x2048xf32, #tpu.memory_space<hbm>>
    %dma_wait3A_2364 = tpu.memref_squeeze %dma_wait3A_2363 : memref<1x8x2048xf32, #tpu.memory_space<hbm>> -> memref<8x2048xf32, #tpu.memory_space<hbm>>
    %dma_wait3A_2365 = arith.constant 0 : i32
    %dma_wait3A_2366 = arith.constant 0 : i32
    %dma_wait3A_2367 = tpu.memref_slice %arg4[%dma_wait3A_2350, %dma_wait3A_2365, %dma_wait3A_2366] : memref<6x8x2048xf32, #tpu.memory_space<vmem>> -> memref<1x8x2048xf32, #tpu.memory_space<vmem>>
    %dma_wait3A_2368 = tpu.memref_squeeze %dma_wait3A_2367 : memref<1x8x2048xf32, #tpu.memory_space<vmem>> -> memref<8x2048xf32, #tpu.memory_space<vmem>>
    tpu.wait_dma2 semaphore(%dma_wait3A_2361 : memref<!tpu.dma_semaphore, #tpu.memory_space<semaphore_mem>>) src(%dma_wait3A_2368 : memref<8x2048xf32, #tpu.memory_space<vmem>>) dst(%dma_wait3A_2364 : memref<8x2048xf32, #tpu.memory_space<hbm>>)
    return
  }
}

</mosaic_0001>

<sc_bundles>
// kernel: kernel.3.cloned.1.call-start
scs
__scs_entry_jumppad:
0x0: {  	(pc) =	sbr.rel $0x88, $3  }
0x1: {  	(tag) =	ssettag $0x0;
	lr =	simm.s32 $0x1  }
0x2: {  	[smem:$0x3FA0] =	sst lr;
	_ =	strace $0xD0000000  }
0x3: {  	_ = 	snop  }
0x4: {  	_ = 	snop  }
0x5: {  	_ = 	snop  }
0x6: {  	_ = 	snop  }
0x7: {  	_ = 	snop  }
__scs_overlays_trampoline_lowered:
0x8: {  	[smem:$0x3FAF] =	sst s0  }
0x9: {  	[smem:$0x3FB0] =	sst s1  }
0xa: {  	[smem:$0x3FB1] =	sst s2  }
0xb: {  	[smem:$0x3FB2] =	sst s3  }
0xc: {  	[smem:$0x3FB3] =	sst s4  }
0xd: {  	[smem:$0x3FB4] =	sst s5  }
0xe: {  	[smem:$0x3FB5] =	sst s6  }
0xf: {  	[smem:$0x3FB6] =	sst s7  }
0x10: {  	[smem:$0x3FB7] =	sst s8  }
0x11: {  	[smem:$0x3FB8] =	sst s9;
	s0 =	simm.s32 @!p0 $0x0  }
0x12: {  	s1 =	sld [smem:$0x3F9E];
	s0 =	simm.s32 @p0 $0x1  }
0x13: {  	[smem:$0x3FB9] =	sst s0;
	s0 =	simm.s32 @!p1 $0x0  }
0x14: {  	s2 =	sld [smem:$0x3F9D];
	s0 =	simm.s32 @p1 $0x1  }
0x15: {  	[smem:$0x3FBA] =	sst s0;
	s0 =	simm.s32 @!p2 $0x0  }
0x16: {  	s3 =	sld [smem:$0x3FDB];
	s0 =	simm.s32 @p2 $0x1  }
0x17: {  	s4 =	simm.s32 $0x1BF5;
	[smem:$0x3FBC] =	sst s0  }
0x18: {  	s0 =	sld [smem:$0x3F9F];
	_ =	swait.ge [sflag:s4], $0x0  }
0x19: {  	s7 =	sld [smem:$0x3FA0]  }
0x1a: {  	s8 =	sadd.s32 $0xFFFFE003, lr  }
0x1b: {  	s9 =	sadd.s32 $0xFFFFFEF7, lr;
	s5 =	simm.s32 $0xFFFFFFFF;
	p2 =	slt.u32 s8, $0xFFFFF086  }
0x1c: {  	p1 =	slt.u32 s9, $0xF7A;
	s5 =	simm.s32 @!p2 $0x0  }
0x1d: {  	s5 =	simm.s32 @p1 $0x1;
	p0 =	seq.s32 s7, s2  }
0x1e: {  	s7 =	smul.u32 @!p0 $0xF7A, s2;
	p2 =	seq.s32 @!p0 s5, $0x0  }
0x1f: {  	s9 =	smul.u32 $0xF7A, s1;
	s8 =	simm.s32 @!p0 $0x1BF5;
	p2 =	por !p2, p0  }
0x20: {  	[sflag:s8] =	ssyncset.s32 @!p0 $0xFFFFF086;
	s6 =	sadd.s32 @!p0 s3, s7;
	s7 =	simm.s32 @!p0 $0x108  }
0x21: {  	s3 =	sadd.s32 s3, s9;
	s6 =	sadd.s32 @!p0 $0x88, s6;
	s7 =	simm.s32 @p2 $0x1082  }
0x22: {  	[simem:s7], [sflag:s8] =	dma.local @!p0 [hbm:s6], $0xF7A  }
0x23: {  	s9 =	sor.u32 $0xD0000000, s2;
	s6 =	simm.s32 $0x108;
	_ =	swait.ge @!p0 [sflag:s8], $0x0  }
0x24: {  	s3 =	sadd.s32 $0x88, s3;
	s6 =	simm.s32 @!p1 $0x1082;
	[sflag:s4] =	ssyncset.s32 $0xFFFFF086  }
0x25: {  	[simem:s6], [sflag:s4] =	dma.local [hbm:s3], $0xF7A  }
0x26: {  	[smem:$0x3FA0] =	sst s1;
	(tag) =	ssettag s2;
	_ =	strace s9  }
0x27: {  	s1 =	sld [smem:$0x3FB0]  }
0x28: {  	s2 =	sld [smem:$0x3FB1]  }
0x29: {  	s4 =	sld [smem:$0x3FB3]  }
0x2a: {  	p0 =	seq.s32 s5, $0x0;
	s5 =	sld [smem:$0x3FB4]  }
0x2b: {  	s6 =	sld [smem:$0x3FB5]  }
0x2c: {  	s7 =	sld [smem:$0x3FB6]  }
0x2d: {  	s3 =	simm.s32 $0x108;
	s8 =	sld [smem:$0x3FB7]  }
0x2e: {  	s3 =	simm.s32 @!p0 $0x1082;
	s9 =	sld [smem:$0x3FB8]  }
0x2f: {  	lr =	sadd.s32 s0, s3;
	s0 =	sld [smem:$0x3FAF]  }
0x30: {  	s3 =	sld [smem:$0x3FB2]  }
0x31: {  	[smem:$0x3FBB] =	sst s10  }
0x32: {  	s10 =	sld [smem:$0x3FB9];
	_ =	sdelay $0x3  }
0x33: {  	p0 =	seq.s32 s10, $0x1;
	s10 =	sld [smem:$0x3FBB];
	_ =	sdelay $0x3  }
0x34: {  	[smem:$0x3FBB] =	sst s10  }
0x35: {  	s10 =	sld [smem:$0x3FBA];
	_ =	sdelay $0x3  }
0x36: {  	p1 =	seq.s32 s10, $0x1;
	s10 =	sld [smem:$0x3FBB];
	_ =	sdelay $0x3  }
0x37: {  	[smem:$0x3FBB] =	sst s10  }
0x38: {  	s10 =	sld [smem:$0x3FBC]  }
0x39: {  	_ = 	snop;
	(pc) =	sbr.ind lr, $3  }
0x3a: {  	_ = 	snop  }
0x3b: {  	_ = 	snop  }
0x3c: {  	p2 =	seq.s32 s10, $0x1;
	s10 =	sld [smem:$0x3FBB]  }
0x3d: {  	_ =	shalt  }
0x3e: {  	_ =	shalt  }
0x3f: {  	_ =	shalt  }
0x40: {  	_ =	shalt  }
0x41: {  	_ =	shalt  }
0x42: {  	_ =	shalt  }
0x43: {  	_ =	shalt  }
0x44: {  	_ =	shalt  }
0x45: {  	_ =	shalt  }
0x46: {  	_ =	shalt  }
0x47: {  	_ =	shalt  }
0x48: {  	_ =	shalt  }
0x49: {  	_ =	shalt  }
0x4a: {  	_ =	shalt  }
0x4b: {  	_ =	shalt  }
0x4c: {  	_ =	shalt  }
0x4d: {  	_ =	shalt  }
0x4e: {  	_ =	shalt  }
0x4f: {  	_ =	shalt  }
0x50: {  	_ =	shalt  }
0x51: {  	_ =	shalt  }
0x52: {  	_ =	shalt  }
0x53: {  	_ =	shalt  }
0x54: {  	_ =	shalt  }
0x55: {  	_ =	shalt  }
0x56: {  	_ =	shalt  }
0x57: {  	_ =	shalt  }
0x58: {  	_ =	shalt  }
0x59: {  	_ =	shalt  }
0x5a: {  	_ =	shalt  }
0x5b: {  	_ =	shalt  }
0x5c: {  	_ =	shalt  }
0x5d: {  	_ =	shalt  }
0x5e: {  	_ =	shalt  }
0x5f: {  	_ =	shalt  }
0x60: {  	_ =	shalt  }
0x61: {  	_ =	shalt  }
0x62: {  	_ =	shalt  }
0x63: {  	_ =	shalt  }
0x64: {  	_ =	shalt  }
0x65: {  	_ =	shalt  }
0x66: {  	_ =	shalt  }
0x67: {  	_ =	shalt  }
0x68: {  	_ =	shalt  }
0x69: {  	_ =	shalt  }
0x6a: {  	_ =	shalt  }
0x6b: {  	_ =	shalt  }
0x6c: {  	_ =	shalt  }
0x6d: {  	_ =	shalt  }
0x6e: {  	_ =	shalt  }
0x6f: {  	_ =	shalt  }
0x70: {  	_ =	shalt  }
0x71: {  	_ =	shalt  }
0x72: {  	_ =	shalt  }
0x73: {  	_ =	shalt  }
0x74: {  	_ =	shalt  }
0x75: {  	_ =	shalt  }
0x76: {  	_ =	shalt  }
0x77: {  	_ =	shalt  }
0x78: {  	_ =	shalt  }
0x79: {  	_ =	shalt  }
0x7a: {  	_ =	shalt  }
0x7b: {  	_ =	shalt  }
0x7c: {  	_ =	shalt  }
0x7d: {  	_ =	shalt  }
0x7e: {  	_ =	shalt  }
0x7f: {  	_ =	shalt  }
0x80: {  	_ =	shalt  }
0x81: {  	_ =	shalt  }
0x82: {  	_ =	shalt  }
0x83: {  	_ =	shalt  }
0x84: {  	_ =	shalt  }
0x85: {  	_ =	shalt  }
0x86: {  	_ =	shalt  }
0x87: {  	_ =	shalt  }
.Lfunc_end0:
.L_simem_size_0:
called_computation_lowered:
.L_overlay_start_0:
0x88: {  	s2 =	sld [smem:$0x3FD9]  }
0x89: {  	s3 =	sld [smem:$0x3FFE];
	_ =	sdelay $0x1  }
0x8a: {  	s1 =	srdreg.scid  }
0x8b: {  	s0 =	sand.u32 $0x1, s1  }
0x8c: {  	s18 =	sshll.u32 s0, $0xA;
	s2 =	sadd.s32 s3, s2  }
0x8d: {  	s2 =	sadd.s32 s2, s18  }
0x8e: {  	[smem:$0x3FC7] =	sst s2  }
0x8f: {  	_ = 	snop  }
0x90: {  	s2 =	sld [smem:$0x3FC9]  }
0x91: {  	s19 =	sld [smem:$0x3FD0];
	(tm) =	ssettm $0x1  }
0x92: {  	s4 =	sld [smem:$0x3FFB];
	_ =	sdelay $0x3  }
0x93: {  	_ =	strace s4  }
0x94: {  	s4 =	sld [smem:$0x3FFC];
	_ =	sdelay $0x3  }
0x95: {  	_ =	strace s4  }
0x96: {  	s4 =	sld [smem:$0x3FFD];
	_ =	sdelay $0x3  }
0x97: {  	_ =	strace s4  }
0x98: {  	_ =	strace $0x8FFFFFFF  }
0x99: {  	s20 =	sld [smem:$0x3FDB];
	_ =	sdelay $0x1  }
0x9a: {  	s5 =	simm.s32 $_scs_section_size  }
0x9b: {  	s6 =	simm.s32 $_size__tile_overlayer_lowered;
	s7 =	simm.s32 $_tile_overlayer_lowered  }
0x9c: {  	s23 =	simm.s32 $0x1BFF;
	s22 =	sshll.u32 s7, $0x1;
	s4 =	sadd.s32 s5, s20  }
0x9d: {  	s8 =	simm.s32 $0x0;
	s21 =	sshll.u32 s6, $0x1;
	s6 =	sadd.s32 s22, s4  }
0x9e: {  	[timem:s8], [sflag:s23] =	dma.local [hbm:s6], s21  }
0x9f: {  	_ =	swait.ge [sflag:s23], s21  }
0xa0: {  	s5 =	ssub.s32 $0x0, s21;
	[sflag:s23] =	ssyncset.done $0x0  }
0xa1: {  	[sflag:s23] =	ssyncadd.s32 s5;
	_ =	sdelay $0x1  }
0xa2: {  	s24 =	simm.s32 $0x1B8B  }
0xa3: {  	_ =	swait.ge [sflag:s24], $0x1  }
0xa4: {  	[sflag:s24] =	ssyncset.done $0x0  }
0xa5: {  	s25 =	simm.s32 $0x1B8E;
	[sflag:s24] =	ssyncadd.s32 $0xFFFFFFFF  }
0xa6: {  	s26 =	simm.s32 $execute0_lowered;
	[smem:$0x3FD2] =	sst s25  }
0xa7: {  	s5 =	sshll.u32 s26, $0x1;
	_ =	strace $0x80000046;
	[dreg:$0x1] =	wrdreg $0xFFFFFFFF  }
0xa8: {  	s28 =	simm.s32 $_size_execute0_lowered;
	s4 =	sadd.s32 s4, s5;
	[dreg:$0x0] =	wrdreg $0x0  }
0xa9: {  	s5 =	sshll.u32 s28, $0x1;
	[dreg:$0x2] =	wrdreg s4  }
0xaa: {  	[dreg:$0x3] =	wrdreg s5  }
0xab: {  	[dreg:$0x4] =	wrdreg $0xC0  }
0xac: {  	_ =	task [dreg:s8], $0x5FFFF  }
0xad: {  	[dreg:$0x1] =	wrdreg $0xFFFFFFFF  }
0xae: {  	[dreg:$0x0] =	wrdreg $0x60  }
0xaf: {  	[dreg:$0x2] =	wrdreg s2  }
0xb0: {  	[dreg:$0x3] =	wrdreg s19  }
0xb1: {  	[dreg:$0x4] =	wrdreg $0x9  }
0xb2: {  	_ =	task.clear_ibuf [dreg:s8], $0x5FFFF;
	_ =	strace $0x90000046  }
0xb3: {  	s29 =	simm.s32 $0x9;
	_ =	strace $0x80000048  }
0xb4: {  	_ =	swait.ge [sflag:s29], $0x1  }
0xb5: {  	[sflag:s29] =	ssyncadd.s32 $0xFFFFFFFF  }
0xb6: {  	_ =	strace $0x90000048  }
0xb7: {  	_ =	sfence  }
0xb8: {  	s30 =	sld [smem:$0x0];
	_ =	sdelay $0x2  }
0xb9: {  	s31 =	sshll.u32 s1, $0xD;
	s1 =	sshrl.u32 s1, $0x2  }
0xba: {  	s3 =	sand.u32 $0x4000, s31;
	s1 =	sadd.s32 s1, s30  }
0xbb: {  	s0 =	sor.u32 s3, s0;
	s1 =	sshll.u32 s1, $0x11  }
0xbc: {  	s0 =	sor.u32 s1, s0  }
0xbd: {  	s0 =	sadd.s32 $0x8F2B, s0  }
0xbe: {  	[sflag:s0] =	ssyncadd.remote.s32 $0x1  }
0xbf: {  	_ =	sfence.sel $0xFFFF  }
0xc0: {  	[dreg:$0x0] =	wrdreg $0xFFFFFFFF;
	(pc) =	sbr.abs _section_cstart, $3  }
0xc1: {  	[dreg:$0x1] =	wrdreg $0xFFFFFFFF  }
0xc2: {  	_ =	task.clear_ibuf [dreg:s8], $0x2FFFF;
	_ =	strace $0x9FFFFFFF  }
0xc3: {  	(tm) =	ssettm $0x7FFFFFFF  }
tec
execute0_lowered:
.L_overlay_start_1:
0x0: {  	(tag) =	ssettag $0x1  }
0x1: {  	s1 =	srdreg.scid  }
0x2: {  	s3 =	rddreg [dreg:$0x0];
	s4 =	stileid.u32;
	s5 =	sand.u32 $0x1, s1  }
0x3: {  	s2 =	simm.s32 $0x0;
	s6 =	sshll.u32 s4, $0x11;
	s7 =	sshll.u32 s5, $0x10  }
0x4: {  	[smem:$0x7FF] =	sst s2;
	s4 =	sor.u32 s7, s6  }
0x5: {  	s0 =	rddreg [dreg:$0x1];
	_ =	strace $0x80000047;
	s1 =	sadd.s32 s3, s4  }
0x6: {  	s6 =	sor.u32 $0x800, s4;
	s13 =	sadd.s32 s0, s4;
	[dreg:$0x3] =	wrdreg s1  }
0x7: {  	s7 =	sor.u32 $0x1000, s4;
	s8 =	sadd.s32 s3, s6;
	[dreg:$0x9] =	wrdreg s13  }
0x8: {  	s9 =	sadd.s32 s3, s7;
	[dreg:$0x4] =	wrdreg s8  }
0x9: {  	s16 =	sor.u32 $0x3800, s4;
	s15 =	sadd.s32 s0, s6;
	[dreg:$0x5] =	wrdreg s9  }
0xa: {  	s20 =	sadd.s32 s3, s16;
	[dreg:$0xb] =	wrdreg s15  }
0xb: {  	s22 =	sor.u32 $0x4000, s4;
	s21 =	sadd.s32 s0, s7;
	[dreg:$0xc] =	wrdreg s20  }
0xc: {  	s25 =	sor.u32 $0x5800, s4;
	s17 =	sadd.s32 s3, s22;
	[dreg:$0xd] =	wrdreg s21  }
0xd: {  	s26 =	sadd.s32 s3, s25;
	[dreg:$0xe] =	wrdreg s17  }
0xe: {  	[dreg:$0x14] =	wrdreg s26  }
0xf: {  	s8 =	sor.u32 $0x1800, s4;
	s17 =	sadd.s32 s0, s22;
	s1 =	rddreg [dreg:$0x3]  }
0x10: {  	s9 =	sor.u32 $0x2000, s4;
	s10 =	sadd.s32 s3, s8;
	[dreg:$0x19] =	wrdreg s17  }
0x11: {  	s11 =	sadd.s32 s3, s9;
	[dreg:$0x6] =	wrdreg s10  }
0x12: {  	s18 =	sadd.s32 s0, s8;
	[dreg:$0x7] =	wrdreg s11  }
0x13: {  	s21 =	sor.u32 $0x5000, s4;
	s20 =	sadd.s32 s0, s9;
	[dreg:$0xf] =	wrdreg s18  }
0x14: {  	s8 =	sor.u32 $0x4800, s4;
	s23 =	sadd.s32 s3, s21;
	[dreg:$0x11] =	wrdreg s20  }
0x15: {  	s19 =	sadd.s32 s3, s8;
	[dreg:$0x12] =	wrdreg s23  }
0x16: {  	s23 =	sadd.s32 s0, s8;
	[dreg:$0x10] =	wrdreg s19  }
0x17: {  	s9 =	sor.u32 $0x8000, s4;
	s20 =	sadd.s32 s0, s21;
	[dreg:$0x1b] =	wrdreg s23  }
0x18: {  	s10 =	sor.u32 $0x2800, s4;
	s21 =	sadd.s32 s3, s9;
	[dreg:$0x1d] =	wrdreg s20  }
0x19: {  	s11 =	sor.u32 $0x3000, s4;
	s12 =	sadd.s32 s3, s10;
	[dreg:$0x1e] =	wrdreg s21  }
0x1a: {  	s14 =	sadd.s32 s3, s11;
	[dreg:$0x8] =	wrdreg s12  }
0x1b: {  	s30 =	simm.s32 $0x3;
	s24 =	sadd.s32 s0, s10;
	[dreg:$0xa] =	wrdreg s14  }
0x1c: {  	s18 =	sor.u32 $0x7000, s4;
	s11 =	sadd.s32 s0, s11;
	[dreg:$0x13] =	wrdreg s24  }
0x1d: {  	p0 =	por $0x0, $0x0;
	s22 =	sadd.s32 s3, s18;
	[dreg:$0x15] =	wrdreg s11  }
0x1e: {  	s15 =	sor.u32 $0x6800, s4;
	s14 =	sadd.s32 s0, s16;
	[dreg:$0x1a] =	wrdreg s22  }
0x1f: {  	s31 =	simm.s32 $0x4;
	s16 =	sadd.s32 s3, s15;
	[dreg:$0x17] =	wrdreg s14  }
0x20: {  	s23 =	sor.u32 $0x8800, s4;
	s22 =	sadd.s32 s0, s25;
	[dreg:$0x18] =	wrdreg s16  }
0x21: {  	s12 =	sor.u32 $0x6000, s4;
	s25 =	sadd.s32 s3, s23;
	[dreg:$0x1f] =	wrdreg s22  }
0x22: {  	s24 =	sor.u32 $0x7800, s4;
	s13 =	sadd.s32 s3, s12;
	[smem:$0x7E6] =	sst s25  }
0x23: {  	s29 =	simm.s32 $0x5;
	s19 =	sadd.s32 s3, s24;
	[dreg:$0x16] =	wrdreg s13  }
0x24: {  	s11 =	sor.u32 $0x9000, s4;
	s26 =	sadd.s32 s0, s12;
	[dreg:$0x1c] =	wrdreg s19  }
0x25: {  	s28 =	simm.s32 $0x6;
	s12 =	sadd.s32 s3, s11;
	[smem:$0x7E7] =	sst s26  }
0x26: {  	s17 =	sor.u32 $0xA000, s4;
	s16 =	sadd.s32 s0, s18;
	[smem:$0x7E8] =	sst s12  }
0x27: {  	s5 =	ssub.s32 $0x2, s5;
	s18 =	sadd.s32 s3, s17;
	[smem:$0x7EB] =	sst s16  }
0x28: {  	s6 =	simm.s32 $0x4000;
	s25 =	sadd.s32 s0, s9;
	[smem:$0x7EC] =	sst s18  }
0x29: {  	s10 =	sor.u32 $0xB800, s4;
	s22 =	sadd.s32 s0, s23;
	[smem:$0x7EF] =	sst s25  }
0x2a: {  	s20 =	sor.u32 $0xA800, s4;
	s23 =	sadd.s32 s3, s10;
	[smem:$0x7F1] =	sst s22  }
0x2b: {  	s14 =	sor.u32 $0x9800, s4;
	s17 =	sadd.s32 s0, s17;
	[smem:$0x7F2] =	sst s23  }
0x2c: {  	s13 =	sadd.s32 s0, s15;
	s15 =	sadd.s32 s3, s14;
	[smem:$0x7F7] =	sst s17  }
0x2d: {  	s19 =	sadd.s32 s0, s24;
	s24 =	sadd.s32 s3, s20;
	[smem:$0x7E9] =	sst s13  }
0x2e: {  	s26 =	sor.u32 $0xB000, s4;
	s25 =	sor.u32 $0xC000, s4;
	[smem:$0x7EA] =	sst s15  }
0x2f: {  	s14 =	sadd.s32 s0, s14;
	s18 =	sor.u32 $0xD000, s4;
	[smem:$0x7ED] =	sst s19  }
0x30: {  	s20 =	sadd.s32 s0, s20;
	s12 =	sshrl.u32 s5, $0x1;
	[smem:$0x7EE] =	sst s24  }
0x31: {  	s17 =	simm.s32 $0x14000;
	s21 =	sadd.s32 s3, s26;
	[smem:$0x7F5] =	sst s14  }
0x32: {  	s24 =	sadd.s32 s0, s11;
	s13 =	sadd.s32 s3, s25;
	[smem:$0x7F9] =	sst s20  }
0x33: {  	s15 =	sor.u32 $0xC800, s4;
	s19 =	sadd.s32 s3, s18;
	[smem:$0x7F0] =	sst s21  }
0x34: {  	s23 =	sadd.s32 s0, s26;
	s12 =	ssub.s32 s5, s12;
	[smem:$0x7F3] =	sst s24  }
0x35: {  	s5 =	sadd.s32 s0, s10;
	s10 =	sor.u32 $0xE800, s4;
	[smem:$0x7F4] =	sst s13  }
0x36: {  	s25 =	sadd.s32 s0, s25;
	s18 =	sadd.s32 s0, s18;
	[smem:$0x7F8] =	sst s19  }
0x37: {  	s11 =	simm.s32 $0xC;
	s16 =	sadd.s32 s3, s15;
	[smem:$0x7FB] =	sst s23  }
0x38: {  	s21 =	sor.u32 $0xD800, s4;
	s24 =	sor.u32 $0xE000, s4;
	[smem:$0x7FD] =	sst s5  }
0x39: {  	s13 =	sor.u32 $0xF000, s4;
	s4 =	sor.u32 $0xF800, s4;
	s8 =	sadd.s32 s0, s10  }
0x3a: {  	s14 =	smax.u32 s12, $0x1;
	s19 =	simm.s32 $0x10000;
	s12 =	simm.s32 $0x2  }
0x3b: {  	[smem:$0x7F6] =	sst s16;
	s22 =	sadd.s32 s3, s21;
	s26 =	sadd.s32 s3, s24  }
0x3c: {  	s23 =	sadd.s32 s3, s13;
	s20 =	sadd.s32 s3, s4;
	s9 =	sadd.s32 s0, s24  }
0x3d: {  	s7 =	sadd.s32 s0, s13;
	s5 =	sadd.s32 s0, s4;
	p1 =	sne.s32 s14, $0x1  }
.Ltmp0:
0x3e: {  	s24 =	simm.s32 $0x8000;
	s16 =	simm.s32 $0x1;
	(pc) =	sbr.rel @!p1 .LBB2_3-.Ltmp0, $4  }
0x3f: {  	s4 =	simm.s32 $0x7;
	s13 =	simm.s32 $0xB;
	[smem:$0x7FA] =	sst s22  }
0x40: {  	[smem:$0x7FC] =	sst s26;
	s26 =	sadd.s32 s3, s10;
	s22 =	sadd.s32 s0, s15  }
0x41: {  	s15 =	sadd.s32 s0, s21;
	s21 =	simm.s32 $0xC000;
	s3 =	simm.s32 $0x8  }
0x42: {  	s10 =	simm.s32 $0x9;
	s0 =	sadd.s32 $0xFFFFFFFF, s14;
	s14 =	simm.s32 $0xA  }
0x43: {  	[smem:$0x7E5] =	sst s0  }
0x44: {  	[tilespmem:s2], [sflag:$0x1] =	stream.linear.gather [hbm4b:s1+s2], $0x4000, $0x38;
	[tilespmem:$0x18000] =	vst v63  }
0x45: {  	s0 =	rddreg [dreg:$0x4]  }
0x46: {  	[tilespmem:s6], [sflag:$0x2] =	stream.linear.gather [hbm4b:s0+s2], $0x4000, $0x38;
	[tilespmem:$0x18000] =	vst v63  }
0x47: {  	s1 =	rddreg [dreg:$0x5]  }
0x48: {  	[tilespmem:s24], [sflag:$0x3] =	stream.linear.gather [hbm4b:s1+s2], $0x4000, $0x38;
	[tilespmem:$0x18000] =	vst v63  }
0x49: {  	s0 =	rddreg [dreg:$0x6]  }
0x4a: {  	[tilespmem:s21], [sflag:$0x4] =	stream.linear.gather [hbm4b:s0+s2], $0x4000, $0x38;
	[tilespmem:$0x18000] =	vst v63  }
0x4b: {  	s1 =	rddreg [dreg:$0x7]  }
0x4c: {  	[tilespmem:s19], [sflag:$0x5] =	stream.linear.gather [hbm4b:s1+s2], $0x4000, $0x38;
	[tilespmem:$0x18000] =	vst v63  }
0x4d: {  	s0 =	rddreg [dreg:$0x8]  }
0x4e: {  	[tilespmem:s17], [sflag:$0x6] =	stream.linear.gather [hbm4b:s0+s2], $0x4000, $0x38;
	[tilespmem:$0x18000] =	vst v63  }
0x4f: {  	_ =	swait.ge [sflag:s16], $0x4000  }
0x50: {  	[sflag:s16] =	ssyncset.done $0x0  }
0x51: {  	s1 =	rddreg [dreg:$0x9];
	[sflag:s16] =	ssyncadd.s32 $0xFFFFC000  }
0x52: {  	[hbm4b:s1+s2] =	stream.linear.scatter [tilespmem:s2], [sflag:$0x7], $0x4000, $0x38;
	[tilespmem:$0x18000] =	vst v63  }
0x53: {  	_ =	swait.ge [sflag:s4], $0x4000  }
0x54: {  	[sflag:s4] =	ssyncset.done $0x0  }
0x55: {  	s1 =	rddreg [dreg:$0xa];
	[sflag:s4] =	ssyncadd.s32 $0xFFFFC000  }
0x56: {  	[tilespmem:s2], [sflag:$0x1] =	stream.linear.gather [hbm4b:s1+s2], $0x4000, $0x38;
	[tilespmem:$0x18000] =	vst v63  }
0x57: {  	_ =	swait.ge [sflag:s12], $0x4000  }
0x58: {  	[sflag:s12] =	ssyncset.done $0x0  }
0x59: {  	s1 =	rddreg [dreg:$0xb];
	[sflag:s12] =	ssyncadd.s32 $0xFFFFC000  }
0x5a: {  	[hbm4b:s1+s2] =	stream.linear.scatter [tilespmem:s6], [sflag:$0x8], $0x4000, $0x38;
	[tilespmem:$0x18000] =	vst v63  }
0x5b: {  	_ =	swait.ge [sflag:s3], $0x4000  }
0x5c: {  	[sflag:s3] =	ssyncset.done $0x0  }
0x5d: {  	s1 =	rddreg [dreg:$0xc];
	[sflag:s3] =	ssyncadd.s32 $0xFFFFC000  }
0x5e: {  	[tilespmem:s6], [sflag:$0x2] =	stream.linear.gather [hbm4b:s1+s2], $0x4000, $0x38;
	[tilespmem:$0x18000] =	vst v63  }
0x5f: {  	_ =	swait.ge [sflag:s30], $0x4000  }
0x60: {  	[sflag:s30] =	ssyncset.done $0x0  }
0x61: {  	s1 =	rddreg [dreg:$0xd];
	[sflag:s30] =	ssyncadd.s32 $0xFFFFC000  }
0x62: {  	[hbm4b:s1+s2] =	stream.linear.scatter [tilespmem:s24], [sflag:$0x9], $0x4000, $0x38;
	[tilespmem:$0x18000] =	vst v63  }
0x63: {  	_ =	swait.ge [sflag:s10], $0x4000  }
0x64: {  	[sflag:s10] =	ssyncset.done $0x0  }
0x65: {  	s1 =	rddreg [dreg:$0xe];
	[sflag:s10] =	ssyncadd.s32 $0xFFFFC000  }
0x66: {  	[tilespmem:s24], [sflag:$0x3] =	stream.linear.gather [hbm4b:s1+s2], $0x4000, $0x38;
	[tilespmem:$0x18000] =	vst v63  }
0x67: {  	_ =	swait.ge [sflag:s31], $0x4000  }
0x68: {  	[sflag:s31] =	ssyncset.done $0x0  }
0x69: {  	s1 =	rddreg [dreg:$0xf];
	[sflag:s31] =	ssyncadd.s32 $0xFFFFC000  }
0x6a: {  	[hbm4b:s1+s2] =	stream.linear.scatter [tilespmem:s21], [sflag:$0xA], $0x4000, $0x38;
	[tilespmem:$0x18000] =	vst v63  }
0x6b: {  	_ =	swait.ge [sflag:s14], $0x4000  }
0x6c: {  	[sflag:s14] =	ssyncset.done $0x0  }
0x6d: {  	s1 =	rddreg [dreg:$0x10];
	[sflag:s14] =	ssyncadd.s32 $0xFFFFC000  }
0x6e: {  	[tilespmem:s21], [sflag:$0x4] =	stream.linear.gather [hbm4b:s1+s2], $0x4000, $0x38;
	[tilespmem:$0x18000] =	vst v63  }
0x6f: {  	_ =	swait.ge [sflag:s29], $0x4000  }
0x70: {  	[sflag:s29] =	ssyncset.done $0x0  }
0x71: {  	s1 =	rddreg [dreg:$0x11];
	[sflag:s29] =	ssyncadd.s32 $0xFFFFC000  }
0x72: {  	[hbm4b:s1+s2] =	stream.linear.scatter [tilespmem:s19], [sflag:$0xB], $0x4000, $0x38;
	[tilespmem:$0x18000] =	vst v63  }
0x73: {  	_ =	swait.ge [sflag:s13], $0x4000  }
0x74: {  	[sflag:s13] =	ssyncset.done $0x0  }
0x75: {  	s1 =	rddreg [dreg:$0x12];
	[sflag:s13] =	ssyncadd.s32 $0xFFFFC000  }
0x76: {  	[tilespmem:s19], [sflag:$0x5] =	stream.linear.gather [hbm4b:s1+s2], $0x4000, $0x38;
	[tilespmem:$0x18000] =	vst v63  }
0x77: {  	_ =	swait.ge [sflag:s28], $0x4000  }
0x78: {  	[sflag:s28] =	ssyncset.done $0x0  }
0x79: {  	s1 =	rddreg [dreg:$0x13];
	[sflag:s28] =	ssyncadd.s32 $0xFFFFC000  }
0x7a: {  	[hbm4b:s1+s2] =	stream.linear.scatter [tilespmem:s17], [sflag:$0xC], $0x4000, $0x38;
	[tilespmem:$0x18000] =	vst v63  }
0x7b: {  	_ =	swait.ge [sflag:s11], $0x4000  }
0x7c: {  	[sflag:s11] =	ssyncset.done $0x0  }
0x7d: {  	s1 =	rddreg [dreg:$0x14];
	[sflag:s11] =	ssyncadd.s32 $0xFFFFC000  }
0x7e: {  	[tilespmem:s17], [sflag:$0x6] =	stream.linear.gather [hbm4b:s1+s2], $0x4000, $0x38;
	[tilespmem:$0x18000] =	vst v63  }
0x7f: {  	_ =	swait.ge [sflag:s16], $0x4000  }
0x80: {  	[sflag:s16] =	ssyncset.done $0x0  }
0x81: {  	s1 =	rddreg [dreg:$0x15];
	[sflag:s16] =	ssyncadd.s32 $0xFFFFC000  }
0x82: {  	[hbm4b:s1+s2] =	stream.linear.scatter [tilespmem:s2], [sflag:$0x7], $0x4000, $0x38;
	[tilespmem:$0x18000] =	vst v63  }
0x83: {  	_ =	swait.ge [sflag:s4], $0x4000  }
0x84: {  	[sflag:s4] =	ssyncset.done $0x0  }
0x85: {  	s1 =	rddreg [dreg:$0x16];
	[sflag:s4] =	ssyncadd.s32 $0xFFFFC000  }
0x86: {  	[tilespmem:s2], [sflag:$0x1] =	stream.linear.gather [hbm4b:s1+s2], $0x4000, $0x38;
	[tilespmem:$0x18000] =	vst v63  }
0x87: {  	_ =	swait.ge [sflag:s12], $0x4000  }
0x88: {  	[sflag:s12] =	ssyncset.done $0x0  }
0x89: {  	s1 =	rddreg [dreg:$0x17];
	[sflag:s12] =	ssyncadd.s32 $0xFFFFC000  }
0x8a: {  	[hbm4b:s1+s2] =	stream.linear.scatter [tilespmem:s6], [sflag:$0x8], $0x4000, $0x38;
	[tilespmem:$0x18000] =	vst v63  }
0x8b: {  	_ =	swait.ge [sflag:s3], $0x4000  }
0x8c: {  	[sflag:s3] =	ssyncset.done $0x0  }
0x8d: {  	s1 =	rddreg [dreg:$0x18];
	[sflag:s3] =	ssyncadd.s32 $0xFFFFC000  }
0x8e: {  	[tilespmem:s6], [sflag:$0x2] =	stream.linear.gather [hbm4b:s1+s2], $0x4000, $0x38;
	[tilespmem:$0x18000] =	vst v63  }
0x8f: {  	_ =	swait.ge [sflag:s30], $0x4000  }
0x90: {  	[sflag:s30] =	ssyncset.done $0x0  }
0x91: {  	s1 =	rddreg [dreg:$0x19];
	[sflag:s30] =	ssyncadd.s32 $0xFFFFC000  }
0x92: {  	[hbm4b:s1+s2] =	stream.linear.scatter [tilespmem:s24], [sflag:$0x9], $0x4000, $0x38;
	[tilespmem:$0x18000] =	vst v63  }
0x93: {  	_ =	swait.ge [sflag:s10], $0x4000  }
0x94: {  	[sflag:s10] =	ssyncset.done $0x0  }
0x95: {  	s1 =	rddreg [dreg:$0x1a];
	[sflag:s10] =	ssyncadd.s32 $0xFFFFC000  }
0x96: {  	[tilespmem:s24], [sflag:$0x3] =	stream.linear.gather [hbm4b:s1+s2], $0x4000, $0x38;
	[tilespmem:$0x18000] =	vst v63  }
0x97: {  	_ =	swait.ge [sflag:s31], $0x4000  }
0x98: {  	[sflag:s31] =	ssyncset.done $0x0  }
0x99: {  	s1 =	rddreg [dreg:$0x1b];
	[sflag:s31] =	ssyncadd.s32 $0xFFFFC000  }
0x9a: {  	[hbm4b:s1+s2] =	stream.linear.scatter [tilespmem:s21], [sflag:$0xA], $0x4000, $0x38;
	[tilespmem:$0x18000] =	vst v63  }
0x9b: {  	_ =	swait.ge [sflag:s14], $0x4000  }
0x9c: {  	[sflag:s14] =	ssyncset.done $0x0  }
0x9d: {  	s1 =	rddreg [dreg:$0x1c];
	[sflag:s14] =	ssyncadd.s32 $0xFFFFC000  }
0x9e: {  	[tilespmem:s21], [sflag:$0x4] =	stream.linear.gather [hbm4b:s1+s2], $0x4000, $0x38;
	[tilespmem:$0x18000] =	vst v63  }
0x9f: {  	_ =	swait.ge [sflag:s29], $0x4000  }
0xa0: {  	[sflag:s29] =	ssyncset.done $0x0  }
0xa1: {  	s1 =	rddreg [dreg:$0x1d];
	[sflag:s29] =	ssyncadd.s32 $0xFFFFC000  }
0xa2: {  	[hbm4b:s1+s2] =	stream.linear.scatter [tilespmem:s19], [sflag:$0xB], $0x4000, $0x38;
	[tilespmem:$0x18000] =	vst v63  }
0xa3: {  	_ =	swait.ge [sflag:s13], $0x4000  }
0xa4: {  	[sflag:s13] =	ssyncset.done $0x0  }
0xa5: {  	s1 =	rddreg [dreg:$0x1e];
	[sflag:s13] =	ssyncadd.s32 $0xFFFFC000  }
0xa6: {  	[tilespmem:s19], [sflag:$0x5] =	stream.linear.gather [hbm4b:s1+s2], $0x4000, $0x38;
	[tilespmem:$0x18000] =	vst v63  }
0xa7: {  	_ =	swait.ge [sflag:s28], $0x4000  }
0xa8: {  	[sflag:s28] =	ssyncset.done $0x0  }
0xa9: {  	s1 =	rddreg [dreg:$0x1f];
	[sflag:s28] =	ssyncadd.s32 $0xFFFFC000  }
0xaa: {  	[hbm4b:s1+s2] =	stream.linear.scatter [tilespmem:s17], [sflag:$0xC], $0x4000, $0x38;
	[tilespmem:$0x18000] =	vst v63  }
0xab: {  	_ =	swait.ge [sflag:s11], $0x4000  }
0xac: {  	s1 =	sld [smem:$0x7E6]  }
0xad: {  	[sflag:s11] =	ssyncset.done $0x0  }
0xae: {  	[sflag:s11] =	ssyncadd.s32 $0xFFFFC000  }
0xaf: {  	[tilespmem:s17], [sflag:$0x6] =	stream.linear.gather [hbm4b:s1+s2], $0x4000, $0x38;
	[tilespmem:$0x18000] =	vst v63  }
0xb0: {  	_ =	swait.ge [sflag:s16], $0x4000  }
0xb1: {  	s1 =	sld [smem:$0x7E7]  }
0xb2: {  	[sflag:s16] =	ssyncset.done $0x0  }
0xb3: {  	[sflag:s16] =	ssyncadd.s32 $0xFFFFC000  }
0xb4: {  	[hbm4b:s1+s2] =	stream.linear.scatter [tilespmem:s2], [sflag:$0x7], $0x4000, $0x38;
	[tilespmem:$0x18000] =	vst v63  }
0xb5: {  	_ =	swait.ge [sflag:s4], $0x4000  }
0xb6: {  	s1 =	sld [smem:$0x7E8]  }
0xb7: {  	[sflag:s4] =	ssyncset.done $0x0  }
0xb8: {  	[sflag:s4] =	ssyncadd.s32 $0xFFFFC000  }
0xb9: {  	[tilespmem:s2], [sflag:$0x1] =	stream.linear.gather [hbm4b:s1+s2], $0x4000, $0x38;
	[tilespmem:$0x18000] =	vst v63  }
0xba: {  	_ =	swait.ge [sflag:s12], $0x4000  }
0xbb: {  	s1 =	sld [smem:$0x7E9]  }
0xbc: {  	[sflag:s12] =	ssyncset.done $0x0  }
0xbd: {  	[sflag:s12] =	ssyncadd.s32 $0xFFFFC000  }
0xbe: {  	[hbm4b:s1+s2] =	stream.linear.scatter [tilespmem:s6], [sflag:$0x8], $0x4000, $0x38;
	[tilespmem:$0x18000] =	vst v63  }
0xbf: {  	_ =	swait.ge [sflag:s3], $0x4000  }
0xc0: {  	s1 =	sld [smem:$0x7EA]  }
0xc1: {  	[sflag:s3] =	ssyncset.done $0x0  }
0xc2: {  	[sflag:s3] =	ssyncadd.s32 $0xFFFFC000  }
0xc3: {  	[tilespmem:s6], [sflag:$0x2] =	stream.linear.gather [hbm4b:s1+s2], $0x4000, $0x38;
	[tilespmem:$0x18000] =	vst v63  }
0xc4: {  	_ =	swait.ge [sflag:s30], $0x4000  }
0xc5: {  	s1 =	sld [smem:$0x7EB]  }
0xc6: {  	[sflag:s30] =	ssyncset.done $0x0  }
0xc7: {  	[sflag:s30] =	ssyncadd.s32 $0xFFFFC000  }
0xc8: {  	[hbm4b:s1+s2] =	stream.linear.scatter [tilespmem:s24], [sflag:$0x9], $0x4000, $0x38;
	[tilespmem:$0x18000] =	vst v63  }
0xc9: {  	_ =	swait.ge [sflag:s10], $0x4000  }
0xca: {  	s1 =	sld [smem:$0x7EC]  }
0xcb: {  	[sflag:s10] =	ssyncset.done $0x0  }
0xcc: {  	[sflag:s10] =	ssyncadd.s32 $0xFFFFC000  }
0xcd: {  	[tilespmem:s24], [sflag:$0x3] =	stream.linear.gather [hbm4b:s1+s2], $0x4000, $0x38;
	[tilespmem:$0x18000] =	vst v63  }
0xce: {  	_ =	swait.ge [sflag:s31], $0x4000  }
0xcf: {  	s1 =	sld [smem:$0x7ED]  }
0xd0: {  	[sflag:s31] =	ssyncset.done $0x0  }
0xd1: {  	[sflag:s31] =	ssyncadd.s32 $0xFFFFC000  }
0xd2: {  	[hbm4b:s1+s2] =	stream.linear.scatter [tilespmem:s21], [sflag:$0xA], $0x4000, $0x38;
	[tilespmem:$0x18000] =	vst v63  }
0xd3: {  	_ =	swait.ge [sflag:s14], $0x4000  }
0xd4: {  	s1 =	sld [smem:$0x7EE]  }
0xd5: {  	[sflag:s14] =	ssyncset.done $0x0  }
0xd6: {  	[sflag:s14] =	ssyncadd.s32 $0xFFFFC000  }
0xd7: {  	[tilespmem:s21], [sflag:$0x4] =	stream.linear.gather [hbm4b:s1+s2], $0x4000, $0x38;
	[tilespmem:$0x18000] =	vst v63  }
0xd8: {  	_ =	swait.ge [sflag:s29], $0x4000  }
0xd9: {  	s1 =	sld [smem:$0x7EF]  }
0xda: {  	[sflag:s29] =	ssyncset.done $0x0  }
0xdb: {  	[sflag:s29] =	ssyncadd.s32 $0xFFFFC000  }
0xdc: {  	[hbm4b:s1+s2] =	stream.linear.scatter [tilespmem:s19], [sflag:$0xB], $0x4000, $0x38;
	[tilespmem:$0x18000] =	vst v63  }
0xdd: {  	_ =	swait.ge [sflag:s13], $0x4000  }
0xde: {  	s1 =	sld [smem:$0x7F0]  }
0xdf: {  	[sflag:s13] =	ssyncset.done $0x0  }
0xe0: {  	[sflag:s13] =	ssyncadd.s32 $0xFFFFC000  }
0xe1: {  	[tilespmem:s19], [sflag:$0x5] =	stream.linear.gather [hbm4b:s1+s2], $0x4000, $0x38;
	[tilespmem:$0x18000] =	vst v63  }
0xe2: {  	_ =	swait.ge [sflag:s28], $0x4000  }
0xe3: {  	s1 =	sld [smem:$0x7F1]  }
0xe4: {  	[sflag:s28] =	ssyncset.done $0x0  }
0xe5: {  	[sflag:s28] =	ssyncadd.s32 $0xFFFFC000  }
0xe6: {  	[hbm4b:s1+s2] =	stream.linear.scatter [tilespmem:s17], [sflag:$0xC], $0x4000, $0x38;
	[tilespmem:$0x18000] =	vst v63  }
0xe7: {  	_ =	swait.ge [sflag:s11], $0x4000  }
0xe8: {  	s1 =	sld [smem:$0x7F2]  }
0xe9: {  	[sflag:s11] =	ssyncset.done $0x0  }
0xea: {  	[sflag:s11] =	ssyncadd.s32 $0xFFFFC000  }
0xeb: {  	[tilespmem:s17], [sflag:$0x6] =	stream.linear.gather [hbm4b:s1+s2], $0x4000, $0x38;
	[tilespmem:$0x18000] =	vst v63  }
0xec: {  	_ =	swait.ge [sflag:s16], $0x4000  }
0xed: {  	s1 =	sld [smem:$0x7F3]  }
0xee: {  	[sflag:s16] =	ssyncset.done $0x0  }
0xef: {  	[sflag:s16] =	ssyncadd.s32 $0xFFFFC000  }
0xf0: {  	[hbm4b:s1+s2] =	stream.linear.scatter [tilespmem:s2], [sflag:$0x7], $0x4000, $0x38;
	[tilespmem:$0x18000] =	vst v63  }
0xf1: {  	_ =	swait.ge [sflag:s4], $0x4000  }
0xf2: {  	s1 =	sld [smem:$0x7F4]  }
0xf3: {  	[sflag:s4] =	ssyncset.done $0x0  }
0xf4: {  	[sflag:s4] =	ssyncadd.s32 $0xFFFFC000  }
0xf5: {  	[tilespmem:s2], [sflag:$0x1] =	stream.linear.gather [hbm4b:s1+s2], $0x4000, $0x38;
	[tilespmem:$0x18000] =	vst v63  }
0xf6: {  	_ =	swait.ge [sflag:s12], $0x4000  }
0xf7: {  	s1 =	sld [smem:$0x7F5]  }
0xf8: {  	[sflag:s12] =	ssyncset.done $0x0  }
0xf9: {  	[sflag:s12] =	ssyncadd.s32 $0xFFFFC000  }
0xfa: {  	[hbm4b:s1+s2] =	stream.linear.scatter [tilespmem:s6], [sflag:$0x8], $0x4000, $0x38;
	[tilespmem:$0x18000] =	vst v63  }
0xfb: {  	_ =	swait.ge [sflag:s3], $0x4000  }
0xfc: {  	s1 =	sld [smem:$0x7F6]  }
0xfd: {  	[sflag:s3] =	ssyncset.done $0x0  }
0xfe: {  	[sflag:s3] =	ssyncadd.s32 $0xFFFFC000  }
0xff: {  	[tilespmem:s6], [sflag:$0x2] =	stream.linear.gather [hbm4b:s1+s2], $0x4000, $0x38;
	[tilespmem:$0x18000] =	vst v63  }
0x100: {  	_ =	swait.ge [sflag:s30], $0x4000  }
0x101: {  	s1 =	sld [smem:$0x7F7]  }
0x102: {  	[sflag:s30] =	ssyncset.done $0x0  }
0x103: {  	[sflag:s30] =	ssyncadd.s32 $0xFFFFC000  }
0x104: {  	[hbm4b:s1+s2] =	stream.linear.scatter [tilespmem:s24], [sflag:$0x9], $0x4000, $0x38;
	[tilespmem:$0x18000] =	vst v63  }
0x105: {  	_ =	swait.ge [sflag:s10], $0x4000  }
0x106: {  	s1 =	sld [smem:$0x7F8]  }
0x107: {  	[sflag:s10] =	ssyncset.done $0x0  }
0x108: {  	[sflag:s10] =	ssyncadd.s32 $0xFFFFC000  }
0x109: {  	[tilespmem:s24], [sflag:$0x3] =	stream.linear.gather [hbm4b:s1+s2], $0x4000, $0x38;
	[tilespmem:$0x18000] =	vst v63  }
0x10a: {  	_ =	swait.ge [sflag:s31], $0x4000  }
0x10b: {  	s1 =	sld [smem:$0x7F9]  }
0x10c: {  	[sflag:s31] =	ssyncset.done $0x0  }
0x10d: {  	[sflag:s31] =	ssyncadd.s32 $0xFFFFC000  }
0x10e: {  	[hbm4b:s1+s2] =	stream.linear.scatter [tilespmem:s21], [sflag:$0xA], $0x4000, $0x38;
	[tilespmem:$0x18000] =	vst v63  }
0x10f: {  	_ =	swait.ge [sflag:s14], $0x4000  }
0x110: {  	s1 =	sld [smem:$0x7FA]  }
0x111: {  	[sflag:s14] =	ssyncset.done $0x0  }
0x112: {  	[sflag:s14] =	ssyncadd.s32 $0xFFFFC000  }
0x113: {  	[tilespmem:s21], [sflag:$0x4] =	stream.linear.gather [hbm4b:s1+s2], $0x4000, $0x38;
	[tilespmem:$0x18000] =	vst v63  }
0x114: {  	_ =	swait.ge [sflag:s29], $0x4000  }
0x115: {  	s1 =	sld [smem:$0x7FB]  }
0x116: {  	[sflag:s29] =	ssyncset.done $0x0  }
0x117: {  	[sflag:s29] =	ssyncadd.s32 $0xFFFFC000  }
0x118: {  	[hbm4b:s1+s2] =	stream.linear.scatter [tilespmem:s19], [sflag:$0xB], $0x4000, $0x38;
	[tilespmem:$0x18000] =	vst v63  }
0x119: {  	_ =	swait.ge [sflag:s13], $0x4000  }
0x11a: {  	s1 =	sld [smem:$0x7FC]  }
0x11b: {  	[sflag:s13] =	ssyncset.done $0x0  }
0x11c: {  	[sflag:s13] =	ssyncadd.s32 $0xFFFFC000  }
0x11d: {  	[tilespmem:s19], [sflag:$0x5] =	stream.linear.gather [hbm4b:s1+s2], $0x4000, $0x38;
	[tilespmem:$0x18000] =	vst v63  }
0x11e: {  	_ =	swait.ge [sflag:s28], $0x4000  }
0x11f: {  	s1 =	sld [smem:$0x7FD]  }
0x120: {  	[sflag:s28] =	ssyncset.done $0x0  }
0x121: {  	[sflag:s28] =	ssyncadd.s32 $0xFFFFC000  }
0x122: {  	[hbm4b:s1+s2] =	stream.linear.scatter [tilespmem:s17], [sflag:$0xC], $0x4000, $0x38;
	[tilespmem:$0x18000] =	vst v63  }
0x123: {  	_ =	swait.ge [sflag:s11], $0x4000  }
0x124: {  	[sflag:s11] =	ssyncset.done $0x0  }
0x125: {  	[sflag:s11] =	ssyncadd.s32 $0xFFFFC000  }
0x126: {  	[tilespmem:s17], [sflag:$0x6] =	stream.linear.gather [hbm4b:s26+s2], $0x4000, $0x38;
	[tilespmem:$0x18000] =	vst v63  }
0x127: {  	_ =	swait.ge [sflag:s16], $0x4000  }
0x128: {  	[sflag:s16] =	ssyncset.done $0x0  }
0x129: {  	[sflag:s16] =	ssyncadd.s32 $0xFFFFC000  }
0x12a: {  	[hbm4b:s25+s2] =	stream.linear.scatter [tilespmem:s2], [sflag:$0x7], $0x4000, $0x38;
	[tilespmem:$0x18000] =	vst v63  }
0x12b: {  	_ =	swait.ge [sflag:s4], $0x4000  }
0x12c: {  	[sflag:s4] =	ssyncset.done $0x0  }
0x12d: {  	[sflag:s4] =	ssyncadd.s32 $0xFFFFC000  }
0x12e: {  	[tilespmem:s2], [sflag:$0x1] =	stream.linear.gather [hbm4b:s23+s2], $0x4000, $0x38;
	[tilespmem:$0x18000] =	vst v63  }
0x12f: {  	_ =	swait.ge [sflag:s12], $0x4000  }
0x130: {  	[sflag:s12] =	ssyncset.done $0x0  }
0x131: {  	[sflag:s12] =	ssyncadd.s32 $0xFFFFC000  }
0x132: {  	[hbm4b:s22+s2] =	stream.linear.scatter [tilespmem:s6], [sflag:$0x8], $0x4000, $0x38;
	[tilespmem:$0x18000] =	vst v63  }
0x133: {  	_ =	swait.ge [sflag:s3], $0x4000  }
0x134: {  	[sflag:s3] =	ssyncset.done $0x0  }
0x135: {  	[sflag:s3] =	ssyncadd.s32 $0xFFFFC000  }
0x136: {  	[tilespmem:s6], [sflag:$0x2] =	stream.linear.gather [hbm4b:s20+s2], $0x4000, $0x38;
	[tilespmem:$0x18000] =	vst v63  }
0x137: {  	_ =	swait.ge [sflag:s30], $0x4000  }
0x138: {  	[sflag:s30] =	ssyncset.done $0x0  }
0x139: {  	[sflag:s30] =	ssyncadd.s32 $0xFFFFC000  }
0x13a: {  	[hbm4b:s18+s2] =	stream.linear.scatter [tilespmem:s24], [sflag:$0x9], $0x4000, $0x38;
	[tilespmem:$0x18000] =	vst v63  }
0x13b: {  	_ =	swait.ge [sflag:s31], $0x4000  }
0x13c: {  	[sflag:s31] =	ssyncset.done $0x0  }
0x13d: {  	[sflag:s31] =	ssyncadd.s32 $0xFFFFC000  }
0x13e: {  	[hbm4b:s15+s2] =	stream.linear.scatter [tilespmem:s21], [sflag:$0xA], $0x4000, $0x38;
	[tilespmem:$0x18000] =	vst v63  }
0x13f: {  	_ =	swait.ge [sflag:s29], $0x4000  }
0x140: {  	[sflag:s29] =	ssyncset.done $0x0  }
0x141: {  	[sflag:s29] =	ssyncadd.s32 $0xFFFFC000  }
0x142: {  	[hbm4b:s9+s2] =	stream.linear.scatter [tilespmem:s19], [sflag:$0xB], $0x4000, $0x38;
	[tilespmem:$0x18000] =	vst v63  }
0x143: {  	_ =	swait.ge [sflag:s28], $0x4000  }
0x144: {  	[sflag:s28] =	ssyncset.done $0x0  }
0x145: {  	[sflag:s28] =	ssyncadd.s32 $0xFFFFC000  }
0x146: {  	[hbm4b:s8+s2] =	stream.linear.scatter [tilespmem:s17], [sflag:$0xC], $0x4000, $0x38;
	[tilespmem:$0x18000] =	vst v63  }
0x147: {  	_ =	swait.ge [sflag:s16], $0x4000  }
0x148: {  	[sflag:s16] =	ssyncset.done $0x0  }
0x149: {  	[sflag:s16] =	ssyncadd.s32 $0xFFFFC000  }
0x14a: {  	[hbm4b:s7+s2] =	stream.linear.scatter [tilespmem:s2], [sflag:$0x7], $0x4000, $0x38;
	[tilespmem:$0x18000] =	vst v63  }
0x14b: {  	_ =	swait.ge [sflag:s12], $0x4000  }
0x14c: {  	[sflag:s12] =	ssyncset.done $0x0  }
0x14d: {  	[sflag:s12] =	ssyncadd.s32 $0xFFFFC000  }
0x14e: {  	[hbm4b:s5+s2] =	stream.linear.scatter [tilespmem:s6], [sflag:$0x8], $0x4000, $0x38;
	[tilespmem:$0x18000] =	vst v63  }
0x14f: {  	_ =	swait.ge [sflag:s10], $0x4000  }
0x150: {  	[sflag:s10] =	ssyncset.done $0x0  }
0x151: {  	[sflag:s10] =	ssyncadd.s32 $0xFFFFC000  }
0x152: {  	_ =	swait.ge [sflag:s14], $0x4000  }
0x153: {  	[sflag:s14] =	ssyncset.done $0x0  }
0x154: {  	[sflag:s14] =	ssyncadd.s32 $0xFFFFC000  }
0x155: {  	_ =	swait.ge [sflag:s13], $0x4000  }
0x156: {  	[sflag:s13] =	ssyncset.done $0x0  }
0x157: {  	[sflag:s13] =	ssyncadd.s32 $0xFFFFC000  }
0x158: {  	_ =	swait.ge [sflag:s11], $0x4000  }
0x159: {  	[sflag:s11] =	ssyncset.done $0x0  }
0x15a: {  	[sflag:s11] =	ssyncadd.s32 $0xFFFFC000  }
0x15b: {  	_ =	swait.ge [sflag:s4], $0x4000  }
0x15c: {  	s1 =	sld [smem:$0x7E5];
	_ =	sdelay $0x2  }
0x15d: {  	p1 =	sne.s32 s1, $0x1  }
.Ltmp1:
0x15e: {  	_ = 	snop;
	(pc) =	sbr.rel @!p1 .LBB2_3-.Ltmp1, $4  }
0x15f: {  	[sflag:s4] =	ssyncset.done $0x0  }
0x160: {  	[sflag:s4] =	ssyncadd.s32 $0xFFFFC000  }
0x161: {  	p0 =	por $0x1, $0x1;
	_ =	swait.ge [sflag:s3], $0x4000  }
0x162: {  	s0 =	sadd.s32 $0xFFFFFFFF, s1;
	s1 =	rddreg [dreg:$0x3];
	[sflag:s3] =	ssyncset.done $0x0  }
.LBB2_2:
0x163: {  	[sflag:s3] =	ssyncadd.s32 $0xFFFFC000;
	s10 =	simm.s32 $0x4000  }
0x164: {  	s17 =	smov.u32 s26;
	s26 =	smov.u32 s25;
	s25 =	smov.u32 s23  }
0x165: {  	s23 =	smov.u32 s22;
	s22 =	smov.u32 s20;
	s20 =	smov.u32 s18  }
0x166: {  	s18 =	smov.u32 s15;
	s15 =	smov.u32 s9;
	s9 =	smov.u32 s8  }
0x167: {  	[tilespmem:s2], [sflag:$0x1] =	stream.linear.gather [hbm4b:s1+s2], $0x4000, $0x38;
	[tilespmem:$0x18000] =	vst v63  }
0x168: {  	s8 =	smov.u32 s7;
	s7 =	smov.u32 s5;
	s5 =	rddreg [dreg:$0x4]  }
0x169: {  	[tilespmem:s10], [sflag:$0x2] =	stream.linear.gather [hbm4b:s5+s2], $0x4000, $0x38;
	[tilespmem:$0x18000] =	vst v63  }
0x16a: {  	s6 =	simm.s32 $0x8000;
	s1 =	rddreg [dreg:$0x5]  }
0x16b: {  	[tilespmem:s6], [sflag:$0x3] =	stream.linear.gather [hbm4b:s1+s2], $0x4000, $0x38;
	[tilespmem:$0x18000] =	vst v63  }
0x16c: {  	s24 =	simm.s32 $0xC000;
	s5 =	rddreg [dreg:$0x6]  }
0x16d: {  	[tilespmem:s24], [sflag:$0x4] =	stream.linear.gather [hbm4b:s5+s2], $0x4000, $0x38;
	[tilespmem:$0x18000] =	vst v63  }
0x16e: {  	s21 =	simm.s32 $0x10000;
	s1 =	rddreg [dreg:$0x7]  }
0x16f: {  	[tilespmem:s21], [sflag:$0x5] =	stream.linear.gather [hbm4b:s1+s2], $0x4000, $0x38;
	[tilespmem:$0x18000] =	vst v63  }
0x170: {  	s19 =	simm.s32 $0x14000;
	s5 =	rddreg [dreg:$0x8]  }
0x171: {  	[tilespmem:s19], [sflag:$0x6] =	stream.linear.gather [hbm4b:s5+s2], $0x4000, $0x38;
	[tilespmem:$0x18000] =	vst v63  }
0x172: {  	_ =	swait.ge [sflag:s16], $0x4000  }
0x173: {  	[sflag:s16] =	ssyncset.done $0x0  }
0x174: {  	s1 =	rddreg [dreg:$0x9];
	[sflag:s16] =	ssyncadd.s32 $0xFFFFC000  }
0x175: {  	[hbm4b:s1+s2] =	stream.linear.scatter [tilespmem:s2], [sflag:$0x7], $0x4000, $0x38;
	[tilespmem:$0x18000] =	vst v63  }
0x176: {  	_ =	swait.ge [sflag:s4], $0x4000  }
0x177: {  	[sflag:s4] =	ssyncset.done $0x0  }
0x178: {  	s1 =	rddreg [dreg:$0xa];
	[sflag:s4] =	ssyncadd.s32 $0xFFFFC000  }
0x179: {  	[tilespmem:s2], [sflag:$0x1] =	stream.linear.gather [hbm4b:s1+s2], $0x4000, $0x38;
	[tilespmem:$0x18000] =	vst v63  }
0x17a: {  	_ =	swait.ge [sflag:s12], $0x4000  }
0x17b: {  	[sflag:s12] =	ssyncset.done $0x0  }
0x17c: {  	s6 =	simm.s32 $0x4000;
	s1 =	rddreg [dreg:$0xb];
	[sflag:s12] =	ssyncadd.s32 $0xFFFFC000  }
0x17d: {  	[hbm4b:s1+s2] =	stream.linear.scatter [tilespmem:s6], [sflag:$0x8], $0x4000, $0x38;
	[tilespmem:$0x18000] =	vst v63  }
0x17e: {  	_ =	swait.ge [sflag:s3], $0x4000  }
0x17f: {  	[sflag:s3] =	ssyncset.done $0x0  }
0x180: {  	s1 =	rddreg [dreg:$0xc];
	[sflag:s3] =	ssyncadd.s32 $0xFFFFC000  }
0x181: {  	[tilespmem:s6], [sflag:$0x2] =	stream.linear.gather [hbm4b:s1+s2], $0x4000, $0x38;
	[tilespmem:$0x18000] =	vst v63  }
0x182: {  	_ =	swait.ge [sflag:s30], $0x4000  }
0x183: {  	s10 =	simm.s32 $0x9;
	[sflag:s30] =	ssyncset.done $0x0  }
0x184: {  	s24 =	simm.s32 $0x8000;
	s1 =	rddreg [dreg:$0xd];
	[sflag:s30] =	ssyncadd.s32 $0xFFFFC000  }
0x185: {  	[hbm4b:s1+s2] =	stream.linear.scatter [tilespmem:s24], [sflag:$0x9], $0x4000, $0x38;
	[tilespmem:$0x18000] =	vst v63  }
0x186: {  	_ =	swait.ge [sflag:s10], $0x4000  }
0x187: {  	[sflag:s10] =	ssyncset.done $0x0  }
0x188: {  	s1 =	rddreg [dreg:$0xe];
	[sflag:s10] =	ssyncadd.s32 $0xFFFFC000  }
0x189: {  	[tilespmem:s24], [sflag:$0x3] =	stream.linear.gather [hbm4b:s1+s2], $0x4000, $0x38;
	[tilespmem:$0x18000] =	vst v63  }
0x18a: {  	_ =	swait.ge [sflag:s31], $0x4000  }
0x18b: {  	[sflag:s31] =	ssyncset.done $0x0  }
0x18c: {  	s21 =	simm.s32 $0xC000;
	s1 =	rddreg [dreg:$0xf];
	[sflag:s31] =	ssyncadd.s32 $0xFFFFC000  }
0x18d: {  	[hbm4b:s1+s2] =	stream.linear.scatter [tilespmem:s21], [sflag:$0xA], $0x4000, $0x38;
	[tilespmem:$0x18000] =	vst v63  }
0x18e: {  	_ =	swait.ge [sflag:s14], $0x4000  }
0x18f: {  	[sflag:s14] =	ssyncset.done $0x0  }
0x190: {  	s1 =	rddreg [dreg:$0x10];
	[sflag:s14] =	ssyncadd.s32 $0xFFFFC000  }
0x191: {  	[tilespmem:s21], [sflag:$0x4] =	stream.linear.gather [hbm4b:s1+s2], $0x4000, $0x38;
	[tilespmem:$0x18000] =	vst v63  }
0x192: {  	_ =	swait.ge [sflag:s29], $0x4000  }
0x193: {  	s19 =	simm.s32 $0x10000;
	s5 =	smov.u32 s7;
	[sflag:s29] =	ssyncset.done $0x0  }
0x194: {  	s7 =	smov.u32 s8;
	s1 =	rddreg [dreg:$0x11];
	[sflag:s29] =	ssyncadd.s32 $0xFFFFC000  }
0x195: {  	[hbm4b:s1+s2] =	stream.linear.scatter [tilespmem:s19], [sflag:$0xB], $0x4000, $0x38;
	[tilespmem:$0x18000] =	vst v63  }
0x196: {  	s8 =	smov.u32 s9;
	s9 =	smov.u32 s15;
	_ =	swait.ge [sflag:s13], $0x4000  }
0x197: {  	s15 =	smov.u32 s18;
	s18 =	smov.u32 s20;
	[sflag:s13] =	ssyncset.done $0x0  }
0x198: {  	s20 =	smov.u32 s22;
	s1 =	rddreg [dreg:$0x12];
	[sflag:s13] =	ssyncadd.s32 $0xFFFFC000  }
0x199: {  	[tilespmem:s19], [sflag:$0x5] =	stream.linear.gather [hbm4b:s1+s2], $0x4000, $0x38;
	[tilespmem:$0x18000] =	vst v63  }
0x19a: {  	s22 =	smov.u32 s23;
	s23 =	smov.u32 s25;
	_ =	swait.ge [sflag:s28], $0x4000  }
0x19b: {  	s25 =	smov.u32 s26;
	s26 =	smov.u32 s17;
	[sflag:s28] =	ssyncset.done $0x0  }
0x19c: {  	s17 =	simm.s32 $0x14000;
	s1 =	rddreg [dreg:$0x13];
	[sflag:s28] =	ssyncadd.s32 $0xFFFFC000  }
0x19d: {  	[hbm4b:s1+s2] =	stream.linear.scatter [tilespmem:s17], [sflag:$0xC], $0x4000, $0x38;
	[tilespmem:$0x18000] =	vst v63  }
0x19e: {  	_ =	swait.ge [sflag:s11], $0x4000  }
0x19f: {  	[sflag:s11] =	ssyncset.done $0x0  }
0x1a0: {  	s1 =	rddreg [dreg:$0x14];
	[sflag:s11] =	ssyncadd.s32 $0xFFFFC000  }
0x1a1: {  	[tilespmem:s17], [sflag:$0x6] =	stream.linear.gather [hbm4b:s1+s2], $0x4000, $0x38;
	[tilespmem:$0x18000] =	vst v63  }
0x1a2: {  	_ =	swait.ge [sflag:s16], $0x4000  }
0x1a3: {  	[sflag:s16] =	ssyncset.done $0x0  }
0x1a4: {  	s1 =	rddreg [dreg:$0x15];
	[sflag:s16] =	ssyncadd.s32 $0xFFFFC000  }
0x1a5: {  	[hbm4b:s1+s2] =	stream.linear.scatter [tilespmem:s2], [sflag:$0x7], $0x4000, $0x38;
	[tilespmem:$0x18000] =	vst v63  }
0x1a6: {  	_ =	swait.ge [sflag:s4], $0x4000  }
0x1a7: {  	[sflag:s4] =	ssyncset.done $0x0  }
0x1a8: {  	s1 =	rddreg [dreg:$0x16];
	[sflag:s4] =	ssyncadd.s32 $0xFFFFC000  }
0x1a9: {  	[tilespmem:s2], [sflag:$0x1] =	stream.linear.gather [hbm4b:s1+s2], $0x4000, $0x38;
	[tilespmem:$0x18000] =	vst v63  }
0x1aa: {  	_ =	swait.ge [sflag:s12], $0x4000  }
0x1ab: {  	[sflag:s12] =	ssyncset.done $0x0  }
0x1ac: {  	s1 =	rddreg [dreg:$0x17];
	[sflag:s12] =	ssyncadd.s32 $0xFFFFC000  }
0x1ad: {  	[hbm4b:s1+s2] =	stream.linear.scatter [tilespmem:s6], [sflag:$0x8], $0x4000, $0x38;
	[tilespmem:$0x18000] =	vst v63  }
0x1ae: {  	_ =	swait.ge [sflag:s3], $0x4000  }
0x1af: {  	[sflag:s3] =	ssyncset.done $0x0  }
0x1b0: {  	s1 =	rddreg [dreg:$0x18];
	[sflag:s3] =	ssyncadd.s32 $0xFFFFC000  }
0x1b1: {  	[tilespmem:s6], [sflag:$0x2] =	stream.linear.gather [hbm4b:s1+s2], $0x4000, $0x38;
	[tilespmem:$0x18000] =	vst v63  }
0x1b2: {  	_ =	swait.ge [sflag:s30], $0x4000  }
0x1b3: {  	[sflag:s30] =	ssyncset.done $0x0  }
0x1b4: {  	s1 =	rddreg [dreg:$0x19];
	[sflag:s30] =	ssyncadd.s32 $0xFFFFC000  }
0x1b5: {  	[hbm4b:s1+s2] =	stream.linear.scatter [tilespmem:s24], [sflag:$0x9], $0x4000, $0x38;
	[tilespmem:$0x18000] =	vst v63  }
0x1b6: {  	_ =	swait.ge [sflag:s10], $0x4000  }
0x1b7: {  	[sflag:s10] =	ssyncset.done $0x0  }
0x1b8: {  	s1 =	rddreg [dreg:$0x1a];
	[sflag:s10] =	ssyncadd.s32 $0xFFFFC000  }
0x1b9: {  	[tilespmem:s24], [sflag:$0x3] =	stream.linear.gather [hbm4b:s1+s2], $0x4000, $0x38;
	[tilespmem:$0x18000] =	vst v63  }
0x1ba: {  	_ =	swait.ge [sflag:s31], $0x4000  }
0x1bb: {  	[sflag:s31] =	ssyncset.done $0x0  }
0x1bc: {  	s1 =	rddreg [dreg:$0x1b];
	[sflag:s31] =	ssyncadd.s32 $0xFFFFC000  }
0x1bd: {  	[hbm4b:s1+s2] =	stream.linear.scatter [tilespmem:s21], [sflag:$0xA], $0x4000, $0x38;
	[tilespmem:$0x18000] =	vst v63  }
0x1be: {  	_ =	swait.ge [sflag:s14], $0x4000  }
0x1bf: {  	[sflag:s14] =	ssyncset.done $0x0  }
0x1c0: {  	s1 =	rddreg [dreg:$0x1c];
	[sflag:s14] =	ssyncadd.s32 $0xFFFFC000  }
0x1c1: {  	[tilespmem:s21], [sflag:$0x4] =	stream.linear.gather [hbm4b:s1+s2], $0x4000, $0x38;
	[tilespmem:$0x18000] =	vst v63  }
0x1c2: {  	_ =	swait.ge [sflag:s29], $0x4000  }
0x1c3: {  	[sflag:s29] =	ssyncset.done $0x0  }
0x1c4: {  	s1 =	rddreg [dreg:$0x1d];
	[sflag:s29] =	ssyncadd.s32 $0xFFFFC000  }
0x1c5: {  	[hbm4b:s1+s2] =	stream.linear.scatter [tilespmem:s19], [sflag:$0xB], $0x4000, $0x38;
	[tilespmem:$0x18000] =	vst v63  }
0x1c6: {  	_ =	swait.ge [sflag:s13], $0x4000  }
0x1c7: {  	[sflag:s13] =	ssyncset.done $0x0  }
0x1c8: {  	s1 =	rddreg [dreg:$0x1e];
	[sflag:s13] =	ssyncadd.s32 $0xFFFFC000  }
0x1c9: {  	[tilespmem:s19], [sflag:$0x5] =	stream.linear.gather [hbm4b:s1+s2], $0x4000, $0x38;
	[tilespmem:$0x18000] =	vst v63  }
0x1ca: {  	_ =	swait.ge [sflag:s28], $0x4000  }
0x1cb: {  	[sflag:s28] =	ssyncset.done $0x0  }
0x1cc: {  	s1 =	rddreg [dreg:$0x1f];
	[sflag:s28] =	ssyncadd.s32 $0xFFFFC000  }
0x1cd: {  	[hbm4b:s1+s2] =	stream.linear.scatter [tilespmem:s17], [sflag:$0xC], $0x4000, $0x38;
	[tilespmem:$0x18000] =	vst v63  }
0x1ce: {  	_ =	swait.ge [sflag:s11], $0x4000  }
0x1cf: {  	s1 =	sld [smem:$0x7E6]  }
0x1d0: {  	[sflag:s11] =	ssyncset.done $0x0  }
0x1d1: {  	[sflag:s11] =	ssyncadd.s32 $0xFFFFC000  }
0x1d2: {  	[tilespmem:s17], [sflag:$0x6] =	stream.linear.gather [hbm4b:s1+s2], $0x4000, $0x38;
	[tilespmem:$0x18000] =	vst v63  }
0x1d3: {  	_ =	swait.ge [sflag:s16], $0x4000  }
0x1d4: {  	s1 =	sld [smem:$0x7E7]  }
0x1d5: {  	[sflag:s16] =	ssyncset.done $0x0  }
0x1d6: {  	[sflag:s16] =	ssyncadd.s32 $0xFFFFC000  }
0x1d7: {  	[hbm4b:s1+s2] =	stream.linear.scatter [tilespmem:s2], [sflag:$0x7], $0x4000, $0x38;
	[tilespmem:$0x18000] =	vst v63  }
0x1d8: {  	_ =	swait.ge [sflag:s4], $0x4000  }
0x1d9: {  	s1 =	sld [smem:$0x7E8]  }
0x1da: {  	[sflag:s4] =	ssyncset.done $0x0  }
0x1db: {  	[sflag:s4] =	ssyncadd.s32 $0xFFFFC000  }
0x1dc: {  	[tilespmem:s2], [sflag:$0x1] =	stream.linear.gather [hbm4b:s1+s2], $0x4000, $0x38;
	[tilespmem:$0x18000] =	vst v63  }
0x1dd: {  	_ =	swait.ge [sflag:s12], $0x4000  }
0x1de: {  	s1 =	sld [smem:$0x7E9]  }
0x1df: {  	[sflag:s12] =	ssyncset.done $0x0  }
0x1e0: {  	[sflag:s12] =	ssyncadd.s32 $0xFFFFC000  }
0x1e1: {  	[hbm4b:s1+s2] =	stream.linear.scatter [tilespmem:s6], [sflag:$0x8], $0x4000, $0x38;
	[tilespmem:$0x18000] =	vst v63  }
0x1e2: {  	_ =	swait.ge [sflag:s3], $0x4000  }
0x1e3: {  	s1 =	sld [smem:$0x7EA]  }
0x1e4: {  	[sflag:s3] =	ssyncset.done $0x0  }
0x1e5: {  	[sflag:s3] =	ssyncadd.s32 $0xFFFFC000  }
0x1e6: {  	[tilespmem:s6], [sflag:$0x2] =	stream.linear.gather [hbm4b:s1+s2], $0x4000, $0x38;
	[tilespmem:$0x18000] =	vst v63  }
0x1e7: {  	_ =	swait.ge [sflag:s30], $0x4000  }
0x1e8: {  	s1 =	sld [smem:$0x7EB]  }
0x1e9: {  	[sflag:s30] =	ssyncset.done $0x0  }
0x1ea: {  	[sflag:s30] =	ssyncadd.s32 $0xFFFFC000  }
0x1eb: {  	[hbm4b:s1+s2] =	stream.linear.scatter [tilespmem:s24], [sflag:$0x9], $0x4000, $0x38;
	[tilespmem:$0x18000] =	vst v63  }
0x1ec: {  	_ =	swait.ge [sflag:s10], $0x4000  }
0x1ed: {  	s1 =	sld [smem:$0x7EC]  }
0x1ee: {  	[sflag:s10] =	ssyncset.done $0x0  }
0x1ef: {  	[sflag:s10] =	ssyncadd.s32 $0xFFFFC000  }
0x1f0: {  	[tilespmem:s24], [sflag:$0x3] =	stream.linear.gather [hbm4b:s1+s2], $0x4000, $0x38;
	[tilespmem:$0x18000] =	vst v63  }
0x1f1: {  	_ =	swait.ge [sflag:s31], $0x4000  }
0x1f2: {  	s1 =	sld [smem:$0x7ED]  }
0x1f3: {  	[sflag:s31] =	ssyncset.done $0x0  }
0x1f4: {  	[sflag:s31] =	ssyncadd.s32 $0xFFFFC000  }
0x1f5: {  	[hbm4b:s1+s2] =	stream.linear.scatter [tilespmem:s21], [sflag:$0xA], $0x4000, $0x38;
	[tilespmem:$0x18000] =	vst v63  }
0x1f6: {  	_ =	swait.ge [sflag:s14], $0x4000  }
0x1f7: {  	s1 =	sld [smem:$0x7EE]  }
0x1f8: {  	[sflag:s14] =	ssyncset.done $0x0  }
0x1f9: {  	[sflag:s14] =	ssyncadd.s32 $0xFFFFC000  }
0x1fa: {  	[tilespmem:s21], [sflag:$0x4] =	stream.linear.gather [hbm4b:s1+s2], $0x4000, $0x38;
	[tilespmem:$0x18000] =	vst v63  }
0x1fb: {  	_ =	swait.ge [sflag:s29], $0x4000  }
0x1fc: {  	s1 =	sld [smem:$0x7EF]  }
0x1fd: {  	[sflag:s29] =	ssyncset.done $0x0  }
0x1fe: {  	[sflag:s29] =	ssyncadd.s32 $0xFFFFC000  }
0x1ff: {  	[hbm4b:s1+s2] =	stream.linear.scatter [tilespmem:s19], [sflag:$0xB], $0x4000, $0x38;
	[tilespmem:$0x18000] =	vst v63  }
0x200: {  	_ =	swait.ge [sflag:s13], $0x4000  }
0x201: {  	s1 =	sld [smem:$0x7F0]  }
0x202: {  	[sflag:s13] =	ssyncset.done $0x0  }
0x203: {  	[sflag:s13] =	ssyncadd.s32 $0xFFFFC000  }
0x204: {  	[tilespmem:s19], [sflag:$0x5] =	stream.linear.gather [hbm4b:s1+s2], $0x4000, $0x38;
	[tilespmem:$0x18000] =	vst v63  }
0x205: {  	_ =	swait.ge [sflag:s28], $0x4000  }
0x206: {  	s1 =	sld [smem:$0x7F1]  }
0x207: {  	[sflag:s28] =	ssyncset.done $0x0  }
0x208: {  	[sflag:s28] =	ssyncadd.s32 $0xFFFFC000  }
0x209: {  	[hbm4b:s1+s2] =	stream.linear.scatter [tilespmem:s17], [sflag:$0xC], $0x4000, $0x38;
	[tilespmem:$0x18000] =	vst v63  }
0x20a: {  	_ =	swait.ge [sflag:s11], $0x4000  }
0x20b: {  	s1 =	sld [smem:$0x7F2]  }
0x20c: {  	[sflag:s11] =	ssyncset.done $0x0  }
0x20d: {  	[sflag:s11] =	ssyncadd.s32 $0xFFFFC000  }
0x20e: {  	[tilespmem:s17], [sflag:$0x6] =	stream.linear.gather [hbm4b:s1+s2], $0x4000, $0x38;
	[tilespmem:$0x18000] =	vst v63  }
0x20f: {  	_ =	swait.ge [sflag:s16], $0x4000  }
0x210: {  	s1 =	sld [smem:$0x7F3]  }
0x211: {  	[sflag:s16] =	ssyncset.done $0x0  }
0x212: {  	[sflag:s16] =	ssyncadd.s32 $0xFFFFC000  }
0x213: {  	[hbm4b:s1+s2] =	stream.linear.scatter [tilespmem:s2], [sflag:$0x7], $0x4000, $0x38;
	[tilespmem:$0x18000] =	vst v63  }
0x214: {  	_ =	swait.ge [sflag:s4], $0x4000  }
0x215: {  	s1 =	sld [smem:$0x7F4]  }
0x216: {  	[sflag:s4] =	ssyncset.done $0x0  }
0x217: {  	[sflag:s4] =	ssyncadd.s32 $0xFFFFC000  }
0x218: {  	[tilespmem:s2], [sflag:$0x1] =	stream.linear.gather [hbm4b:s1+s2], $0x4000, $0x38;
	[tilespmem:$0x18000] =	vst v63  }
0x219: {  	_ =	swait.ge [sflag:s12], $0x4000  }
0x21a: {  	s1 =	sld [smem:$0x7F5]  }
0x21b: {  	[sflag:s12] =	ssyncset.done $0x0  }
0x21c: {  	[sflag:s12] =	ssyncadd.s32 $0xFFFFC000  }
0x21d: {  	[hbm4b:s1+s2] =	stream.linear.scatter [tilespmem:s6], [sflag:$0x8], $0x4000, $0x38;
	[tilespmem:$0x18000] =	vst v63  }
0x21e: {  	_ =	swait.ge [sflag:s3], $0x4000  }
0x21f: {  	s1 =	sld [smem:$0x7F6]  }
0x220: {  	[sflag:s3] =	ssyncset.done $0x0  }
0x221: {  	[sflag:s3] =	ssyncadd.s32 $0xFFFFC000  }
0x222: {  	[tilespmem:s6], [sflag:$0x2] =	stream.linear.gather [hbm4b:s1+s2], $0x4000, $0x38;
	[tilespmem:$0x18000] =	vst v63  }
0x223: {  	_ =	swait.ge [sflag:s30], $0x4000  }
0x224: {  	s1 =	sld [smem:$0x7F7]  }
0x225: {  	[sflag:s30] =	ssyncset.done $0x0  }
0x226: {  	[sflag:s30] =	ssyncadd.s32 $0xFFFFC000  }
0x227: {  	[hbm4b:s1+s2] =	stream.linear.scatter [tilespmem:s24], [sflag:$0x9], $0x4000, $0x38;
	[tilespmem:$0x18000] =	vst v63  }
0x228: {  	_ =	swait.ge [sflag:s10], $0x4000  }
0x229: {  	s1 =	sld [smem:$0x7F8]  }
0x22a: {  	[sflag:s10] =	ssyncset.done $0x0  }
0x22b: {  	[sflag:s10] =	ssyncadd.s32 $0xFFFFC000  }
0x22c: {  	[tilespmem:s24], [sflag:$0x3] =	stream.linear.gather [hbm4b:s1+s2], $0x4000, $0x38;
	[tilespmem:$0x18000] =	vst v63  }
0x22d: {  	_ =	swait.ge [sflag:s31], $0x4000  }
0x22e: {  	s1 =	sld [smem:$0x7F9]  }
0x22f: {  	[sflag:s31] =	ssyncset.done $0x0  }
0x230: {  	[sflag:s31] =	ssyncadd.s32 $0xFFFFC000  }
0x231: {  	[hbm4b:s1+s2] =	stream.linear.scatter [tilespmem:s21], [sflag:$0xA], $0x4000, $0x38;
	[tilespmem:$0x18000] =	vst v63  }
0x232: {  	_ =	swait.ge [sflag:s14], $0x4000  }
0x233: {  	s1 =	sld [smem:$0x7FA]  }
0x234: {  	[sflag:s14] =	ssyncset.done $0x0  }
0x235: {  	[sflag:s14] =	ssyncadd.s32 $0xFFFFC000  }
0x236: {  	[tilespmem:s21], [sflag:$0x4] =	stream.linear.gather [hbm4b:s1+s2], $0x4000, $0x38;
	[tilespmem:$0x18000] =	vst v63  }
0x237: {  	_ =	swait.ge [sflag:s29], $0x4000  }
0x238: {  	s1 =	sld [smem:$0x7FB]  }
0x239: {  	[sflag:s29] =	ssyncset.done $0x0  }
0x23a: {  	[sflag:s29] =	ssyncadd.s32 $0xFFFFC000  }
0x23b: {  	[hbm4b:s1+s2] =	stream.linear.scatter [tilespmem:s19], [sflag:$0xB], $0x4000, $0x38;
	[tilespmem:$0x18000] =	vst v63  }
0x23c: {  	_ =	swait.ge [sflag:s13], $0x4000  }
0x23d: {  	s1 =	sld [smem:$0x7FC]  }
0x23e: {  	[sflag:s13] =	ssyncset.done $0x0  }
0x23f: {  	[sflag:s13] =	ssyncadd.s32 $0xFFFFC000  }
0x240: {  	[tilespmem:s19], [sflag:$0x5] =	stream.linear.gather [hbm4b:s1+s2], $0x4000, $0x38;
	[tilespmem:$0x18000] =	vst v63  }
0x241: {  	_ =	swait.ge [sflag:s28], $0x4000  }
0x242: {  	s1 =	sld [smem:$0x7FD]  }
0x243: {  	[sflag:s28] =	ssyncset.done $0x0  }
0x244: {  	[sflag:s28] =	ssyncadd.s32 $0xFFFFC000  }
0x245: {  	[hbm4b:s1+s2] =	stream.linear.scatter [tilespmem:s17], [sflag:$0xC], $0x4000, $0x38;
	[tilespmem:$0x18000] =	vst v63  }
0x246: {  	_ =	swait.ge [sflag:s11], $0x4000  }
0x247: {  	[sflag:s11] =	ssyncset.done $0x0  }
0x248: {  	[sflag:s11] =	ssyncadd.s32 $0xFFFFC000  }
0x249: {  	[tilespmem:s17], [sflag:$0x6] =	stream.linear.gather [hbm4b:s26+s2], $0x4000, $0x38;
	[tilespmem:$0x18000] =	vst v63  }
0x24a: {  	_ =	swait.ge [sflag:s16], $0x4000  }
0x24b: {  	[sflag:s16] =	ssyncset.done $0x0  }
0x24c: {  	[sflag:s16] =	ssyncadd.s32 $0xFFFFC000  }
0x24d: {  	[hbm4b:s25+s2] =	stream.linear.scatter [tilespmem:s2], [sflag:$0x7], $0x4000, $0x38;
	[tilespmem:$0x18000] =	vst v63  }
0x24e: {  	_ =	swait.ge [sflag:s4], $0x4000  }
0x24f: {  	[sflag:s4] =	ssyncset.done $0x0  }
0x250: {  	[sflag:s4] =	ssyncadd.s32 $0xFFFFC000  }
0x251: {  	[tilespmem:s2], [sflag:$0x1] =	stream.linear.gather [hbm4b:s23+s2], $0x4000, $0x38;
	[tilespmem:$0x18000] =	vst v63  }
0x252: {  	_ =	swait.ge [sflag:s12], $0x4000  }
0x253: {  	[sflag:s12] =	ssyncset.done $0x0  }
0x254: {  	[sflag:s12] =	ssyncadd.s32 $0xFFFFC000  }
0x255: {  	[hbm4b:s22+s2] =	stream.linear.scatter [tilespmem:s6], [sflag:$0x8], $0x4000, $0x38;
	[tilespmem:$0x18000] =	vst v63  }
0x256: {  	_ =	swait.ge [sflag:s3], $0x4000  }
0x257: {  	[sflag:s3] =	ssyncset.done $0x0  }
0x258: {  	[sflag:s3] =	ssyncadd.s32 $0xFFFFC000  }
0x259: {  	[tilespmem:s6], [sflag:$0x2] =	stream.linear.gather [hbm4b:s20+s2], $0x4000, $0x38;
	[tilespmem:$0x18000] =	vst v63  }
0x25a: {  	_ =	swait.ge [sflag:s30], $0x4000  }
0x25b: {  	[sflag:s30] =	ssyncset.done $0x0  }
0x25c: {  	[sflag:s30] =	ssyncadd.s32 $0xFFFFC000  }
0x25d: {  	[hbm4b:s18+s2] =	stream.linear.scatter [tilespmem:s24], [sflag:$0x9], $0x4000, $0x38;
	[tilespmem:$0x18000] =	vst v63  }
0x25e: {  	_ =	swait.ge [sflag:s31], $0x4000  }
0x25f: {  	[sflag:s31] =	ssyncset.done $0x0  }
0x260: {  	[sflag:s31] =	ssyncadd.s32 $0xFFFFC000  }
0x261: {  	[hbm4b:s15+s2] =	stream.linear.scatter [tilespmem:s21], [sflag:$0xA], $0x4000, $0x38;
	[tilespmem:$0x18000] =	vst v63  }
0x262: {  	_ =	swait.ge [sflag:s29], $0x4000  }
0x263: {  	[sflag:s29] =	ssyncset.done $0x0  }
0x264: {  	[sflag:s29] =	ssyncadd.s32 $0xFFFFC000  }
0x265: {  	[hbm4b:s9+s2] =	stream.linear.scatter [tilespmem:s19], [sflag:$0xB], $0x4000, $0x38;
	[tilespmem:$0x18000] =	vst v63  }
0x266: {  	_ =	swait.ge [sflag:s28], $0x4000  }
0x267: {  	[sflag:s28] =	ssyncset.done $0x0  }
0x268: {  	[sflag:s28] =	ssyncadd.s32 $0xFFFFC000  }
0x269: {  	[hbm4b:s8+s2] =	stream.linear.scatter [tilespmem:s17], [sflag:$0xC], $0x4000, $0x38;
	[tilespmem:$0x18000] =	vst v63  }
0x26a: {  	_ =	swait.ge [sflag:s16], $0x4000  }
0x26b: {  	[sflag:s16] =	ssyncset.done $0x0  }
0x26c: {  	[sflag:s16] =	ssyncadd.s32 $0xFFFFC000  }
0x26d: {  	[hbm4b:s7+s2] =	stream.linear.scatter [tilespmem:s2], [sflag:$0x7], $0x4000, $0x38;
	[tilespmem:$0x18000] =	vst v63  }
0x26e: {  	_ =	swait.ge [sflag:s12], $0x4000  }
0x26f: {  	[sflag:s12] =	ssyncset.done $0x0  }
0x270: {  	[sflag:s12] =	ssyncadd.s32 $0xFFFFC000  }
0x271: {  	[hbm4b:s5+s2] =	stream.linear.scatter [tilespmem:s6], [sflag:$0x8], $0x4000, $0x38;
	[tilespmem:$0x18000] =	vst v63  }
0x272: {  	_ =	swait.ge [sflag:s10], $0x4000  }
0x273: {  	[sflag:s10] =	ssyncset.done $0x0  }
0x274: {  	[sflag:s10] =	ssyncadd.s32 $0xFFFFC000  }
0x275: {  	_ =	swait.ge [sflag:s14], $0x4000  }
0x276: {  	[sflag:s14] =	ssyncset.done $0x0  }
0x277: {  	[sflag:s14] =	ssyncadd.s32 $0xFFFFC000  }
0x278: {  	_ =	swait.ge [sflag:s13], $0x4000  }
0x279: {  	[sflag:s13] =	ssyncset.done $0x0  }
0x27a: {  	[sflag:s13] =	ssyncadd.s32 $0xFFFFC000  }
0x27b: {  	_ =	swait.ge [sflag:s11], $0x4000  }
0x27c: {  	[sflag:s11] =	ssyncset.done $0x0  }
0x27d: {  	p1 =	sne.s32 s0, $0x1;
	[sflag:s11] =	ssyncadd.s32 $0xFFFFC000  }
.Ltmp2:
0x27e: {  	_ =	swait.ge [sflag:s4], $0x4000;
	(pc) =	sbr.rel @p1 .LBB2_2-.Ltmp2, $4  }
0x27f: {  	[sflag:s4] =	ssyncset.done $0x0  }
0x280: {  	[sflag:s4] =	ssyncadd.s32 $0xFFFFC000  }
0x281: {  	_ =	swait.ge [sflag:s3], $0x4000  }
0x282: {  	s0 =	sadd.s32 $0xFFFFFFFF, s0;
	s1 =	rddreg [dreg:$0x3];
	[sflag:s3] =	ssyncset.done $0x0  }
.LBB2_3:
0x283: {  	[sflag:s3] =	ssyncadd.s32 @p0 $0xFFFFC000  }
0x284: {  	[tilespmem:s2], [sflag:$0x1] =	stream.linear.gather [hbm4b:s1+s2], $0x4000, $0x38;
	[tilespmem:$0x18000] =	vst v63  }
0x285: {  	s0 =	rddreg [dreg:$0x4]  }
0x286: {  	[tilespmem:s6], [sflag:$0x2] =	stream.linear.gather [hbm4b:s0+s2], $0x4000, $0x38;
	[tilespmem:$0x18000] =	vst v63  }
0x287: {  	s1 =	rddreg [dreg:$0x5]  }
0x288: {  	[tilespmem:s24], [sflag:$0x3] =	stream.linear.gather [hbm4b:s1+s2], $0x4000, $0x38;
	[tilespmem:$0x18000] =	vst v63  }
0x289: {  	s0 =	rddreg [dreg:$0x6]  }
0x28a: {  	[tilespmem:s21], [sflag:$0x4] =	stream.linear.gather [hbm4b:s0+s2], $0x4000, $0x38;
	[tilespmem:$0x18000] =	vst v63  }
0x28b: {  	s1 =	rddreg [dreg:$0x7]  }
0x28c: {  	[tilespmem:s19], [sflag:$0x5] =	stream.linear.gather [hbm4b:s1+s2], $0x4000, $0x38;
	[tilespmem:$0x18000] =	vst v63  }
0x28d: {  	s0 =	rddreg [dreg:$0x8]  }
0x28e: {  	[tilespmem:s17], [sflag:$0x6] =	stream.linear.gather [hbm4b:s0+s2], $0x4000, $0x38;
	[tilespmem:$0x18000] =	vst v63  }
0x28f: {  	_ =	swait.ge [sflag:s16], $0x4000  }
0x290: {  	[sflag:s16] =	ssyncset.done $0x0  }
0x291: {  	s1 =	rddreg [dreg:$0x9];
	[sflag:s16] =	ssyncadd.s32 $0xFFFFC000  }
0x292: {  	[hbm4b:s1+s2] =	stream.linear.scatter [tilespmem:s2], [sflag:$0x7], $0x4000, $0x38;
	[tilespmem:$0x18000] =	vst v63  }
0x293: {  	_ =	swait.ge [sflag:s4], $0x4000  }
0x294: {  	[sflag:s4] =	ssyncset.done $0x0  }
0x295: {  	s1 =	rddreg [dreg:$0xa];
	[sflag:s4] =	ssyncadd.s32 $0xFFFFC000  }
0x296: {  	[tilespmem:s2], [sflag:$0x1] =	stream.linear.gather [hbm4b:s1+s2], $0x4000, $0x38;
	[tilespmem:$0x18000] =	vst v63  }
0x297: {  	_ =	swait.ge [sflag:s12], $0x4000  }
0x298: {  	[sflag:s12] =	ssyncset.done $0x0  }
0x299: {  	s1 =	rddreg [dreg:$0xb];
	[sflag:s12] =	ssyncadd.s32 $0xFFFFC000  }
0x29a: {  	[hbm4b:s1+s2] =	stream.linear.scatter [tilespmem:s6], [sflag:$0x8], $0x4000, $0x38;
	[tilespmem:$0x18000] =	vst v63  }
0x29b: {  	_ =	swait.ge [sflag:s3], $0x4000  }
0x29c: {  	[sflag:s3] =	ssyncset.done $0x0  }
0x29d: {  	s1 =	rddreg [dreg:$0xc];
	[sflag:s3] =	ssyncadd.s32 $0xFFFFC000  }
0x29e: {  	[tilespmem:s6], [sflag:$0x2] =	stream.linear.gather [hbm4b:s1+s2], $0x4000, $0x38;
	[tilespmem:$0x18000] =	vst v63  }
0x29f: {  	_ =	swait.ge [sflag:s30], $0x4000  }
0x2a0: {  	[sflag:s30] =	ssyncset.done $0x0  }
0x2a1: {  	s1 =	rddreg [dreg:$0xd];
	[sflag:s30] =	ssyncadd.s32 $0xFFFFC000  }
0x2a2: {  	[hbm4b:s1+s2] =	stream.linear.scatter [tilespmem:s24], [sflag:$0x9], $0x4000, $0x38;
	[tilespmem:$0x18000] =	vst v63  }
0x2a3: {  	_ =	swait.ge [sflag:s10], $0x4000  }
0x2a4: {  	[sflag:s10] =	ssyncset.done $0x0  }
0x2a5: {  	s1 =	rddreg [dreg:$0xe];
	[sflag:s10] =	ssyncadd.s32 $0xFFFFC000  }
0x2a6: {  	[tilespmem:s24], [sflag:$0x3] =	stream.linear.gather [hbm4b:s1+s2], $0x4000, $0x38;
	[tilespmem:$0x18000] =	vst v63  }
0x2a7: {  	_ =	swait.ge [sflag:s31], $0x4000  }
0x2a8: {  	[sflag:s31] =	ssyncset.done $0x0  }
0x2a9: {  	s1 =	rddreg [dreg:$0xf];
	[sflag:s31] =	ssyncadd.s32 $0xFFFFC000  }
0x2aa: {  	[hbm4b:s1+s2] =	stream.linear.scatter [tilespmem:s21], [sflag:$0xA], $0x4000, $0x38;
	[tilespmem:$0x18000] =	vst v63  }
0x2ab: {  	_ =	swait.ge [sflag:s14], $0x4000  }
0x2ac: {  	[sflag:s14] =	ssyncset.done $0x0  }
0x2ad: {  	s1 =	rddreg [dreg:$0x10];
	[sflag:s14] =	ssyncadd.s32 $0xFFFFC000  }
0x2ae: {  	[tilespmem:s21], [sflag:$0x4] =	stream.linear.gather [hbm4b:s1+s2], $0x4000, $0x38;
	[tilespmem:$0x18000] =	vst v63  }
0x2af: {  	_ =	swait.ge [sflag:s29], $0x4000  }
0x2b0: {  	[sflag:s29] =	ssyncset.done $0x0  }
0x2b1: {  	s1 =	rddreg [dreg:$0x11];
	[sflag:s29] =	ssyncadd.s32 $0xFFFFC000  }
0x2b2: {  	[hbm4b:s1+s2] =	stream.linear.scatter [tilespmem:s19], [sflag:$0xB], $0x4000, $0x38;
	[tilespmem:$0x18000] =	vst v63  }
0x2b3: {  	_ =	swait.ge [sflag:s13], $0x4000  }
0x2b4: {  	[sflag:s13] =	ssyncset.done $0x0  }
0x2b5: {  	s1 =	rddreg [dreg:$0x12];
	[sflag:s13] =	ssyncadd.s32 $0xFFFFC000  }
0x2b6: {  	[tilespmem:s19], [sflag:$0x5] =	stream.linear.gather [hbm4b:s1+s2], $0x4000, $0x38;
	[tilespmem:$0x18000] =	vst v63  }
0x2b7: {  	_ =	swait.ge [sflag:s28], $0x4000  }
0x2b8: {  	[sflag:s28] =	ssyncset.done $0x0  }
0x2b9: {  	s1 =	rddreg [dreg:$0x13];
	[sflag:s28] =	ssyncadd.s32 $0xFFFFC000  }
0x2ba: {  	[hbm4b:s1+s2] =	stream.linear.scatter [tilespmem:s17], [sflag:$0xC], $0x4000, $0x38;
	[tilespmem:$0x18000] =	vst v63  }
0x2bb: {  	_ =	swait.ge [sflag:s11], $0x4000  }
0x2bc: {  	[sflag:s11] =	ssyncset.done $0x0  }
0x2bd: {  	s1 =	rddreg [dreg:$0x14];
	[sflag:s11] =	ssyncadd.s32 $0xFFFFC000  }
0x2be: {  	[tilespmem:s17], [sflag:$0x6] =	stream.linear.gather [hbm4b:s1+s2], $0x4000, $0x38;
	[tilespmem:$0x18000] =	vst v63  }
0x2bf: {  	_ =	swait.ge [sflag:s16], $0x4000  }
0x2c0: {  	[sflag:s16] =	ssyncset.done $0x0  }
0x2c1: {  	s1 =	rddreg [dreg:$0x15];
	[sflag:s16] =	ssyncadd.s32 $0xFFFFC000  }
0x2c2: {  	[hbm4b:s1+s2] =	stream.linear.scatter [tilespmem:s2], [sflag:$0x7], $0x4000, $0x38;
	[tilespmem:$0x18000] =	vst v63  }
0x2c3: {  	_ =	swait.ge [sflag:s4], $0x4000  }
0x2c4: {  	[sflag:s4] =	ssyncset.done $0x0  }
0x2c5: {  	s1 =	rddreg [dreg:$0x16];
	[sflag:s4] =	ssyncadd.s32 $0xFFFFC000  }
0x2c6: {  	[tilespmem:s2], [sflag:$0x1] =	stream.linear.gather [hbm4b:s1+s2], $0x4000, $0x38;
	[tilespmem:$0x18000] =	vst v63  }
0x2c7: {  	_ =	swait.ge [sflag:s12], $0x4000  }
0x2c8: {  	[sflag:s12] =	ssyncset.done $0x0  }
0x2c9: {  	s1 =	rddreg [dreg:$0x17];
	[sflag:s12] =	ssyncadd.s32 $0xFFFFC000  }
0x2ca: {  	[hbm4b:s1+s2] =	stream.linear.scatter [tilespmem:s6], [sflag:$0x8], $0x4000, $0x38;
	[tilespmem:$0x18000] =	vst v63  }
0x2cb: {  	_ =	swait.ge [sflag:s3], $0x4000  }
0x2cc: {  	[sflag:s3] =	ssyncset.done $0x0  }
0x2cd: {  	s1 =	rddreg [dreg:$0x18];
	[sflag:s3] =	ssyncadd.s32 $0xFFFFC000  }
0x2ce: {  	[tilespmem:s6], [sflag:$0x2] =	stream.linear.gather [hbm4b:s1+s2], $0x4000, $0x38;
	[tilespmem:$0x18000] =	vst v63  }
0x2cf: {  	_ =	swait.ge [sflag:s30], $0x4000  }
0x2d0: {  	[sflag:s30] =	ssyncset.done $0x0  }
0x2d1: {  	s1 =	rddreg [dreg:$0x19];
	[sflag:s30] =	ssyncadd.s32 $0xFFFFC000  }
0x2d2: {  	[hbm4b:s1+s2] =	stream.linear.scatter [tilespmem:s24], [sflag:$0x9], $0x4000, $0x38;
	[tilespmem:$0x18000] =	vst v63  }
0x2d3: {  	_ =	swait.ge [sflag:s10], $0x4000  }
0x2d4: {  	[sflag:s10] =	ssyncset.done $0x0  }
0x2d5: {  	s1 =	rddreg [dreg:$0x1a];
	[sflag:s10] =	ssyncadd.s32 $0xFFFFC000  }
0x2d6: {  	[tilespmem:s24], [sflag:$0x3] =	stream.linear.gather [hbm4b:s1+s2], $0x4000, $0x38;
	[tilespmem:$0x18000] =	vst v63  }
0x2d7: {  	_ =	swait.ge [sflag:s31], $0x4000  }
0x2d8: {  	[sflag:s31] =	ssyncset.done $0x0  }
0x2d9: {  	s1 =	rddreg [dreg:$0x1b];
	[sflag:s31] =	ssyncadd.s32 $0xFFFFC000  }
0x2da: {  	[hbm4b:s1+s2] =	stream.linear.scatter [tilespmem:s21], [sflag:$0xA], $0x4000, $0x38;
	[tilespmem:$0x18000] =	vst v63  }
0x2db: {  	_ =	swait.ge [sflag:s14], $0x4000  }
0x2dc: {  	[sflag:s14] =	ssyncset.done $0x0  }
0x2dd: {  	s1 =	rddreg [dreg:$0x1c];
	[sflag:s14] =	ssyncadd.s32 $0xFFFFC000  }
0x2de: {  	[tilespmem:s21], [sflag:$0x4] =	stream.linear.gather [hbm4b:s1+s2], $0x4000, $0x38;
	[tilespmem:$0x18000] =	vst v63  }
0x2df: {  	_ =	swait.ge [sflag:s29], $0x4000  }
0x2e0: {  	[sflag:s29] =	ssyncset.done $0x0  }
0x2e1: {  	s1 =	rddreg [dreg:$0x1d];
	[sflag:s29] =	ssyncadd.s32 $0xFFFFC000  }
0x2e2: {  	[hbm4b:s1+s2] =	stream.linear.scatter [tilespmem:s19], [sflag:$0xB], $0x4000, $0x38;
	[tilespmem:$0x18000] =	vst v63  }
0x2e3: {  	_ =	swait.ge [sflag:s13], $0x4000  }
0x2e4: {  	[sflag:s13] =	ssyncset.done $0x0  }
0x2e5: {  	s1 =	rddreg [dreg:$0x1e];
	[sflag:s13] =	ssyncadd.s32 $0xFFFFC000  }
0x2e6: {  	[tilespmem:s19], [sflag:$0x5] =	stream.linear.gather [hbm4b:s1+s2], $0x4000, $0x38;
	[tilespmem:$0x18000] =	vst v63  }
0x2e7: {  	_ =	swait.ge [sflag:s28], $0x4000  }
0x2e8: {  	[sflag:s28] =	ssyncset.done $0x0  }
0x2e9: {  	s1 =	rddreg [dreg:$0x1f];
	[sflag:s28] =	ssyncadd.s32 $0xFFFFC000  }
0x2ea: {  	[hbm4b:s1+s2] =	stream.linear.scatter [tilespmem:s17], [sflag:$0xC], $0x4000, $0x38;
	[tilespmem:$0x18000] =	vst v63  }
0x2eb: {  	_ =	swait.ge [sflag:s11], $0x4000  }
0x2ec: {  	s1 =	sld [smem:$0x7E6]  }
0x2ed: {  	[sflag:s11] =	ssyncset.done $0x0  }
0x2ee: {  	[sflag:s11] =	ssyncadd.s32 $0xFFFFC000  }
0x2ef: {  	[tilespmem:s17], [sflag:$0x6] =	stream.linear.gather [hbm4b:s1+s2], $0x4000, $0x38;
	[tilespmem:$0x18000] =	vst v63  }
0x2f0: {  	_ =	swait.ge [sflag:s16], $0x4000  }
0x2f1: {  	s1 =	sld [smem:$0x7E7]  }
0x2f2: {  	[sflag:s16] =	ssyncset.done $0x0  }
0x2f3: {  	[sflag:s16] =	ssyncadd.s32 $0xFFFFC000  }
0x2f4: {  	[hbm4b:s1+s2] =	stream.linear.scatter [tilespmem:s2], [sflag:$0x7], $0x4000, $0x38;
	[tilespmem:$0x18000] =	vst v63  }
0x2f5: {  	_ =	swait.ge [sflag:s4], $0x4000  }
0x2f6: {  	s1 =	sld [smem:$0x7E8]  }
0x2f7: {  	[sflag:s4] =	ssyncset.done $0x0  }
0x2f8: {  	[sflag:s4] =	ssyncadd.s32 $0xFFFFC000  }
0x2f9: {  	[tilespmem:s2], [sflag:$0x1] =	stream.linear.gather [hbm4b:s1+s2], $0x4000, $0x38;
	[tilespmem:$0x18000] =	vst v63  }
0x2fa: {  	_ =	swait.ge [sflag:s12], $0x4000  }
0x2fb: {  	s1 =	sld [smem:$0x7E9]  }
0x2fc: {  	[sflag:s12] =	ssyncset.done $0x0  }
0x2fd: {  	[sflag:s12] =	ssyncadd.s32 $0xFFFFC000  }
0x2fe: {  	[hbm4b:s1+s2] =	stream.linear.scatter [tilespmem:s6], [sflag:$0x8], $0x4000, $0x38;
	[tilespmem:$0x18000] =	vst v63  }
0x2ff: {  	_ =	swait.ge [sflag:s3], $0x4000  }
0x300: {  	s1 =	sld [smem:$0x7EA]  }
0x301: {  	[sflag:s3] =	ssyncset.done $0x0  }
0x302: {  	[sflag:s3] =	ssyncadd.s32 $0xFFFFC000  }
0x303: {  	[tilespmem:s6], [sflag:$0x2] =	stream.linear.gather [hbm4b:s1+s2], $0x4000, $0x38;
	[tilespmem:$0x18000] =	vst v63  }
0x304: {  	_ =	swait.ge [sflag:s30], $0x4000  }
0x305: {  	s1 =	sld [smem:$0x7EB]  }
0x306: {  	[sflag:s30] =	ssyncset.done $0x0  }
0x307: {  	[sflag:s30] =	ssyncadd.s32 $0xFFFFC000  }
0x308: {  	[hbm4b:s1+s2] =	stream.linear.scatter [tilespmem:s24], [sflag:$0x9], $0x4000, $0x38;
	[tilespmem:$0x18000] =	vst v63  }
0x309: {  	_ =	swait.ge [sflag:s10], $0x4000  }
0x30a: {  	s1 =	sld [smem:$0x7EC]  }
0x30b: {  	[sflag:s10] =	ssyncset.done $0x0  }
0x30c: {  	[sflag:s10] =	ssyncadd.s32 $0xFFFFC000  }
0x30d: {  	[tilespmem:s24], [sflag:$0x3] =	stream.linear.gather [hbm4b:s1+s2], $0x4000, $0x38;
	[tilespmem:$0x18000] =	vst v63  }
0x30e: {  	_ =	swait.ge [sflag:s31], $0x4000  }
0x30f: {  	s1 =	sld [smem:$0x7ED]  }
0x310: {  	[sflag:s31] =	ssyncset.done $0x0  }
0x311: {  	[sflag:s31] =	ssyncadd.s32 $0xFFFFC000  }
0x312: {  	[hbm4b:s1+s2] =	stream.linear.scatter [tilespmem:s21], [sflag:$0xA], $0x4000, $0x38;
	[tilespmem:$0x18000] =	vst v63  }
0x313: {  	_ =	swait.ge [sflag:s14], $0x4000  }
0x314: {  	s1 =	sld [smem:$0x7EE]  }
0x315: {  	[sflag:s14] =	ssyncset.done $0x0  }
0x316: {  	[sflag:s14] =	ssyncadd.s32 $0xFFFFC000  }
0x317: {  	[tilespmem:s21], [sflag:$0x4] =	stream.linear.gather [hbm4b:s1+s2], $0x4000, $0x38;
	[tilespmem:$0x18000] =	vst v63  }
0x318: {  	_ =	swait.ge [sflag:s29], $0x4000  }
0x319: {  	s1 =	sld [smem:$0x7EF]  }
0x31a: {  	[sflag:s29] =	ssyncset.done $0x0  }
0x31b: {  	[sflag:s29] =	ssyncadd.s32 $0xFFFFC000  }
0x31c: {  	[hbm4b:s1+s2] =	stream.linear.scatter [tilespmem:s19], [sflag:$0xB], $0x4000, $0x38;
	[tilespmem:$0x18000] =	vst v63  }
0x31d: {  	_ =	swait.ge [sflag:s13], $0x4000  }
0x31e: {  	s1 =	sld [smem:$0x7F0]  }
0x31f: {  	[sflag:s13] =	ssyncset.done $0x0  }
0x320: {  	[sflag:s13] =	ssyncadd.s32 $0xFFFFC000  }
0x321: {  	[tilespmem:s19], [sflag:$0x5] =	stream.linear.gather [hbm4b:s1+s2], $0x4000, $0x38;
	[tilespmem:$0x18000] =	vst v63  }
0x322: {  	_ =	swait.ge [sflag:s28], $0x4000  }
0x323: {  	s1 =	sld [smem:$0x7F1]  }
0x324: {  	[sflag:s28] =	ssyncset.done $0x0  }
0x325: {  	[sflag:s28] =	ssyncadd.s32 $0xFFFFC000  }
0x326: {  	[hbm4b:s1+s2] =	stream.linear.scatter [tilespmem:s17], [sflag:$0xC], $0x4000, $0x38;
	[tilespmem:$0x18000] =	vst v63  }
0x327: {  	_ =	swait.ge [sflag:s11], $0x4000  }
0x328: {  	s1 =	sld [smem:$0x7F2]  }
0x329: {  	[sflag:s11] =	ssyncset.done $0x0  }
0x32a: {  	[sflag:s11] =	ssyncadd.s32 $0xFFFFC000  }
0x32b: {  	[tilespmem:s17], [sflag:$0x6] =	stream.linear.gather [hbm4b:s1+s2], $0x4000, $0x38;
	[tilespmem:$0x18000] =	vst v63  }
0x32c: {  	_ =	swait.ge [sflag:s16], $0x4000  }
0x32d: {  	s1 =	sld [smem:$0x7F3]  }
0x32e: {  	[sflag:s16] =	ssyncset.done $0x0  }
0x32f: {  	[sflag:s16] =	ssyncadd.s32 $0xFFFFC000  }
0x330: {  	[hbm4b:s1+s2] =	stream.linear.scatter [tilespmem:s2], [sflag:$0x7], $0x4000, $0x38;
	[tilespmem:$0x18000] =	vst v63  }
0x331: {  	_ =	swait.ge [sflag:s4], $0x4000  }
0x332: {  	s1 =	sld [smem:$0x7F4]  }
0x333: {  	[sflag:s4] =	ssyncset.done $0x0  }
0x334: {  	[sflag:s4] =	ssyncadd.s32 $0xFFFFC000  }
0x335: {  	[tilespmem:s2], [sflag:$0x1] =	stream.linear.gather [hbm4b:s1+s2], $0x4000, $0x38;
	[tilespmem:$0x18000] =	vst v63  }
0x336: {  	_ =	swait.ge [sflag:s12], $0x4000  }
0x337: {  	s1 =	sld [smem:$0x7F5]  }
0x338: {  	[sflag:s12] =	ssyncset.done $0x0  }
0x339: {  	[sflag:s12] =	ssyncadd.s32 $0xFFFFC000  }
0x33a: {  	[hbm4b:s1+s2] =	stream.linear.scatter [tilespmem:s6], [sflag:$0x8], $0x4000, $0x38;
	[tilespmem:$0x18000] =	vst v63  }
0x33b: {  	_ =	swait.ge [sflag:s3], $0x4000  }
0x33c: {  	s1 =	sld [smem:$0x7F6]  }
0x33d: {  	[sflag:s3] =	ssyncset.done $0x0  }
0x33e: {  	[sflag:s3] =	ssyncadd.s32 $0xFFFFC000  }
0x33f: {  	[tilespmem:s6], [sflag:$0x2] =	stream.linear.gather [hbm4b:s1+s2], $0x4000, $0x38;
	[tilespmem:$0x18000] =	vst v63  }
0x340: {  	_ =	swait.ge [sflag:s30], $0x4000  }
0x341: {  	s1 =	sld [smem:$0x7F7]  }
0x342: {  	[sflag:s30] =	ssyncset.done $0x0  }
0x343: {  	[sflag:s30] =	ssyncadd.s32 $0xFFFFC000  }
0x344: {  	[hbm4b:s1+s2] =	stream.linear.scatter [tilespmem:s24], [sflag:$0x9], $0x4000, $0x38;
	[tilespmem:$0x18000] =	vst v63  }
0x345: {  	_ =	swait.ge [sflag:s10], $0x4000  }
0x346: {  	s1 =	sld [smem:$0x7F8]  }
0x347: {  	[sflag:s10] =	ssyncset.done $0x0  }
0x348: {  	[sflag:s10] =	ssyncadd.s32 $0xFFFFC000  }
0x349: {  	[tilespmem:s24], [sflag:$0x3] =	stream.linear.gather [hbm4b:s1+s2], $0x4000, $0x38;
	[tilespmem:$0x18000] =	vst v63  }
0x34a: {  	_ =	swait.ge [sflag:s31], $0x4000  }
0x34b: {  	s1 =	sld [smem:$0x7F9]  }
0x34c: {  	[sflag:s31] =	ssyncset.done $0x0  }
0x34d: {  	[sflag:s31] =	ssyncadd.s32 $0xFFFFC000  }
0x34e: {  	[hbm4b:s1+s2] =	stream.linear.scatter [tilespmem:s21], [sflag:$0xA], $0x4000, $0x38;
	[tilespmem:$0x18000] =	vst v63  }
0x34f: {  	_ =	swait.ge [sflag:s14], $0x4000  }
0x350: {  	s1 =	sld [smem:$0x7FA]  }
0x351: {  	[sflag:s14] =	ssyncset.done $0x0  }
0x352: {  	[sflag:s14] =	ssyncadd.s32 $0xFFFFC000  }
0x353: {  	[tilespmem:s21], [sflag:$0x4] =	stream.linear.gather [hbm4b:s1+s2], $0x4000, $0x38;
	[tilespmem:$0x18000] =	vst v63  }
0x354: {  	_ =	swait.ge [sflag:s29], $0x4000  }
0x355: {  	s1 =	sld [smem:$0x7FB]  }
0x356: {  	[sflag:s29] =	ssyncset.done $0x0  }
0x357: {  	[sflag:s29] =	ssyncadd.s32 $0xFFFFC000  }
0x358: {  	[hbm4b:s1+s2] =	stream.linear.scatter [tilespmem:s19], [sflag:$0xB], $0x4000, $0x38;
	[tilespmem:$0x18000] =	vst v63  }
0x359: {  	_ =	swait.ge [sflag:s13], $0x4000  }
0x35a: {  	s1 =	sld [smem:$0x7FC]  }
0x35b: {  	[sflag:s13] =	ssyncset.done $0x0  }
0x35c: {  	[sflag:s13] =	ssyncadd.s32 $0xFFFFC000  }
0x35d: {  	[tilespmem:s19], [sflag:$0x5] =	stream.linear.gather [hbm4b:s1+s2], $0x4000, $0x38;
	[tilespmem:$0x18000] =	vst v63  }
0x35e: {  	_ =	swait.ge [sflag:s28], $0x4000  }
0x35f: {  	s1 =	sld [smem:$0x7FD]  }
0x360: {  	[sflag:s28] =	ssyncset.done $0x0  }
0x361: {  	[sflag:s28] =	ssyncadd.s32 $0xFFFFC000  }
0x362: {  	[hbm4b:s1+s2] =	stream.linear.scatter [tilespmem:s17], [sflag:$0xC], $0x4000, $0x38;
	[tilespmem:$0x18000] =	vst v63  }
0x363: {  	_ =	swait.ge [sflag:s11], $0x4000  }
0x364: {  	[sflag:s11] =	ssyncset.done $0x0  }
0x365: {  	[sflag:s11] =	ssyncadd.s32 $0xFFFFC000  }
0x366: {  	[tilespmem:s17], [sflag:$0x6] =	stream.linear.gather [hbm4b:s26+s2], $0x4000, $0x38;
	[tilespmem:$0x18000] =	vst v63  }
0x367: {  	_ =	swait.ge [sflag:s16], $0x4000  }
0x368: {  	[sflag:s16] =	ssyncset.done $0x0  }
0x369: {  	[sflag:s16] =	ssyncadd.s32 $0xFFFFC000  }
0x36a: {  	[hbm4b:s25+s2] =	stream.linear.scatter [tilespmem:s2], [sflag:$0x7], $0x4000, $0x38;
	[tilespmem:$0x18000] =	vst v63  }
0x36b: {  	_ =	swait.ge [sflag:s4], $0x4000  }
0x36c: {  	[sflag:s4] =	ssyncset.done $0x0  }
0x36d: {  	[sflag:s4] =	ssyncadd.s32 $0xFFFFC000  }
0x36e: {  	[tilespmem:s2], [sflag:$0x1] =	stream.linear.gather [hbm4b:s23+s2], $0x4000, $0x38;
	[tilespmem:$0x18000] =	vst v63  }
0x36f: {  	_ =	swait.ge [sflag:s12], $0x4000  }
0x370: {  	[sflag:s12] =	ssyncset.done $0x0  }
0x371: {  	[sflag:s12] =	ssyncadd.s32 $0xFFFFC000  }
0x372: {  	[hbm4b:s22+s2] =	stream.linear.scatter [tilespmem:s6], [sflag:$0x8], $0x4000, $0x38;
	[tilespmem:$0x18000] =	vst v63  }
0x373: {  	_ =	swait.ge [sflag:s3], $0x4000  }
0x374: {  	[sflag:s3] =	ssyncset.done $0x0  }
0x375: {  	[sflag:s3] =	ssyncadd.s32 $0xFFFFC000  }
0x376: {  	[tilespmem:s6], [sflag:$0x2] =	stream.linear.gather [hbm4b:s20+s2], $0x4000, $0x38;
	[tilespmem:$0x18000] =	vst v63  }
0x377: {  	_ =	swait.ge [sflag:s30], $0x4000  }
0x378: {  	[sflag:s30] =	ssyncset.done $0x0  }
0x379: {  	[sflag:s30] =	ssyncadd.s32 $0xFFFFC000  }
0x37a: {  	[hbm4b:s18+s2] =	stream.linear.scatter [tilespmem:s24], [sflag:$0x9], $0x4000, $0x38;
	[tilespmem:$0x18000] =	vst v63  }
0x37b: {  	_ =	swait.ge [sflag:s31], $0x4000  }
0x37c: {  	[sflag:s31] =	ssyncset.done $0x0  }
0x37d: {  	[sflag:s31] =	ssyncadd.s32 $0xFFFFC000  }
0x37e: {  	[hbm4b:s15+s2] =	stream.linear.scatter [tilespmem:s21], [sflag:$0xA], $0x4000, $0x38;
	[tilespmem:$0x18000] =	vst v63  }
0x37f: {  	_ =	swait.ge [sflag:s29], $0x4000  }
0x380: {  	[sflag:s29] =	ssyncset.done $0x0  }
0x381: {  	[sflag:s29] =	ssyncadd.s32 $0xFFFFC000  }
0x382: {  	[hbm4b:s9+s2] =	stream.linear.scatter [tilespmem:s19], [sflag:$0xB], $0x4000, $0x38;
	[tilespmem:$0x18000] =	vst v63  }
0x383: {  	_ =	swait.ge [sflag:s28], $0x4000  }
0x384: {  	[sflag:s28] =	ssyncset.done $0x0  }
0x385: {  	[sflag:s28] =	ssyncadd.s32 $0xFFFFC000  }
0x386: {  	[hbm4b:s8+s2] =	stream.linear.scatter [tilespmem:s17], [sflag:$0xC], $0x4000, $0x38;
	[tilespmem:$0x18000] =	vst v63  }
0x387: {  	_ =	swait.ge [sflag:s16], $0x4000  }
0x388: {  	[sflag:s16] =	ssyncset.done $0x0  }
0x389: {  	[sflag:s16] =	ssyncadd.s32 $0xFFFFC000  }
0x38a: {  	[hbm4b:s7+s2] =	stream.linear.scatter [tilespmem:s2], [sflag:$0x7], $0x4000, $0x38;
	[tilespmem:$0x18000] =	vst v63  }
0x38b: {  	_ =	swait.ge [sflag:s12], $0x4000  }
0x38c: {  	[sflag:s12] =	ssyncset.done $0x0  }
0x38d: {  	[sflag:s12] =	ssyncadd.s32 $0xFFFFC000  }
0x38e: {  	[hbm4b:s5+s2] =	stream.linear.scatter [tilespmem:s6], [sflag:$0x8], $0x4000, $0x38;
	[tilespmem:$0x18000] =	vst v63  }
0x38f: {  	_ =	swait.ge [sflag:s10], $0x4000  }
0x390: {  	[sflag:s10] =	ssyncset.done $0x0  }
0x391: {  	[sflag:s10] =	ssyncadd.s32 $0xFFFFC000  }
0x392: {  	_ =	swait.ge [sflag:s14], $0x4000  }
0x393: {  	[sflag:s14] =	ssyncset.done $0x0  }
0x394: {  	[sflag:s14] =	ssyncadd.s32 $0xFFFFC000  }
0x395: {  	_ =	swait.ge [sflag:s13], $0x4000  }
0x396: {  	[sflag:s13] =	ssyncset.done $0x0  }
0x397: {  	[sflag:s13] =	ssyncadd.s32 $0xFFFFC000  }
0x398: {  	_ =	swait.ge [sflag:s11], $0x4000  }
0x399: {  	[sflag:s11] =	ssyncset.done $0x0  }
0x39a: {  	[sflag:s11] =	ssyncadd.s32 $0xFFFFC000  }
0x39b: {  	_ =	swait.ge [sflag:s4], $0x4000  }
0x39c: {  	[sflag:s4] =	ssyncset.done $0x0  }
0x39d: {  	[sflag:s4] =	ssyncadd.s32 $0xFFFFC000  }
0x39e: {  	_ =	swait.ge [sflag:s3], $0x4000  }
0x39f: {  	[sflag:s3] =	ssyncset.done $0x0  }
0x3a0: {  	[sflag:s3] =	ssyncadd.s32 $0xFFFFC000  }
0x3a1: {  	_ =	sfence.sel $0x180000  }
0x3a2: {  	[bflag:$0x0] =	sbarrier.arrive $0xFFFF  }
0x3a3: {  	_ =	strace $0x90000047  }
0x3a4: {  	s31 =	stileid.u32;
	[bflag:$0x2] =	sbarrier.arrive $0xFFFF  }
0x3a5: {  	p0 =	sne.s32 s31, $0x0;
	s0 =	rddreg [dreg:$0x2]  }
0x3a6: {  	s0 =	sadd.s32 @!p0 $0x100000, s0  }
0x3a7: {  	[sflag:s0] =	ssyncadd.tile.s32 @!p0 $0x1;
	_ =	shalt  }
.Lfunc_end2:
_tile_overlayer_lowered:
.L_overlay_start_2:
0x3a8: {  	(tag) =	ssettag $0x2  }
0x3a9: {  	s0 =	rddreg [dreg:$0x0];
	s2 =	stileid.u32  }
0x3aa: {  	s1 =	rddreg [dreg:$0x1];
	p0 =	sne.s32 s2, $0x0  }
0x3ab: {  	s3 =	rddreg [dreg:$0x2];
	[bflag:$0x3] =	sbarrier.arrive $0xFFFF;
	s2 =	simm.s32 @!p0 $0x1C0D  }
0x3ac: {  	[timem:s3], [sflag:s2] =	dma.local @!p0 [hbm:s0], s1  }
0x3ad: {  	s0 =	simm.s32 @!p0 $0xD  }
0x3ae: {  	_ =	swait.ge @!p0 [sflag:s0], s1  }
0x3af: {  	s1 =	ssub.s32 @!p0 $0x0, s1;
	[sflag:s0] =	ssyncset.done @!p0 $0x0  }
0x3b0: {  	[sflag:s0] =	ssyncadd.s32 @!p0 s1  }
0x3b1: {  	[bflag:$0x3] =	sbarrier.arrive $0xFFFF  }
0x3b2: {  	_ =	shalt  }

</sc_bundles>
